<compile_context>
chip_gen: v7x
topology: tpu7x:2x2x1
jax: 0.10.2.dev20260603
libtpu: 0.0.44.dev20260713+nightly
codegen_flags: <defaults>
</compile_context>

<pallas_src>
import functools

import jax
import jax.numpy as jnp
from jax import lax
from jax.experimental import pallas as pl
from jax.experimental.pallas import tpu as pltpu
from jax.experimental.pallas import tpu_sc as plsc

N = 10000
E = 320000
D = 128
NW = 32
K = 128
C = 79
EP = NW * C * K
NP = 10240
RPT = NP // 16
RB = 128


_mesh = plsc.VectorSubcoreMesh(core_axis_name="c", subcore_axis_name="s")


@functools.partial(
    pl.kernel,
    out_type=[jax.ShapeDtypeStruct((2, NP, D), jnp.float32),
              jax.ShapeDtypeStruct((2, NP), jnp.float32)],
    mesh=_mesh,
    compiler_params=pltpu.CompilerParams(needs_layout_passes=False),
    scratch_types=[
        pltpu.VMEM((C, K), jnp.int32),
        pltpu.VMEM((C, K), jnp.int32),
        pltpu.VMEM((K,), jnp.float32),
        pltpu.VMEM((K,), jnp.float32),
        pltpu.VMEM((K,), jnp.float32),
        pltpu.VMEM((K, D), jnp.float32),
        pltpu.VMEM((RPT,), jnp.float32),
        pltpu.VMEM_SHARED((NP, D), jnp.float32),
        pltpu.VMEM_SHARED((NP,), jnp.float32),
        pltpu.SemaphoreType.DMA,
        pltpu.SemaphoreType.DMA,
        pltpu.SemaphoreType.DMA,
    ],
)
def _sc_edge(src_hbm, dst_hbm, es_hbm, ed_hbm, h_hbm, out_hbm, den_hbm,
             srcv, dstv, esb, edb, wv, rows, dzb, acc, dacc,
             sem, sem2, sem3):
    cid = lax.axis_index("c")
    sid = lax.axis_index("s")
    wid = sid * 2 + cid

    pltpu.sync_copy(src_hbm.at[wid], srcv)
    pltpu.sync_copy(dst_hbm.at[wid], dstv)

    def dzrow(i, _):
        dzb[pl.ds(16 * i, 16)] = jnp.zeros((16,), jnp.float32)
        return 0
    lax.fori_loop(0, RPT // 16, dzrow, 0)

    def zrow(i, _):
        for j in range(D // 16):
            rows[i, pl.ds(16 * j, 16)] = jnp.zeros((16,), jnp.float32)
        return 0
    lax.fori_loop(0, RB, zrow, 0)

    base = sid * RPT
    for k in range(RPT // RB):
        pltpu.sync_copy(rows, acc.at[pl.ds(base + k * RB, RB)])
    pltpu.sync_copy(dzb, dacc.at[pl.ds(base, RPT)])
    plsc.subcore_barrier()

    def chunk(c, _):
        cpr = pltpu.async_copy(h_hbm.at[srcv.at[c]], rows, sem)
        cpe = pltpu.async_copy(es_hbm.at[srcv.at[c]], esb, sem2)
        cpd = pltpu.async_copy(ed_hbm.at[dstv.at[c]], edb, sem3)
        cpe.wait()
        cpd.wait()
        for r in range(K // 16):
            a = esb[pl.ds(16 * r, 16)] + edb[pl.ds(16 * r, 16)]
            a = jnp.maximum(a, 0.2 * a)
            wv[pl.ds(16 * r, 16)] = jnp.exp(a)
        cpr.wait()

        def srow(r2, _):
            r = 2 * r2
            ws0 = plsc.load_gather(wv, [jnp.full((16,), r, jnp.int32)])
            ws1 = plsc.load_gather(wv, [jnp.full((16,), r + 1, jnp.int32)])
            for j in range(D // 16):
                rows[r, pl.ds(16 * j, 16)] = rows[r, pl.ds(16 * j, 16)] * ws0
            for j in range(D // 16):
                rows[r + 1, pl.ds(16 * j, 16)] = (
                    rows[r + 1, pl.ds(16 * j, 16)] * ws1)
            return 0
        lax.fori_loop(0, K // 2, srow, 0)
        cps = pltpu.async_copy(rows, acc.at[dstv.at[c]], sem, add=True)
        pltpu.sync_copy(wv, dacc.at[dstv.at[c]], add=True)
        cps.wait()
        return 0
    lax.fori_loop(0, C, chunk, 0)

    plsc.subcore_barrier()
    for k in range(RPT // RB):
        sl = pl.ds(base + k * RB, RB)
        pltpu.sync_copy(acc.at[sl], rows)
        pltpu.sync_copy(rows, out_hbm.at[cid, sl])
    pltpu.sync_copy(dacc.at[pl.ds(base, RPT)], dzb)
    pltpu.sync_copy(dzb, den_hbm.at[cid, pl.ds(base, RPT)])


def _tc_head_body(x_ref, W_ref, aa_ref, h_ref, esed_ref):
    x = x_ref[...]
    h = jnp.dot(x, W_ref[...], preferred_element_type=jnp.float32)
    esed_ref[...] = jnp.dot(h, aa_ref[...], preferred_element_type=jnp.float32)
    h_ref[...] = h


def _combine(o_ref, den_ref, b_ref):
    s = o_ref[0, :N] + o_ref[1, :N]
    d = den_ref[0, :N] + den_ref[1, :N]
    d = jnp.reshape(d, (N, 1))
    return jax.nn.relu(s / (d + 1e-16) + b_ref[...])


def _tc_mid_body(o_ref, den_ref, b_ref, W_ref, aa_ref, h_ref, esed_ref):
    x = _combine(o_ref, den_ref, b_ref)
    h = jnp.dot(x, W_ref[...], preferred_element_type=jnp.float32)
    esed_ref[...] = jnp.dot(h, aa_ref[...], preferred_element_type=jnp.float32)
    h_ref[...] = h


def _tc_tail_body(o_ref, den_ref, b_ref, Wf1_ref, bf1_ref, Wf2_ref, bf2_ref,
                  Wf3_ref, bf3_ref, out_ref):
    x = _combine(o_ref, den_ref, b_ref)
    g = jnp.mean(x, axis=0, keepdims=True)
    o = jax.nn.relu(jnp.dot(g, Wf1_ref[...],
                            preferred_element_type=jnp.float32) + bf1_ref[...])
    o = jax.nn.relu(jnp.dot(o, Wf2_ref[...],
                            preferred_element_type=jnp.float32) + bf2_ref[...])
    out_ref[...] = jnp.dot(o, Wf3_ref[...],
                           preferred_element_type=jnp.float32) + bf3_ref[...]


_tc_head = pl.pallas_call(
    _tc_head_body,
    out_shape=[jax.ShapeDtypeStruct((N, D), jnp.float32),
               jax.ShapeDtypeStruct((N, 8), jnp.float32)],
)

_tc_mid = pl.pallas_call(
    _tc_mid_body,
    out_shape=[jax.ShapeDtypeStruct((N, D), jnp.float32),
               jax.ShapeDtypeStruct((N, 8), jnp.float32)],
)

_tc_tail = pl.pallas_call(
    _tc_tail_body,
    out_shape=jax.ShapeDtypeStruct((1, 10), jnp.float32),
)


def _pack_aa(a_src, a_dst):
    aa = jnp.stack([a_src, a_dst], axis=1)
    return jnp.concatenate([aa, jnp.zeros((D, 6), jnp.float32)], axis=1)


def kernel(x, edge_index, W1, as1, ad1, b1, W2, as2, ad2, b2,
           W3, as3, ad3, b3, Wf1, bf1, Wf2, bf2, Wf3, bf3):
    pad = EP - E
    src = jnp.concatenate(
        [edge_index[0], jnp.zeros((pad,), jnp.int32)]).reshape(NW, C, K)
    dst = jnp.concatenate(
        [edge_index[1],
         N + (jnp.arange(pad, dtype=jnp.int32) % (NP - N))]).reshape(NW, C, K)
    zpad = jnp.zeros((NP - N,), jnp.float32)

    h, esed = _tc_head(x, W1, _pack_aa(as1, ad1))
    out, den = _sc_edge(src, dst, esed[:, 0],
                        jnp.concatenate([esed[:, 1], zpad]), h)

    h, esed = _tc_mid(out, den, b1.reshape(1, D), W2, _pack_aa(as2, ad2))
    out, den = _sc_edge(src, dst, esed[:, 0],
                        jnp.concatenate([esed[:, 1], zpad]), h)

    h, esed = _tc_mid(out, den, b2.reshape(1, D), W3, _pack_aa(as3, ad3))
    out, den = _sc_edge(src, dst, esed[:, 0],
                        jnp.concatenate([esed[:, 1], zpad]), h)

    return _tc_tail(out, den, b3.reshape(1, D), Wf1, bf1.reshape(1, -1),
                    Wf2, bf2.reshape(1, -1), Wf3, bf3.reshape(1, -1))

# --- scband reference (transcript-rebuilt; emitter-appended) ---
"""Pipeline reference for scband-gat-52329881534972 (READ-ONLY COPY).

The authoritative reference and input builder live on the scoring server;
editing this copy changes nothing except your own understanding.
"""

import jax, jax.numpy as jnp
import numpy as np

N = 10000
E = 320000
D_IN = 128
D_H = 128
D_FFN = 512
N_CLS = 10


def setup_inputs(seed: int = 0) -> dict:
    key = jax.random.key(seed)
    ks = jax.random.split(key, 24)
    s = 0.1
    inp = {}
    inp["x"] = jax.random.normal(ks[0], (N, D_IN), dtype=jnp.float32)
    inp["edge_index"] = jax.random.randint(ks[1], (2, E), 0, N, dtype=jnp.int32)
    # GATConv 1 (D_IN -> D_H), heads=1
    inp["W1"] = jax.random.normal(ks[2], (D_IN, D_H), dtype=jnp.float32) * s
    inp["as1"] = jax.random.normal(ks[3], (D_H,), dtype=jnp.float32) * s
    inp["ad1"] = jax.random.normal(ks[4], (D_H,), dtype=jnp.float32) * s
    inp["b1"] = jnp.zeros((D_H,), dtype=jnp.float32)
    # GATConv 2
    inp["W2"] = jax.random.normal(ks[5], (D_H, D_H), dtype=jnp.float32) * s
    inp["as2"] = jax.random.normal(ks[6], (D_H,), dtype=jnp.float32) * s
    inp["ad2"] = jax.random.normal(ks[7], (D_H,), dtype=jnp.float32) * s
    inp["b2"] = jnp.zeros((D_H,), dtype=jnp.float32)
    # GATConv 3
    inp["W3"] = jax.random.normal(ks[8], (D_H, D_H), dtype=jnp.float32) * s
    inp["as3"] = jax.random.normal(ks[9], (D_H,), dtype=jnp.float32) * s
    inp["ad3"] = jax.random.normal(ks[10], (D_H,), dtype=jnp.float32) * s
    inp["b3"] = jnp.zeros((D_H,), dtype=jnp.float32)
    # FFN head
    inp["Wf1"] = jax.random.normal(ks[11], (D_H, D_FFN), dtype=jnp.float32) * s
    inp["bf1"] = jnp.zeros((D_FFN,), dtype=jnp.float32)
    inp["Wf2"] = jax.random.normal(ks[12], (D_FFN, D_FFN), dtype=jnp.float32) * s
    inp["bf2"] = jnp.zeros((D_FFN,), dtype=jnp.float32)
    inp["Wf3"] = jax.random.normal(ks[13], (D_FFN, N_CLS), dtype=jnp.float32) * s
    inp["bf3"] = jnp.zeros((N_CLS,), dtype=jnp.float32)
    return inp


def _gat_conv(x, src, dst, W, a_src, a_dst, b):
    # PyG GATConv, heads=1, concat=True, negative_slope=0.2
    h = x @ W                                    # [N, D]
    e_src = h @ a_src                            # [N]
    e_dst = h @ a_dst                            # [N]
    alpha = e_src[src] + e_dst[dst]              # [E] gather
    alpha = jax.nn.leaky_relu(alpha, negative_slope=0.2)
    amax = jax.lax.stop_gradient(jax.ops.segment_max(alpha, dst, num_segments=N))
    amax = jnp.where(jnp.isfinite(amax), amax, 0.0)
    ex = jnp.exp(alpha - amax[dst])
    denom = jax.ops.segment_sum(ex, dst, num_segments=N)
    coef = ex / (denom[dst] + 1e-16)             # softmax over incoming edges per dst
    msg = h[src] * coef[:, None]                 # [E, D] gather + scale
    out = jax.ops.segment_sum(msg, dst, num_segments=N)  # scatter-add
    return out + b


def reference(x, edge_index, W1, as1, ad1, b1, W2, as2, ad2, b2, W3, as3, ad3, b3, Wf1, bf1, Wf2, bf2, Wf3, bf3):
    src = edge_index[0]
    dst = edge_index[1]
    # dropout layers are identity in eval mode
    h = jax.nn.relu(_gat_conv(x, src, dst, W1, as1, ad1, b1))
    h = jax.nn.relu(_gat_conv(h, src, dst, W2, as2, ad2, b2))
    h = jax.nn.relu(_gat_conv(h, src, dst, W3, as3, ad3, b3))
    # GlobalMeanPool with batch = zeros -> single graph mean readout
    g = jnp.mean(h, axis=0, keepdims=True)       # [1, D_H]
    o = jax.nn.relu(g @ Wf1 + bf1)
    o = jax.nn.relu(o @ Wf2 + bf2)
    o = o @ Wf3 + bf3
    return o

if __name__ == "__main__":
    import jax
    _d = setup_inputs()
    print(jax.jit(kernel)(*tuple(_d.values())))

</pallas_src>

<mosaic_0001>
#map = affine_map<(d0, d1) -> (0, 0, 0)>
#map1 = affine_map<(d0, d1) -> (0)>
#map2 = affine_map<(d0, d1) -> (0, 0)>
module attributes {stable_mosaic.version = 14 : i64} {
  func.func @_sc_edge(%arg0: i32, %arg1: i32, %arg2: memref<32x79x128xi32, #tpu.memory_space<hbm>>, %arg3: memref<32x79x128xi32, #tpu.memory_space<hbm>>, %arg4: memref<10000xf32, #tpu.memory_space<hbm>>, %arg5: memref<10240xf32, #tpu.memory_space<hbm>>, %arg6: memref<10000x128xf32, #tpu.memory_space<hbm>>, %arg7: memref<2x10240x128xf32, #tpu.memory_space<hbm>>, %arg8: memref<2x10240xf32, #tpu.memory_space<hbm>>, %arg9: memref<79x128xi32, #tpu.memory_space<vmem>>, %arg10: memref<79x128xi32, #tpu.memory_space<vmem>>, %arg11: memref<128xf32, #tpu.memory_space<vmem>>, %arg12: memref<128xf32, #tpu.memory_space<vmem>>, %arg13: memref<128xf32, #tpu.memory_space<vmem>>, %arg14: memref<128x128xf32, #tpu.memory_space<vmem>>, %arg15: memref<640xf32, #tpu.memory_space<vmem>>, %arg16: memref<10240x128xf32, #tpu.memory_space<vmem_shared>>, %arg17: memref<10240xf32, #tpu.memory_space<vmem_shared>>, %arg18: memref<!tpu.dma_semaphore, #tpu.memory_space<semaphore_mem>>, %arg19: memref<!tpu.dma_semaphore, #tpu.memory_space<semaphore_mem>>, %arg20: memref<!tpu.dma_semaphore, #tpu.memory_space<semaphore_mem>>) attributes {dimension_semantics = [#tpu.dimension_semantics<core_parallel>, #tpu.dimension_semantics<subcore_parallel>], iteration_bounds = array<i64: 2, 16>, scalar_prefetch = 0 : i64, scratch_operands = 12 : i64, tpu.core_type = #tpu.core_type<sc_vector_subcore>, window_params = [{transform_indices = #map}, {transform_indices = #map}, {transform_indices = #map1}, {transform_indices = #map1}, {transform_indices = #map2}, {transform_indices = #map}, {transform_indices = #map2}]} {
    %mul3A = arith.constant 2 : i32
    %mul3A_0 = arith.muli %arg1, %mul3A : i32
    %add3A = arith.addi %mul3A_0, %arg0 : i32
    "tpu.region"() ({
      %run_scoped3A = tpu.sem_alloc : memref<!tpu.dma_semaphore, #tpu.memory_space<semaphore_mem>>
      %dma_start3A = arith.constant 0 : i32
      %dma_start3A_44 = arith.constant 0 : i32
      %dma_start3A_45 = tpu.memref_slice %arg2[%add3A, %dma_start3A, %dma_start3A_44] : memref<32x79x128xi32, #tpu.memory_space<hbm>> -> memref<1x79x128xi32, #tpu.memory_space<hbm>>
      %dma_start3A_46 = tpu.memref_squeeze %dma_start3A_45 : memref<1x79x128xi32, #tpu.memory_space<hbm>> -> memref<79x128xi32, #tpu.memory_space<hbm>>
      %dma_start3A_47 = arith.constant 0 : i32
      %dma_start3A_48 = arith.constant 0 : i32
      %dma_start3A_49 = tpu.memref_slice %arg2[%add3A, %dma_start3A_47, %dma_start3A_48] : memref<32x79x128xi32, #tpu.memory_space<hbm>> -> memref<1x79x128xi32, #tpu.memory_space<hbm>>
      %dma_start3A_50 = tpu.memref_squeeze %dma_start3A_49 : memref<1x79x128xi32, #tpu.memory_space<hbm>> -> memref<79x128xi32, #tpu.memory_space<hbm>>
      tpu.enqueue_dma source(%dma_start3A_50 : memref<79x128xi32, #tpu.memory_space<hbm>>) target(%arg9 : memref<79x128xi32, #tpu.memory_space<vmem>>) target_semaphore(%run_scoped3A : memref<!tpu.dma_semaphore, #tpu.memory_space<semaphore_mem>>)
      %dma_wait3A = arith.constant 0 : i32
      %dma_wait3A_51 = arith.constant 0 : i32
      %dma_wait3A_52 = tpu.memref_slice %arg2[%add3A, %dma_wait3A, %dma_wait3A_51] : memref<32x79x128xi32, #tpu.memory_space<hbm>> -> memref<1x79x128xi32, #tpu.memory_space<hbm>>
      %dma_wait3A_53 = tpu.memref_squeeze %dma_wait3A_52 : memref<1x79x128xi32, #tpu.memory_space<hbm>> -> memref<79x128xi32, #tpu.memory_space<hbm>>
      %dma_wait3A_54 = arith.constant 0 : i32
      %dma_wait3A_55 = arith.constant 0 : i32
      %dma_wait3A_56 = tpu.memref_slice %arg2[%add3A, %dma_wait3A_54, %dma_wait3A_55] : memref<32x79x128xi32, #tpu.memory_space<hbm>> -> memref<1x79x128xi32, #tpu.memory_space<hbm>>
      %dma_wait3A_57 = tpu.memref_squeeze %dma_wait3A_56 : memref<1x79x128xi32, #tpu.memory_space<hbm>> -> memref<79x128xi32, #tpu.memory_space<hbm>>
      tpu.wait_dma2 semaphore(%run_scoped3A : memref<!tpu.dma_semaphore, #tpu.memory_space<semaphore_mem>>) src(%dma_wait3A_57 : memref<79x128xi32, #tpu.memory_space<hbm>>) dst(%arg9 : memref<79x128xi32, #tpu.memory_space<vmem>>)
      tpu.yield
    }) : () -> ()
    "tpu.region"() ({
      %run_scoped3A = tpu.sem_alloc : memref<!tpu.dma_semaphore, #tpu.memory_space<semaphore_mem>>
      %dma_start3A = arith.constant 0 : i32
      %dma_start3A_44 = arith.constant 0 : i32
      %dma_start3A_45 = tpu.memref_slice %arg3[%add3A, %dma_start3A, %dma_start3A_44] : memref<32x79x128xi32, #tpu.memory_space<hbm>> -> memref<1x79x128xi32, #tpu.memory_space<hbm>>
      %dma_start3A_46 = tpu.memref_squeeze %dma_start3A_45 : memref<1x79x128xi32, #tpu.memory_space<hbm>> -> memref<79x128xi32, #tpu.memory_space<hbm>>
      %dma_start3A_47 = arith.constant 0 : i32
      %dma_start3A_48 = arith.constant 0 : i32
      %dma_start3A_49 = tpu.memref_slice %arg3[%add3A, %dma_start3A_47, %dma_start3A_48] : memref<32x79x128xi32, #tpu.memory_space<hbm>> -> memref<1x79x128xi32, #tpu.memory_space<hbm>>
      %dma_start3A_50 = tpu.memref_squeeze %dma_start3A_49 : memref<1x79x128xi32, #tpu.memory_space<hbm>> -> memref<79x128xi32, #tpu.memory_space<hbm>>
      tpu.enqueue_dma source(%dma_start3A_50 : memref<79x128xi32, #tpu.memory_space<hbm>>) target(%arg10 : memref<79x128xi32, #tpu.memory_space<vmem>>) target_semaphore(%run_scoped3A : memref<!tpu.dma_semaphore, #tpu.memory_space<semaphore_mem>>)
      %dma_wait3A = arith.constant 0 : i32
      %dma_wait3A_51 = arith.constant 0 : i32
      %dma_wait3A_52 = tpu.memref_slice %arg3[%add3A, %dma_wait3A, %dma_wait3A_51] : memref<32x79x128xi32, #tpu.memory_space<hbm>> -> memref<1x79x128xi32, #tpu.memory_space<hbm>>
      %dma_wait3A_53 = tpu.memref_squeeze %dma_wait3A_52 : memref<1x79x128xi32, #tpu.memory_space<hbm>> -> memref<79x128xi32, #tpu.memory_space<hbm>>
      %dma_wait3A_54 = arith.constant 0 : i32
      %dma_wait3A_55 = arith.constant 0 : i32
      %dma_wait3A_56 = tpu.memref_slice %arg3[%add3A, %dma_wait3A_54, %dma_wait3A_55] : memref<32x79x128xi32, #tpu.memory_space<hbm>> -> memref<1x79x128xi32, #tpu.memory_space<hbm>>
      %dma_wait3A_57 = tpu.memref_squeeze %dma_wait3A_56 : memref<1x79x128xi32, #tpu.memory_space<hbm>> -> memref<79x128xi32, #tpu.memory_space<hbm>>
      tpu.wait_dma2 semaphore(%run_scoped3A : memref<!tpu.dma_semaphore, #tpu.memory_space<semaphore_mem>>) src(%dma_wait3A_57 : memref<79x128xi32, #tpu.memory_space<hbm>>) dst(%arg10 : memref<79x128xi32, #tpu.memory_space<vmem>>)
      tpu.yield
    }) : () -> ()
    %scan3A = arith.constant 0 : i32
    %scan3A_1 = arith.constant 0 : i32
    %scan3A_2 = arith.constant 40 : i32
    %scan3A_3 = arith.addi %scan3A_1, %scan3A_2 : i32
    %scan3A_4 = arith.constant 1 : i32
    %scan3A_5 = scf.for %scan3A_44 = %scan3A_1 to %scan3A_3 step %scan3A_4 iter_args(%scan3A_45 = %scan3A) -> (i32)  : i32 {
      %broadcast_in_dim3A = arith.constant 0.000000e+00 : f32
      %broadcast_in_dim3A_46 = vector.broadcast %broadcast_in_dim3A : f32 to vector<16xf32>
      %mul3A_47 = arith.constant 16 : i32
      %mul3A_48 = arith.muli %mul3A_47, %scan3A_44 : i32
      %swap3A = arith.index_cast %mul3A_48 : i32 to index
      %swap3A_49 = tpu.vector_load %arg15[%swap3A] {strides = array<i32>} : memref<640xf32, #tpu.memory_space<vmem>>, vector<16xf32>,
      tpu.vector_store %arg15[%swap3A], %broadcast_in_dim3A_46 {strides = array<i32>} : memref<640xf32, #tpu.memory_space<vmem>>, vector<16xf32>,
      %scan3A_50 = arith.constant 0 : i32
      scf.yield %scan3A_50 : i32
    }
    %scan3A_6 = arith.constant 40 : i32
    %scan3A_7 = arith.constant 0 : i32
    %scan3A_8 = arith.constant 0 : i32
    %scan3A_9 = arith.constant 128 : i32
    %scan3A_10 = arith.addi %scan3A_8, %scan3A_9 : i32
    %scan3A_11 = arith.constant 1 : i32
    %scan3A_12 = scf.for %scan3A_44 = %scan3A_8 to %scan3A_10 step %scan3A_11 iter_args(%scan3A_45 = %scan3A_7) -> (i32)  : i32 {
      %broadcast_in_dim3A = arith.constant 0.000000e+00 : f32
      %broadcast_in_dim3A_46 = vector.broadcast %broadcast_in_dim3A : f32 to vector<16xf32>
      %swap3A = arith.index_cast %scan3A_44 : i32 to index
      %swap3A_47 = arith.constant 0 : index
      %swap3A_48 = tpu.vector_load %arg14[%swap3A, %swap3A_47] {strides = array<i32>} : memref<128x128xf32, #tpu.memory_space<vmem>>, vector<16xf32>,
      tpu.vector_store %arg14[%swap3A, %swap3A_47], %broadcast_in_dim3A_46 {strides = array<i32>} : memref<128x128xf32, #tpu.memory_space<vmem>>, vector<16xf32>,
      %broadcast_in_dim3A_49 = arith.constant 0.000000e+00 : f32
      %broadcast_in_dim3A_50 = vector.broadcast %broadcast_in_dim3A_49 : f32 to vector<16xf32>
      %swap3A_51 = arith.index_cast %scan3A_44 : i32 to index
      %swap3A_52 = arith.constant 16 : index
      %swap3A_53 = tpu.vector_load %arg14[%swap3A_51, %swap3A_52] {strides = array<i32>} : memref<128x128xf32, #tpu.memory_space<vmem>>, vector<16xf32>,
      tpu.vector_store %arg14[%swap3A_51, %swap3A_52], %broadcast_in_dim3A_50 {strides = array<i32>} : memref<128x128xf32, #tpu.memory_space<vmem>>, vector<16xf32>,
      %broadcast_in_dim3A_54 = arith.constant 0.000000e+00 : f32
      %broadcast_in_dim3A_55 = vector.broadcast %broadcast_in_dim3A_54 : f32 to vector<16xf32>
      %swap3A_56 = arith.index_cast %scan3A_44 : i32 to index
      %swap3A_57 = arith.constant 32 : index
      %swap3A_58 = tpu.vector_load %arg14[%swap3A_56, %swap3A_57] {strides = array<i32>} : memref<128x128xf32, #tpu.memory_space<vmem>>, vector<16xf32>,
      tpu.vector_store %arg14[%swap3A_56, %swap3A_57], %broadcast_in_dim3A_55 {strides = array<i32>} : memref<128x128xf32, #tpu.memory_space<vmem>>, vector<16xf32>,
      %broadcast_in_dim3A_59 = arith.constant 0.000000e+00 : f32
      %broadcast_in_dim3A_60 = vector.broadcast %broadcast_in_dim3A_59 : f32 to vector<16xf32>
      %swap3A_61 = arith.index_cast %scan3A_44 : i32 to index
      %swap3A_62 = arith.constant 48 : index
      %swap3A_63 = tpu.vector_load %arg14[%swap3A_61, %swap3A_62] {strides = array<i32>} : memref<128x128xf32, #tpu.memory_space<vmem>>, vector<16xf32>,
      tpu.vector_store %arg14[%swap3A_61, %swap3A_62], %broadcast_in_dim3A_60 {strides = array<i32>} : memref<128x128xf32, #tpu.memory_space<vmem>>, vector<16xf32>,
      %broadcast_in_dim3A_64 = arith.constant 0.000000e+00 : f32
      %broadcast_in_dim3A_65 = vector.broadcast %broadcast_in_dim3A_64 : f32 to vector<16xf32>
      %swap3A_66 = arith.index_cast %scan3A_44 : i32 to index
      %swap3A_67 = arith.constant 64 : index
      %swap3A_68 = tpu.vector_load %arg14[%swap3A_66, %swap3A_67] {strides = array<i32>} : memref<128x128xf32, #tpu.memory_space<vmem>>, vector<16xf32>,
      tpu.vector_store %arg14[%swap3A_66, %swap3A_67], %broadcast_in_dim3A_65 {strides = array<i32>} : memref<128x128xf32, #tpu.memory_space<vmem>>, vector<16xf32>,
      %broadcast_in_dim3A_69 = arith.constant 0.000000e+00 : f32
      %broadcast_in_dim3A_70 = vector.broadcast %broadcast_in_dim3A_69 : f32 to vector<16xf32>
      %swap3A_71 = arith.index_cast %scan3A_44 : i32 to index
      %swap3A_72 = arith.constant 80 : index
      %swap3A_73 = tpu.vector_load %arg14[%swap3A_71, %swap3A_72] {strides = array<i32>} : memref<128x128xf32, #tpu.memory_space<vmem>>, vector<16xf32>,
      tpu.vector_store %arg14[%swap3A_71, %swap3A_72], %broadcast_in_dim3A_70 {strides = array<i32>} : memref<128x128xf32, #tpu.memory_space<vmem>>, vector<16xf32>,
      %broadcast_in_dim3A_74 = arith.constant 0.000000e+00 : f32
      %broadcast_in_dim3A_75 = vector.broadcast %broadcast_in_dim3A_74 : f32 to vector<16xf32>
      %swap3A_76 = arith.index_cast %scan3A_44 : i32 to index
      %swap3A_77 = arith.constant 96 : index
      %swap3A_78 = tpu.vector_load %arg14[%swap3A_76, %swap3A_77] {strides = array<i32>} : memref<128x128xf32, #tpu.memory_space<vmem>>, vector<16xf32>,
      tpu.vector_store %arg14[%swap3A_76, %swap3A_77], %broadcast_in_dim3A_75 {strides = array<i32>} : memref<128x128xf32, #tpu.memory_space<vmem>>, vector<16xf32>,
      %broadcast_in_dim3A_79 = arith.constant 0.000000e+00 : f32
      %broadcast_in_dim3A_80 = vector.broadcast %broadcast_in_dim3A_79 : f32 to vector<16xf32>
      %swap3A_81 = arith.index_cast %scan3A_44 : i32 to index
      %swap3A_82 = arith.constant 112 : index
      %swap3A_83 = tpu.vector_load %arg14[%swap3A_81, %swap3A_82] {strides = array<i32>} : memref<128x128xf32, #tpu.memory_space<vmem>>, vector<16xf32>,
      tpu.vector_store %arg14[%swap3A_81, %swap3A_82], %broadcast_in_dim3A_80 {strides = array<i32>} : memref<128x128xf32, #tpu.memory_space<vmem>>, vector<16xf32>,
      %scan3A_84 = arith.constant 0 : i32
      scf.yield %scan3A_84 : i32
    }
    %scan3A_13 = arith.constant 128 : i32
    %mul3A_14 = arith.constant 640 : i32
    %mul3A_15 = arith.muli %arg1, %mul3A_14 : i32
    %add3A_16 = arith.constant 0 : i32
    %add3A_17 = arith.addi %mul3A_15, %add3A_16 : i32
    "tpu.region"() ({
      %run_scoped3A = tpu.sem_alloc : memref<!tpu.dma_semaphore, #tpu.memory_space<semaphore_mem>>
      %dma_start3A = arith.constant 0 : i32
      %dma_start3A_44 = tpu.memref_slice %arg16[%add3A_17, %dma_start3A] : memref<10240x128xf32, #tpu.memory_space<vmem_shared>> -> memref<128x128xf32, #tpu.memory_space<vmem_shared>>
      %dma_start3A_45 = arith.constant 0 : i32
      %dma_start3A_46 = tpu.memref_slice %arg16[%add3A_17, %dma_start3A_45] : memref<10240x128xf32, #tpu.memory_space<vmem_shared>> -> memref<128x128xf32, #tpu.memory_space<vmem_shared>>
      tpu.enqueue_dma source(%arg14 : memref<128x128xf32, #tpu.memory_space<vmem>>) target(%dma_start3A_46 : memref<128x128xf32, #tpu.memory_space<vmem_shared>>) target_semaphore(%run_scoped3A : memref<!tpu.dma_semaphore, #tpu.memory_space<semaphore_mem>>)
      %dma_wait3A = arith.constant 0 : i32
      %dma_wait3A_47 = tpu.memref_slice %arg16[%add3A_17, %dma_wait3A] : memref<10240x128xf32, #tpu.memory_space<vmem_shared>> -> memref<128x128xf32, #tpu.memory_space<vmem_shared>>
      %dma_wait3A_48 = arith.constant 0 : i32
      %dma_wait3A_49 = tpu.memref_slice %arg16[%add3A_17, %dma_wait3A_48] : memref<10240x128xf32, #tpu.memory_space<vmem_shared>> -> memref<128x128xf32, #tpu.memory_space<vmem_shared>>
      tpu.wait_dma2 semaphore(%run_scoped3A : memref<!tpu.dma_semaphore, #tpu.memory_space<semaphore_mem>>) src(%arg14 : memref<128x128xf32, #tpu.memory_space<vmem>>) dst(%dma_wait3A_49 : memref<128x128xf32, #tpu.memory_space<vmem_shared>>)
      tpu.yield
    }) : () -> ()
    %add3A_18 = arith.constant 128 : i32
    %add3A_19 = arith.addi %mul3A_15, %add3A_18 : i32
    "tpu.region"() ({
      %run_scoped3A = tpu.sem_alloc : memref<!tpu.dma_semaphore, #tpu.memory_space<semaphore_mem>>
      %dma_start3A = arith.constant 0 : i32
      %dma_start3A_44 = tpu.memref_slice %arg16[%add3A_19, %dma_start3A] : memref<10240x128xf32, #tpu.memory_space<vmem_shared>> -> memref<128x128xf32, #tpu.memory_space<vmem_shared>>
      %dma_start3A_45 = arith.constant 0 : i32
      %dma_start3A_46 = tpu.memref_slice %arg16[%add3A_19, %dma_start3A_45] : memref<10240x128xf32, #tpu.memory_space<vmem_shared>> -> memref<128x128xf32, #tpu.memory_space<vmem_shared>>
      tpu.enqueue_dma source(%arg14 : memref<128x128xf32, #tpu.memory_space<vmem>>) target(%dma_start3A_46 : memref<128x128xf32, #tpu.memory_space<vmem_shared>>) target_semaphore(%run_scoped3A : memref<!tpu.dma_semaphore, #tpu.memory_space<semaphore_mem>>)
      %dma_wait3A = arith.constant 0 : i32
      %dma_wait3A_47 = tpu.memref_slice %arg16[%add3A_19, %dma_wait3A] : memref<10240x128xf32, #tpu.memory_space<vmem_shared>> -> memref<128x128xf32, #tpu.memory_space<vmem_shared>>
      %dma_wait3A_48 = arith.constant 0 : i32
      %dma_wait3A_49 = tpu.memref_slice %arg16[%add3A_19, %dma_wait3A_48] : memref<10240x128xf32, #tpu.memory_space<vmem_shared>> -> memref<128x128xf32, #tpu.memory_space<vmem_shared>>
      tpu.wait_dma2 semaphore(%run_scoped3A : memref<!tpu.dma_semaphore, #tpu.memory_space<semaphore_mem>>) src(%arg14 : memref<128x128xf32, #tpu.memory_space<vmem>>) dst(%dma_wait3A_49 : memref<128x128xf32, #tpu.memory_space<vmem_shared>>)
      tpu.yield
    }) : () -> ()
    %add3A_20 = arith.constant 256 : i32
    %add3A_21 = arith.addi %mul3A_15, %add3A_20 : i32
    "tpu.region"() ({
      %run_scoped3A = tpu.sem_alloc : memref<!tpu.dma_semaphore, #tpu.memory_space<semaphore_mem>>
      %dma_start3A = arith.constant 0 : i32
      %dma_start3A_44 = tpu.memref_slice %arg16[%add3A_21, %dma_start3A] : memref<10240x128xf32, #tpu.memory_space<vmem_shared>> -> memref<128x128xf32, #tpu.memory_space<vmem_shared>>
      %dma_start3A_45 = arith.constant 0 : i32
      %dma_start3A_46 = tpu.memref_slice %arg16[%add3A_21, %dma_start3A_45] : memref<10240x128xf32, #tpu.memory_space<vmem_shared>> -> memref<128x128xf32, #tpu.memory_space<vmem_shared>>
      tpu.enqueue_dma source(%arg14 : memref<128x128xf32, #tpu.memory_space<vmem>>) target(%dma_start3A_46 : memref<128x128xf32, #tpu.memory_space<vmem_shared>>) target_semaphore(%run_scoped3A : memref<!tpu.dma_semaphore, #tpu.memory_space<semaphore_mem>>)
      %dma_wait3A = arith.constant 0 : i32
      %dma_wait3A_47 = tpu.memref_slice %arg16[%add3A_21, %dma_wait3A] : memref<10240x128xf32, #tpu.memory_space<vmem_shared>> -> memref<128x128xf32, #tpu.memory_space<vmem_shared>>
      %dma_wait3A_48 = arith.constant 0 : i32
      %dma_wait3A_49 = tpu.memref_slice %arg16[%add3A_21, %dma_wait3A_48] : memref<10240x128xf32, #tpu.memory_space<vmem_shared>> -> memref<128x128xf32, #tpu.memory_space<vmem_shared>>
      tpu.wait_dma2 semaphore(%run_scoped3A : memref<!tpu.dma_semaphore, #tpu.memory_space<semaphore_mem>>) src(%arg14 : memref<128x128xf32, #tpu.memory_space<vmem>>) dst(%dma_wait3A_49 : memref<128x128xf32, #tpu.memory_space<vmem_shared>>)
      tpu.yield
    }) : () -> ()
    %add3A_22 = arith.constant 384 : i32
    %add3A_23 = arith.addi %mul3A_15, %add3A_22 : i32
    "tpu.region"() ({
      %run_scoped3A = tpu.sem_alloc : memref<!tpu.dma_semaphore, #tpu.memory_space<semaphore_mem>>
      %dma_start3A = arith.constant 0 : i32
      %dma_start3A_44 = tpu.memref_slice %arg16[%add3A_23, %dma_start3A] : memref<10240x128xf32, #tpu.memory_space<vmem_shared>> -> memref<128x128xf32, #tpu.memory_space<vmem_shared>>
      %dma_start3A_45 = arith.constant 0 : i32
      %dma_start3A_46 = tpu.memref_slice %arg16[%add3A_23, %dma_start3A_45] : memref<10240x128xf32, #tpu.memory_space<vmem_shared>> -> memref<128x128xf32, #tpu.memory_space<vmem_shared>>
      tpu.enqueue_dma source(%arg14 : memref<128x128xf32, #tpu.memory_space<vmem>>) target(%dma_start3A_46 : memref<128x128xf32, #tpu.memory_space<vmem_shared>>) target_semaphore(%run_scoped3A : memref<!tpu.dma_semaphore, #tpu.memory_space<semaphore_mem>>)
      %dma_wait3A = arith.constant 0 : i32
      %dma_wait3A_47 = tpu.memref_slice %arg16[%add3A_23, %dma_wait3A] : memref<10240x128xf32, #tpu.memory_space<vmem_shared>> -> memref<128x128xf32, #tpu.memory_space<vmem_shared>>
      %dma_wait3A_48 = arith.constant 0 : i32
      %dma_wait3A_49 = tpu.memref_slice %arg16[%add3A_23, %dma_wait3A_48] : memref<10240x128xf32, #tpu.memory_space<vmem_shared>> -> memref<128x128xf32, #tpu.memory_space<vmem_shared>>
      tpu.wait_dma2 semaphore(%run_scoped3A : memref<!tpu.dma_semaphore, #tpu.memory_space<semaphore_mem>>) src(%arg14 : memref<128x128xf32, #tpu.memory_space<vmem>>) dst(%dma_wait3A_49 : memref<128x128xf32, #tpu.memory_space<vmem_shared>>)
      tpu.yield
    }) : () -> ()
    %add3A_24 = arith.constant 512 : i32
    %add3A_25 = arith.addi %mul3A_15, %add3A_24 : i32
    "tpu.region"() ({
      %run_scoped3A = tpu.sem_alloc : memref<!tpu.dma_semaphore, #tpu.memory_space<semaphore_mem>>
      %dma_start3A = arith.constant 0 : i32
      %dma_start3A_44 = tpu.memref_slice %arg16[%add3A_25, %dma_start3A] : memref<10240x128xf32, #tpu.memory_space<vmem_shared>> -> memref<128x128xf32, #tpu.memory_space<vmem_shared>>
      %dma_start3A_45 = arith.constant 0 : i32
      %dma_start3A_46 = tpu.memref_slice %arg16[%add3A_25, %dma_start3A_45] : memref<10240x128xf32, #tpu.memory_space<vmem_shared>> -> memref<128x128xf32, #tpu.memory_space<vmem_shared>>
      tpu.enqueue_dma source(%arg14 : memref<128x128xf32, #tpu.memory_space<vmem>>) target(%dma_start3A_46 : memref<128x128xf32, #tpu.memory_space<vmem_shared>>) target_semaphore(%run_scoped3A : memref<!tpu.dma_semaphore, #tpu.memory_space<semaphore_mem>>)
      %dma_wait3A = arith.constant 0 : i32
      %dma_wait3A_47 = tpu.memref_slice %arg16[%add3A_25, %dma_wait3A] : memref<10240x128xf32, #tpu.memory_space<vmem_shared>> -> memref<128x128xf32, #tpu.memory_space<vmem_shared>>
      %dma_wait3A_48 = arith.constant 0 : i32
      %dma_wait3A_49 = tpu.memref_slice %arg16[%add3A_25, %dma_wait3A_48] : memref<10240x128xf32, #tpu.memory_space<vmem_shared>> -> memref<128x128xf32, #tpu.memory_space<vmem_shared>>
      tpu.wait_dma2 semaphore(%run_scoped3A : memref<!tpu.dma_semaphore, #tpu.memory_space<semaphore_mem>>) src(%arg14 : memref<128x128xf32, #tpu.memory_space<vmem>>) dst(%dma_wait3A_49 : memref<128x128xf32, #tpu.memory_space<vmem_shared>>)
      tpu.yield
    }) : () -> ()
    "tpu.region"() ({
      %run_scoped3A = tpu.sem_alloc : memref<!tpu.dma_semaphore, #tpu.memory_space<semaphore_mem>>
      %dma_start3A = tpu.memref_slice %arg17[%mul3A_15] : memref<10240xf32, #tpu.memory_space<vmem_shared>> -> memref<640xf32, #tpu.memory_space<vmem_shared>>
      %dma_start3A_44 = tpu.memref_slice %arg17[%mul3A_15] : memref<10240xf32, #tpu.memory_space<vmem_shared>> -> memref<640xf32, #tpu.memory_space<vmem_shared>>
      tpu.enqueue_dma source(%arg15 : memref<640xf32, #tpu.memory_space<vmem>>) target(%dma_start3A_44 : memref<640xf32, #tpu.memory_space<vmem_shared>>) target_semaphore(%run_scoped3A : memref<!tpu.dma_semaphore, #tpu.memory_space<semaphore_mem>>)
      %dma_wait3A = tpu.memref_slice %arg17[%mul3A_15] : memref<10240xf32, #tpu.memory_space<vmem_shared>> -> memref<640xf32, #tpu.memory_space<vmem_shared>>
      %dma_wait3A_45 = tpu.memref_slice %arg17[%mul3A_15] : memref<10240xf32, #tpu.memory_space<vmem_shared>> -> memref<640xf32, #tpu.memory_space<vmem_shared>>
      tpu.wait_dma2 semaphore(%run_scoped3A : memref<!tpu.dma_semaphore, #tpu.memory_space<semaphore_mem>>) src(%arg15 : memref<640xf32, #tpu.memory_space<vmem>>) dst(%dma_wait3A_45 : memref<640xf32, #tpu.memory_space<vmem_shared>>)
      tpu.yield
    }) : () -> ()
    %barrier3A = arith.constant 0 : index
    tpu.barrier barrier_id(%barrier3A)
    %scan3A_26 = arith.constant 0 : i32
    %scan3A_27 = arith.constant 0 : i32
    %scan3A_28 = arith.constant 79 : i32
    %scan3A_29 = arith.addi %scan3A_27, %scan3A_28 : i32
    %scan3A_30 = arith.constant 1 : i32
    %scan3A_31 = scf.for %scan3A_44 = %scan3A_27 to %scan3A_29 step %scan3A_30 iter_args(%scan3A_45 = %scan3A_26) -> (i32)  : i32 {
      %dma_start3A = arith.constant 0 : i32
      %dma_start3A_46 = tpu.memref_slice %arg9[%scan3A_44, %dma_start3A] : memref<79x128xi32, #tpu.memory_space<vmem>> -> memref<1x128xi32, #tpu.memory_space<vmem>>
      %dma_start3A_47 = tpu.memref_squeeze %dma_start3A_46 : memref<1x128xi32, #tpu.memory_space<vmem>> -> memref<128xi32, #tpu.memory_space<vmem>>
      %dma_start3A_48 = arith.constant 0 : i32
      %dma_start3A_49 = arith.constant 0 : i32
      %dma_start3A_50 = tpu.memref_slice %arg6[%dma_start3A_48, %dma_start3A_49] : memref<10000x128xf32, #tpu.memory_space<hbm>> -> memref<10000x128xf32, #tpu.memory_space<hbm>>
      tpu.enqueue_indirect_dma source(%dma_start3A_50 : memref<10000x128xf32, #tpu.memory_space<hbm>>) target(%arg14 : memref<128x128xf32, #tpu.memory_space<vmem>>) offsets(%dma_start3A_47 : memref<128xi32, #tpu.memory_space<vmem>>) semaphore(%arg18 : memref<!tpu.dma_semaphore, #tpu.memory_space<semaphore_mem>>)
      %dma_start3A_51 = arith.constant 0 : i32
      %dma_start3A_52 = tpu.memref_slice %arg9[%scan3A_44, %dma_start3A_51] : memref<79x128xi32, #tpu.memory_space<vmem>> -> memref<1x128xi32, #tpu.memory_space<vmem>>
      %dma_start3A_53 = tpu.memref_squeeze %dma_start3A_52 : memref<1x128xi32, #tpu.memory_space<vmem>> -> memref<128xi32, #tpu.memory_space<vmem>>
      %dma_start3A_54 = arith.constant 0 : i32
      %dma_start3A_55 = tpu.memref_slice %arg4[%dma_start3A_54] : memref<10000xf32, #tpu.memory_space<hbm>> -> memref<10000xf32, #tpu.memory_space<hbm>>
      tpu.enqueue_indirect_dma source(%dma_start3A_55 : memref<10000xf32, #tpu.memory_space<hbm>>) target(%arg11 : memref<128xf32, #tpu.memory_space<vmem>>) offsets(%dma_start3A_53 : memref<128xi32, #tpu.memory_space<vmem>>) semaphore(%arg19 : memref<!tpu.dma_semaphore, #tpu.memory_space<semaphore_mem>>)
      %dma_start3A_56 = arith.constant 0 : i32
      %dma_start3A_57 = tpu.memref_slice %arg10[%scan3A_44, %dma_start3A_56] : memref<79x128xi32, #tpu.memory_space<vmem>> -> memref<1x128xi32, #tpu.memory_space<vmem>>
      %dma_start3A_58 = tpu.memref_squeeze %dma_start3A_57 : memref<1x128xi32, #tpu.memory_space<vmem>> -> memref<128xi32, #tpu.memory_space<vmem>>
      %dma_start3A_59 = arith.constant 0 : i32
      %dma_start3A_60 = tpu.memref_slice %arg5[%dma_start3A_59] : memref<10240xf32, #tpu.memory_space<hbm>> -> memref<10240xf32, #tpu.memory_space<hbm>>
      tpu.enqueue_indirect_dma source(%dma_start3A_60 : memref<10240xf32, #tpu.memory_space<hbm>>) target(%arg12 : memref<128xf32, #tpu.memory_space<vmem>>) offsets(%dma_start3A_58 : memref<128xi32, #tpu.memory_space<vmem>>) semaphore(%arg20 : memref<!tpu.dma_semaphore, #tpu.memory_space<semaphore_mem>>)
      %dma_wait3A = arith.constant 0 : i32
      %dma_wait3A_61 = tpu.memref_slice %arg9[%scan3A_44, %dma_wait3A] : memref<79x128xi32, #tpu.memory_space<vmem>> -> memref<1x128xi32, #tpu.memory_space<vmem>>
      %dma_wait3A_62 = tpu.memref_squeeze %dma_wait3A_61 : memref<1x128xi32, #tpu.memory_space<vmem>> -> memref<128xi32, #tpu.memory_space<vmem>>
      %dma_wait3A_63 = arith.constant 0 : i32
      %dma_wait3A_64 = tpu.memref_slice %arg4[%dma_wait3A_63] : memref<10000xf32, #tpu.memory_space<hbm>> -> memref<10000xf32, #tpu.memory_space<hbm>>
      tpu.wait_indirect_dma semaphore(%arg19 : memref<!tpu.dma_semaphore, #tpu.memory_space<semaphore_mem>>) src(%dma_wait3A_64 : memref<10000xf32, #tpu.memory_space<hbm>>) dst(%arg11 : memref<128xf32, #tpu.memory_space<vmem>>)
      %dma_wait3A_65 = arith.constant 0 : i32
      %dma_wait3A_66 = tpu.memref_slice %arg10[%scan3A_44, %dma_wait3A_65] : memref<79x128xi32, #tpu.memory_space<vmem>> -> memref<1x128xi32, #tpu.memory_space<vmem>>
      %dma_wait3A_67 = tpu.memref_squeeze %dma_wait3A_66 : memref<1x128xi32, #tpu.memory_space<vmem>> -> memref<128xi32, #tpu.memory_space<vmem>>
      %dma_wait3A_68 = arith.constant 0 : i32
      %dma_wait3A_69 = tpu.memref_slice %arg5[%dma_wait3A_68] : memref<10240xf32, #tpu.memory_space<hbm>> -> memref<10240xf32, #tpu.memory_space<hbm>>
      tpu.wait_indirect_dma semaphore(%arg20 : memref<!tpu.dma_semaphore, #tpu.memory_space<semaphore_mem>>) src(%dma_wait3A_69 : memref<10240xf32, #tpu.memory_space<hbm>>) dst(%arg12 : memref<128xf32, #tpu.memory_space<vmem>>)
      %get3A = arith.constant 0 : index
      %get3A_70 = tpu.vector_load %arg11[%get3A] {strides = array<i32>} : memref<128xf32, #tpu.memory_space<vmem>>, vector<16xf32>,
      %get3A_71 = arith.constant 0 : index
      %get3A_72 = tpu.vector_load %arg12[%get3A_71] {strides = array<i32>} : memref<128xf32, #tpu.memory_space<vmem>>, vector<16xf32>,
      %add3A_73 = arith.addf %get3A_70, %get3A_72 : vector<16xf32>
      %mul3A_74 = arith.constant 2.000000e-01 : f32
      %mul3A_75 = vector.broadcast %mul3A_74 : f32 to vector<16xf32>
      %mul3A_76 = arith.mulf %mul3A_75, %add3A_73 : vector<16xf32>
      %max3A = arith.maximumf %add3A_73, %mul3A_76 : vector<16xf32>
      %exp3A = math.exp %max3A : vector<16xf32>
      %swap3A = arith.constant 0 : index
      %swap3A_77 = tpu.vector_load %arg13[%swap3A] {strides = array<i32>} : memref<128xf32, #tpu.memory_space<vmem>>, vector<16xf32>,
      tpu.vector_store %arg13[%swap3A], %exp3A {strides = array<i32>} : memref<128xf32, #tpu.memory_space<vmem>>, vector<16xf32>,
      %get3A_78 = arith.constant 16 : index
      %get3A_79 = tpu.vector_load %arg11[%get3A_78] {strides = array<i32>} : memref<128xf32, #tpu.memory_space<vmem>>, vector<16xf32>,
      %get3A_80 = arith.constant 16 : index
      %get3A_81 = tpu.vector_load %arg12[%get3A_80] {strides = array<i32>} : memref<128xf32, #tpu.memory_space<vmem>>, vector<16xf32>,
      %add3A_82 = arith.addf %get3A_79, %get3A_81 : vector<16xf32>
      %mul3A_83 = arith.constant 2.000000e-01 : f32
      %mul3A_84 = vector.broadcast %mul3A_83 : f32 to vector<16xf32>
      %mul3A_85 = arith.mulf %mul3A_84, %add3A_82 : vector<16xf32>
      %max3A_86 = arith.maximumf %add3A_82, %mul3A_85 : vector<16xf32>
      %exp3A_87 = math.exp %max3A_86 : vector<16xf32>
      %swap3A_88 = arith.constant 16 : index
      %swap3A_89 = tpu.vector_load %arg13[%swap3A_88] {strides = array<i32>} : memref<128xf32, #tpu.memory_space<vmem>>, vector<16xf32>,
      tpu.vector_store %arg13[%swap3A_88], %exp3A_87 {strides = array<i32>} : memref<128xf32, #tpu.memory_space<vmem>>, vector<16xf32>,
      %get3A_90 = arith.constant 32 : index
      %get3A_91 = tpu.vector_load %arg11[%get3A_90] {strides = array<i32>} : memref<128xf32, #tpu.memory_space<vmem>>, vector<16xf32>,
      %get3A_92 = arith.constant 32 : index
      %get3A_93 = tpu.vector_load %arg12[%get3A_92] {strides = array<i32>} : memref<128xf32, #tpu.memory_space<vmem>>, vector<16xf32>,
      %add3A_94 = arith.addf %get3A_91, %get3A_93 : vector<16xf32>
      %mul3A_95 = arith.constant 2.000000e-01 : f32
      %mul3A_96 = vector.broadcast %mul3A_95 : f32 to vector<16xf32>
      %mul3A_97 = arith.mulf %mul3A_96, %add3A_94 : vector<16xf32>
      %max3A_98 = arith.maximumf %add3A_94, %mul3A_97 : vector<16xf32>
      %exp3A_99 = math.exp %max3A_98 : vector<16xf32>
      %swap3A_100 = arith.constant 32 : index
      %swap3A_101 = tpu.vector_load %arg13[%swap3A_100] {strides = array<i32>} : memref<128xf32, #tpu.memory_space<vmem>>, vector<16xf32>,
      tpu.vector_store %arg13[%swap3A_100], %exp3A_99 {strides = array<i32>} : memref<128xf32, #tpu.memory_space<vmem>>, vector<16xf32>,
      %get3A_102 = arith.constant 48 : index
      %get3A_103 = tpu.vector_load %arg11[%get3A_102] {strides = array<i32>} : memref<128xf32, #tpu.memory_space<vmem>>, vector<16xf32>,
      %get3A_104 = arith.constant 48 : index
      %get3A_105 = tpu.vector_load %arg12[%get3A_104] {strides = array<i32>} : memref<128xf32, #tpu.memory_space<vmem>>, vector<16xf32>,
      %add3A_106 = arith.addf %get3A_103, %get3A_105 : vector<16xf32>
      %mul3A_107 = arith.constant 2.000000e-01 : f32
      %mul3A_108 = vector.broadcast %mul3A_107 : f32 to vector<16xf32>
      %mul3A_109 = arith.mulf %mul3A_108, %add3A_106 : vector<16xf32>
      %max3A_110 = arith.maximumf %add3A_106, %mul3A_109 : vector<16xf32>
      %exp3A_111 = math.exp %max3A_110 : vector<16xf32>
      %swap3A_112 = arith.constant 48 : index
      %swap3A_113 = tpu.vector_load %arg13[%swap3A_112] {strides = array<i32>} : memref<128xf32, #tpu.memory_space<vmem>>, vector<16xf32>,
      tpu.vector_store %arg13[%swap3A_112], %exp3A_111 {strides = array<i32>} : memref<128xf32, #tpu.memory_space<vmem>>, vector<16xf32>,
      %get3A_114 = arith.constant 64 : index
      %get3A_115 = tpu.vector_load %arg11[%get3A_114] {strides = array<i32>} : memref<128xf32, #tpu.memory_space<vmem>>, vector<16xf32>,
      %get3A_116 = arith.constant 64 : index
      %get3A_117 = tpu.vector_load %arg12[%get3A_116] {strides = array<i32>} : memref<128xf32, #tpu.memory_space<vmem>>, vector<16xf32>,
      %add3A_118 = arith.addf %get3A_115, %get3A_117 : vector<16xf32>
      %mul3A_119 = arith.constant 2.000000e-01 : f32
      %mul3A_120 = vector.broadcast %mul3A_119 : f32 to vector<16xf32>
      %mul3A_121 = arith.mulf %mul3A_120, %add3A_118 : vector<16xf32>
      %max3A_122 = arith.maximumf %add3A_118, %mul3A_121 : vector<16xf32>
      %exp3A_123 = math.exp %max3A_122 : vector<16xf32>
      %swap3A_124 = arith.constant 64 : index
      %swap3A_125 = tpu.vector_load %arg13[%swap3A_124] {strides = array<i32>} : memref<128xf32, #tpu.memory_space<vmem>>, vector<16xf32>,
      tpu.vector_store %arg13[%swap3A_124], %exp3A_123 {strides = array<i32>} : memref<128xf32, #tpu.memory_space<vmem>>, vector<16xf32>,
      %get3A_126 = arith.constant 80 : index
      %get3A_127 = tpu.vector_load %arg11[%get3A_126] {strides = array<i32>} : memref<128xf32, #tpu.memory_space<vmem>>, vector<16xf32>,
      %get3A_128 = arith.constant 80 : index
      %get3A_129 = tpu.vector_load %arg12[%get3A_128] {strides = array<i32>} : memref<128xf32, #tpu.memory_space<vmem>>, vector<16xf32>,
      %add3A_130 = arith.addf %get3A_127, %get3A_129 : vector<16xf32>
      %mul3A_131 = arith.constant 2.000000e-01 : f32
      %mul3A_132 = vector.broadcast %mul3A_131 : f32 to vector<16xf32>
      %mul3A_133 = arith.mulf %mul3A_132, %add3A_130 : vector<16xf32>
      %max3A_134 = arith.maximumf %add3A_130, %mul3A_133 : vector<16xf32>
      %exp3A_135 = math.exp %max3A_134 : vector<16xf32>
      %swap3A_136 = arith.constant 80 : index
      %swap3A_137 = tpu.vector_load %arg13[%swap3A_136] {strides = array<i32>} : memref<128xf32, #tpu.memory_space<vmem>>, vector<16xf32>,
      tpu.vector_store %arg13[%swap3A_136], %exp3A_135 {strides = array<i32>} : memref<128xf32, #tpu.memory_space<vmem>>, vector<16xf32>,
      %get3A_138 = arith.constant 96 : index
      %get3A_139 = tpu.vector_load %arg11[%get3A_138] {strides = array<i32>} : memref<128xf32, #tpu.memory_space<vmem>>, vector<16xf32>,
      %get3A_140 = arith.constant 96 : index
      %get3A_141 = tpu.vector_load %arg12[%get3A_140] {strides = array<i32>} : memref<128xf32, #tpu.memory_space<vmem>>, vector<16xf32>,
      %add3A_142 = arith.addf %get3A_139, %get3A_141 : vector<16xf32>
      %mul3A_143 = arith.constant 2.000000e-01 : f32
      %mul3A_144 = vector.broadcast %mul3A_143 : f32 to vector<16xf32>
      %mul3A_145 = arith.mulf %mul3A_144, %add3A_142 : vector<16xf32>
      %max3A_146 = arith.maximumf %add3A_142, %mul3A_145 : vector<16xf32>
      %exp3A_147 = math.exp %max3A_146 : vector<16xf32>
      %swap3A_148 = arith.constant 96 : index
      %swap3A_149 = tpu.vector_load %arg13[%swap3A_148] {strides = array<i32>} : memref<128xf32, #tpu.memory_space<vmem>>, vector<16xf32>,
      tpu.vector_store %arg13[%swap3A_148], %exp3A_147 {strides = array<i32>} : memref<128xf32, #tpu.memory_space<vmem>>, vector<16xf32>,
      %get3A_150 = arith.constant 112 : index
      %get3A_151 = tpu.vector_load %arg11[%get3A_150] {strides = array<i32>} : memref<128xf32, #tpu.memory_space<vmem>>, vector<16xf32>,
      %get3A_152 = arith.constant 112 : index
      %get3A_153 = tpu.vector_load %arg12[%get3A_152] {strides = array<i32>} : memref<128xf32, #tpu.memory_space<vmem>>, vector<16xf32>,
      %add3A_154 = arith.addf %get3A_151, %get3A_153 : vector<16xf32>
      %mul3A_155 = arith.constant 2.000000e-01 : f32
      %mul3A_156 = vector.broadcast %mul3A_155 : f32 to vector<16xf32>
      %mul3A_157 = arith.mulf %mul3A_156, %add3A_154 : vector<16xf32>
      %max3A_158 = arith.maximumf %add3A_154, %mul3A_157 : vector<16xf32>
      %exp3A_159 = math.exp %max3A_158 : vector<16xf32>
      %swap3A_160 = arith.constant 112 : index
      %swap3A_161 = tpu.vector_load %arg13[%swap3A_160] {strides = array<i32>} : memref<128xf32, #tpu.memory_space<vmem>>, vector<16xf32>,
      tpu.vector_store %arg13[%swap3A_160], %exp3A_159 {strides = array<i32>} : memref<128xf32, #tpu.memory_space<vmem>>, vector<16xf32>,
      %dma_wait3A_162 = arith.constant 0 : i32
      %dma_wait3A_163 = tpu.memref_slice %arg9[%scan3A_44, %dma_wait3A_162] : memref<79x128xi32, #tpu.memory_space<vmem>> -> memref<1x128xi32, #tpu.memory_space<vmem>>
      %dma_wait3A_164 = tpu.memref_squeeze %dma_wait3A_163 : memref<1x128xi32, #tpu.memory_space<vmem>> -> memref<128xi32, #tpu.memory_space<vmem>>
      %dma_wait3A_165 = arith.constant 0 : i32
      %dma_wait3A_166 = arith.constant 0 : i32
      %dma_wait3A_167 = tpu.memref_slice %arg6[%dma_wait3A_165, %dma_wait3A_166] : memref<10000x128xf32, #tpu.memory_space<hbm>> -> memref<10000x128xf32, #tpu.memory_space<hbm>>
      tpu.wait_indirect_dma semaphore(%arg18 : memref<!tpu.dma_semaphore, #tpu.memory_space<semaphore_mem>>) src(%dma_wait3A_167 : memref<10000x128xf32, #tpu.memory_space<hbm>>) dst(%arg14 : memref<128x128xf32, #tpu.memory_space<vmem>>)
      %scan3A_168 = arith.constant 0 : i32
      %scan3A_169 = arith.constant 0 : i32
      %scan3A_170 = arith.constant 64 : i32
      %scan3A_171 = arith.addi %scan3A_169, %scan3A_170 : i32
      %scan3A_172 = arith.constant 1 : i32
      %scan3A_173 = scf.for %scan3A_188 = %scan3A_169 to %scan3A_171 step %scan3A_172 iter_args(%scan3A_189 = %scan3A_168) -> (i32)  : i32 {
        %mul3A_190 = arith.constant 2 : i32
        %mul3A_191 = arith.muli %mul3A_190, %scan3A_188 : i32
        %broadcast_in_dim3A = vector.broadcast %mul3A_191 : i32 to vector<16xi32>
        %gather3A = tpu.vector_load_idx %arg13[%broadcast_in_dim3A] : memref<128xf32, #tpu.memory_space<vmem>>[vector<16xi32>], vector<16xf32>,
        %add3A_192 = arith.constant 1 : i32
        %add3A_193 = arith.addi %mul3A_191, %add3A_192 : i32
        %broadcast_in_dim3A_194 = vector.broadcast %add3A_193 : i32 to vector<16xi32>
        %gather3A_195 = tpu.vector_load_idx %arg13[%broadcast_in_dim3A_194] : memref<128xf32, #tpu.memory_space<vmem>>[vector<16xi32>], vector<16xf32>,
        %get3A_196 = arith.index_cast %mul3A_191 : i32 to index
        %get3A_197 = arith.constant 0 : index
        %get3A_198 = tpu.vector_load %arg14[%get3A_196, %get3A_197] {strides = array<i32>} : memref<128x128xf32, #tpu.memory_space<vmem>>, vector<16xf32>,
        %mul3A_199 = arith.mulf %get3A_198, %gather3A : vector<16xf32>
        %swap3A_200 = arith.index_cast %mul3A_191 : i32 to index
        %swap3A_201 = arith.constant 0 : index
        %swap3A_202 = tpu.vector_load %arg14[%swap3A_200, %swap3A_201] {strides = array<i32>} : memref<128x128xf32, #tpu.memory_space<vmem>>, vector<16xf32>,
        tpu.vector_store %arg14[%swap3A_200, %swap3A_201], %mul3A_199 {strides = array<i32>} : memref<128x128xf32, #tpu.memory_space<vmem>>, vector<16xf32>,
        %get3A_203 = arith.index_cast %mul3A_191 : i32 to index
        %get3A_204 = arith.constant 16 : index
        %get3A_205 = tpu.vector_load %arg14[%get3A_203, %get3A_204] {strides = array<i32>} : memref<128x128xf32, #tpu.memory_space<vmem>>, vector<16xf32>,
        %mul3A_206 = arith.mulf %get3A_205, %gather3A : vector<16xf32>
        %swap3A_207 = arith.index_cast %mul3A_191 : i32 to index
        %swap3A_208 = arith.constant 16 : index
        %swap3A_209 = tpu.vector_load %arg14[%swap3A_207, %swap3A_208] {strides = array<i32>} : memref<128x128xf32, #tpu.memory_space<vmem>>, vector<16xf32>,
        tpu.vector_store %arg14[%swap3A_207, %swap3A_208], %mul3A_206 {strides = array<i32>} : memref<128x128xf32, #tpu.memory_space<vmem>>, vector<16xf32>,
        %get3A_210 = arith.index_cast %mul3A_191 : i32 to index
        %get3A_211 = arith.constant 32 : index
        %get3A_212 = tpu.vector_load %arg14[%get3A_210, %get3A_211] {strides = array<i32>} : memref<128x128xf32, #tpu.memory_space<vmem>>, vector<16xf32>,
        %mul3A_213 = arith.mulf %get3A_212, %gather3A : vector<16xf32>
        %swap3A_214 = arith.index_cast %mul3A_191 : i32 to index
        %swap3A_215 = arith.constant 32 : index
        %swap3A_216 = tpu.vector_load %arg14[%swap3A_214, %swap3A_215] {strides = array<i32>} : memref<128x128xf32, #tpu.memory_space<vmem>>, vector<16xf32>,
        tpu.vector_store %arg14[%swap3A_214, %swap3A_215], %mul3A_213 {strides = array<i32>} : memref<128x128xf32, #tpu.memory_space<vmem>>, vector<16xf32>,
        %get3A_217 = arith.index_cast %mul3A_191 : i32 to index
        %get3A_218 = arith.constant 48 : index
        %get3A_219 = tpu.vector_load %arg14[%get3A_217, %get3A_218] {strides = array<i32>} : memref<128x128xf32, #tpu.memory_space<vmem>>, vector<16xf32>,
        %mul3A_220 = arith.mulf %get3A_219, %gather3A : vector<16xf32>
        %swap3A_221 = arith.index_cast %mul3A_191 : i32 to index
        %swap3A_222 = arith.constant 48 : index
        %swap3A_223 = tpu.vector_load %arg14[%swap3A_221, %swap3A_222] {strides = array<i32>} : memref<128x128xf32, #tpu.memory_space<vmem>>, vector<16xf32>,
        tpu.vector_store %arg14[%swap3A_221, %swap3A_222], %mul3A_220 {strides = array<i32>} : memref<128x128xf32, #tpu.memory_space<vmem>>, vector<16xf32>,
        %get3A_224 = arith.index_cast %mul3A_191 : i32 to index
        %get3A_225 = arith.constant 64 : index
        %get3A_226 = tpu.vector_load %arg14[%get3A_224, %get3A_225] {strides = array<i32>} : memref<128x128xf32, #tpu.memory_space<vmem>>, vector<16xf32>,
        %mul3A_227 = arith.mulf %get3A_226, %gather3A : vector<16xf32>
        %swap3A_228 = arith.index_cast %mul3A_191 : i32 to index
        %swap3A_229 = arith.constant 64 : index
        %swap3A_230 = tpu.vector_load %arg14[%swap3A_228, %swap3A_229] {strides = array<i32>} : memref<128x128xf32, #tpu.memory_space<vmem>>, vector<16xf32>,
        tpu.vector_store %arg14[%swap3A_228, %swap3A_229], %mul3A_227 {strides = array<i32>} : memref<128x128xf32, #tpu.memory_space<vmem>>, vector<16xf32>,
        %get3A_231 = arith.index_cast %mul3A_191 : i32 to index
        %get3A_232 = arith.constant 80 : index
        %get3A_233 = tpu.vector_load %arg14[%get3A_231, %get3A_232] {strides = array<i32>} : memref<128x128xf32, #tpu.memory_space<vmem>>, vector<16xf32>,
        %mul3A_234 = arith.mulf %get3A_233, %gather3A : vector<16xf32>
        %swap3A_235 = arith.index_cast %mul3A_191 : i32 to index
        %swap3A_236 = arith.constant 80 : index
        %swap3A_237 = tpu.vector_load %arg14[%swap3A_235, %swap3A_236] {strides = array<i32>} : memref<128x128xf32, #tpu.memory_space<vmem>>, vector<16xf32>,
        tpu.vector_store %arg14[%swap3A_235, %swap3A_236], %mul3A_234 {strides = array<i32>} : memref<128x128xf32, #tpu.memory_space<vmem>>, vector<16xf32>,
        %get3A_238 = arith.index_cast %mul3A_191 : i32 to index
        %get3A_239 = arith.constant 96 : index
        %get3A_240 = tpu.vector_load %arg14[%get3A_238, %get3A_239] {strides = array<i32>} : memref<128x128xf32, #tpu.memory_space<vmem>>, vector<16xf32>,
        %mul3A_241 = arith.mulf %get3A_240, %gather3A : vector<16xf32>
        %swap3A_242 = arith.index_cast %mul3A_191 : i32 to index
        %swap3A_243 = arith.constant 96 : index
        %swap3A_244 = tpu.vector_load %arg14[%swap3A_242, %swap3A_243] {strides = array<i32>} : memref<128x128xf32, #tpu.memory_space<vmem>>, vector<16xf32>,
        tpu.vector_store %arg14[%swap3A_242, %swap3A_243], %mul3A_241 {strides = array<i32>} : memref<128x128xf32, #tpu.memory_space<vmem>>, vector<16xf32>,
        %get3A_245 = arith.index_cast %mul3A_191 : i32 to index
        %get3A_246 = arith.constant 112 : index
        %get3A_247 = tpu.vector_load %arg14[%get3A_245, %get3A_246] {strides = array<i32>} : memref<128x128xf32, #tpu.memory_space<vmem>>, vector<16xf32>,
        %mul3A_248 = arith.mulf %get3A_247, %gather3A : vector<16xf32>
        %swap3A_249 = arith.index_cast %mul3A_191 : i32 to index
        %swap3A_250 = arith.constant 112 : index
        %swap3A_251 = tpu.vector_load %arg14[%swap3A_249, %swap3A_250] {strides = array<i32>} : memref<128x128xf32, #tpu.memory_space<vmem>>, vector<16xf32>,
        tpu.vector_store %arg14[%swap3A_249, %swap3A_250], %mul3A_248 {strides = array<i32>} : memref<128x128xf32, #tpu.memory_space<vmem>>, vector<16xf32>,
        %add3A_252 = arith.constant 1 : i32
        %add3A_253 = arith.addi %mul3A_191, %add3A_252 : i32
        %get3A_254 = arith.index_cast %add3A_253 : i32 to index
        %get3A_255 = arith.constant 0 : index
        %get3A_256 = tpu.vector_load %arg14[%get3A_254, %get3A_255] {strides = array<i32>} : memref<128x128xf32, #tpu.memory_space<vmem>>, vector<16xf32>,
        %mul3A_257 = arith.mulf %get3A_256, %gather3A_195 : vector<16xf32>
        %add3A_258 = arith.constant 1 : i32
        %add3A_259 = arith.addi %mul3A_191, %add3A_258 : i32
        %swap3A_260 = arith.index_cast %add3A_259 : i32 to index
        %swap3A_261 = arith.constant 0 : index
        %swap3A_262 = tpu.vector_load %arg14[%swap3A_260, %swap3A_261] {strides = array<i32>} : memref<128x128xf32, #tpu.memory_space<vmem>>, vector<16xf32>,
        tpu.vector_store %arg14[%swap3A_260, %swap3A_261], %mul3A_257 {strides = array<i32>} : memref<128x128xf32, #tpu.memory_space<vmem>>, vector<16xf32>,
        %add3A_263 = arith.constant 1 : i32
        %add3A_264 = arith.addi %mul3A_191, %add3A_263 : i32
        %get3A_265 = arith.index_cast %add3A_264 : i32 to index
        %get3A_266 = arith.constant 16 : index
        %get3A_267 = tpu.vector_load %arg14[%get3A_265, %get3A_266] {strides = array<i32>} : memref<128x128xf32, #tpu.memory_space<vmem>>, vector<16xf32>,
        %mul3A_268 = arith.mulf %get3A_267, %gather3A_195 : vector<16xf32>
        %add3A_269 = arith.constant 1 : i32
        %add3A_270 = arith.addi %mul3A_191, %add3A_269 : i32
        %swap3A_271 = arith.index_cast %add3A_270 : i32 to index
        %swap3A_272 = arith.constant 16 : index
        %swap3A_273 = tpu.vector_load %arg14[%swap3A_271, %swap3A_272] {strides = array<i32>} : memref<128x128xf32, #tpu.memory_space<vmem>>, vector<16xf32>,
        tpu.vector_store %arg14[%swap3A_271, %swap3A_272], %mul3A_268 {strides = array<i32>} : memref<128x128xf32, #tpu.memory_space<vmem>>, vector<16xf32>,
        %add3A_274 = arith.constant 1 : i32
        %add3A_275 = arith.addi %mul3A_191, %add3A_274 : i32
        %get3A_276 = arith.index_cast %add3A_275 : i32 to index
        %get3A_277 = arith.constant 32 : index
        %get3A_278 = tpu.vector_load %arg14[%get3A_276, %get3A_277] {strides = array<i32>} : memref<128x128xf32, #tpu.memory_space<vmem>>, vector<16xf32>,
        %mul3A_279 = arith.mulf %get3A_278, %gather3A_195 : vector<16xf32>
        %add3A_280 = arith.constant 1 : i32
        %add3A_281 = arith.addi %mul3A_191, %add3A_280 : i32
        %swap3A_282 = arith.index_cast %add3A_281 : i32 to index
        %swap3A_283 = arith.constant 32 : index
        %swap3A_284 = tpu.vector_load %arg14[%swap3A_282, %swap3A_283] {strides = array<i32>} : memref<128x128xf32, #tpu.memory_space<vmem>>, vector<16xf32>,
        tpu.vector_store %arg14[%swap3A_282, %swap3A_283], %mul3A_279 {strides = array<i32>} : memref<128x128xf32, #tpu.memory_space<vmem>>, vector<16xf32>,
        %add3A_285 = arith.constant 1 : i32
        %add3A_286 = arith.addi %mul3A_191, %add3A_285 : i32
        %get3A_287 = arith.index_cast %add3A_286 : i32 to index
        %get3A_288 = arith.constant 48 : index
        %get3A_289 = tpu.vector_load %arg14[%get3A_287, %get3A_288] {strides = array<i32>} : memref<128x128xf32, #tpu.memory_space<vmem>>, vector<16xf32>,
        %mul3A_290 = arith.mulf %get3A_289, %gather3A_195 : vector<16xf32>
        %add3A_291 = arith.constant 1 : i32
        %add3A_292 = arith.addi %mul3A_191, %add3A_291 : i32
        %swap3A_293 = arith.index_cast %add3A_292 : i32 to index
        %swap3A_294 = arith.constant 48 : index
        %swap3A_295 = tpu.vector_load %arg14[%swap3A_293, %swap3A_294] {strides = array<i32>} : memref<128x128xf32, #tpu.memory_space<vmem>>, vector<16xf32>,
        tpu.vector_store %arg14[%swap3A_293, %swap3A_294], %mul3A_290 {strides = array<i32>} : memref<128x128xf32, #tpu.memory_space<vmem>>, vector<16xf32>,
        %add3A_296 = arith.constant 1 : i32
        %add3A_297 = arith.addi %mul3A_191, %add3A_296 : i32
        %get3A_298 = arith.index_cast %add3A_297 : i32 to index
        %get3A_299 = arith.constant 64 : index
        %get3A_300 = tpu.vector_load %arg14[%get3A_298, %get3A_299] {strides = array<i32>} : memref<128x128xf32, #tpu.memory_space<vmem>>, vector<16xf32>,
        %mul3A_301 = arith.mulf %get3A_300, %gather3A_195 : vector<16xf32>
        %add3A_302 = arith.constant 1 : i32
        %add3A_303 = arith.addi %mul3A_191, %add3A_302 : i32
        %swap3A_304 = arith.index_cast %add3A_303 : i32 to index
        %swap3A_305 = arith.constant 64 : index
        %swap3A_306 = tpu.vector_load %arg14[%swap3A_304, %swap3A_305] {strides = array<i32>} : memref<128x128xf32, #tpu.memory_space<vmem>>, vector<16xf32>,
        tpu.vector_store %arg14[%swap3A_304, %swap3A_305], %mul3A_301 {strides = array<i32>} : memref<128x128xf32, #tpu.memory_space<vmem>>, vector<16xf32>,
        %add3A_307 = arith.constant 1 : i32
        %add3A_308 = arith.addi %mul3A_191, %add3A_307 : i32
        %get3A_309 = arith.index_cast %add3A_308 : i32 to index
        %get3A_310 = arith.constant 80 : index
        %get3A_311 = tpu.vector_load %arg14[%get3A_309, %get3A_310] {strides = array<i32>} : memref<128x128xf32, #tpu.memory_space<vmem>>, vector<16xf32>,
        %mul3A_312 = arith.mulf %get3A_311, %gather3A_195 : vector<16xf32>
        %add3A_313 = arith.constant 1 : i32
        %add3A_314 = arith.addi %mul3A_191, %add3A_313 : i32
        %swap3A_315 = arith.index_cast %add3A_314 : i32 to index
        %swap3A_316 = arith.constant 80 : index
        %swap3A_317 = tpu.vector_load %arg14[%swap3A_315, %swap3A_316] {strides = array<i32>} : memref<128x128xf32, #tpu.memory_space<vmem>>, vector<16xf32>,
        tpu.vector_store %arg14[%swap3A_315, %swap3A_316], %mul3A_312 {strides = array<i32>} : memref<128x128xf32, #tpu.memory_space<vmem>>, vector<16xf32>,
        %add3A_318 = arith.constant 1 : i32
        %add3A_319 = arith.addi %mul3A_191, %add3A_318 : i32
        %get3A_320 = arith.index_cast %add3A_319 : i32 to index
        %get3A_321 = arith.constant 96 : index
        %get3A_322 = tpu.vector_load %arg14[%get3A_320, %get3A_321] {strides = array<i32>} : memref<128x128xf32, #tpu.memory_space<vmem>>, vector<16xf32>,
        %mul3A_323 = arith.mulf %get3A_322, %gather3A_195 : vector<16xf32>
        %add3A_324 = arith.constant 1 : i32
        %add3A_325 = arith.addi %mul3A_191, %add3A_324 : i32
        %swap3A_326 = arith.index_cast %add3A_325 : i32 to index
        %swap3A_327 = arith.constant 96 : index
        %swap3A_328 = tpu.vector_load %arg14[%swap3A_326, %swap3A_327] {strides = array<i32>} : memref<128x128xf32, #tpu.memory_space<vmem>>, vector<16xf32>,
        tpu.vector_store %arg14[%swap3A_326, %swap3A_327], %mul3A_323 {strides = array<i32>} : memref<128x128xf32, #tpu.memory_space<vmem>>, vector<16xf32>,
        %add3A_329 = arith.constant 1 : i32
        %add3A_330 = arith.addi %mul3A_191, %add3A_329 : i32
        %get3A_331 = arith.index_cast %add3A_330 : i32 to index
        %get3A_332 = arith.constant 112 : index
        %get3A_333 = tpu.vector_load %arg14[%get3A_331, %get3A_332] {strides = array<i32>} : memref<128x128xf32, #tpu.memory_space<vmem>>, vector<16xf32>,
        %mul3A_334 = arith.mulf %get3A_333, %gather3A_195 : vector<16xf32>
        %add3A_335 = arith.constant 1 : i32
        %add3A_336 = arith.addi %mul3A_191, %add3A_335 : i32
        %swap3A_337 = arith.index_cast %add3A_336 : i32 to index
        %swap3A_338 = arith.constant 112 : index
        %swap3A_339 = tpu.vector_load %arg14[%swap3A_337, %swap3A_338] {strides = array<i32>} : memref<128x128xf32, #tpu.memory_space<vmem>>, vector<16xf32>,
        tpu.vector_store %arg14[%swap3A_337, %swap3A_338], %mul3A_334 {strides = array<i32>} : memref<128x128xf32, #tpu.memory_space<vmem>>, vector<16xf32>,
        %scan3A_340 = arith.constant 0 : i32
        scf.yield %scan3A_340 : i32
      }
      %scan3A_174 = arith.constant 64 : i32
      %dma_start3A_175 = arith.constant 0 : i32
      %dma_start3A_176 = tpu.memref_slice %arg10[%scan3A_44, %dma_start3A_175] : memref<79x128xi32, #tpu.memory_space<vmem>> -> memref<1x128xi32, #tpu.memory_space<vmem>>
      %dma_start3A_177 = tpu.memref_squeeze %dma_start3A_176 : memref<1x128xi32, #tpu.memory_space<vmem>> -> memref<128xi32, #tpu.memory_space<vmem>>
      %dma_start3A_178 = arith.constant 0 : i32
      %dma_start3A_179 = arith.constant 0 : i32
      %dma_start3A_180 = tpu.memref_slice %arg16[%dma_start3A_178, %dma_start3A_179] : memref<10240x128xf32, #tpu.memory_space<vmem_shared>> -> memref<10240x128xf32, #tpu.memory_space<vmem_shared>>
      tpu.enqueue_indirect_dma source(%arg14 : memref<128x128xf32, #tpu.memory_space<vmem>>) target(%dma_start3A_180 : memref<10240x128xf32, #tpu.memory_space<vmem_shared>>) offsets(%dma_start3A_177 : memref<128xi32, #tpu.memory_space<vmem>>) semaphore(%arg18 : memref<!tpu.dma_semaphore, #tpu.memory_space<semaphore_mem>>) {add = true}
      "tpu.region"() ({
        %run_scoped3A = tpu.sem_alloc : memref<!tpu.dma_semaphore, #tpu.memory_space<semaphore_mem>>
        %dma_start3A_188 = arith.constant 0 : i32
        %dma_start3A_189 = tpu.memref_slice %arg10[%scan3A_44, %dma_start3A_188] : memref<79x128xi32, #tpu.memory_space<vmem>> -> memref<1x128xi32, #tpu.memory_space<vmem>>
        %dma_start3A_190 = tpu.memref_squeeze %dma_start3A_189 : memref<1x128xi32, #tpu.memory_space<vmem>> -> memref<128xi32, #tpu.memory_space<vmem>>
        %dma_start3A_191 = arith.constant 0 : i32
        %dma_start3A_192 = tpu.memref_slice %arg17[%dma_start3A_191] : memref<10240xf32, #tpu.memory_space<vmem_shared>> -> memref<10240xf32, #tpu.memory_space<vmem_shared>>
        tpu.enqueue_indirect_dma source(%arg13 : memref<128xf32, #tpu.memory_space<vmem>>) target(%dma_start3A_192 : memref<10240xf32, #tpu.memory_space<vmem_shared>>) offsets(%dma_start3A_190 : memref<128xi32, #tpu.memory_space<vmem>>) semaphore(%run_scoped3A : memref<!tpu.dma_semaphore, #tpu.memory_space<semaphore_mem>>) {add = true}
        %dma_wait3A_193 = arith.constant 0 : i32
        %dma_wait3A_194 = tpu.memref_slice %arg10[%scan3A_44, %dma_wait3A_193] : memref<79x128xi32, #tpu.memory_space<vmem>> -> memref<1x128xi32, #tpu.memory_space<vmem>>
        %dma_wait3A_195 = tpu.memref_squeeze %dma_wait3A_194 : memref<1x128xi32, #tpu.memory_space<vmem>> -> memref<128xi32, #tpu.memory_space<vmem>>
        %dma_wait3A_196 = arith.constant 0 : i32
        %dma_wait3A_197 = tpu.memref_slice %arg17[%dma_wait3A_196] : memref<10240xf32, #tpu.memory_space<vmem_shared>> -> memref<10240xf32, #tpu.memory_space<vmem_shared>>
        tpu.wait_indirect_dma semaphore(%run_scoped3A : memref<!tpu.dma_semaphore, #tpu.memory_space<semaphore_mem>>) src(%arg13 : memref<128xf32, #tpu.memory_space<vmem>>) dst(%dma_wait3A_197 : memref<10240xf32, #tpu.memory_space<vmem_shared>>)
        tpu.yield
      }) : () -> ()
      %dma_wait3A_181 = arith.constant 0 : i32
      %dma_wait3A_182 = tpu.memref_slice %arg10[%scan3A_44, %dma_wait3A_181] : memref<79x128xi32, #tpu.memory_space<vmem>> -> memref<1x128xi32, #tpu.memory_space<vmem>>
      %dma_wait3A_183 = tpu.memref_squeeze %dma_wait3A_182 : memref<1x128xi32, #tpu.memory_space<vmem>> -> memref<128xi32, #tpu.memory_space<vmem>>
      %dma_wait3A_184 = arith.constant 0 : i32
      %dma_wait3A_185 = arith.constant 0 : i32
      %dma_wait3A_186 = tpu.memref_slice %arg16[%dma_wait3A_184, %dma_wait3A_185] : memref<10240x128xf32, #tpu.memory_space<vmem_shared>> -> memref<10240x128xf32, #tpu.memory_space<vmem_shared>>
      tpu.wait_indirect_dma semaphore(%arg18 : memref<!tpu.dma_semaphore, #tpu.memory_space<semaphore_mem>>) src(%arg14 : memref<128x128xf32, #tpu.memory_space<vmem>>) dst(%dma_wait3A_186 : memref<10240x128xf32, #tpu.memory_space<vmem_shared>>)
      %scan3A_187 = arith.constant 0 : i32
      scf.yield %scan3A_187 : i32
    }
    %scan3A_32 = arith.constant 79 : i32
    %barrier3A_33 = arith.constant 0 : index
    tpu.barrier barrier_id(%barrier3A_33)
    %add3A_34 = arith.constant 0 : i32
    %add3A_35 = arith.addi %mul3A_15, %add3A_34 : i32
    "tpu.region"() ({
      %run_scoped3A = tpu.sem_alloc : memref<!tpu.dma_semaphore, #tpu.memory_space<semaphore_mem>>
      %dma_start3A = arith.constant 0 : i32
      %dma_start3A_44 = tpu.memref_slice %arg16[%add3A_35, %dma_start3A] : memref<10240x128xf32, #tpu.memory_space<vmem_shared>> -> memref<128x128xf32, #tpu.memory_space<vmem_shared>>
      %dma_start3A_45 = arith.constant 0 : i32
      %dma_start3A_46 = tpu.memref_slice %arg16[%add3A_35, %dma_start3A_45] : memref<10240x128xf32, #tpu.memory_space<vmem_shared>> -> memref<128x128xf32, #tpu.memory_space<vmem_shared>>
      tpu.enqueue_dma source(%dma_start3A_46 : memref<128x128xf32, #tpu.memory_space<vmem_shared>>) target(%arg14 : memref<128x128xf32, #tpu.memory_space<vmem>>) target_semaphore(%run_scoped3A : memref<!tpu.dma_semaphore, #tpu.memory_space<semaphore_mem>>)
      %dma_wait3A = arith.constant 0 : i32
      %dma_wait3A_47 = tpu.memref_slice %arg16[%add3A_35, %dma_wait3A] : memref<10240x128xf32, #tpu.memory_space<vmem_shared>> -> memref<128x128xf32, #tpu.memory_space<vmem_shared>>
      %dma_wait3A_48 = arith.constant 0 : i32
      %dma_wait3A_49 = tpu.memref_slice %arg16[%add3A_35, %dma_wait3A_48] : memref<10240x128xf32, #tpu.memory_space<vmem_shared>> -> memref<128x128xf32, #tpu.memory_space<vmem_shared>>
      tpu.wait_dma2 semaphore(%run_scoped3A : memref<!tpu.dma_semaphore, #tpu.memory_space<semaphore_mem>>) src(%dma_wait3A_49 : memref<128x128xf32, #tpu.memory_space<vmem_shared>>) dst(%arg14 : memref<128x128xf32, #tpu.memory_space<vmem>>)
      tpu.yield
    }) : () -> ()
    "tpu.region"() ({
      %run_scoped3A = tpu.sem_alloc : memref<!tpu.dma_semaphore, #tpu.memory_space<semaphore_mem>>
      %dma_start3A = arith.constant 0 : i32
      %dma_start3A_44 = tpu.memref_slice %arg7[%arg0, %add3A_35, %dma_start3A] : memref<2x10240x128xf32, #tpu.memory_space<hbm>> -> memref<1x128x128xf32, #tpu.memory_space<hbm>>
      %dma_start3A_45 = tpu.memref_squeeze %dma_start3A_44 : memref<1x128x128xf32, #tpu.memory_space<hbm>> -> memref<128x128xf32, #tpu.memory_space<hbm>>
      %dma_start3A_46 = arith.constant 0 : i32
      %dma_start3A_47 = tpu.memref_slice %arg7[%arg0, %add3A_35, %dma_start3A_46] : memref<2x10240x128xf32, #tpu.memory_space<hbm>> -> memref<1x128x128xf32, #tpu.memory_space<hbm>>
      %dma_start3A_48 = tpu.memref_squeeze %dma_start3A_47 : memref<1x128x128xf32, #tpu.memory_space<hbm>> -> memref<128x128xf32, #tpu.memory_space<hbm>>
      tpu.enqueue_dma source(%arg14 : memref<128x128xf32, #tpu.memory_space<vmem>>) target(%dma_start3A_48 : memref<128x128xf32, #tpu.memory_space<hbm>>) target_semaphore(%run_scoped3A : memref<!tpu.dma_semaphore, #tpu.memory_space<semaphore_mem>>)
      %dma_wait3A = arith.constant 0 : i32
      %dma_wait3A_49 = tpu.memref_slice %arg7[%arg0, %add3A_35, %dma_wait3A] : memref<2x10240x128xf32, #tpu.memory_space<hbm>> -> memref<1x128x128xf32, #tpu.memory_space<hbm>>
      %dma_wait3A_50 = tpu.memref_squeeze %dma_wait3A_49 : memref<1x128x128xf32, #tpu.memory_space<hbm>> -> memref<128x128xf32, #tpu.memory_space<hbm>>
      %dma_wait3A_51 = arith.constant 0 : i32
      %dma_wait3A_52 = tpu.memref_slice %arg7[%arg0, %add3A_35, %dma_wait3A_51] : memref<2x10240x128xf32, #tpu.memory_space<hbm>> -> memref<1x128x128xf32, #tpu.memory_space<hbm>>
      %dma_wait3A_53 = tpu.memref_squeeze %dma_wait3A_52 : memref<1x128x128xf32, #tpu.memory_space<hbm>> -> memref<128x128xf32, #tpu.memory_space<hbm>>
      tpu.wait_dma2 semaphore(%run_scoped3A : memref<!tpu.dma_semaphore, #tpu.memory_space<semaphore_mem>>) src(%arg14 : memref<128x128xf32, #tpu.memory_space<vmem>>) dst(%dma_wait3A_53 : memref<128x128xf32, #tpu.memory_space<hbm>>)
      tpu.yield
    }) : () -> ()
    %add3A_36 = arith.constant 128 : i32
    %add3A_37 = arith.addi %mul3A_15, %add3A_36 : i32
    "tpu.region"() ({
      %run_scoped3A = tpu.sem_alloc : memref<!tpu.dma_semaphore, #tpu.memory_space<semaphore_mem>>
      %dma_start3A = arith.constant 0 : i32
      %dma_start3A_44 = tpu.memref_slice %arg16[%add3A_37, %dma_start3A] : memref<10240x128xf32, #tpu.memory_space<vmem_shared>> -> memref<128x128xf32, #tpu.memory_space<vmem_shared>>
      %dma_start3A_45 = arith.constant 0 : i32
      %dma_start3A_46 = tpu.memref_slice %arg16[%add3A_37, %dma_start3A_45] : memref<10240x128xf32, #tpu.memory_space<vmem_shared>> -> memref<128x128xf32, #tpu.memory_space<vmem_shared>>
      tpu.enqueue_dma source(%dma_start3A_46 : memref<128x128xf32, #tpu.memory_space<vmem_shared>>) target(%arg14 : memref<128x128xf32, #tpu.memory_space<vmem>>) target_semaphore(%run_scoped3A : memref<!tpu.dma_semaphore, #tpu.memory_space<semaphore_mem>>)
      %dma_wait3A = arith.constant 0 : i32
      %dma_wait3A_47 = tpu.memref_slice %arg16[%add3A_37, %dma_wait3A] : memref<10240x128xf32, #tpu.memory_space<vmem_shared>> -> memref<128x128xf32, #tpu.memory_space<vmem_shared>>
      %dma_wait3A_48 = arith.constant 0 : i32
      %dma_wait3A_49 = tpu.memref_slice %arg16[%add3A_37, %dma_wait3A_48] : memref<10240x128xf32, #tpu.memory_space<vmem_shared>> -> memref<128x128xf32, #tpu.memory_space<vmem_shared>>
      tpu.wait_dma2 semaphore(%run_scoped3A : memref<!tpu.dma_semaphore, #tpu.memory_space<semaphore_mem>>) src(%dma_wait3A_49 : memref<128x128xf32, #tpu.memory_space<vmem_shared>>) dst(%arg14 : memref<128x128xf32, #tpu.memory_space<vmem>>)
      tpu.yield
    }) : () -> ()
    "tpu.region"() ({
      %run_scoped3A = tpu.sem_alloc : memref<!tpu.dma_semaphore, #tpu.memory_space<semaphore_mem>>
      %dma_start3A = arith.constant 0 : i32
      %dma_start3A_44 = tpu.memref_slice %arg7[%arg0, %add3A_37, %dma_start3A] : memref<2x10240x128xf32, #tpu.memory_space<hbm>> -> memref<1x128x128xf32, #tpu.memory_space<hbm>>
      %dma_start3A_45 = tpu.memref_squeeze %dma_start3A_44 : memref<1x128x128xf32, #tpu.memory_space<hbm>> -> memref<128x128xf32, #tpu.memory_space<hbm>>
      %dma_start3A_46 = arith.constant 0 : i32
      %dma_start3A_47 = tpu.memref_slice %arg7[%arg0, %add3A_37, %dma_start3A_46] : memref<2x10240x128xf32, #tpu.memory_space<hbm>> -> memref<1x128x128xf32, #tpu.memory_space<hbm>>
      %dma_start3A_48 = tpu.memref_squeeze %dma_start3A_47 : memref<1x128x128xf32, #tpu.memory_space<hbm>> -> memref<128x128xf32, #tpu.memory_space<hbm>>
      tpu.enqueue_dma source(%arg14 : memref<128x128xf32, #tpu.memory_space<vmem>>) target(%dma_start3A_48 : memref<128x128xf32, #tpu.memory_space<hbm>>) target_semaphore(%run_scoped3A : memref<!tpu.dma_semaphore, #tpu.memory_space<semaphore_mem>>)
      %dma_wait3A = arith.constant 0 : i32
      %dma_wait3A_49 = tpu.memref_slice %arg7[%arg0, %add3A_37, %dma_wait3A] : memref<2x10240x128xf32, #tpu.memory_space<hbm>> -> memref<1x128x128xf32, #tpu.memory_space<hbm>>
      %dma_wait3A_50 = tpu.memref_squeeze %dma_wait3A_49 : memref<1x128x128xf32, #tpu.memory_space<hbm>> -> memref<128x128xf32, #tpu.memory_space<hbm>>
      %dma_wait3A_51 = arith.constant 0 : i32
      %dma_wait3A_52 = tpu.memref_slice %arg7[%arg0, %add3A_37, %dma_wait3A_51] : memref<2x10240x128xf32, #tpu.memory_space<hbm>> -> memref<1x128x128xf32, #tpu.memory_space<hbm>>
      %dma_wait3A_53 = tpu.memref_squeeze %dma_wait3A_52 : memref<1x128x128xf32, #tpu.memory_space<hbm>> -> memref<128x128xf32, #tpu.memory_space<hbm>>
      tpu.wait_dma2 semaphore(%run_scoped3A : memref<!tpu.dma_semaphore, #tpu.memory_space<semaphore_mem>>) src(%arg14 : memref<128x128xf32, #tpu.memory_space<vmem>>) dst(%dma_wait3A_53 : memref<128x128xf32, #tpu.memory_space<hbm>>)
      tpu.yield
    }) : () -> ()
    %add3A_38 = arith.constant 256 : i32
    %add3A_39 = arith.addi %mul3A_15, %add3A_38 : i32
    "tpu.region"() ({
      %run_scoped3A = tpu.sem_alloc : memref<!tpu.dma_semaphore, #tpu.memory_space<semaphore_mem>>
      %dma_start3A = arith.constant 0 : i32
      %dma_start3A_44 = tpu.memref_slice %arg16[%add3A_39, %dma_start3A] : memref<10240x128xf32, #tpu.memory_space<vmem_shared>> -> memref<128x128xf32, #tpu.memory_space<vmem_shared>>
      %dma_start3A_45 = arith.constant 0 : i32
      %dma_start3A_46 = tpu.memref_slice %arg16[%add3A_39, %dma_start3A_45] : memref<10240x128xf32, #tpu.memory_space<vmem_shared>> -> memref<128x128xf32, #tpu.memory_space<vmem_shared>>
      tpu.enqueue_dma source(%dma_start3A_46 : memref<128x128xf32, #tpu.memory_space<vmem_shared>>) target(%arg14 : memref<128x128xf32, #tpu.memory_space<vmem>>) target_semaphore(%run_scoped3A : memref<!tpu.dma_semaphore, #tpu.memory_space<semaphore_mem>>)
      %dma_wait3A = arith.constant 0 : i32
      %dma_wait3A_47 = tpu.memref_slice %arg16[%add3A_39, %dma_wait3A] : memref<10240x128xf32, #tpu.memory_space<vmem_shared>> -> memref<128x128xf32, #tpu.memory_space<vmem_shared>>
      %dma_wait3A_48 = arith.constant 0 : i32
      %dma_wait3A_49 = tpu.memref_slice %arg16[%add3A_39, %dma_wait3A_48] : memref<10240x128xf32, #tpu.memory_space<vmem_shared>> -> memref<128x128xf32, #tpu.memory_space<vmem_shared>>
      tpu.wait_dma2 semaphore(%run_scoped3A : memref<!tpu.dma_semaphore, #tpu.memory_space<semaphore_mem>>) src(%dma_wait3A_49 : memref<128x128xf32, #tpu.memory_space<vmem_shared>>) dst(%arg14 : memref<128x128xf32, #tpu.memory_space<vmem>>)
      tpu.yield
    }) : () -> ()
    "tpu.region"() ({
      %run_scoped3A = tpu.sem_alloc : memref<!tpu.dma_semaphore, #tpu.memory_space<semaphore_mem>>
      %dma_start3A = arith.constant 0 : i32
      %dma_start3A_44 = tpu.memref_slice %arg7[%arg0, %add3A_39, %dma_start3A] : memref<2x10240x128xf32, #tpu.memory_space<hbm>> -> memref<1x128x128xf32, #tpu.memory_space<hbm>>
      %dma_start3A_45 = tpu.memref_squeeze %dma_start3A_44 : memref<1x128x128xf32, #tpu.memory_space<hbm>> -> memref<128x128xf32, #tpu.memory_space<hbm>>
      %dma_start3A_46 = arith.constant 0 : i32
      %dma_start3A_47 = tpu.memref_slice %arg7[%arg0, %add3A_39, %dma_start3A_46] : memref<2x10240x128xf32, #tpu.memory_space<hbm>> -> memref<1x128x128xf32, #tpu.memory_space<hbm>>
      %dma_start3A_48 = tpu.memref_squeeze %dma_start3A_47 : memref<1x128x128xf32, #tpu.memory_space<hbm>> -> memref<128x128xf32, #tpu.memory_space<hbm>>
      tpu.enqueue_dma source(%arg14 : memref<128x128xf32, #tpu.memory_space<vmem>>) target(%dma_start3A_48 : memref<128x128xf32, #tpu.memory_space<hbm>>) target_semaphore(%run_scoped3A : memref<!tpu.dma_semaphore, #tpu.memory_space<semaphore_mem>>)
      %dma_wait3A = arith.constant 0 : i32
      %dma_wait3A_49 = tpu.memref_slice %arg7[%arg0, %add3A_39, %dma_wait3A] : memref<2x10240x128xf32, #tpu.memory_space<hbm>> -> memref<1x128x128xf32, #tpu.memory_space<hbm>>
      %dma_wait3A_50 = tpu.memref_squeeze %dma_wait3A_49 : memref<1x128x128xf32, #tpu.memory_space<hbm>> -> memref<128x128xf32, #tpu.memory_space<hbm>>
      %dma_wait3A_51 = arith.constant 0 : i32
      %dma_wait3A_52 = tpu.memref_slice %arg7[%arg0, %add3A_39, %dma_wait3A_51] : memref<2x10240x128xf32, #tpu.memory_space<hbm>> -> memref<1x128x128xf32, #tpu.memory_space<hbm>>
      %dma_wait3A_53 = tpu.memref_squeeze %dma_wait3A_52 : memref<1x128x128xf32, #tpu.memory_space<hbm>> -> memref<128x128xf32, #tpu.memory_space<hbm>>
      tpu.wait_dma2 semaphore(%run_scoped3A : memref<!tpu.dma_semaphore, #tpu.memory_space<semaphore_mem>>) src(%arg14 : memref<128x128xf32, #tpu.memory_space<vmem>>) dst(%dma_wait3A_53 : memref<128x128xf32, #tpu.memory_space<hbm>>)
      tpu.yield
    }) : () -> ()
    %add3A_40 = arith.constant 384 : i32
    %add3A_41 = arith.addi %mul3A_15, %add3A_40 : i32
    "tpu.region"() ({
      %run_scoped3A = tpu.sem_alloc : memref<!tpu.dma_semaphore, #tpu.memory_space<semaphore_mem>>
      %dma_start3A = arith.constant 0 : i32
      %dma_start3A_44 = tpu.memref_slice %arg16[%add3A_41, %dma_start3A] : memref<10240x128xf32, #tpu.memory_space<vmem_shared>> -> memref<128x128xf32, #tpu.memory_space<vmem_shared>>
      %dma_start3A_45 = arith.constant 0 : i32
      %dma_start3A_46 = tpu.memref_slice %arg16[%add3A_41, %dma_start3A_45] : memref<10240x128xf32, #tpu.memory_space<vmem_shared>> -> memref<128x128xf32, #tpu.memory_space<vmem_shared>>
      tpu.enqueue_dma source(%dma_start3A_46 : memref<128x128xf32, #tpu.memory_space<vmem_shared>>) target(%arg14 : memref<128x128xf32, #tpu.memory_space<vmem>>) target_semaphore(%run_scoped3A : memref<!tpu.dma_semaphore, #tpu.memory_space<semaphore_mem>>)
      %dma_wait3A = arith.constant 0 : i32
      %dma_wait3A_47 = tpu.memref_slice %arg16[%add3A_41, %dma_wait3A] : memref<10240x128xf32, #tpu.memory_space<vmem_shared>> -> memref<128x128xf32, #tpu.memory_space<vmem_shared>>
      %dma_wait3A_48 = arith.constant 0 : i32
      %dma_wait3A_49 = tpu.memref_slice %arg16[%add3A_41, %dma_wait3A_48] : memref<10240x128xf32, #tpu.memory_space<vmem_shared>> -> memref<128x128xf32, #tpu.memory_space<vmem_shared>>
      tpu.wait_dma2 semaphore(%run_scoped3A : memref<!tpu.dma_semaphore, #tpu.memory_space<semaphore_mem>>) src(%dma_wait3A_49 : memref<128x128xf32, #tpu.memory_space<vmem_shared>>) dst(%arg14 : memref<128x128xf32, #tpu.memory_space<vmem>>)
      tpu.yield
    }) : () -> ()
    "tpu.region"() ({
      %run_scoped3A = tpu.sem_alloc : memref<!tpu.dma_semaphore, #tpu.memory_space<semaphore_mem>>
      %dma_start3A = arith.constant 0 : i32
      %dma_start3A_44 = tpu.memref_slice %arg7[%arg0, %add3A_41, %dma_start3A] : memref<2x10240x128xf32, #tpu.memory_space<hbm>> -> memref<1x128x128xf32, #tpu.memory_space<hbm>>
      %dma_start3A_45 = tpu.memref_squeeze %dma_start3A_44 : memref<1x128x128xf32, #tpu.memory_space<hbm>> -> memref<128x128xf32, #tpu.memory_space<hbm>>
      %dma_start3A_46 = arith.constant 0 : i32
      %dma_start3A_47 = tpu.memref_slice %arg7[%arg0, %add3A_41, %dma_start3A_46] : memref<2x10240x128xf32, #tpu.memory_space<hbm>> -> memref<1x128x128xf32, #tpu.memory_space<hbm>>
      %dma_start3A_48 = tpu.memref_squeeze %dma_start3A_47 : memref<1x128x128xf32, #tpu.memory_space<hbm>> -> memref<128x128xf32, #tpu.memory_space<hbm>>
      tpu.enqueue_dma source(%arg14 : memref<128x128xf32, #tpu.memory_space<vmem>>) target(%dma_start3A_48 : memref<128x128xf32, #tpu.memory_space<hbm>>) target_semaphore(%run_scoped3A : memref<!tpu.dma_semaphore, #tpu.memory_space<semaphore_mem>>)
      %dma_wait3A = arith.constant 0 : i32
      %dma_wait3A_49 = tpu.memref_slice %arg7[%arg0, %add3A_41, %dma_wait3A] : memref<2x10240x128xf32, #tpu.memory_space<hbm>> -> memref<1x128x128xf32, #tpu.memory_space<hbm>>
      %dma_wait3A_50 = tpu.memref_squeeze %dma_wait3A_49 : memref<1x128x128xf32, #tpu.memory_space<hbm>> -> memref<128x128xf32, #tpu.memory_space<hbm>>
      %dma_wait3A_51 = arith.constant 0 : i32
      %dma_wait3A_52 = tpu.memref_slice %arg7[%arg0, %add3A_41, %dma_wait3A_51] : memref<2x10240x128xf32, #tpu.memory_space<hbm>> -> memref<1x128x128xf32, #tpu.memory_space<hbm>>
      %dma_wait3A_53 = tpu.memref_squeeze %dma_wait3A_52 : memref<1x128x128xf32, #tpu.memory_space<hbm>> -> memref<128x128xf32, #tpu.memory_space<hbm>>
      tpu.wait_dma2 semaphore(%run_scoped3A : memref<!tpu.dma_semaphore, #tpu.memory_space<semaphore_mem>>) src(%arg14 : memref<128x128xf32, #tpu.memory_space<vmem>>) dst(%dma_wait3A_53 : memref<128x128xf32, #tpu.memory_space<hbm>>)
      tpu.yield
    }) : () -> ()
    %add3A_42 = arith.constant 512 : i32
    %add3A_43 = arith.addi %mul3A_15, %add3A_42 : i32
    "tpu.region"() ({
      %run_scoped3A = tpu.sem_alloc : memref<!tpu.dma_semaphore, #tpu.memory_space<semaphore_mem>>
      %dma_start3A = arith.constant 0 : i32
      %dma_start3A_44 = tpu.memref_slice %arg16[%add3A_43, %dma_start3A] : memref<10240x128xf32, #tpu.memory_space<vmem_shared>> -> memref<128x128xf32, #tpu.memory_space<vmem_shared>>
      %dma_start3A_45 = arith.constant 0 : i32
      %dma_start3A_46 = tpu.memref_slice %arg16[%add3A_43, %dma_start3A_45] : memref<10240x128xf32, #tpu.memory_space<vmem_shared>> -> memref<128x128xf32, #tpu.memory_space<vmem_shared>>
      tpu.enqueue_dma source(%dma_start3A_46 : memref<128x128xf32, #tpu.memory_space<vmem_shared>>) target(%arg14 : memref<128x128xf32, #tpu.memory_space<vmem>>) target_semaphore(%run_scoped3A : memref<!tpu.dma_semaphore, #tpu.memory_space<semaphore_mem>>)
      %dma_wait3A = arith.constant 0 : i32
      %dma_wait3A_47 = tpu.memref_slice %arg16[%add3A_43, %dma_wait3A] : memref<10240x128xf32, #tpu.memory_space<vmem_shared>> -> memref<128x128xf32, #tpu.memory_space<vmem_shared>>
      %dma_wait3A_48 = arith.constant 0 : i32
      %dma_wait3A_49 = tpu.memref_slice %arg16[%add3A_43, %dma_wait3A_48] : memref<10240x128xf32, #tpu.memory_space<vmem_shared>> -> memref<128x128xf32, #tpu.memory_space<vmem_shared>>
      tpu.wait_dma2 semaphore(%run_scoped3A : memref<!tpu.dma_semaphore, #tpu.memory_space<semaphore_mem>>) src(%dma_wait3A_49 : memref<128x128xf32, #tpu.memory_space<vmem_shared>>) dst(%arg14 : memref<128x128xf32, #tpu.memory_space<vmem>>)
      tpu.yield
    }) : () -> ()
    "tpu.region"() ({
      %run_scoped3A = tpu.sem_alloc : memref<!tpu.dma_semaphore, #tpu.memory_space<semaphore_mem>>
      %dma_start3A = arith.constant 0 : i32
      %dma_start3A_44 = tpu.memref_slice %arg7[%arg0, %add3A_43, %dma_start3A] : memref<2x10240x128xf32, #tpu.memory_space<hbm>> -> memref<1x128x128xf32, #tpu.memory_space<hbm>>
      %dma_start3A_45 = tpu.memref_squeeze %dma_start3A_44 : memref<1x128x128xf32, #tpu.memory_space<hbm>> -> memref<128x128xf32, #tpu.memory_space<hbm>>
      %dma_start3A_46 = arith.constant 0 : i32
      %dma_start3A_47 = tpu.memref_slice %arg7[%arg0, %add3A_43, %dma_start3A_46] : memref<2x10240x128xf32, #tpu.memory_space<hbm>> -> memref<1x128x128xf32, #tpu.memory_space<hbm>>
      %dma_start3A_48 = tpu.memref_squeeze %dma_start3A_47 : memref<1x128x128xf32, #tpu.memory_space<hbm>> -> memref<128x128xf32, #tpu.memory_space<hbm>>
      tpu.enqueue_dma source(%arg14 : memref<128x128xf32, #tpu.memory_space<vmem>>) target(%dma_start3A_48 : memref<128x128xf32, #tpu.memory_space<hbm>>) target_semaphore(%run_scoped3A : memref<!tpu.dma_semaphore, #tpu.memory_space<semaphore_mem>>)
      %dma_wait3A = arith.constant 0 : i32
      %dma_wait3A_49 = tpu.memref_slice %arg7[%arg0, %add3A_43, %dma_wait3A] : memref<2x10240x128xf32, #tpu.memory_space<hbm>> -> memref<1x128x128xf32, #tpu.memory_space<hbm>>
      %dma_wait3A_50 = tpu.memref_squeeze %dma_wait3A_49 : memref<1x128x128xf32, #tpu.memory_space<hbm>> -> memref<128x128xf32, #tpu.memory_space<hbm>>
      %dma_wait3A_51 = arith.constant 0 : i32
      %dma_wait3A_52 = tpu.memref_slice %arg7[%arg0, %add3A_43, %dma_wait3A_51] : memref<2x10240x128xf32, #tpu.memory_space<hbm>> -> memref<1x128x128xf32, #tpu.memory_space<hbm>>
      %dma_wait3A_53 = tpu.memref_squeeze %dma_wait3A_52 : memref<1x128x128xf32, #tpu.memory_space<hbm>> -> memref<128x128xf32, #tpu.memory_space<hbm>>
      tpu.wait_dma2 semaphore(%run_scoped3A : memref<!tpu.dma_semaphore, #tpu.memory_space<semaphore_mem>>) src(%arg14 : memref<128x128xf32, #tpu.memory_space<vmem>>) dst(%dma_wait3A_53 : memref<128x128xf32, #tpu.memory_space<hbm>>)
      tpu.yield
    }) : () -> ()
    "tpu.region"() ({
      %run_scoped3A = tpu.sem_alloc : memref<!tpu.dma_semaphore, #tpu.memory_space<semaphore_mem>>
      %dma_start3A = tpu.memref_slice %arg17[%mul3A_15] : memref<10240xf32, #tpu.memory_space<vmem_shared>> -> memref<640xf32, #tpu.memory_space<vmem_shared>>
      %dma_start3A_44 = tpu.memref_slice %arg17[%mul3A_15] : memref<10240xf32, #tpu.memory_space<vmem_shared>> -> memref<640xf32, #tpu.memory_space<vmem_shared>>
      tpu.enqueue_dma source(%dma_start3A_44 : memref<640xf32, #tpu.memory_space<vmem_shared>>) target(%arg15 : memref<640xf32, #tpu.memory_space<vmem>>) target_semaphore(%run_scoped3A : memref<!tpu.dma_semaphore, #tpu.memory_space<semaphore_mem>>)
      %dma_wait3A = tpu.memref_slice %arg17[%mul3A_15] : memref<10240xf32, #tpu.memory_space<vmem_shared>> -> memref<640xf32, #tpu.memory_space<vmem_shared>>
      %dma_wait3A_45 = tpu.memref_slice %arg17[%mul3A_15] : memref<10240xf32, #tpu.memory_space<vmem_shared>> -> memref<640xf32, #tpu.memory_space<vmem_shared>>
      tpu.wait_dma2 semaphore(%run_scoped3A : memref<!tpu.dma_semaphore, #tpu.memory_space<semaphore_mem>>) src(%dma_wait3A_45 : memref<640xf32, #tpu.memory_space<vmem_shared>>) dst(%arg15 : memref<640xf32, #tpu.memory_space<vmem>>)
      tpu.yield
    }) : () -> ()
    "tpu.region"() ({
      %run_scoped3A = tpu.sem_alloc : memref<!tpu.dma_semaphore, #tpu.memory_space<semaphore_mem>>
      %dma_start3A = tpu.memref_slice %arg8[%arg0, %mul3A_15] : memref<2x10240xf32, #tpu.memory_space<hbm>> -> memref<1x640xf32, #tpu.memory_space<hbm>>
      %dma_start3A_44 = tpu.memref_squeeze %dma_start3A : memref<1x640xf32, #tpu.memory_space<hbm>> -> memref<640xf32, #tpu.memory_space<hbm>>
      %dma_start3A_45 = tpu.memref_slice %arg8[%arg0, %mul3A_15] : memref<2x10240xf32, #tpu.memory_space<hbm>> -> memref<1x640xf32, #tpu.memory_space<hbm>>
      %dma_start3A_46 = tpu.memref_squeeze %dma_start3A_45 : memref<1x640xf32, #tpu.memory_space<hbm>> -> memref<640xf32, #tpu.memory_space<hbm>>
      tpu.enqueue_dma source(%arg15 : memref<640xf32, #tpu.memory_space<vmem>>) target(%dma_start3A_46 : memref<640xf32, #tpu.memory_space<hbm>>) target_semaphore(%run_scoped3A : memref<!tpu.dma_semaphore, #tpu.memory_space<semaphore_mem>>)
      %dma_wait3A = tpu.memref_slice %arg8[%arg0, %mul3A_15] : memref<2x10240xf32, #tpu.memory_space<hbm>> -> memref<1x640xf32, #tpu.memory_space<hbm>>
      %dma_wait3A_47 = tpu.memref_squeeze %dma_wait3A : memref<1x640xf32, #tpu.memory_space<hbm>> -> memref<640xf32, #tpu.memory_space<hbm>>
      %dma_wait3A_48 = tpu.memref_slice %arg8[%arg0, %mul3A_15] : memref<2x10240xf32, #tpu.memory_space<hbm>> -> memref<1x640xf32, #tpu.memory_space<hbm>>
      %dma_wait3A_49 = tpu.memref_squeeze %dma_wait3A_48 : memref<1x640xf32, #tpu.memory_space<hbm>> -> memref<640xf32, #tpu.memory_space<hbm>>
      tpu.wait_dma2 semaphore(%run_scoped3A : memref<!tpu.dma_semaphore, #tpu.memory_space<semaphore_mem>>) src(%arg15 : memref<640xf32, #tpu.memory_space<vmem>>) dst(%dma_wait3A_49 : memref<640xf32, #tpu.memory_space<hbm>>)
      tpu.yield
    }) : () -> ()
    return
  }
}

#map = affine_map<(d0, d1) -> (0, 0, 0)>
#map1 = affine_map<(d0, d1) -> (0)>
#map2 = affine_map<(d0, d1) -> (0, 0)>
module attributes {stable_mosaic.version = 14 : i64} {
  func.func @_sc_edge(%arg0: i32, %arg1: i32, %arg2: memref<32x79x128xi32, #tpu.memory_space<hbm>>, %arg3: memref<32x79x128xi32, #tpu.memory_space<hbm>>, %arg4: memref<10000xf32, #tpu.memory_space<hbm>>, %arg5: memref<10240xf32, #tpu.memory_space<hbm>>, %arg6: memref<10000x128xf32, #tpu.memory_space<hbm>>, %arg7: memref<2x10240x128xf32, #tpu.memory_space<hbm>>, %arg8: memref<2x10240xf32, #tpu.memory_space<hbm>>, %arg9: memref<79x128xi32, #tpu.memory_space<vmem>>, %arg10: memref<79x128xi32, #tpu.memory_space<vmem>>, %arg11: memref<128xf32, #tpu.memory_space<vmem>>, %arg12: memref<128xf32, #tpu.memory_space<vmem>>, %arg13: memref<128xf32, #tpu.memory_space<vmem>>, %arg14: memref<128x128xf32, #tpu.memory_space<vmem>>, %arg15: memref<640xf32, #tpu.memory_space<vmem>>, %arg16: memref<10240x128xf32, #tpu.memory_space<vmem_shared>>, %arg17: memref<10240xf32, #tpu.memory_space<vmem_shared>>, %arg18: memref<!tpu.dma_semaphore, #tpu.memory_space<semaphore_mem>>, %arg19: memref<!tpu.dma_semaphore, #tpu.memory_space<semaphore_mem>>, %arg20: memref<!tpu.dma_semaphore, #tpu.memory_space<semaphore_mem>>) attributes {dimension_semantics = [#tpu.dimension_semantics<core_parallel>, #tpu.dimension_semantics<subcore_parallel>], iteration_bounds = array<i64: 2, 16>, scalar_prefetch = 0 : i64, scratch_operands = 12 : i64, tpu.core_type = #tpu.core_type<sc_vector_subcore>, window_params = [{transform_indices = #map}, {transform_indices = #map}, {transform_indices = #map1}, {transform_indices = #map1}, {transform_indices = #map2}, {transform_indices = #map}, {transform_indices = #map2}]} {
    %mul3A = arith.constant 2 : i32
    %mul3A_0 = arith.muli %arg1, %mul3A : i32
    %add3A = arith.addi %mul3A_0, %arg0 : i32
    "tpu.region"() ({
      %run_scoped3A = tpu.sem_alloc : memref<!tpu.dma_semaphore, #tpu.memory_space<semaphore_mem>>
      %dma_start3A = arith.constant 0 : i32
      %dma_start3A_44 = arith.constant 0 : i32
      %dma_start3A_45 = tpu.memref_slice %arg2[%add3A, %dma_start3A, %dma_start3A_44] : memref<32x79x128xi32, #tpu.memory_space<hbm>> -> memref<1x79x128xi32, #tpu.memory_space<hbm>>
      %dma_start3A_46 = tpu.memref_squeeze %dma_start3A_45 : memref<1x79x128xi32, #tpu.memory_space<hbm>> -> memref<79x128xi32, #tpu.memory_space<hbm>>
      %dma_start3A_47 = arith.constant 0 : i32
      %dma_start3A_48 = arith.constant 0 : i32
      %dma_start3A_49 = tpu.memref_slice %arg2[%add3A, %dma_start3A_47, %dma_start3A_48] : memref<32x79x128xi32, #tpu.memory_space<hbm>> -> memref<1x79x128xi32, #tpu.memory_space<hbm>>
      %dma_start3A_50 = tpu.memref_squeeze %dma_start3A_49 : memref<1x79x128xi32, #tpu.memory_space<hbm>> -> memref<79x128xi32, #tpu.memory_space<hbm>>
      tpu.enqueue_dma source(%dma_start3A_50 : memref<79x128xi32, #tpu.memory_space<hbm>>) target(%arg9 : memref<79x128xi32, #tpu.memory_space<vmem>>) target_semaphore(%run_scoped3A : memref<!tpu.dma_semaphore, #tpu.memory_space<semaphore_mem>>)
      %dma_wait3A = arith.constant 0 : i32
      %dma_wait3A_51 = arith.constant 0 : i32
      %dma_wait3A_52 = tpu.memref_slice %arg2[%add3A, %dma_wait3A, %dma_wait3A_51] : memref<32x79x128xi32, #tpu.memory_space<hbm>> -> memref<1x79x128xi32, #tpu.memory_space<hbm>>
      %dma_wait3A_53 = tpu.memref_squeeze %dma_wait3A_52 : memref<1x79x128xi32, #tpu.memory_space<hbm>> -> memref<79x128xi32, #tpu.memory_space<hbm>>
      %dma_wait3A_54 = arith.constant 0 : i32
      %dma_wait3A_55 = arith.constant 0 : i32
      %dma_wait3A_56 = tpu.memref_slice %arg2[%add3A, %dma_wait3A_54, %dma_wait3A_55] : memref<32x79x128xi32, #tpu.memory_space<hbm>> -> memref<1x79x128xi32, #tpu.memory_space<hbm>>
      %dma_wait3A_57 = tpu.memref_squeeze %dma_wait3A_56 : memref<1x79x128xi32, #tpu.memory_space<hbm>> -> memref<79x128xi32, #tpu.memory_space<hbm>>
      tpu.wait_dma2 semaphore(%run_scoped3A : memref<!tpu.dma_semaphore, #tpu.memory_space<semaphore_mem>>) src(%dma_wait3A_57 : memref<79x128xi32, #tpu.memory_space<hbm>>) dst(%arg9 : memref<79x128xi32, #tpu.memory_space<vmem>>)
      tpu.yield
    }) : () -> ()
    "tpu.region"() ({
      %run_scoped3A = tpu.sem_alloc : memref<!tpu.dma_semaphore, #tpu.memory_space<semaphore_mem>>
      %dma_start3A = arith.constant 0 : i32
      %dma_start3A_44 = arith.constant 0 : i32
      %dma_start3A_45 = tpu.memref_slice %arg3[%add3A, %dma_start3A, %dma_start3A_44] : memref<32x79x128xi32, #tpu.memory_space<hbm>> -> memref<1x79x128xi32, #tpu.memory_space<hbm>>
      %dma_start3A_46 = tpu.memref_squeeze %dma_start3A_45 : memref<1x79x128xi32, #tpu.memory_space<hbm>> -> memref<79x128xi32, #tpu.memory_space<hbm>>
      %dma_start3A_47 = arith.constant 0 : i32
      %dma_start3A_48 = arith.constant 0 : i32
      %dma_start3A_49 = tpu.memref_slice %arg3[%add3A, %dma_start3A_47, %dma_start3A_48] : memref<32x79x128xi32, #tpu.memory_space<hbm>> -> memref<1x79x128xi32, #tpu.memory_space<hbm>>
      %dma_start3A_50 = tpu.memref_squeeze %dma_start3A_49 : memref<1x79x128xi32, #tpu.memory_space<hbm>> -> memref<79x128xi32, #tpu.memory_space<hbm>>
      tpu.enqueue_dma source(%dma_start3A_50 : memref<79x128xi32, #tpu.memory_space<hbm>>) target(%arg10 : memref<79x128xi32, #tpu.memory_space<vmem>>) target_semaphore(%run_scoped3A : memref<!tpu.dma_semaphore, #tpu.memory_space<semaphore_mem>>)
      %dma_wait3A = arith.constant 0 : i32
      %dma_wait3A_51 = arith.constant 0 : i32
      %dma_wait3A_52 = tpu.memref_slice %arg3[%add3A, %dma_wait3A, %dma_wait3A_51] : memref<32x79x128xi32, #tpu.memory_space<hbm>> -> memref<1x79x128xi32, #tpu.memory_space<hbm>>
      %dma_wait3A_53 = tpu.memref_squeeze %dma_wait3A_52 : memref<1x79x128xi32, #tpu.memory_space<hbm>> -> memref<79x128xi32, #tpu.memory_space<hbm>>
      %dma_wait3A_54 = arith.constant 0 : i32
      %dma_wait3A_55 = arith.constant 0 : i32
      %dma_wait3A_56 = tpu.memref_slice %arg3[%add3A, %dma_wait3A_54, %dma_wait3A_55] : memref<32x79x128xi32, #tpu.memory_space<hbm>> -> memref<1x79x128xi32, #tpu.memory_space<hbm>>
      %dma_wait3A_57 = tpu.memref_squeeze %dma_wait3A_56 : memref<1x79x128xi32, #tpu.memory_space<hbm>> -> memref<79x128xi32, #tpu.memory_space<hbm>>
      tpu.wait_dma2 semaphore(%run_scoped3A : memref<!tpu.dma_semaphore, #tpu.memory_space<semaphore_mem>>) src(%dma_wait3A_57 : memref<79x128xi32, #tpu.memory_space<hbm>>) dst(%arg10 : memref<79x128xi32, #tpu.memory_space<vmem>>)
      tpu.yield
    }) : () -> ()
    %scan3A = arith.constant 0 : i32
    %scan3A_1 = arith.constant 0 : i32
    %scan3A_2 = arith.constant 40 : i32
    %scan3A_3 = arith.addi %scan3A_1, %scan3A_2 : i32
    %scan3A_4 = arith.constant 1 : i32
    %scan3A_5 = scf.for %scan3A_44 = %scan3A_1 to %scan3A_3 step %scan3A_4 iter_args(%scan3A_45 = %scan3A) -> (i32)  : i32 {
      %broadcast_in_dim3A = arith.constant 0.000000e+00 : f32
      %broadcast_in_dim3A_46 = vector.broadcast %broadcast_in_dim3A : f32 to vector<16xf32>
      %mul3A_47 = arith.constant 16 : i32
      %mul3A_48 = arith.muli %mul3A_47, %scan3A_44 : i32
      %swap3A = arith.index_cast %mul3A_48 : i32 to index
      %swap3A_49 = tpu.vector_load %arg15[%swap3A] {strides = array<i32>} : memref<640xf32, #tpu.memory_space<vmem>>, vector<16xf32>,
      tpu.vector_store %arg15[%swap3A], %broadcast_in_dim3A_46 {strides = array<i32>} : memref<640xf32, #tpu.memory_space<vmem>>, vector<16xf32>,
      %scan3A_50 = arith.constant 0 : i32
      scf.yield %scan3A_50 : i32
    }
    %scan3A_6 = arith.constant 40 : i32
    %scan3A_7 = arith.constant 0 : i32
    %scan3A_8 = arith.constant 0 : i32
    %scan3A_9 = arith.constant 128 : i32
    %scan3A_10 = arith.addi %scan3A_8, %scan3A_9 : i32
    %scan3A_11 = arith.constant 1 : i32
    %scan3A_12 = scf.for %scan3A_44 = %scan3A_8 to %scan3A_10 step %scan3A_11 iter_args(%scan3A_45 = %scan3A_7) -> (i32)  : i32 {
      %broadcast_in_dim3A = arith.constant 0.000000e+00 : f32
      %broadcast_in_dim3A_46 = vector.broadcast %broadcast_in_dim3A : f32 to vector<16xf32>
      %swap3A = arith.index_cast %scan3A_44 : i32 to index
      %swap3A_47 = arith.constant 0 : index
      %swap3A_48 = tpu.vector_load %arg14[%swap3A, %swap3A_47] {strides = array<i32>} : memref<128x128xf32, #tpu.memory_space<vmem>>, vector<16xf32>,
      tpu.vector_store %arg14[%swap3A, %swap3A_47], %broadcast_in_dim3A_46 {strides = array<i32>} : memref<128x128xf32, #tpu.memory_space<vmem>>, vector<16xf32>,
      %broadcast_in_dim3A_49 = arith.constant 0.000000e+00 : f32
      %broadcast_in_dim3A_50 = vector.broadcast %broadcast_in_dim3A_49 : f32 to vector<16xf32>
      %swap3A_51 = arith.index_cast %scan3A_44 : i32 to index
      %swap3A_52 = arith.constant 16 : index
      %swap3A_53 = tpu.vector_load %arg14[%swap3A_51, %swap3A_52] {strides = array<i32>} : memref<128x128xf32, #tpu.memory_space<vmem>>, vector<16xf32>,
      tpu.vector_store %arg14[%swap3A_51, %swap3A_52], %broadcast_in_dim3A_50 {strides = array<i32>} : memref<128x128xf32, #tpu.memory_space<vmem>>, vector<16xf32>,
      %broadcast_in_dim3A_54 = arith.constant 0.000000e+00 : f32
      %broadcast_in_dim3A_55 = vector.broadcast %broadcast_in_dim3A_54 : f32 to vector<16xf32>
      %swap3A_56 = arith.index_cast %scan3A_44 : i32 to index
      %swap3A_57 = arith.constant 32 : index
      %swap3A_58 = tpu.vector_load %arg14[%swap3A_56, %swap3A_57] {strides = array<i32>} : memref<128x128xf32, #tpu.memory_space<vmem>>, vector<16xf32>,
      tpu.vector_store %arg14[%swap3A_56, %swap3A_57], %broadcast_in_dim3A_55 {strides = array<i32>} : memref<128x128xf32, #tpu.memory_space<vmem>>, vector<16xf32>,
      %broadcast_in_dim3A_59 = arith.constant 0.000000e+00 : f32
      %broadcast_in_dim3A_60 = vector.broadcast %broadcast_in_dim3A_59 : f32 to vector<16xf32>
      %swap3A_61 = arith.index_cast %scan3A_44 : i32 to index
      %swap3A_62 = arith.constant 48 : index
      %swap3A_63 = tpu.vector_load %arg14[%swap3A_61, %swap3A_62] {strides = array<i32>} : memref<128x128xf32, #tpu.memory_space<vmem>>, vector<16xf32>,
      tpu.vector_store %arg14[%swap3A_61, %swap3A_62], %broadcast_in_dim3A_60 {strides = array<i32>} : memref<128x128xf32, #tpu.memory_space<vmem>>, vector<16xf32>,
      %broadcast_in_dim3A_64 = arith.constant 0.000000e+00 : f32
      %broadcast_in_dim3A_65 = vector.broadcast %broadcast_in_dim3A_64 : f32 to vector<16xf32>
      %swap3A_66 = arith.index_cast %scan3A_44 : i32 to index
      %swap3A_67 = arith.constant 64 : index
      %swap3A_68 = tpu.vector_load %arg14[%swap3A_66, %swap3A_67] {strides = array<i32>} : memref<128x128xf32, #tpu.memory_space<vmem>>, vector<16xf32>,
      tpu.vector_store %arg14[%swap3A_66, %swap3A_67], %broadcast_in_dim3A_65 {strides = array<i32>} : memref<128x128xf32, #tpu.memory_space<vmem>>, vector<16xf32>,
      %broadcast_in_dim3A_69 = arith.constant 0.000000e+00 : f32
      %broadcast_in_dim3A_70 = vector.broadcast %broadcast_in_dim3A_69 : f32 to vector<16xf32>
      %swap3A_71 = arith.index_cast %scan3A_44 : i32 to index
      %swap3A_72 = arith.constant 80 : index
      %swap3A_73 = tpu.vector_load %arg14[%swap3A_71, %swap3A_72] {strides = array<i32>} : memref<128x128xf32, #tpu.memory_space<vmem>>, vector<16xf32>,
      tpu.vector_store %arg14[%swap3A_71, %swap3A_72], %broadcast_in_dim3A_70 {strides = array<i32>} : memref<128x128xf32, #tpu.memory_space<vmem>>, vector<16xf32>,
      %broadcast_in_dim3A_74 = arith.constant 0.000000e+00 : f32
      %broadcast_in_dim3A_75 = vector.broadcast %broadcast_in_dim3A_74 : f32 to vector<16xf32>
      %swap3A_76 = arith.index_cast %scan3A_44 : i32 to index
      %swap3A_77 = arith.constant 96 : index
      %swap3A_78 = tpu.vector_load %arg14[%swap3A_76, %swap3A_77] {strides = array<i32>} : memref<128x128xf32, #tpu.memory_space<vmem>>, vector<16xf32>,
      tpu.vector_store %arg14[%swap3A_76, %swap3A_77], %broadcast_in_dim3A_75 {strides = array<i32>} : memref<128x128xf32, #tpu.memory_space<vmem>>, vector<16xf32>,
      %broadcast_in_dim3A_79 = arith.constant 0.000000e+00 : f32
      %broadcast_in_dim3A_80 = vector.broadcast %broadcast_in_dim3A_79 : f32 to vector<16xf32>
      %swap3A_81 = arith.index_cast %scan3A_44 : i32 to index
      %swap3A_82 = arith.constant 112 : index
      %swap3A_83 = tpu.vector_load %arg14[%swap3A_81, %swap3A_82] {strides = array<i32>} : memref<128x128xf32, #tpu.memory_space<vmem>>, vector<16xf32>,
      tpu.vector_store %arg14[%swap3A_81, %swap3A_82], %broadcast_in_dim3A_80 {strides = array<i32>} : memref<128x128xf32, #tpu.memory_space<vmem>>, vector<16xf32>,
      %scan3A_84 = arith.constant 0 : i32
      scf.yield %scan3A_84 : i32
    }
    %scan3A_13 = arith.constant 128 : i32
    %mul3A_14 = arith.constant 640 : i32
    %mul3A_15 = arith.muli %arg1, %mul3A_14 : i32
    %add3A_16 = arith.constant 0 : i32
    %add3A_17 = arith.addi %mul3A_15, %add3A_16 : i32
    "tpu.region"() ({
      %run_scoped3A = tpu.sem_alloc : memref<!tpu.dma_semaphore, #tpu.memory_space<semaphore_mem>>
      %dma_start3A = arith.constant 0 : i32
      %dma_start3A_44 = tpu.memref_slice %arg16[%add3A_17, %dma_start3A] : memref<10240x128xf32, #tpu.memory_space<vmem_shared>> -> memref<128x128xf32, #tpu.memory_space<vmem_shared>>
      %dma_start3A_45 = arith.constant 0 : i32
      %dma_start3A_46 = tpu.memref_slice %arg16[%add3A_17, %dma_start3A_45] : memref<10240x128xf32, #tpu.memory_space<vmem_shared>> -> memref<128x128xf32, #tpu.memory_space<vmem_shared>>
      tpu.enqueue_dma source(%arg14 : memref<128x128xf32, #tpu.memory_space<vmem>>) target(%dma_start3A_46 : memref<128x128xf32, #tpu.memory_space<vmem_shared>>) target_semaphore(%run_scoped3A : memref<!tpu.dma_semaphore, #tpu.memory_space<semaphore_mem>>)
      %dma_wait3A = arith.constant 0 : i32
      %dma_wait3A_47 = tpu.memref_slice %arg16[%add3A_17, %dma_wait3A] : memref<10240x128xf32, #tpu.memory_space<vmem_shared>> -> memref<128x128xf32, #tpu.memory_space<vmem_shared>>
      %dma_wait3A_48 = arith.constant 0 : i32
      %dma_wait3A_49 = tpu.memref_slice %arg16[%add3A_17, %dma_wait3A_48] : memref<10240x128xf32, #tpu.memory_space<vmem_shared>> -> memref<128x128xf32, #tpu.memory_space<vmem_shared>>
      tpu.wait_dma2 semaphore(%run_scoped3A : memref<!tpu.dma_semaphore, #tpu.memory_space<semaphore_mem>>) src(%arg14 : memref<128x128xf32, #tpu.memory_space<vmem>>) dst(%dma_wait3A_49 : memref<128x128xf32, #tpu.memory_space<vmem_shared>>)
      tpu.yield
    }) : () -> ()
    %add3A_18 = arith.constant 128 : i32
    %add3A_19 = arith.addi %mul3A_15, %add3A_18 : i32
    "tpu.region"() ({
      %run_scoped3A = tpu.sem_alloc : memref<!tpu.dma_semaphore, #tpu.memory_space<semaphore_mem>>
      %dma_start3A = arith.constant 0 : i32
      %dma_start3A_44 = tpu.memref_slice %arg16[%add3A_19, %dma_start3A] : memref<10240x128xf32, #tpu.memory_space<vmem_shared>> -> memref<128x128xf32, #tpu.memory_space<vmem_shared>>
      %dma_start3A_45 = arith.constant 0 : i32
      %dma_start3A_46 = tpu.memref_slice %arg16[%add3A_19, %dma_start3A_45] : memref<10240x128xf32, #tpu.memory_space<vmem_shared>> -> memref<128x128xf32, #tpu.memory_space<vmem_shared>>
      tpu.enqueue_dma source(%arg14 : memref<128x128xf32, #tpu.memory_space<vmem>>) target(%dma_start3A_46 : memref<128x128xf32, #tpu.memory_space<vmem_shared>>) target_semaphore(%run_scoped3A : memref<!tpu.dma_semaphore, #tpu.memory_space<semaphore_mem>>)
      %dma_wait3A = arith.constant 0 : i32
      %dma_wait3A_47 = tpu.memref_slice %arg16[%add3A_19, %dma_wait3A] : memref<10240x128xf32, #tpu.memory_space<vmem_shared>> -> memref<128x128xf32, #tpu.memory_space<vmem_shared>>
      %dma_wait3A_48 = arith.constant 0 : i32
      %dma_wait3A_49 = tpu.memref_slice %arg16[%add3A_19, %dma_wait3A_48] : memref<10240x128xf32, #tpu.memory_space<vmem_shared>> -> memref<128x128xf32, #tpu.memory_space<vmem_shared>>
      tpu.wait_dma2 semaphore(%run_scoped3A : memref<!tpu.dma_semaphore, #tpu.memory_space<semaphore_mem>>) src(%arg14 : memref<128x128xf32, #tpu.memory_space<vmem>>) dst(%dma_wait3A_49 : memref<128x128xf32, #tpu.memory_space<vmem_shared>>)
      tpu.yield
    }) : () -> ()
    %add3A_20 = arith.constant 256 : i32
    %add3A_21 = arith.addi %mul3A_15, %add3A_20 : i32
    "tpu.region"() ({
      %run_scoped3A = tpu.sem_alloc : memref<!tpu.dma_semaphore, #tpu.memory_space<semaphore_mem>>
      %dma_start3A = arith.constant 0 : i32
      %dma_start3A_44 = tpu.memref_slice %arg16[%add3A_21, %dma_start3A] : memref<10240x128xf32, #tpu.memory_space<vmem_shared>> -> memref<128x128xf32, #tpu.memory_space<vmem_shared>>
      %dma_start3A_45 = arith.constant 0 : i32
      %dma_start3A_46 = tpu.memref_slice %arg16[%add3A_21, %dma_start3A_45] : memref<10240x128xf32, #tpu.memory_space<vmem_shared>> -> memref<128x128xf32, #tpu.memory_space<vmem_shared>>
      tpu.enqueue_dma source(%arg14 : memref<128x128xf32, #tpu.memory_space<vmem>>) target(%dma_start3A_46 : memref<128x128xf32, #tpu.memory_space<vmem_shared>>) target_semaphore(%run_scoped3A : memref<!tpu.dma_semaphore, #tpu.memory_space<semaphore_mem>>)
      %dma_wait3A = arith.constant 0 : i32
      %dma_wait3A_47 = tpu.memref_slice %arg16[%add3A_21, %dma_wait3A] : memref<10240x128xf32, #tpu.memory_space<vmem_shared>> -> memref<128x128xf32, #tpu.memory_space<vmem_shared>>
      %dma_wait3A_48 = arith.constant 0 : i32
      %dma_wait3A_49 = tpu.memref_slice %arg16[%add3A_21, %dma_wait3A_48] : memref<10240x128xf32, #tpu.memory_space<vmem_shared>> -> memref<128x128xf32, #tpu.memory_space<vmem_shared>>
      tpu.wait_dma2 semaphore(%run_scoped3A : memref<!tpu.dma_semaphore, #tpu.memory_space<semaphore_mem>>) src(%arg14 : memref<128x128xf32, #tpu.memory_space<vmem>>) dst(%dma_wait3A_49 : memref<128x128xf32, #tpu.memory_space<vmem_shared>>)
      tpu.yield
    }) : () -> ()
    %add3A_22 = arith.constant 384 : i32
    %add3A_23 = arith.addi %mul3A_15, %add3A_22 : i32
    "tpu.region"() ({
      %run_scoped3A = tpu.sem_alloc : memref<!tpu.dma_semaphore, #tpu.memory_space<semaphore_mem>>
      %dma_start3A = arith.constant 0 : i32
      %dma_start3A_44 = tpu.memref_slice %arg16[%add3A_23, %dma_start3A] : memref<10240x128xf32, #tpu.memory_space<vmem_shared>> -> memref<128x128xf32, #tpu.memory_space<vmem_shared>>
      %dma_start3A_45 = arith.constant 0 : i32
      %dma_start3A_46 = tpu.memref_slice %arg16[%add3A_23, %dma_start3A_45] : memref<10240x128xf32, #tpu.memory_space<vmem_shared>> -> memref<128x128xf32, #tpu.memory_space<vmem_shared>>
      tpu.enqueue_dma source(%arg14 : memref<128x128xf32, #tpu.memory_space<vmem>>) target(%dma_start3A_46 : memref<128x128xf32, #tpu.memory_space<vmem_shared>>) target_semaphore(%run_scoped3A : memref<!tpu.dma_semaphore, #tpu.memory_space<semaphore_mem>>)
      %dma_wait3A = arith.constant 0 : i32
      %dma_wait3A_47 = tpu.memref_slice %arg16[%add3A_23, %dma_wait3A] : memref<10240x128xf32, #tpu.memory_space<vmem_shared>> -> memref<128x128xf32, #tpu.memory_space<vmem_shared>>
      %dma_wait3A_48 = arith.constant 0 : i32
      %dma_wait3A_49 = tpu.memref_slice %arg16[%add3A_23, %dma_wait3A_48] : memref<10240x128xf32, #tpu.memory_space<vmem_shared>> -> memref<128x128xf32, #tpu.memory_space<vmem_shared>>
      tpu.wait_dma2 semaphore(%run_scoped3A : memref<!tpu.dma_semaphore, #tpu.memory_space<semaphore_mem>>) src(%arg14 : memref<128x128xf32, #tpu.memory_space<vmem>>) dst(%dma_wait3A_49 : memref<128x128xf32, #tpu.memory_space<vmem_shared>>)
      tpu.yield
    }) : () -> ()
    %add3A_24 = arith.constant 512 : i32
    %add3A_25 = arith.addi %mul3A_15, %add3A_24 : i32
    "tpu.region"() ({
      %run_scoped3A = tpu.sem_alloc : memref<!tpu.dma_semaphore, #tpu.memory_space<semaphore_mem>>
      %dma_start3A = arith.constant 0 : i32
      %dma_start3A_44 = tpu.memref_slice %arg16[%add3A_25, %dma_start3A] : memref<10240x128xf32, #tpu.memory_space<vmem_shared>> -> memref<128x128xf32, #tpu.memory_space<vmem_shared>>
      %dma_start3A_45 = arith.constant 0 : i32
      %dma_start3A_46 = tpu.memref_slice %arg16[%add3A_25, %dma_start3A_45] : memref<10240x128xf32, #tpu.memory_space<vmem_shared>> -> memref<128x128xf32, #tpu.memory_space<vmem_shared>>
      tpu.enqueue_dma source(%arg14 : memref<128x128xf32, #tpu.memory_space<vmem>>) target(%dma_start3A_46 : memref<128x128xf32, #tpu.memory_space<vmem_shared>>) target_semaphore(%run_scoped3A : memref<!tpu.dma_semaphore, #tpu.memory_space<semaphore_mem>>)
      %dma_wait3A = arith.constant 0 : i32
      %dma_wait3A_47 = tpu.memref_slice %arg16[%add3A_25, %dma_wait3A] : memref<10240x128xf32, #tpu.memory_space<vmem_shared>> -> memref<128x128xf32, #tpu.memory_space<vmem_shared>>
      %dma_wait3A_48 = arith.constant 0 : i32
      %dma_wait3A_49 = tpu.memref_slice %arg16[%add3A_25, %dma_wait3A_48] : memref<10240x128xf32, #tpu.memory_space<vmem_shared>> -> memref<128x128xf32, #tpu.memory_space<vmem_shared>>
      tpu.wait_dma2 semaphore(%run_scoped3A : memref<!tpu.dma_semaphore, #tpu.memory_space<semaphore_mem>>) src(%arg14 : memref<128x128xf32, #tpu.memory_space<vmem>>) dst(%dma_wait3A_49 : memref<128x128xf32, #tpu.memory_space<vmem_shared>>)
      tpu.yield
    }) : () -> ()
    "tpu.region"() ({
      %run_scoped3A = tpu.sem_alloc : memref<!tpu.dma_semaphore, #tpu.memory_space<semaphore_mem>>
      %dma_start3A = tpu.memref_slice %arg17[%mul3A_15] : memref<10240xf32, #tpu.memory_space<vmem_shared>> -> memref<640xf32, #tpu.memory_space<vmem_shared>>
      %dma_start3A_44 = tpu.memref_slice %arg17[%mul3A_15] : memref<10240xf32, #tpu.memory_space<vmem_shared>> -> memref<640xf32, #tpu.memory_space<vmem_shared>>
      tpu.enqueue_dma source(%arg15 : memref<640xf32, #tpu.memory_space<vmem>>) target(%dma_start3A_44 : memref<640xf32, #tpu.memory_space<vmem_shared>>) target_semaphore(%run_scoped3A : memref<!tpu.dma_semaphore, #tpu.memory_space<semaphore_mem>>)
      %dma_wait3A = tpu.memref_slice %arg17[%mul3A_15] : memref<10240xf32, #tpu.memory_space<vmem_shared>> -> memref<640xf32, #tpu.memory_space<vmem_shared>>
      %dma_wait3A_45 = tpu.memref_slice %arg17[%mul3A_15] : memref<10240xf32, #tpu.memory_space<vmem_shared>> -> memref<640xf32, #tpu.memory_space<vmem_shared>>
      tpu.wait_dma2 semaphore(%run_scoped3A : memref<!tpu.dma_semaphore, #tpu.memory_space<semaphore_mem>>) src(%arg15 : memref<640xf32, #tpu.memory_space<vmem>>) dst(%dma_wait3A_45 : memref<640xf32, #tpu.memory_space<vmem_shared>>)
      tpu.yield
    }) : () -> ()
    %barrier3A = arith.constant 0 : index
    tpu.barrier barrier_id(%barrier3A)
    %scan3A_26 = arith.constant 0 : i32
    %scan3A_27 = arith.constant 0 : i32
    %scan3A_28 = arith.constant 79 : i32
    %scan3A_29 = arith.addi %scan3A_27, %scan3A_28 : i32
    %scan3A_30 = arith.constant 1 : i32
    %scan3A_31 = scf.for %scan3A_44 = %scan3A_27 to %scan3A_29 step %scan3A_30 iter_args(%scan3A_45 = %scan3A_26) -> (i32)  : i32 {
      %dma_start3A = arith.constant 0 : i32
      %dma_start3A_46 = tpu.memref_slice %arg9[%scan3A_44, %dma_start3A] : memref<79x128xi32, #tpu.memory_space<vmem>> -> memref<1x128xi32, #tpu.memory_space<vmem>>
      %dma_start3A_47 = tpu.memref_squeeze %dma_start3A_46 : memref<1x128xi32, #tpu.memory_space<vmem>> -> memref<128xi32, #tpu.memory_space<vmem>>
      %dma_start3A_48 = arith.constant 0 : i32
      %dma_start3A_49 = arith.constant 0 : i32
      %dma_start3A_50 = tpu.memref_slice %arg6[%dma_start3A_48, %dma_start3A_49] : memref<10000x128xf32, #tpu.memory_space<hbm>> -> memref<10000x128xf32, #tpu.memory_space<hbm>>
      tpu.enqueue_indirect_dma source(%dma_start3A_50 : memref<10000x128xf32, #tpu.memory_space<hbm>>) target(%arg14 : memref<128x128xf32, #tpu.memory_space<vmem>>) offsets(%dma_start3A_47 : memref<128xi32, #tpu.memory_space<vmem>>) semaphore(%arg18 : memref<!tpu.dma_semaphore, #tpu.memory_space<semaphore_mem>>)
      %dma_start3A_51 = arith.constant 0 : i32
      %dma_start3A_52 = tpu.memref_slice %arg9[%scan3A_44, %dma_start3A_51] : memref<79x128xi32, #tpu.memory_space<vmem>> -> memref<1x128xi32, #tpu.memory_space<vmem>>
      %dma_start3A_53 = tpu.memref_squeeze %dma_start3A_52 : memref<1x128xi32, #tpu.memory_space<vmem>> -> memref<128xi32, #tpu.memory_space<vmem>>
      %dma_start3A_54 = arith.constant 0 : i32
      %dma_start3A_55 = tpu.memref_slice %arg4[%dma_start3A_54] : memref<10000xf32, #tpu.memory_space<hbm>> -> memref<10000xf32, #tpu.memory_space<hbm>>
      tpu.enqueue_indirect_dma source(%dma_start3A_55 : memref<10000xf32, #tpu.memory_space<hbm>>) target(%arg11 : memref<128xf32, #tpu.memory_space<vmem>>) offsets(%dma_start3A_53 : memref<128xi32, #tpu.memory_space<vmem>>) semaphore(%arg19 : memref<!tpu.dma_semaphore, #tpu.memory_space<semaphore_mem>>)
      %dma_start3A_56 = arith.constant 0 : i32
      %dma_start3A_57 = tpu.memref_slice %arg10[%scan3A_44, %dma_start3A_56] : memref<79x128xi32, #tpu.memory_space<vmem>> -> memref<1x128xi32, #tpu.memory_space<vmem>>
      %dma_start3A_58 = tpu.memref_squeeze %dma_start3A_57 : memref<1x128xi32, #tpu.memory_space<vmem>> -> memref<128xi32, #tpu.memory_space<vmem>>
      %dma_start3A_59 = arith.constant 0 : i32
      %dma_start3A_60 = tpu.memref_slice %arg5[%dma_start3A_59] : memref<10240xf32, #tpu.memory_space<hbm>> -> memref<10240xf32, #tpu.memory_space<hbm>>
      tpu.enqueue_indirect_dma source(%dma_start3A_60 : memref<10240xf32, #tpu.memory_space<hbm>>) target(%arg12 : memref<128xf32, #tpu.memory_space<vmem>>) offsets(%dma_start3A_58 : memref<128xi32, #tpu.memory_space<vmem>>) semaphore(%arg20 : memref<!tpu.dma_semaphore, #tpu.memory_space<semaphore_mem>>)
      %dma_wait3A = arith.constant 0 : i32
      %dma_wait3A_61 = tpu.memref_slice %arg9[%scan3A_44, %dma_wait3A] : memref<79x128xi32, #tpu.memory_space<vmem>> -> memref<1x128xi32, #tpu.memory_space<vmem>>
      %dma_wait3A_62 = tpu.memref_squeeze %dma_wait3A_61 : memref<1x128xi32, #tpu.memory_space<vmem>> -> memref<128xi32, #tpu.memory_space<vmem>>
      %dma_wait3A_63 = arith.constant 0 : i32
      %dma_wait3A_64 = tpu.memref_slice %arg4[%dma_wait3A_63] : memref<10000xf32, #tpu.memory_space<hbm>> -> memref<10000xf32, #tpu.memory_space<hbm>>
      tpu.wait_indirect_dma semaphore(%arg19 : memref<!tpu.dma_semaphore, #tpu.memory_space<semaphore_mem>>) src(%dma_wait3A_64 : memref<10000xf32, #tpu.memory_space<hbm>>) dst(%arg11 : memref<128xf32, #tpu.memory_space<vmem>>)
      %dma_wait3A_65 = arith.constant 0 : i32
      %dma_wait3A_66 = tpu.memref_slice %arg10[%scan3A_44, %dma_wait3A_65] : memref<79x128xi32, #tpu.memory_space<vmem>> -> memref<1x128xi32, #tpu.memory_space<vmem>>
      %dma_wait3A_67 = tpu.memref_squeeze %dma_wait3A_66 : memref<1x128xi32, #tpu.memory_space<vmem>> -> memref<128xi32, #tpu.memory_space<vmem>>
      %dma_wait3A_68 = arith.constant 0 : i32
      %dma_wait3A_69 = tpu.memref_slice %arg5[%dma_wait3A_68] : memref<10240xf32, #tpu.memory_space<hbm>> -> memref<10240xf32, #tpu.memory_space<hbm>>
      tpu.wait_indirect_dma semaphore(%arg20 : memref<!tpu.dma_semaphore, #tpu.memory_space<semaphore_mem>>) src(%dma_wait3A_69 : memref<10240xf32, #tpu.memory_space<hbm>>) dst(%arg12 : memref<128xf32, #tpu.memory_space<vmem>>)
      %get3A = arith.constant 0 : index
      %get3A_70 = tpu.vector_load %arg11[%get3A] {strides = array<i32>} : memref<128xf32, #tpu.memory_space<vmem>>, vector<16xf32>,
      %get3A_71 = arith.constant 0 : index
      %get3A_72 = tpu.vector_load %arg12[%get3A_71] {strides = array<i32>} : memref<128xf32, #tpu.memory_space<vmem>>, vector<16xf32>,
      %add3A_73 = arith.addf %get3A_70, %get3A_72 : vector<16xf32>
      %mul3A_74 = arith.constant 2.000000e-01 : f32
      %mul3A_75 = vector.broadcast %mul3A_74 : f32 to vector<16xf32>
      %mul3A_76 = arith.mulf %mul3A_75, %add3A_73 : vector<16xf32>
      %max3A = arith.maximumf %add3A_73, %mul3A_76 : vector<16xf32>
      %exp3A = math.exp %max3A : vector<16xf32>
      %swap3A = arith.constant 0 : index
      %swap3A_77 = tpu.vector_load %arg13[%swap3A] {strides = array<i32>} : memref<128xf32, #tpu.memory_space<vmem>>, vector<16xf32>,
      tpu.vector_store %arg13[%swap3A], %exp3A {strides = array<i32>} : memref<128xf32, #tpu.memory_space<vmem>>, vector<16xf32>,
      %get3A_78 = arith.constant 16 : index
      %get3A_79 = tpu.vector_load %arg11[%get3A_78] {strides = array<i32>} : memref<128xf32, #tpu.memory_space<vmem>>, vector<16xf32>,
      %get3A_80 = arith.constant 16 : index
      %get3A_81 = tpu.vector_load %arg12[%get3A_80] {strides = array<i32>} : memref<128xf32, #tpu.memory_space<vmem>>, vector<16xf32>,
      %add3A_82 = arith.addf %get3A_79, %get3A_81 : vector<16xf32>
      %mul3A_83 = arith.constant 2.000000e-01 : f32
      %mul3A_84 = vector.broadcast %mul3A_83 : f32 to vector<16xf32>
      %mul3A_85 = arith.mulf %mul3A_84, %add3A_82 : vector<16xf32>
      %max3A_86 = arith.maximumf %add3A_82, %mul3A_85 : vector<16xf32>
      %exp3A_87 = math.exp %max3A_86 : vector<16xf32>
      %swap3A_88 = arith.constant 16 : index
      %swap3A_89 = tpu.vector_load %arg13[%swap3A_88] {strides = array<i32>} : memref<128xf32, #tpu.memory_space<vmem>>, vector<16xf32>,
      tpu.vector_store %arg13[%swap3A_88], %exp3A_87 {strides = array<i32>} : memref<128xf32, #tpu.memory_space<vmem>>, vector<16xf32>,
      %get3A_90 = arith.constant 32 : index
      %get3A_91 = tpu.vector_load %arg11[%get3A_90] {strides = array<i32>} : memref<128xf32, #tpu.memory_space<vmem>>, vector<16xf32>,
      %get3A_92 = arith.constant 32 : index
      %get3A_93 = tpu.vector_load %arg12[%get3A_92] {strides = array<i32>} : memref<128xf32, #tpu.memory_space<vmem>>, vector<16xf32>,
      %add3A_94 = arith.addf %get3A_91, %get3A_93 : vector<16xf32>
      %mul3A_95 = arith.constant 2.000000e-01 : f32
      %mul3A_96 = vector.broadcast %mul3A_95 : f32 to vector<16xf32>
      %mul3A_97 = arith.mulf %mul3A_96, %add3A_94 : vector<16xf32>
      %max3A_98 = arith.maximumf %add3A_94, %mul3A_97 : vector<16xf32>
      %exp3A_99 = math.exp %max3A_98 : vector<16xf32>
      %swap3A_100 = arith.constant 32 : index
      %swap3A_101 = tpu.vector_load %arg13[%swap3A_100] {strides = array<i32>} : memref<128xf32, #tpu.memory_space<vmem>>, vector<16xf32>,
      tpu.vector_store %arg13[%swap3A_100], %exp3A_99 {strides = array<i32>} : memref<128xf32, #tpu.memory_space<vmem>>, vector<16xf32>,
      %get3A_102 = arith.constant 48 : index
      %get3A_103 = tpu.vector_load %arg11[%get3A_102] {strides = array<i32>} : memref<128xf32, #tpu.memory_space<vmem>>, vector<16xf32>,
      %get3A_104 = arith.constant 48 : index
      %get3A_105 = tpu.vector_load %arg12[%get3A_104] {strides = array<i32>} : memref<128xf32, #tpu.memory_space<vmem>>, vector<16xf32>,
      %add3A_106 = arith.addf %get3A_103, %get3A_105 : vector<16xf32>
      %mul3A_107 = arith.constant 2.000000e-01 : f32
      %mul3A_108 = vector.broadcast %mul3A_107 : f32 to vector<16xf32>
      %mul3A_109 = arith.mulf %mul3A_108, %add3A_106 : vector<16xf32>
      %max3A_110 = arith.maximumf %add3A_106, %mul3A_109 : vector<16xf32>
      %exp3A_111 = math.exp %max3A_110 : vector<16xf32>
      %swap3A_112 = arith.constant 48 : index
      %swap3A_113 = tpu.vector_load %arg13[%swap3A_112] {strides = array<i32>} : memref<128xf32, #tpu.memory_space<vmem>>, vector<16xf32>,
      tpu.vector_store %arg13[%swap3A_112], %exp3A_111 {strides = array<i32>} : memref<128xf32, #tpu.memory_space<vmem>>, vector<16xf32>,
      %get3A_114 = arith.constant 64 : index
      %get3A_115 = tpu.vector_load %arg11[%get3A_114] {strides = array<i32>} : memref<128xf32, #tpu.memory_space<vmem>>, vector<16xf32>,
      %get3A_116 = arith.constant 64 : index
      %get3A_117 = tpu.vector_load %arg12[%get3A_116] {strides = array<i32>} : memref<128xf32, #tpu.memory_space<vmem>>, vector<16xf32>,
      %add3A_118 = arith.addf %get3A_115, %get3A_117 : vector<16xf32>
      %mul3A_119 = arith.constant 2.000000e-01 : f32
      %mul3A_120 = vector.broadcast %mul3A_119 : f32 to vector<16xf32>
      %mul3A_121 = arith.mulf %mul3A_120, %add3A_118 : vector<16xf32>
      %max3A_122 = arith.maximumf %add3A_118, %mul3A_121 : vector<16xf32>
      %exp3A_123 = math.exp %max3A_122 : vector<16xf32>
      %swap3A_124 = arith.constant 64 : index
      %swap3A_125 = tpu.vector_load %arg13[%swap3A_124] {strides = array<i32>} : memref<128xf32, #tpu.memory_space<vmem>>, vector<16xf32>,
      tpu.vector_store %arg13[%swap3A_124], %exp3A_123 {strides = array<i32>} : memref<128xf32, #tpu.memory_space<vmem>>, vector<16xf32>,
      %get3A_126 = arith.constant 80 : index
      %get3A_127 = tpu.vector_load %arg11[%get3A_126] {strides = array<i32>} : memref<128xf32, #tpu.memory_space<vmem>>, vector<16xf32>,
      %get3A_128 = arith.constant 80 : index
      %get3A_129 = tpu.vector_load %arg12[%get3A_128] {strides = array<i32>} : memref<128xf32, #tpu.memory_space<vmem>>, vector<16xf32>,
      %add3A_130 = arith.addf %get3A_127, %get3A_129 : vector<16xf32>
      %mul3A_131 = arith.constant 2.000000e-01 : f32
      %mul3A_132 = vector.broadcast %mul3A_131 : f32 to vector<16xf32>
      %mul3A_133 = arith.mulf %mul3A_132, %add3A_130 : vector<16xf32>
      %max3A_134 = arith.maximumf %add3A_130, %mul3A_133 : vector<16xf32>
      %exp3A_135 = math.exp %max3A_134 : vector<16xf32>
      %swap3A_136 = arith.constant 80 : index
      %swap3A_137 = tpu.vector_load %arg13[%swap3A_136] {strides = array<i32>} : memref<128xf32, #tpu.memory_space<vmem>>, vector<16xf32>,
      tpu.vector_store %arg13[%swap3A_136], %exp3A_135 {strides = array<i32>} : memref<128xf32, #tpu.memory_space<vmem>>, vector<16xf32>,
      %get3A_138 = arith.constant 96 : index
      %get3A_139 = tpu.vector_load %arg11[%get3A_138] {strides = array<i32>} : memref<128xf32, #tpu.memory_space<vmem>>, vector<16xf32>,
      %get3A_140 = arith.constant 96 : index
      %get3A_141 = tpu.vector_load %arg12[%get3A_140] {strides = array<i32>} : memref<128xf32, #tpu.memory_space<vmem>>, vector<16xf32>,
      %add3A_142 = arith.addf %get3A_139, %get3A_141 : vector<16xf32>
      %mul3A_143 = arith.constant 2.000000e-01 : f32
      %mul3A_144 = vector.broadcast %mul3A_143 : f32 to vector<16xf32>
      %mul3A_145 = arith.mulf %mul3A_144, %add3A_142 : vector<16xf32>
      %max3A_146 = arith.maximumf %add3A_142, %mul3A_145 : vector<16xf32>
      %exp3A_147 = math.exp %max3A_146 : vector<16xf32>
      %swap3A_148 = arith.constant 96 : index
      %swap3A_149 = tpu.vector_load %arg13[%swap3A_148] {strides = array<i32>} : memref<128xf32, #tpu.memory_space<vmem>>, vector<16xf32>,
      tpu.vector_store %arg13[%swap3A_148], %exp3A_147 {strides = array<i32>} : memref<128xf32, #tpu.memory_space<vmem>>, vector<16xf32>,
      %get3A_150 = arith.constant 112 : index
      %get3A_151 = tpu.vector_load %arg11[%get3A_150] {strides = array<i32>} : memref<128xf32, #tpu.memory_space<vmem>>, vector<16xf32>,
      %get3A_152 = arith.constant 112 : index
      %get3A_153 = tpu.vector_load %arg12[%get3A_152] {strides = array<i32>} : memref<128xf32, #tpu.memory_space<vmem>>, vector<16xf32>,
      %add3A_154 = arith.addf %get3A_151, %get3A_153 : vector<16xf32>
      %mul3A_155 = arith.constant 2.000000e-01 : f32
      %mul3A_156 = vector.broadcast %mul3A_155 : f32 to vector<16xf32>
      %mul3A_157 = arith.mulf %mul3A_156, %add3A_154 : vector<16xf32>
      %max3A_158 = arith.maximumf %add3A_154, %mul3A_157 : vector<16xf32>
      %exp3A_159 = math.exp %max3A_158 : vector<16xf32>
      %swap3A_160 = arith.constant 112 : index
      %swap3A_161 = tpu.vector_load %arg13[%swap3A_160] {strides = array<i32>} : memref<128xf32, #tpu.memory_space<vmem>>, vector<16xf32>,
      tpu.vector_store %arg13[%swap3A_160], %exp3A_159 {strides = array<i32>} : memref<128xf32, #tpu.memory_space<vmem>>, vector<16xf32>,
      %dma_wait3A_162 = arith.constant 0 : i32
      %dma_wait3A_163 = tpu.memref_slice %arg9[%scan3A_44, %dma_wait3A_162] : memref<79x128xi32, #tpu.memory_space<vmem>> -> memref<1x128xi32, #tpu.memory_space<vmem>>
      %dma_wait3A_164 = tpu.memref_squeeze %dma_wait3A_163 : memref<1x128xi32, #tpu.memory_space<vmem>> -> memref<128xi32, #tpu.memory_space<vmem>>
      %dma_wait3A_165 = arith.constant 0 : i32
      %dma_wait3A_166 = arith.constant 0 : i32
      %dma_wait3A_167 = tpu.memref_slice %arg6[%dma_wait3A_165, %dma_wait3A_166] : memref<10000x128xf32, #tpu.memory_space<hbm>> -> memref<10000x128xf32, #tpu.memory_space<hbm>>
      tpu.wait_indirect_dma semaphore(%arg18 : memref<!tpu.dma_semaphore, #tpu.memory_space<semaphore_mem>>) src(%dma_wait3A_167 : memref<10000x128xf32, #tpu.memory_space<hbm>>) dst(%arg14 : memref<128x128xf32, #tpu.memory_space<vmem>>)
      %scan3A_168 = arith.constant 0 : i32
      %scan3A_169 = arith.constant 0 : i32
      %scan3A_170 = arith.constant 64 : i32
      %scan3A_171 = arith.addi %scan3A_169, %scan3A_170 : i32
      %scan3A_172 = arith.constant 1 : i32
      %scan3A_173 = scf.for %scan3A_188 = %scan3A_169 to %scan3A_171 step %scan3A_172 iter_args(%scan3A_189 = %scan3A_168) -> (i32)  : i32 {
        %mul3A_190 = arith.constant 2 : i32
        %mul3A_191 = arith.muli %mul3A_190, %scan3A_188 : i32
        %broadcast_in_dim3A = vector.broadcast %mul3A_191 : i32 to vector<16xi32>
        %gather3A = tpu.vector_load_idx %arg13[%broadcast_in_dim3A] : memref<128xf32, #tpu.memory_space<vmem>>[vector<16xi32>], vector<16xf32>,
        %add3A_192 = arith.constant 1 : i32
        %add3A_193 = arith.addi %mul3A_191, %add3A_192 : i32
        %broadcast_in_dim3A_194 = vector.broadcast %add3A_193 : i32 to vector<16xi32>
        %gather3A_195 = tpu.vector_load_idx %arg13[%broadcast_in_dim3A_194] : memref<128xf32, #tpu.memory_space<vmem>>[vector<16xi32>], vector<16xf32>,
        %get3A_196 = arith.index_cast %mul3A_191 : i32 to index
        %get3A_197 = arith.constant 0 : index
        %get3A_198 = tpu.vector_load %arg14[%get3A_196, %get3A_197] {strides = array<i32>} : memref<128x128xf32, #tpu.memory_space<vmem>>, vector<16xf32>,
        %mul3A_199 = arith.mulf %get3A_198, %gather3A : vector<16xf32>
        %swap3A_200 = arith.index_cast %mul3A_191 : i32 to index
        %swap3A_201 = arith.constant 0 : index
        %swap3A_202 = tpu.vector_load %arg14[%swap3A_200, %swap3A_201] {strides = array<i32>} : memref<128x128xf32, #tpu.memory_space<vmem>>, vector<16xf32>,
        tpu.vector_store %arg14[%swap3A_200, %swap3A_201], %mul3A_199 {strides = array<i32>} : memref<128x128xf32, #tpu.memory_space<vmem>>, vector<16xf32>,
        %get3A_203 = arith.index_cast %mul3A_191 : i32 to index
        %get3A_204 = arith.constant 16 : index
        %get3A_205 = tpu.vector_load %arg14[%get3A_203, %get3A_204] {strides = array<i32>} : memref<128x128xf32, #tpu.memory_space<vmem>>, vector<16xf32>,
        %mul3A_206 = arith.mulf %get3A_205, %gather3A : vector<16xf32>
        %swap3A_207 = arith.index_cast %mul3A_191 : i32 to index
        %swap3A_208 = arith.constant 16 : index
        %swap3A_209 = tpu.vector_load %arg14[%swap3A_207, %swap3A_208] {strides = array<i32>} : memref<128x128xf32, #tpu.memory_space<vmem>>, vector<16xf32>,
        tpu.vector_store %arg14[%swap3A_207, %swap3A_208], %mul3A_206 {strides = array<i32>} : memref<128x128xf32, #tpu.memory_space<vmem>>, vector<16xf32>,
        %get3A_210 = arith.index_cast %mul3A_191 : i32 to index
        %get3A_211 = arith.constant 32 : index
        %get3A_212 = tpu.vector_load %arg14[%get3A_210, %get3A_211] {strides = array<i32>} : memref<128x128xf32, #tpu.memory_space<vmem>>, vector<16xf32>,
        %mul3A_213 = arith.mulf %get3A_212, %gather3A : vector<16xf32>
        %swap3A_214 = arith.index_cast %mul3A_191 : i32 to index
        %swap3A_215 = arith.constant 32 : index
        %swap3A_216 = tpu.vector_load %arg14[%swap3A_214, %swap3A_215] {strides = array<i32>} : memref<128x128xf32, #tpu.memory_space<vmem>>, vector<16xf32>,
        tpu.vector_store %arg14[%swap3A_214, %swap3A_215], %mul3A_213 {strides = array<i32>} : memref<128x128xf32, #tpu.memory_space<vmem>>, vector<16xf32>,
        %get3A_217 = arith.index_cast %mul3A_191 : i32 to index
        %get3A_218 = arith.constant 48 : index
        %get3A_219 = tpu.vector_load %arg14[%get3A_217, %get3A_218] {strides = array<i32>} : memref<128x128xf32, #tpu.memory_space<vmem>>, vector<16xf32>,
        %mul3A_220 = arith.mulf %get3A_219, %gather3A : vector<16xf32>
        %swap3A_221 = arith.index_cast %mul3A_191 : i32 to index
        %swap3A_222 = arith.constant 48 : index
        %swap3A_223 = tpu.vector_load %arg14[%swap3A_221, %swap3A_222] {strides = array<i32>} : memref<128x128xf32, #tpu.memory_space<vmem>>, vector<16xf32>,
        tpu.vector_store %arg14[%swap3A_221, %swap3A_222], %mul3A_220 {strides = array<i32>} : memref<128x128xf32, #tpu.memory_space<vmem>>, vector<16xf32>,
        %get3A_224 = arith.index_cast %mul3A_191 : i32 to index
        %get3A_225 = arith.constant 64 : index
        %get3A_226 = tpu.vector_load %arg14[%get3A_224, %get3A_225] {strides = array<i32>} : memref<128x128xf32, #tpu.memory_space<vmem>>, vector<16xf32>,
        %mul3A_227 = arith.mulf %get3A_226, %gather3A : vector<16xf32>
        %swap3A_228 = arith.index_cast %mul3A_191 : i32 to index
        %swap3A_229 = arith.constant 64 : index
        %swap3A_230 = tpu.vector_load %arg14[%swap3A_228, %swap3A_229] {strides = array<i32>} : memref<128x128xf32, #tpu.memory_space<vmem>>, vector<16xf32>,
        tpu.vector_store %arg14[%swap3A_228, %swap3A_229], %mul3A_227 {strides = array<i32>} : memref<128x128xf32, #tpu.memory_space<vmem>>, vector<16xf32>,
        %get3A_231 = arith.index_cast %mul3A_191 : i32 to index
        %get3A_232 = arith.constant 80 : index
        %get3A_233 = tpu.vector_load %arg14[%get3A_231, %get3A_232] {strides = array<i32>} : memref<128x128xf32, #tpu.memory_space<vmem>>, vector<16xf32>,
        %mul3A_234 = arith.mulf %get3A_233, %gather3A : vector<16xf32>
        %swap3A_235 = arith.index_cast %mul3A_191 : i32 to index
        %swap3A_236 = arith.constant 80 : index
        %swap3A_237 = tpu.vector_load %arg14[%swap3A_235, %swap3A_236] {strides = array<i32>} : memref<128x128xf32, #tpu.memory_space<vmem>>, vector<16xf32>,
        tpu.vector_store %arg14[%swap3A_235, %swap3A_236], %mul3A_234 {strides = array<i32>} : memref<128x128xf32, #tpu.memory_space<vmem>>, vector<16xf32>,
        %get3A_238 = arith.index_cast %mul3A_191 : i32 to index
        %get3A_239 = arith.constant 96 : index
        %get3A_240 = tpu.vector_load %arg14[%get3A_238, %get3A_239] {strides = array<i32>} : memref<128x128xf32, #tpu.memory_space<vmem>>, vector<16xf32>,
        %mul3A_241 = arith.mulf %get3A_240, %gather3A : vector<16xf32>
        %swap3A_242 = arith.index_cast %mul3A_191 : i32 to index
        %swap3A_243 = arith.constant 96 : index
        %swap3A_244 = tpu.vector_load %arg14[%swap3A_242, %swap3A_243] {strides = array<i32>} : memref<128x128xf32, #tpu.memory_space<vmem>>, vector<16xf32>,
        tpu.vector_store %arg14[%swap3A_242, %swap3A_243], %mul3A_241 {strides = array<i32>} : memref<128x128xf32, #tpu.memory_space<vmem>>, vector<16xf32>,
        %get3A_245 = arith.index_cast %mul3A_191 : i32 to index
        %get3A_246 = arith.constant 112 : index
        %get3A_247 = tpu.vector_load %arg14[%get3A_245, %get3A_246] {strides = array<i32>} : memref<128x128xf32, #tpu.memory_space<vmem>>, vector<16xf32>,
        %mul3A_248 = arith.mulf %get3A_247, %gather3A : vector<16xf32>
        %swap3A_249 = arith.index_cast %mul3A_191 : i32 to index
        %swap3A_250 = arith.constant 112 : index
        %swap3A_251 = tpu.vector_load %arg14[%swap3A_249, %swap3A_250] {strides = array<i32>} : memref<128x128xf32, #tpu.memory_space<vmem>>, vector<16xf32>,
        tpu.vector_store %arg14[%swap3A_249, %swap3A_250], %mul3A_248 {strides = array<i32>} : memref<128x128xf32, #tpu.memory_space<vmem>>, vector<16xf32>,
        %add3A_252 = arith.constant 1 : i32
        %add3A_253 = arith.addi %mul3A_191, %add3A_252 : i32
        %get3A_254 = arith.index_cast %add3A_253 : i32 to index
        %get3A_255 = arith.constant 0 : index
        %get3A_256 = tpu.vector_load %arg14[%get3A_254, %get3A_255] {strides = array<i32>} : memref<128x128xf32, #tpu.memory_space<vmem>>, vector<16xf32>,
        %mul3A_257 = arith.mulf %get3A_256, %gather3A_195 : vector<16xf32>
        %add3A_258 = arith.constant 1 : i32
        %add3A_259 = arith.addi %mul3A_191, %add3A_258 : i32
        %swap3A_260 = arith.index_cast %add3A_259 : i32 to index
        %swap3A_261 = arith.constant 0 : index
        %swap3A_262 = tpu.vector_load %arg14[%swap3A_260, %swap3A_261] {strides = array<i32>} : memref<128x128xf32, #tpu.memory_space<vmem>>, vector<16xf32>,
        tpu.vector_store %arg14[%swap3A_260, %swap3A_261], %mul3A_257 {strides = array<i32>} : memref<128x128xf32, #tpu.memory_space<vmem>>, vector<16xf32>,
        %add3A_263 = arith.constant 1 : i32
        %add3A_264 = arith.addi %mul3A_191, %add3A_263 : i32
        %get3A_265 = arith.index_cast %add3A_264 : i32 to index
        %get3A_266 = arith.constant 16 : index
        %get3A_267 = tpu.vector_load %arg14[%get3A_265, %get3A_266] {strides = array<i32>} : memref<128x128xf32, #tpu.memory_space<vmem>>, vector<16xf32>,
        %mul3A_268 = arith.mulf %get3A_267, %gather3A_195 : vector<16xf32>
        %add3A_269 = arith.constant 1 : i32
        %add3A_270 = arith.addi %mul3A_191, %add3A_269 : i32
        %swap3A_271 = arith.index_cast %add3A_270 : i32 to index
        %swap3A_272 = arith.constant 16 : index
        %swap3A_273 = tpu.vector_load %arg14[%swap3A_271, %swap3A_272] {strides = array<i32>} : memref<128x128xf32, #tpu.memory_space<vmem>>, vector<16xf32>,
        tpu.vector_store %arg14[%swap3A_271, %swap3A_272], %mul3A_268 {strides = array<i32>} : memref<128x128xf32, #tpu.memory_space<vmem>>, vector<16xf32>,
        %add3A_274 = arith.constant 1 : i32
        %add3A_275 = arith.addi %mul3A_191, %add3A_274 : i32
        %get3A_276 = arith.index_cast %add3A_275 : i32 to index
        %get3A_277 = arith.constant 32 : index
        %get3A_278 = tpu.vector_load %arg14[%get3A_276, %get3A_277] {strides = array<i32>} : memref<128x128xf32, #tpu.memory_space<vmem>>, vector<16xf32>,
        %mul3A_279 = arith.mulf %get3A_278, %gather3A_195 : vector<16xf32>
        %add3A_280 = arith.constant 1 : i32
        %add3A_281 = arith.addi %mul3A_191, %add3A_280 : i32
        %swap3A_282 = arith.index_cast %add3A_281 : i32 to index
        %swap3A_283 = arith.constant 32 : index
        %swap3A_284 = tpu.vector_load %arg14[%swap3A_282, %swap3A_283] {strides = array<i32>} : memref<128x128xf32, #tpu.memory_space<vmem>>, vector<16xf32>,
        tpu.vector_store %arg14[%swap3A_282, %swap3A_283], %mul3A_279 {strides = array<i32>} : memref<128x128xf32, #tpu.memory_space<vmem>>, vector<16xf32>,
        %add3A_285 = arith.constant 1 : i32
        %add3A_286 = arith.addi %mul3A_191, %add3A_285 : i32
        %get3A_287 = arith.index_cast %add3A_286 : i32 to index
        %get3A_288 = arith.constant 48 : index
        %get3A_289 = tpu.vector_load %arg14[%get3A_287, %get3A_288] {strides = array<i32>} : memref<128x128xf32, #tpu.memory_space<vmem>>, vector<16xf32>,
        %mul3A_290 = arith.mulf %get3A_289, %gather3A_195 : vector<16xf32>
        %add3A_291 = arith.constant 1 : i32
        %add3A_292 = arith.addi %mul3A_191, %add3A_291 : i32
        %swap3A_293 = arith.index_cast %add3A_292 : i32 to index
        %swap3A_294 = arith.constant 48 : index
        %swap3A_295 = tpu.vector_load %arg14[%swap3A_293, %swap3A_294] {strides = array<i32>} : memref<128x128xf32, #tpu.memory_space<vmem>>, vector<16xf32>,
        tpu.vector_store %arg14[%swap3A_293, %swap3A_294], %mul3A_290 {strides = array<i32>} : memref<128x128xf32, #tpu.memory_space<vmem>>, vector<16xf32>,
        %add3A_296 = arith.constant 1 : i32
        %add3A_297 = arith.addi %mul3A_191, %add3A_296 : i32
        %get3A_298 = arith.index_cast %add3A_297 : i32 to index
        %get3A_299 = arith.constant 64 : index
        %get3A_300 = tpu.vector_load %arg14[%get3A_298, %get3A_299] {strides = array<i32>} : memref<128x128xf32, #tpu.memory_space<vmem>>, vector<16xf32>,
        %mul3A_301 = arith.mulf %get3A_300, %gather3A_195 : vector<16xf32>
        %add3A_302 = arith.constant 1 : i32
        %add3A_303 = arith.addi %mul3A_191, %add3A_302 : i32
        %swap3A_304 = arith.index_cast %add3A_303 : i32 to index
        %swap3A_305 = arith.constant 64 : index
        %swap3A_306 = tpu.vector_load %arg14[%swap3A_304, %swap3A_305] {strides = array<i32>} : memref<128x128xf32, #tpu.memory_space<vmem>>, vector<16xf32>,
        tpu.vector_store %arg14[%swap3A_304, %swap3A_305], %mul3A_301 {strides = array<i32>} : memref<128x128xf32, #tpu.memory_space<vmem>>, vector<16xf32>,
        %add3A_307 = arith.constant 1 : i32
        %add3A_308 = arith.addi %mul3A_191, %add3A_307 : i32
        %get3A_309 = arith.index_cast %add3A_308 : i32 to index
        %get3A_310 = arith.constant 80 : index
        %get3A_311 = tpu.vector_load %arg14[%get3A_309, %get3A_310] {strides = array<i32>} : memref<128x128xf32, #tpu.memory_space<vmem>>, vector<16xf32>,
        %mul3A_312 = arith.mulf %get3A_311, %gather3A_195 : vector<16xf32>
        %add3A_313 = arith.constant 1 : i32
        %add3A_314 = arith.addi %mul3A_191, %add3A_313 : i32
        %swap3A_315 = arith.index_cast %add3A_314 : i32 to index
        %swap3A_316 = arith.constant 80 : index
        %swap3A_317 = tpu.vector_load %arg14[%swap3A_315, %swap3A_316] {strides = array<i32>} : memref<128x128xf32, #tpu.memory_space<vmem>>, vector<16xf32>,
        tpu.vector_store %arg14[%swap3A_315, %swap3A_316], %mul3A_312 {strides = array<i32>} : memref<128x128xf32, #tpu.memory_space<vmem>>, vector<16xf32>,
        %add3A_318 = arith.constant 1 : i32
        %add3A_319 = arith.addi %mul3A_191, %add3A_318 : i32
        %get3A_320 = arith.index_cast %add3A_319 : i32 to index
        %get3A_321 = arith.constant 96 : index
        %get3A_322 = tpu.vector_load %arg14[%get3A_320, %get3A_321] {strides = array<i32>} : memref<128x128xf32, #tpu.memory_space<vmem>>, vector<16xf32>,
        %mul3A_323 = arith.mulf %get3A_322, %gather3A_195 : vector<16xf32>
        %add3A_324 = arith.constant 1 : i32
        %add3A_325 = arith.addi %mul3A_191, %add3A_324 : i32
        %swap3A_326 = arith.index_cast %add3A_325 : i32 to index
        %swap3A_327 = arith.constant 96 : index
        %swap3A_328 = tpu.vector_load %arg14[%swap3A_326, %swap3A_327] {strides = array<i32>} : memref<128x128xf32, #tpu.memory_space<vmem>>, vector<16xf32>,
        tpu.vector_store %arg14[%swap3A_326, %swap3A_327], %mul3A_323 {strides = array<i32>} : memref<128x128xf32, #tpu.memory_space<vmem>>, vector<16xf32>,
        %add3A_329 = arith.constant 1 : i32
        %add3A_330 = arith.addi %mul3A_191, %add3A_329 : i32
        %get3A_331 = arith.index_cast %add3A_330 : i32 to index
        %get3A_332 = arith.constant 112 : index
        %get3A_333 = tpu.vector_load %arg14[%get3A_331, %get3A_332] {strides = array<i32>} : memref<128x128xf32, #tpu.memory_space<vmem>>, vector<16xf32>,
        %mul3A_334 = arith.mulf %get3A_333, %gather3A_195 : vector<16xf32>
        %add3A_335 = arith.constant 1 : i32
        %add3A_336 = arith.addi %mul3A_191, %add3A_335 : i32
        %swap3A_337 = arith.index_cast %add3A_336 : i32 to index
        %swap3A_338 = arith.constant 112 : index
        %swap3A_339 = tpu.vector_load %arg14[%swap3A_337, %swap3A_338] {strides = array<i32>} : memref<128x128xf32, #tpu.memory_space<vmem>>, vector<16xf32>,
        tpu.vector_store %arg14[%swap3A_337, %swap3A_338], %mul3A_334 {strides = array<i32>} : memref<128x128xf32, #tpu.memory_space<vmem>>, vector<16xf32>,
        %scan3A_340 = arith.constant 0 : i32
        scf.yield %scan3A_340 : i32
      }
      %scan3A_174 = arith.constant 64 : i32
      %dma_start3A_175 = arith.constant 0 : i32
      %dma_start3A_176 = tpu.memref_slice %arg10[%scan3A_44, %dma_start3A_175] : memref<79x128xi32, #tpu.memory_space<vmem>> -> memref<1x128xi32, #tpu.memory_space<vmem>>
      %dma_start3A_177 = tpu.memref_squeeze %dma_start3A_176 : memref<1x128xi32, #tpu.memory_space<vmem>> -> memref<128xi32, #tpu.memory_space<vmem>>
      %dma_start3A_178 = arith.constant 0 : i32
      %dma_start3A_179 = arith.constant 0 : i32
      %dma_start3A_180 = tpu.memref_slice %arg16[%dma_start3A_178, %dma_start3A_179] : memref<10240x128xf32, #tpu.memory_space<vmem_shared>> -> memref<10240x128xf32, #tpu.memory_space<vmem_shared>>
      tpu.enqueue_indirect_dma source(%arg14 : memref<128x128xf32, #tpu.memory_space<vmem>>) target(%dma_start3A_180 : memref<10240x128xf32, #tpu.memory_space<vmem_shared>>) offsets(%dma_start3A_177 : memref<128xi32, #tpu.memory_space<vmem>>) semaphore(%arg18 : memref<!tpu.dma_semaphore, #tpu.memory_space<semaphore_mem>>) {add = true}
      "tpu.region"() ({
        %run_scoped3A = tpu.sem_alloc : memref<!tpu.dma_semaphore, #tpu.memory_space<semaphore_mem>>
        %dma_start3A_188 = arith.constant 0 : i32
        %dma_start3A_189 = tpu.memref_slice %arg10[%scan3A_44, %dma_start3A_188] : memref<79x128xi32, #tpu.memory_space<vmem>> -> memref<1x128xi32, #tpu.memory_space<vmem>>
        %dma_start3A_190 = tpu.memref_squeeze %dma_start3A_189 : memref<1x128xi32, #tpu.memory_space<vmem>> -> memref<128xi32, #tpu.memory_space<vmem>>
        %dma_start3A_191 = arith.constant 0 : i32
        %dma_start3A_192 = tpu.memref_slice %arg17[%dma_start3A_191] : memref<10240xf32, #tpu.memory_space<vmem_shared>> -> memref<10240xf32, #tpu.memory_space<vmem_shared>>
        tpu.enqueue_indirect_dma source(%arg13 : memref<128xf32, #tpu.memory_space<vmem>>) target(%dma_start3A_192 : memref<10240xf32, #tpu.memory_space<vmem_shared>>) offsets(%dma_start3A_190 : memref<128xi32, #tpu.memory_space<vmem>>) semaphore(%run_scoped3A : memref<!tpu.dma_semaphore, #tpu.memory_space<semaphore_mem>>) {add = true}
        %dma_wait3A_193 = arith.constant 0 : i32
        %dma_wait3A_194 = tpu.memref_slice %arg10[%scan3A_44, %dma_wait3A_193] : memref<79x128xi32, #tpu.memory_space<vmem>> -> memref<1x128xi32, #tpu.memory_space<vmem>>
        %dma_wait3A_195 = tpu.memref_squeeze %dma_wait3A_194 : memref<1x128xi32, #tpu.memory_space<vmem>> -> memref<128xi32, #tpu.memory_space<vmem>>
        %dma_wait3A_196 = arith.constant 0 : i32
        %dma_wait3A_197 = tpu.memref_slice %arg17[%dma_wait3A_196] : memref<10240xf32, #tpu.memory_space<vmem_shared>> -> memref<10240xf32, #tpu.memory_space<vmem_shared>>
        tpu.wait_indirect_dma semaphore(%run_scoped3A : memref<!tpu.dma_semaphore, #tpu.memory_space<semaphore_mem>>) src(%arg13 : memref<128xf32, #tpu.memory_space<vmem>>) dst(%dma_wait3A_197 : memref<10240xf32, #tpu.memory_space<vmem_shared>>)
        tpu.yield
      }) : () -> ()
      %dma_wait3A_181 = arith.constant 0 : i32
      %dma_wait3A_182 = tpu.memref_slice %arg10[%scan3A_44, %dma_wait3A_181] : memref<79x128xi32, #tpu.memory_space<vmem>> -> memref<1x128xi32, #tpu.memory_space<vmem>>
      %dma_wait3A_183 = tpu.memref_squeeze %dma_wait3A_182 : memref<1x128xi32, #tpu.memory_space<vmem>> -> memref<128xi32, #tpu.memory_space<vmem>>
      %dma_wait3A_184 = arith.constant 0 : i32
      %dma_wait3A_185 = arith.constant 0 : i32
      %dma_wait3A_186 = tpu.memref_slice %arg16[%dma_wait3A_184, %dma_wait3A_185] : memref<10240x128xf32, #tpu.memory_space<vmem_shared>> -> memref<10240x128xf32, #tpu.memory_space<vmem_shared>>
      tpu.wait_indirect_dma semaphore(%arg18 : memref<!tpu.dma_semaphore, #tpu.memory_space<semaphore_mem>>) src(%arg14 : memref<128x128xf32, #tpu.memory_space<vmem>>) dst(%dma_wait3A_186 : memref<10240x128xf32, #tpu.memory_space<vmem_shared>>)
      %scan3A_187 = arith.constant 0 : i32
      scf.yield %scan3A_187 : i32
    }
    %scan3A_32 = arith.constant 79 : i32
    %barrier3A_33 = arith.constant 0 : index
    tpu.barrier barrier_id(%barrier3A_33)
    %add3A_34 = arith.constant 0 : i32
    %add3A_35 = arith.addi %mul3A_15, %add3A_34 : i32
    "tpu.region"() ({
      %run_scoped3A = tpu.sem_alloc : memref<!tpu.dma_semaphore, #tpu.memory_space<semaphore_mem>>
      %dma_start3A = arith.constant 0 : i32
      %dma_start3A_44 = tpu.memref_slice %arg16[%add3A_35, %dma_start3A] : memref<10240x128xf32, #tpu.memory_space<vmem_shared>> -> memref<128x128xf32, #tpu.memory_space<vmem_shared>>
      %dma_start3A_45 = arith.constant 0 : i32
      %dma_start3A_46 = tpu.memref_slice %arg16[%add3A_35, %dma_start3A_45] : memref<10240x128xf32, #tpu.memory_space<vmem_shared>> -> memref<128x128xf32, #tpu.memory_space<vmem_shared>>
      tpu.enqueue_dma source(%dma_start3A_46 : memref<128x128xf32, #tpu.memory_space<vmem_shared>>) target(%arg14 : memref<128x128xf32, #tpu.memory_space<vmem>>) target_semaphore(%run_scoped3A : memref<!tpu.dma_semaphore, #tpu.memory_space<semaphore_mem>>)
      %dma_wait3A = arith.constant 0 : i32
      %dma_wait3A_47 = tpu.memref_slice %arg16[%add3A_35, %dma_wait3A] : memref<10240x128xf32, #tpu.memory_space<vmem_shared>> -> memref<128x128xf32, #tpu.memory_space<vmem_shared>>
      %dma_wait3A_48 = arith.constant 0 : i32
      %dma_wait3A_49 = tpu.memref_slice %arg16[%add3A_35, %dma_wait3A_48] : memref<10240x128xf32, #tpu.memory_space<vmem_shared>> -> memref<128x128xf32, #tpu.memory_space<vmem_shared>>
      tpu.wait_dma2 semaphore(%run_scoped3A : memref<!tpu.dma_semaphore, #tpu.memory_space<semaphore_mem>>) src(%dma_wait3A_49 : memref<128x128xf32, #tpu.memory_space<vmem_shared>>) dst(%arg14 : memref<128x128xf32, #tpu.memory_space<vmem>>)
      tpu.yield
    }) : () -> ()
    "tpu.region"() ({
      %run_scoped3A = tpu.sem_alloc : memref<!tpu.dma_semaphore, #tpu.memory_space<semaphore_mem>>
      %dma_start3A = arith.constant 0 : i32
      %dma_start3A_44 = tpu.memref_slice %arg7[%arg0, %add3A_35, %dma_start3A] : memref<2x10240x128xf32, #tpu.memory_space<hbm>> -> memref<1x128x128xf32, #tpu.memory_space<hbm>>
      %dma_start3A_45 = tpu.memref_squeeze %dma_start3A_44 : memref<1x128x128xf32, #tpu.memory_space<hbm>> -> memref<128x128xf32, #tpu.memory_space<hbm>>
      %dma_start3A_46 = arith.constant 0 : i32
      %dma_start3A_47 = tpu.memref_slice %arg7[%arg0, %add3A_35, %dma_start3A_46] : memref<2x10240x128xf32, #tpu.memory_space<hbm>> -> memref<1x128x128xf32, #tpu.memory_space<hbm>>
      %dma_start3A_48 = tpu.memref_squeeze %dma_start3A_47 : memref<1x128x128xf32, #tpu.memory_space<hbm>> -> memref<128x128xf32, #tpu.memory_space<hbm>>
      tpu.enqueue_dma source(%arg14 : memref<128x128xf32, #tpu.memory_space<vmem>>) target(%dma_start3A_48 : memref<128x128xf32, #tpu.memory_space<hbm>>) target_semaphore(%run_scoped3A : memref<!tpu.dma_semaphore, #tpu.memory_space<semaphore_mem>>)
      %dma_wait3A = arith.constant 0 : i32
      %dma_wait3A_49 = tpu.memref_slice %arg7[%arg0, %add3A_35, %dma_wait3A] : memref<2x10240x128xf32, #tpu.memory_space<hbm>> -> memref<1x128x128xf32, #tpu.memory_space<hbm>>
      %dma_wait3A_50 = tpu.memref_squeeze %dma_wait3A_49 : memref<1x128x128xf32, #tpu.memory_space<hbm>> -> memref<128x128xf32, #tpu.memory_space<hbm>>
      %dma_wait3A_51 = arith.constant 0 : i32
      %dma_wait3A_52 = tpu.memref_slice %arg7[%arg0, %add3A_35, %dma_wait3A_51] : memref<2x10240x128xf32, #tpu.memory_space<hbm>> -> memref<1x128x128xf32, #tpu.memory_space<hbm>>
      %dma_wait3A_53 = tpu.memref_squeeze %dma_wait3A_52 : memref<1x128x128xf32, #tpu.memory_space<hbm>> -> memref<128x128xf32, #tpu.memory_space<hbm>>
      tpu.wait_dma2 semaphore(%run_scoped3A : memref<!tpu.dma_semaphore, #tpu.memory_space<semaphore_mem>>) src(%arg14 : memref<128x128xf32, #tpu.memory_space<vmem>>) dst(%dma_wait3A_53 : memref<128x128xf32, #tpu.memory_space<hbm>>)
      tpu.yield
    }) : () -> ()
    %add3A_36 = arith.constant 128 : i32
    %add3A_37 = arith.addi %mul3A_15, %add3A_36 : i32
    "tpu.region"() ({
      %run_scoped3A = tpu.sem_alloc : memref<!tpu.dma_semaphore, #tpu.memory_space<semaphore_mem>>
      %dma_start3A = arith.constant 0 : i32
      %dma_start3A_44 = tpu.memref_slice %arg16[%add3A_37, %dma_start3A] : memref<10240x128xf32, #tpu.memory_space<vmem_shared>> -> memref<128x128xf32, #tpu.memory_space<vmem_shared>>
      %dma_start3A_45 = arith.constant 0 : i32
      %dma_start3A_46 = tpu.memref_slice %arg16[%add3A_37, %dma_start3A_45] : memref<10240x128xf32, #tpu.memory_space<vmem_shared>> -> memref<128x128xf32, #tpu.memory_space<vmem_shared>>
      tpu.enqueue_dma source(%dma_start3A_46 : memref<128x128xf32, #tpu.memory_space<vmem_shared>>) target(%arg14 : memref<128x128xf32, #tpu.memory_space<vmem>>) target_semaphore(%run_scoped3A : memref<!tpu.dma_semaphore, #tpu.memory_space<semaphore_mem>>)
      %dma_wait3A = arith.constant 0 : i32
      %dma_wait3A_47 = tpu.memref_slice %arg16[%add3A_37, %dma_wait3A] : memref<10240x128xf32, #tpu.memory_space<vmem_shared>> -> memref<128x128xf32, #tpu.memory_space<vmem_shared>>
      %dma_wait3A_48 = arith.constant 0 : i32
      %dma_wait3A_49 = tpu.memref_slice %arg16[%add3A_37, %dma_wait3A_48] : memref<10240x128xf32, #tpu.memory_space<vmem_shared>> -> memref<128x128xf32, #tpu.memory_space<vmem_shared>>
      tpu.wait_dma2 semaphore(%run_scoped3A : memref<!tpu.dma_semaphore, #tpu.memory_space<semaphore_mem>>) src(%dma_wait3A_49 : memref<128x128xf32, #tpu.memory_space<vmem_shared>>) dst(%arg14 : memref<128x128xf32, #tpu.memory_space<vmem>>)
      tpu.yield
    }) : () -> ()
    "tpu.region"() ({
      %run_scoped3A = tpu.sem_alloc : memref<!tpu.dma_semaphore, #tpu.memory_space<semaphore_mem>>
      %dma_start3A = arith.constant 0 : i32
      %dma_start3A_44 = tpu.memref_slice %arg7[%arg0, %add3A_37, %dma_start3A] : memref<2x10240x128xf32, #tpu.memory_space<hbm>> -> memref<1x128x128xf32, #tpu.memory_space<hbm>>
      %dma_start3A_45 = tpu.memref_squeeze %dma_start3A_44 : memref<1x128x128xf32, #tpu.memory_space<hbm>> -> memref<128x128xf32, #tpu.memory_space<hbm>>
      %dma_start3A_46 = arith.constant 0 : i32
      %dma_start3A_47 = tpu.memref_slice %arg7[%arg0, %add3A_37, %dma_start3A_46] : memref<2x10240x128xf32, #tpu.memory_space<hbm>> -> memref<1x128x128xf32, #tpu.memory_space<hbm>>
      %dma_start3A_48 = tpu.memref_squeeze %dma_start3A_47 : memref<1x128x128xf32, #tpu.memory_space<hbm>> -> memref<128x128xf32, #tpu.memory_space<hbm>>
      tpu.enqueue_dma source(%arg14 : memref<128x128xf32, #tpu.memory_space<vmem>>) target(%dma_start3A_48 : memref<128x128xf32, #tpu.memory_space<hbm>>) target_semaphore(%run_scoped3A : memref<!tpu.dma_semaphore, #tpu.memory_space<semaphore_mem>>)
      %dma_wait3A = arith.constant 0 : i32
      %dma_wait3A_49 = tpu.memref_slice %arg7[%arg0, %add3A_37, %dma_wait3A] : memref<2x10240x128xf32, #tpu.memory_space<hbm>> -> memref<1x128x128xf32, #tpu.memory_space<hbm>>
      %dma_wait3A_50 = tpu.memref_squeeze %dma_wait3A_49 : memref<1x128x128xf32, #tpu.memory_space<hbm>> -> memref<128x128xf32, #tpu.memory_space<hbm>>
      %dma_wait3A_51 = arith.constant 0 : i32
      %dma_wait3A_52 = tpu.memref_slice %arg7[%arg0, %add3A_37, %dma_wait3A_51] : memref<2x10240x128xf32, #tpu.memory_space<hbm>> -> memref<1x128x128xf32, #tpu.memory_space<hbm>>
      %dma_wait3A_53 = tpu.memref_squeeze %dma_wait3A_52 : memref<1x128x128xf32, #tpu.memory_space<hbm>> -> memref<128x128xf32, #tpu.memory_space<hbm>>
      tpu.wait_dma2 semaphore(%run_scoped3A : memref<!tpu.dma_semaphore, #tpu.memory_space<semaphore_mem>>) src(%arg14 : memref<128x128xf32, #tpu.memory_space<vmem>>) dst(%dma_wait3A_53 : memref<128x128xf32, #tpu.memory_space<hbm>>)
      tpu.yield
    }) : () -> ()
    %add3A_38 = arith.constant 256 : i32
    %add3A_39 = arith.addi %mul3A_15, %add3A_38 : i32
    "tpu.region"() ({
      %run_scoped3A = tpu.sem_alloc : memref<!tpu.dma_semaphore, #tpu.memory_space<semaphore_mem>>
      %dma_start3A = arith.constant 0 : i32
      %dma_start3A_44 = tpu.memref_slice %arg16[%add3A_39, %dma_start3A] : memref<10240x128xf32, #tpu.memory_space<vmem_shared>> -> memref<128x128xf32, #tpu.memory_space<vmem_shared>>
      %dma_start3A_45 = arith.constant 0 : i32
      %dma_start3A_46 = tpu.memref_slice %arg16[%add3A_39, %dma_start3A_45] : memref<10240x128xf32, #tpu.memory_space<vmem_shared>> -> memref<128x128xf32, #tpu.memory_space<vmem_shared>>
      tpu.enqueue_dma source(%dma_start3A_46 : memref<128x128xf32, #tpu.memory_space<vmem_shared>>) target(%arg14 : memref<128x128xf32, #tpu.memory_space<vmem>>) target_semaphore(%run_scoped3A : memref<!tpu.dma_semaphore, #tpu.memory_space<semaphore_mem>>)
      %dma_wait3A = arith.constant 0 : i32
      %dma_wait3A_47 = tpu.memref_slice %arg16[%add3A_39, %dma_wait3A] : memref<10240x128xf32, #tpu.memory_space<vmem_shared>> -> memref<128x128xf32, #tpu.memory_space<vmem_shared>>
      %dma_wait3A_48 = arith.constant 0 : i32
      %dma_wait3A_49 = tpu.memref_slice %arg16[%add3A_39, %dma_wait3A_48] : memref<10240x128xf32, #tpu.memory_space<vmem_shared>> -> memref<128x128xf32, #tpu.memory_space<vmem_shared>>
      tpu.wait_dma2 semaphore(%run_scoped3A : memref<!tpu.dma_semaphore, #tpu.memory_space<semaphore_mem>>) src(%dma_wait3A_49 : memref<128x128xf32, #tpu.memory_space<vmem_shared>>) dst(%arg14 : memref<128x128xf32, #tpu.memory_space<vmem>>)
      tpu.yield
    }) : () -> ()
    "tpu.region"() ({
      %run_scoped3A = tpu.sem_alloc : memref<!tpu.dma_semaphore, #tpu.memory_space<semaphore_mem>>
      %dma_start3A = arith.constant 0 : i32
      %dma_start3A_44 = tpu.memref_slice %arg7[%arg0, %add3A_39, %dma_start3A] : memref<2x10240x128xf32, #tpu.memory_space<hbm>> -> memref<1x128x128xf32, #tpu.memory_space<hbm>>
      %dma_start3A_45 = tpu.memref_squeeze %dma_start3A_44 : memref<1x128x128xf32, #tpu.memory_space<hbm>> -> memref<128x128xf32, #tpu.memory_space<hbm>>
      %dma_start3A_46 = arith.constant 0 : i32
      %dma_start3A_47 = tpu.memref_slice %arg7[%arg0, %add3A_39, %dma_start3A_46] : memref<2x10240x128xf32, #tpu.memory_space<hbm>> -> memref<1x128x128xf32, #tpu.memory_space<hbm>>
      %dma_start3A_48 = tpu.memref_squeeze %dma_start3A_47 : memref<1x128x128xf32, #tpu.memory_space<hbm>> -> memref<128x128xf32, #tpu.memory_space<hbm>>
      tpu.enqueue_dma source(%arg14 : memref<128x128xf32, #tpu.memory_space<vmem>>) target(%dma_start3A_48 : memref<128x128xf32, #tpu.memory_space<hbm>>) target_semaphore(%run_scoped3A : memref<!tpu.dma_semaphore, #tpu.memory_space<semaphore_mem>>)
      %dma_wait3A = arith.constant 0 : i32
      %dma_wait3A_49 = tpu.memref_slice %arg7[%arg0, %add3A_39, %dma_wait3A] : memref<2x10240x128xf32, #tpu.memory_space<hbm>> -> memref<1x128x128xf32, #tpu.memory_space<hbm>>
      %dma_wait3A_50 = tpu.memref_squeeze %dma_wait3A_49 : memref<1x128x128xf32, #tpu.memory_space<hbm>> -> memref<128x128xf32, #tpu.memory_space<hbm>>
      %dma_wait3A_51 = arith.constant 0 : i32
      %dma_wait3A_52 = tpu.memref_slice %arg7[%arg0, %add3A_39, %dma_wait3A_51] : memref<2x10240x128xf32, #tpu.memory_space<hbm>> -> memref<1x128x128xf32, #tpu.memory_space<hbm>>
      %dma_wait3A_53 = tpu.memref_squeeze %dma_wait3A_52 : memref<1x128x128xf32, #tpu.memory_space<hbm>> -> memref<128x128xf32, #tpu.memory_space<hbm>>
      tpu.wait_dma2 semaphore(%run_scoped3A : memref<!tpu.dma_semaphore, #tpu.memory_space<semaphore_mem>>) src(%arg14 : memref<128x128xf32, #tpu.memory_space<vmem>>) dst(%dma_wait3A_53 : memref<128x128xf32, #tpu.memory_space<hbm>>)
      tpu.yield
    }) : () -> ()
    %add3A_40 = arith.constant 384 : i32
    %add3A_41 = arith.addi %mul3A_15, %add3A_40 : i32
    "tpu.region"() ({
      %run_scoped3A = tpu.sem_alloc : memref<!tpu.dma_semaphore, #tpu.memory_space<semaphore_mem>>
      %dma_start3A = arith.constant 0 : i32
      %dma_start3A_44 = tpu.memref_slice %arg16[%add3A_41, %dma_start3A] : memref<10240x128xf32, #tpu.memory_space<vmem_shared>> -> memref<128x128xf32, #tpu.memory_space<vmem_shared>>
      %dma_start3A_45 = arith.constant 0 : i32
      %dma_start3A_46 = tpu.memref_slice %arg16[%add3A_41, %dma_start3A_45] : memref<10240x128xf32, #tpu.memory_space<vmem_shared>> -> memref<128x128xf32, #tpu.memory_space<vmem_shared>>
      tpu.enqueue_dma source(%dma_start3A_46 : memref<128x128xf32, #tpu.memory_space<vmem_shared>>) target(%arg14 : memref<128x128xf32, #tpu.memory_space<vmem>>) target_semaphore(%run_scoped3A : memref<!tpu.dma_semaphore, #tpu.memory_space<semaphore_mem>>)
      %dma_wait3A = arith.constant 0 : i32
      %dma_wait3A_47 = tpu.memref_slice %arg16[%add3A_41, %dma_wait3A] : memref<10240x128xf32, #tpu.memory_space<vmem_shared>> -> memref<128x128xf32, #tpu.memory_space<vmem_shared>>
      %dma_wait3A_48 = arith.constant 0 : i32
      %dma_wait3A_49 = tpu.memref_slice %arg16[%add3A_41, %dma_wait3A_48] : memref<10240x128xf32, #tpu.memory_space<vmem_shared>> -> memref<128x128xf32, #tpu.memory_space<vmem_shared>>
      tpu.wait_dma2 semaphore(%run_scoped3A : memref<!tpu.dma_semaphore, #tpu.memory_space<semaphore_mem>>) src(%dma_wait3A_49 : memref<128x128xf32, #tpu.memory_space<vmem_shared>>) dst(%arg14 : memref<128x128xf32, #tpu.memory_space<vmem>>)
      tpu.yield
    }) : () -> ()
    "tpu.region"() ({
      %run_scoped3A = tpu.sem_alloc : memref<!tpu.dma_semaphore, #tpu.memory_space<semaphore_mem>>
      %dma_start3A = arith.constant 0 : i32
      %dma_start3A_44 = tpu.memref_slice %arg7[%arg0, %add3A_41, %dma_start3A] : memref<2x10240x128xf32, #tpu.memory_space<hbm>> -> memref<1x128x128xf32, #tpu.memory_space<hbm>>
      %dma_start3A_45 = tpu.memref_squeeze %dma_start3A_44 : memref<1x128x128xf32, #tpu.memory_space<hbm>> -> memref<128x128xf32, #tpu.memory_space<hbm>>
      %dma_start3A_46 = arith.constant 0 : i32
      %dma_start3A_47 = tpu.memref_slice %arg7[%arg0, %add3A_41, %dma_start3A_46] : memref<2x10240x128xf32, #tpu.memory_space<hbm>> -> memref<1x128x128xf32, #tpu.memory_space<hbm>>
      %dma_start3A_48 = tpu.memref_squeeze %dma_start3A_47 : memref<1x128x128xf32, #tpu.memory_space<hbm>> -> memref<128x128xf32, #tpu.memory_space<hbm>>
      tpu.enqueue_dma source(%arg14 : memref<128x128xf32, #tpu.memory_space<vmem>>) target(%dma_start3A_48 : memref<128x128xf32, #tpu.memory_space<hbm>>) target_semaphore(%run_scoped3A : memref<!tpu.dma_semaphore, #tpu.memory_space<semaphore_mem>>)
      %dma_wait3A = arith.constant 0 : i32
      %dma_wait3A_49 = tpu.memref_slice %arg7[%arg0, %add3A_41, %dma_wait3A] : memref<2x10240x128xf32, #tpu.memory_space<hbm>> -> memref<1x128x128xf32, #tpu.memory_space<hbm>>
      %dma_wait3A_50 = tpu.memref_squeeze %dma_wait3A_49 : memref<1x128x128xf32, #tpu.memory_space<hbm>> -> memref<128x128xf32, #tpu.memory_space<hbm>>
      %dma_wait3A_51 = arith.constant 0 : i32
      %dma_wait3A_52 = tpu.memref_slice %arg7[%arg0, %add3A_41, %dma_wait3A_51] : memref<2x10240x128xf32, #tpu.memory_space<hbm>> -> memref<1x128x128xf32, #tpu.memory_space<hbm>>
      %dma_wait3A_53 = tpu.memref_squeeze %dma_wait3A_52 : memref<1x128x128xf32, #tpu.memory_space<hbm>> -> memref<128x128xf32, #tpu.memory_space<hbm>>
      tpu.wait_dma2 semaphore(%run_scoped3A : memref<!tpu.dma_semaphore, #tpu.memory_space<semaphore_mem>>) src(%arg14 : memref<128x128xf32, #tpu.memory_space<vmem>>) dst(%dma_wait3A_53 : memref<128x128xf32, #tpu.memory_space<hbm>>)
      tpu.yield
    }) : () -> ()
    %add3A_42 = arith.constant 512 : i32
    %add3A_43 = arith.addi %mul3A_15, %add3A_42 : i32
    "tpu.region"() ({
      %run_scoped3A = tpu.sem_alloc : memref<!tpu.dma_semaphore, #tpu.memory_space<semaphore_mem>>
      %dma_start3A = arith.constant 0 : i32
      %dma_start3A_44 = tpu.memref_slice %arg16[%add3A_43, %dma_start3A] : memref<10240x128xf32, #tpu.memory_space<vmem_shared>> -> memref<128x128xf32, #tpu.memory_space<vmem_shared>>
      %dma_start3A_45 = arith.constant 0 : i32
      %dma_start3A_46 = tpu.memref_slice %arg16[%add3A_43, %dma_start3A_45] : memref<10240x128xf32, #tpu.memory_space<vmem_shared>> -> memref<128x128xf32, #tpu.memory_space<vmem_shared>>
      tpu.enqueue_dma source(%dma_start3A_46 : memref<128x128xf32, #tpu.memory_space<vmem_shared>>) target(%arg14 : memref<128x128xf32, #tpu.memory_space<vmem>>) target_semaphore(%run_scoped3A : memref<!tpu.dma_semaphore, #tpu.memory_space<semaphore_mem>>)
      %dma_wait3A = arith.constant 0 : i32
      %dma_wait3A_47 = tpu.memref_slice %arg16[%add3A_43, %dma_wait3A] : memref<10240x128xf32, #tpu.memory_space<vmem_shared>> -> memref<128x128xf32, #tpu.memory_space<vmem_shared>>
      %dma_wait3A_48 = arith.constant 0 : i32
      %dma_wait3A_49 = tpu.memref_slice %arg16[%add3A_43, %dma_wait3A_48] : memref<10240x128xf32, #tpu.memory_space<vmem_shared>> -> memref<128x128xf32, #tpu.memory_space<vmem_shared>>
      tpu.wait_dma2 semaphore(%run_scoped3A : memref<!tpu.dma_semaphore, #tpu.memory_space<semaphore_mem>>) src(%dma_wait3A_49 : memref<128x128xf32, #tpu.memory_space<vmem_shared>>) dst(%arg14 : memref<128x128xf32, #tpu.memory_space<vmem>>)
      tpu.yield
    }) : () -> ()
    "tpu.region"() ({
      %run_scoped3A = tpu.sem_alloc : memref<!tpu.dma_semaphore, #tpu.memory_space<semaphore_mem>>
      %dma_start3A = arith.constant 0 : i32
      %dma_start3A_44 = tpu.memref_slice %arg7[%arg0, %add3A_43, %dma_start3A] : memref<2x10240x128xf32, #tpu.memory_space<hbm>> -> memref<1x128x128xf32, #tpu.memory_space<hbm>>
      %dma_start3A_45 = tpu.memref_squeeze %dma_start3A_44 : memref<1x128x128xf32, #tpu.memory_space<hbm>> -> memref<128x128xf32, #tpu.memory_space<hbm>>
      %dma_start3A_46 = arith.constant 0 : i32
      %dma_start3A_47 = tpu.memref_slice %arg7[%arg0, %add3A_43, %dma_start3A_46] : memref<2x10240x128xf32, #tpu.memory_space<hbm>> -> memref<1x128x128xf32, #tpu.memory_space<hbm>>
      %dma_start3A_48 = tpu.memref_squeeze %dma_start3A_47 : memref<1x128x128xf32, #tpu.memory_space<hbm>> -> memref<128x128xf32, #tpu.memory_space<hbm>>
      tpu.enqueue_dma source(%arg14 : memref<128x128xf32, #tpu.memory_space<vmem>>) target(%dma_start3A_48 : memref<128x128xf32, #tpu.memory_space<hbm>>) target_semaphore(%run_scoped3A : memref<!tpu.dma_semaphore, #tpu.memory_space<semaphore_mem>>)
      %dma_wait3A = arith.constant 0 : i32
      %dma_wait3A_49 = tpu.memref_slice %arg7[%arg0, %add3A_43, %dma_wait3A] : memref<2x10240x128xf32, #tpu.memory_space<hbm>> -> memref<1x128x128xf32, #tpu.memory_space<hbm>>
      %dma_wait3A_50 = tpu.memref_squeeze %dma_wait3A_49 : memref<1x128x128xf32, #tpu.memory_space<hbm>> -> memref<128x128xf32, #tpu.memory_space<hbm>>
      %dma_wait3A_51 = arith.constant 0 : i32
      %dma_wait3A_52 = tpu.memref_slice %arg7[%arg0, %add3A_43, %dma_wait3A_51] : memref<2x10240x128xf32, #tpu.memory_space<hbm>> -> memref<1x128x128xf32, #tpu.memory_space<hbm>>
      %dma_wait3A_53 = tpu.memref_squeeze %dma_wait3A_52 : memref<1x128x128xf32, #tpu.memory_space<hbm>> -> memref<128x128xf32, #tpu.memory_space<hbm>>
      tpu.wait_dma2 semaphore(%run_scoped3A : memref<!tpu.dma_semaphore, #tpu.memory_space<semaphore_mem>>) src(%arg14 : memref<128x128xf32, #tpu.memory_space<vmem>>) dst(%dma_wait3A_53 : memref<128x128xf32, #tpu.memory_space<hbm>>)
      tpu.yield
    }) : () -> ()
    "tpu.region"() ({
      %run_scoped3A = tpu.sem_alloc : memref<!tpu.dma_semaphore, #tpu.memory_space<semaphore_mem>>
      %dma_start3A = tpu.memref_slice %arg17[%mul3A_15] : memref<10240xf32, #tpu.memory_space<vmem_shared>> -> memref<640xf32, #tpu.memory_space<vmem_shared>>
      %dma_start3A_44 = tpu.memref_slice %arg17[%mul3A_15] : memref<10240xf32, #tpu.memory_space<vmem_shared>> -> memref<640xf32, #tpu.memory_space<vmem_shared>>
      tpu.enqueue_dma source(%dma_start3A_44 : memref<640xf32, #tpu.memory_space<vmem_shared>>) target(%arg15 : memref<640xf32, #tpu.memory_space<vmem>>) target_semaphore(%run_scoped3A : memref<!tpu.dma_semaphore, #tpu.memory_space<semaphore_mem>>)
      %dma_wait3A = tpu.memref_slice %arg17[%mul3A_15] : memref<10240xf32, #tpu.memory_space<vmem_shared>> -> memref<640xf32, #tpu.memory_space<vmem_shared>>
      %dma_wait3A_45 = tpu.memref_slice %arg17[%mul3A_15] : memref<10240xf32, #tpu.memory_space<vmem_shared>> -> memref<640xf32, #tpu.memory_space<vmem_shared>>
      tpu.wait_dma2 semaphore(%run_scoped3A : memref<!tpu.dma_semaphore, #tpu.memory_space<semaphore_mem>>) src(%dma_wait3A_45 : memref<640xf32, #tpu.memory_space<vmem_shared>>) dst(%arg15 : memref<640xf32, #tpu.memory_space<vmem>>)
      tpu.yield
    }) : () -> ()
    "tpu.region"() ({
      %run_scoped3A = tpu.sem_alloc : memref<!tpu.dma_semaphore, #tpu.memory_space<semaphore_mem>>
      %dma_start3A = tpu.memref_slice %arg8[%arg0, %mul3A_15] : memref<2x10240xf32, #tpu.memory_space<hbm>> -> memref<1x640xf32, #tpu.memory_space<hbm>>
      %dma_start3A_44 = tpu.memref_squeeze %dma_start3A : memref<1x640xf32, #tpu.memory_space<hbm>> -> memref<640xf32, #tpu.memory_space<hbm>>
      %dma_start3A_45 = tpu.memref_slice %arg8[%arg0, %mul3A_15] : memref<2x10240xf32, #tpu.memory_space<hbm>> -> memref<1x640xf32, #tpu.memory_space<hbm>>
      %dma_start3A_46 = tpu.memref_squeeze %dma_start3A_45 : memref<1x640xf32, #tpu.memory_space<hbm>> -> memref<640xf32, #tpu.memory_space<hbm>>
      tpu.enqueue_dma source(%arg15 : memref<640xf32, #tpu.memory_space<vmem>>) target(%dma_start3A_46 : memref<640xf32, #tpu.memory_space<hbm>>) target_semaphore(%run_scoped3A : memref<!tpu.dma_semaphore, #tpu.memory_space<semaphore_mem>>)
      %dma_wait3A = tpu.memref_slice %arg8[%arg0, %mul3A_15] : memref<2x10240xf32, #tpu.memory_space<hbm>> -> memref<1x640xf32, #tpu.memory_space<hbm>>
      %dma_wait3A_47 = tpu.memref_squeeze %dma_wait3A : memref<1x640xf32, #tpu.memory_space<hbm>> -> memref<640xf32, #tpu.memory_space<hbm>>
      %dma_wait3A_48 = tpu.memref_slice %arg8[%arg0, %mul3A_15] : memref<2x10240xf32, #tpu.memory_space<hbm>> -> memref<1x640xf32, #tpu.memory_space<hbm>>
      %dma_wait3A_49 = tpu.memref_squeeze %dma_wait3A_48 : memref<1x640xf32, #tpu.memory_space<hbm>> -> memref<640xf32, #tpu.memory_space<hbm>>
      tpu.wait_dma2 semaphore(%run_scoped3A : memref<!tpu.dma_semaphore, #tpu.memory_space<semaphore_mem>>) src(%arg15 : memref<640xf32, #tpu.memory_space<vmem>>) dst(%dma_wait3A_49 : memref<640xf32, #tpu.memory_space<hbm>>)
      tpu.yield
    }) : () -> ()
    return
  }
}

#map = affine_map<(d0, d1) -> (0, 0, 0)>
#map1 = affine_map<(d0, d1) -> (0)>
#map2 = affine_map<(d0, d1) -> (0, 0)>
module attributes {stable_mosaic.version = 14 : i64} {
  func.func @_sc_edge(%arg0: i32, %arg1: i32, %arg2: memref<32x79x128xi32, #tpu.memory_space<hbm>>, %arg3: memref<32x79x128xi32, #tpu.memory_space<hbm>>, %arg4: memref<10000xf32, #tpu.memory_space<hbm>>, %arg5: memref<10240xf32, #tpu.memory_space<hbm>>, %arg6: memref<10000x128xf32, #tpu.memory_space<hbm>>, %arg7: memref<2x10240x128xf32, #tpu.memory_space<hbm>>, %arg8: memref<2x10240xf32, #tpu.memory_space<hbm>>, %arg9: memref<79x128xi32, #tpu.memory_space<vmem>>, %arg10: memref<79x128xi32, #tpu.memory_space<vmem>>, %arg11: memref<128xf32, #tpu.memory_space<vmem>>, %arg12: memref<128xf32, #tpu.memory_space<vmem>>, %arg13: memref<128xf32, #tpu.memory_space<vmem>>, %arg14: memref<128x128xf32, #tpu.memory_space<vmem>>, %arg15: memref<640xf32, #tpu.memory_space<vmem>>, %arg16: memref<10240x128xf32, #tpu.memory_space<vmem_shared>>, %arg17: memref<10240xf32, #tpu.memory_space<vmem_shared>>, %arg18: memref<!tpu.dma_semaphore, #tpu.memory_space<semaphore_mem>>, %arg19: memref<!tpu.dma_semaphore, #tpu.memory_space<semaphore_mem>>, %arg20: memref<!tpu.dma_semaphore, #tpu.memory_space<semaphore_mem>>) attributes {dimension_semantics = [#tpu.dimension_semantics<core_parallel>, #tpu.dimension_semantics<subcore_parallel>], iteration_bounds = array<i64: 2, 16>, scalar_prefetch = 0 : i64, scratch_operands = 12 : i64, tpu.core_type = #tpu.core_type<sc_vector_subcore>, window_params = [{transform_indices = #map}, {transform_indices = #map}, {transform_indices = #map1}, {transform_indices = #map1}, {transform_indices = #map2}, {transform_indices = #map}, {transform_indices = #map2}]} {
    %mul3A = arith.constant 2 : i32
    %mul3A_0 = arith.muli %arg1, %mul3A : i32
    %add3A = arith.addi %mul3A_0, %arg0 : i32
    "tpu.region"() ({
      %run_scoped3A = tpu.sem_alloc : memref<!tpu.dma_semaphore, #tpu.memory_space<semaphore_mem>>
      %dma_start3A = arith.constant 0 : i32
      %dma_start3A_44 = arith.constant 0 : i32
      %dma_start3A_45 = tpu.memref_slice %arg2[%add3A, %dma_start3A, %dma_start3A_44] : memref<32x79x128xi32, #tpu.memory_space<hbm>> -> memref<1x79x128xi32, #tpu.memory_space<hbm>>
      %dma_start3A_46 = tpu.memref_squeeze %dma_start3A_45 : memref<1x79x128xi32, #tpu.memory_space<hbm>> -> memref<79x128xi32, #tpu.memory_space<hbm>>
      %dma_start3A_47 = arith.constant 0 : i32
      %dma_start3A_48 = arith.constant 0 : i32
      %dma_start3A_49 = tpu.memref_slice %arg2[%add3A, %dma_start3A_47, %dma_start3A_48] : memref<32x79x128xi32, #tpu.memory_space<hbm>> -> memref<1x79x128xi32, #tpu.memory_space<hbm>>
      %dma_start3A_50 = tpu.memref_squeeze %dma_start3A_49 : memref<1x79x128xi32, #tpu.memory_space<hbm>> -> memref<79x128xi32, #tpu.memory_space<hbm>>
      tpu.enqueue_dma source(%dma_start3A_50 : memref<79x128xi32, #tpu.memory_space<hbm>>) target(%arg9 : memref<79x128xi32, #tpu.memory_space<vmem>>) target_semaphore(%run_scoped3A : memref<!tpu.dma_semaphore, #tpu.memory_space<semaphore_mem>>)
      %dma_wait3A = arith.constant 0 : i32
      %dma_wait3A_51 = arith.constant 0 : i32
      %dma_wait3A_52 = tpu.memref_slice %arg2[%add3A, %dma_wait3A, %dma_wait3A_51] : memref<32x79x128xi32, #tpu.memory_space<hbm>> -> memref<1x79x128xi32, #tpu.memory_space<hbm>>
      %dma_wait3A_53 = tpu.memref_squeeze %dma_wait3A_52 : memref<1x79x128xi32, #tpu.memory_space<hbm>> -> memref<79x128xi32, #tpu.memory_space<hbm>>
      %dma_wait3A_54 = arith.constant 0 : i32
      %dma_wait3A_55 = arith.constant 0 : i32
      %dma_wait3A_56 = tpu.memref_slice %arg2[%add3A, %dma_wait3A_54, %dma_wait3A_55] : memref<32x79x128xi32, #tpu.memory_space<hbm>> -> memref<1x79x128xi32, #tpu.memory_space<hbm>>
      %dma_wait3A_57 = tpu.memref_squeeze %dma_wait3A_56 : memref<1x79x128xi32, #tpu.memory_space<hbm>> -> memref<79x128xi32, #tpu.memory_space<hbm>>
      tpu.wait_dma2 semaphore(%run_scoped3A : memref<!tpu.dma_semaphore, #tpu.memory_space<semaphore_mem>>) src(%dma_wait3A_57 : memref<79x128xi32, #tpu.memory_space<hbm>>) dst(%arg9 : memref<79x128xi32, #tpu.memory_space<vmem>>)
      tpu.yield
    }) : () -> ()
    "tpu.region"() ({
      %run_scoped3A = tpu.sem_alloc : memref<!tpu.dma_semaphore, #tpu.memory_space<semaphore_mem>>
      %dma_start3A = arith.constant 0 : i32
      %dma_start3A_44 = arith.constant 0 : i32
      %dma_start3A_45 = tpu.memref_slice %arg3[%add3A, %dma_start3A, %dma_start3A_44] : memref<32x79x128xi32, #tpu.memory_space<hbm>> -> memref<1x79x128xi32, #tpu.memory_space<hbm>>
      %dma_start3A_46 = tpu.memref_squeeze %dma_start3A_45 : memref<1x79x128xi32, #tpu.memory_space<hbm>> -> memref<79x128xi32, #tpu.memory_space<hbm>>
      %dma_start3A_47 = arith.constant 0 : i32
      %dma_start3A_48 = arith.constant 0 : i32
      %dma_start3A_49 = tpu.memref_slice %arg3[%add3A, %dma_start3A_47, %dma_start3A_48] : memref<32x79x128xi32, #tpu.memory_space<hbm>> -> memref<1x79x128xi32, #tpu.memory_space<hbm>>
      %dma_start3A_50 = tpu.memref_squeeze %dma_start3A_49 : memref<1x79x128xi32, #tpu.memory_space<hbm>> -> memref<79x128xi32, #tpu.memory_space<hbm>>
      tpu.enqueue_dma source(%dma_start3A_50 : memref<79x128xi32, #tpu.memory_space<hbm>>) target(%arg10 : memref<79x128xi32, #tpu.memory_space<vmem>>) target_semaphore(%run_scoped3A : memref<!tpu.dma_semaphore, #tpu.memory_space<semaphore_mem>>)
      %dma_wait3A = arith.constant 0 : i32
      %dma_wait3A_51 = arith.constant 0 : i32
      %dma_wait3A_52 = tpu.memref_slice %arg3[%add3A, %dma_wait3A, %dma_wait3A_51] : memref<32x79x128xi32, #tpu.memory_space<hbm>> -> memref<1x79x128xi32, #tpu.memory_space<hbm>>
      %dma_wait3A_53 = tpu.memref_squeeze %dma_wait3A_52 : memref<1x79x128xi32, #tpu.memory_space<hbm>> -> memref<79x128xi32, #tpu.memory_space<hbm>>
      %dma_wait3A_54 = arith.constant 0 : i32
      %dma_wait3A_55 = arith.constant 0 : i32
      %dma_wait3A_56 = tpu.memref_slice %arg3[%add3A, %dma_wait3A_54, %dma_wait3A_55] : memref<32x79x128xi32, #tpu.memory_space<hbm>> -> memref<1x79x128xi32, #tpu.memory_space<hbm>>
      %dma_wait3A_57 = tpu.memref_squeeze %dma_wait3A_56 : memref<1x79x128xi32, #tpu.memory_space<hbm>> -> memref<79x128xi32, #tpu.memory_space<hbm>>
      tpu.wait_dma2 semaphore(%run_scoped3A : memref<!tpu.dma_semaphore, #tpu.memory_space<semaphore_mem>>) src(%dma_wait3A_57 : memref<79x128xi32, #tpu.memory_space<hbm>>) dst(%arg10 : memref<79x128xi32, #tpu.memory_space<vmem>>)
      tpu.yield
    }) : () -> ()
    %scan3A = arith.constant 0 : i32
    %scan3A_1 = arith.constant 0 : i32
    %scan3A_2 = arith.constant 40 : i32
    %scan3A_3 = arith.addi %scan3A_1, %scan3A_2 : i32
    %scan3A_4 = arith.constant 1 : i32
    %scan3A_5 = scf.for %scan3A_44 = %scan3A_1 to %scan3A_3 step %scan3A_4 iter_args(%scan3A_45 = %scan3A) -> (i32)  : i32 {
      %broadcast_in_dim3A = arith.constant 0.000000e+00 : f32
      %broadcast_in_dim3A_46 = vector.broadcast %broadcast_in_dim3A : f32 to vector<16xf32>
      %mul3A_47 = arith.constant 16 : i32
      %mul3A_48 = arith.muli %mul3A_47, %scan3A_44 : i32
      %swap3A = arith.index_cast %mul3A_48 : i32 to index
      %swap3A_49 = tpu.vector_load %arg15[%swap3A] {strides = array<i32>} : memref<640xf32, #tpu.memory_space<vmem>>, vector<16xf32>,
      tpu.vector_store %arg15[%swap3A], %broadcast_in_dim3A_46 {strides = array<i32>} : memref<640xf32, #tpu.memory_space<vmem>>, vector<16xf32>,
      %scan3A_50 = arith.constant 0 : i32
      scf.yield %scan3A_50 : i32
    }
    %scan3A_6 = arith.constant 40 : i32
    %scan3A_7 = arith.constant 0 : i32
    %scan3A_8 = arith.constant 0 : i32
    %scan3A_9 = arith.constant 128 : i32
    %scan3A_10 = arith.addi %scan3A_8, %scan3A_9 : i32
    %scan3A_11 = arith.constant 1 : i32
    %scan3A_12 = scf.for %scan3A_44 = %scan3A_8 to %scan3A_10 step %scan3A_11 iter_args(%scan3A_45 = %scan3A_7) -> (i32)  : i32 {
      %broadcast_in_dim3A = arith.constant 0.000000e+00 : f32
      %broadcast_in_dim3A_46 = vector.broadcast %broadcast_in_dim3A : f32 to vector<16xf32>
      %swap3A = arith.index_cast %scan3A_44 : i32 to index
      %swap3A_47 = arith.constant 0 : index
      %swap3A_48 = tpu.vector_load %arg14[%swap3A, %swap3A_47] {strides = array<i32>} : memref<128x128xf32, #tpu.memory_space<vmem>>, vector<16xf32>,
      tpu.vector_store %arg14[%swap3A, %swap3A_47], %broadcast_in_dim3A_46 {strides = array<i32>} : memref<128x128xf32, #tpu.memory_space<vmem>>, vector<16xf32>,
      %broadcast_in_dim3A_49 = arith.constant 0.000000e+00 : f32
      %broadcast_in_dim3A_50 = vector.broadcast %broadcast_in_dim3A_49 : f32 to vector<16xf32>
      %swap3A_51 = arith.index_cast %scan3A_44 : i32 to index
      %swap3A_52 = arith.constant 16 : index
      %swap3A_53 = tpu.vector_load %arg14[%swap3A_51, %swap3A_52] {strides = array<i32>} : memref<128x128xf32, #tpu.memory_space<vmem>>, vector<16xf32>,
      tpu.vector_store %arg14[%swap3A_51, %swap3A_52], %broadcast_in_dim3A_50 {strides = array<i32>} : memref<128x128xf32, #tpu.memory_space<vmem>>, vector<16xf32>,
      %broadcast_in_dim3A_54 = arith.constant 0.000000e+00 : f32
      %broadcast_in_dim3A_55 = vector.broadcast %broadcast_in_dim3A_54 : f32 to vector<16xf32>
      %swap3A_56 = arith.index_cast %scan3A_44 : i32 to index
      %swap3A_57 = arith.constant 32 : index
      %swap3A_58 = tpu.vector_load %arg14[%swap3A_56, %swap3A_57] {strides = array<i32>} : memref<128x128xf32, #tpu.memory_space<vmem>>, vector<16xf32>,
      tpu.vector_store %arg14[%swap3A_56, %swap3A_57], %broadcast_in_dim3A_55 {strides = array<i32>} : memref<128x128xf32, #tpu.memory_space<vmem>>, vector<16xf32>,
      %broadcast_in_dim3A_59 = arith.constant 0.000000e+00 : f32
      %broadcast_in_dim3A_60 = vector.broadcast %broadcast_in_dim3A_59 : f32 to vector<16xf32>
      %swap3A_61 = arith.index_cast %scan3A_44 : i32 to index
      %swap3A_62 = arith.constant 48 : index
      %swap3A_63 = tpu.vector_load %arg14[%swap3A_61, %swap3A_62] {strides = array<i32>} : memref<128x128xf32, #tpu.memory_space<vmem>>, vector<16xf32>,
      tpu.vector_store %arg14[%swap3A_61, %swap3A_62], %broadcast_in_dim3A_60 {strides = array<i32>} : memref<128x128xf32, #tpu.memory_space<vmem>>, vector<16xf32>,
      %broadcast_in_dim3A_64 = arith.constant 0.000000e+00 : f32
      %broadcast_in_dim3A_65 = vector.broadcast %broadcast_in_dim3A_64 : f32 to vector<16xf32>
      %swap3A_66 = arith.index_cast %scan3A_44 : i32 to index
      %swap3A_67 = arith.constant 64 : index
      %swap3A_68 = tpu.vector_load %arg14[%swap3A_66, %swap3A_67] {strides = array<i32>} : memref<128x128xf32, #tpu.memory_space<vmem>>, vector<16xf32>,
      tpu.vector_store %arg14[%swap3A_66, %swap3A_67], %broadcast_in_dim3A_65 {strides = array<i32>} : memref<128x128xf32, #tpu.memory_space<vmem>>, vector<16xf32>,
      %broadcast_in_dim3A_69 = arith.constant 0.000000e+00 : f32
      %broadcast_in_dim3A_70 = vector.broadcast %broadcast_in_dim3A_69 : f32 to vector<16xf32>
      %swap3A_71 = arith.index_cast %scan3A_44 : i32 to index
      %swap3A_72 = arith.constant 80 : index
      %swap3A_73 = tpu.vector_load %arg14[%swap3A_71, %swap3A_72] {strides = array<i32>} : memref<128x128xf32, #tpu.memory_space<vmem>>, vector<16xf32>,
      tpu.vector_store %arg14[%swap3A_71, %swap3A_72], %broadcast_in_dim3A_70 {strides = array<i32>} : memref<128x128xf32, #tpu.memory_space<vmem>>, vector<16xf32>,
      %broadcast_in_dim3A_74 = arith.constant 0.000000e+00 : f32
      %broadcast_in_dim3A_75 = vector.broadcast %broadcast_in_dim3A_74 : f32 to vector<16xf32>
      %swap3A_76 = arith.index_cast %scan3A_44 : i32 to index
      %swap3A_77 = arith.constant 96 : index
      %swap3A_78 = tpu.vector_load %arg14[%swap3A_76, %swap3A_77] {strides = array<i32>} : memref<128x128xf32, #tpu.memory_space<vmem>>, vector<16xf32>,
      tpu.vector_store %arg14[%swap3A_76, %swap3A_77], %broadcast_in_dim3A_75 {strides = array<i32>} : memref<128x128xf32, #tpu.memory_space<vmem>>, vector<16xf32>,
      %broadcast_in_dim3A_79 = arith.constant 0.000000e+00 : f32
      %broadcast_in_dim3A_80 = vector.broadcast %broadcast_in_dim3A_79 : f32 to vector<16xf32>
      %swap3A_81 = arith.index_cast %scan3A_44 : i32 to index
      %swap3A_82 = arith.constant 112 : index
      %swap3A_83 = tpu.vector_load %arg14[%swap3A_81, %swap3A_82] {strides = array<i32>} : memref<128x128xf32, #tpu.memory_space<vmem>>, vector<16xf32>,
      tpu.vector_store %arg14[%swap3A_81, %swap3A_82], %broadcast_in_dim3A_80 {strides = array<i32>} : memref<128x128xf32, #tpu.memory_space<vmem>>, vector<16xf32>,
      %scan3A_84 = arith.constant 0 : i32
      scf.yield %scan3A_84 : i32
    }
    %scan3A_13 = arith.constant 128 : i32
    %mul3A_14 = arith.constant 640 : i32
    %mul3A_15 = arith.muli %arg1, %mul3A_14 : i32
    %add3A_16 = arith.constant 0 : i32
    %add3A_17 = arith.addi %mul3A_15, %add3A_16 : i32
    "tpu.region"() ({
      %run_scoped3A = tpu.sem_alloc : memref<!tpu.dma_semaphore, #tpu.memory_space<semaphore_mem>>
      %dma_start3A = arith.constant 0 : i32
      %dma_start3A_44 = tpu.memref_slice %arg16[%add3A_17, %dma_start3A] : memref<10240x128xf32, #tpu.memory_space<vmem_shared>> -> memref<128x128xf32, #tpu.memory_space<vmem_shared>>
      %dma_start3A_45 = arith.constant 0 : i32
      %dma_start3A_46 = tpu.memref_slice %arg16[%add3A_17, %dma_start3A_45] : memref<10240x128xf32, #tpu.memory_space<vmem_shared>> -> memref<128x128xf32, #tpu.memory_space<vmem_shared>>
      tpu.enqueue_dma source(%arg14 : memref<128x128xf32, #tpu.memory_space<vmem>>) target(%dma_start3A_46 : memref<128x128xf32, #tpu.memory_space<vmem_shared>>) target_semaphore(%run_scoped3A : memref<!tpu.dma_semaphore, #tpu.memory_space<semaphore_mem>>)
      %dma_wait3A = arith.constant 0 : i32
      %dma_wait3A_47 = tpu.memref_slice %arg16[%add3A_17, %dma_wait3A] : memref<10240x128xf32, #tpu.memory_space<vmem_shared>> -> memref<128x128xf32, #tpu.memory_space<vmem_shared>>
      %dma_wait3A_48 = arith.constant 0 : i32
      %dma_wait3A_49 = tpu.memref_slice %arg16[%add3A_17, %dma_wait3A_48] : memref<10240x128xf32, #tpu.memory_space<vmem_shared>> -> memref<128x128xf32, #tpu.memory_space<vmem_shared>>
      tpu.wait_dma2 semaphore(%run_scoped3A : memref<!tpu.dma_semaphore, #tpu.memory_space<semaphore_mem>>) src(%arg14 : memref<128x128xf32, #tpu.memory_space<vmem>>) dst(%dma_wait3A_49 : memref<128x128xf32, #tpu.memory_space<vmem_shared>>)
      tpu.yield
    }) : () -> ()
    %add3A_18 = arith.constant 128 : i32
    %add3A_19 = arith.addi %mul3A_15, %add3A_18 : i32
    "tpu.region"() ({
      %run_scoped3A = tpu.sem_alloc : memref<!tpu.dma_semaphore, #tpu.memory_space<semaphore_mem>>
      %dma_start3A = arith.constant 0 : i32
      %dma_start3A_44 = tpu.memref_slice %arg16[%add3A_19, %dma_start3A] : memref<10240x128xf32, #tpu.memory_space<vmem_shared>> -> memref<128x128xf32, #tpu.memory_space<vmem_shared>>
      %dma_start3A_45 = arith.constant 0 : i32
      %dma_start3A_46 = tpu.memref_slice %arg16[%add3A_19, %dma_start3A_45] : memref<10240x128xf32, #tpu.memory_space<vmem_shared>> -> memref<128x128xf32, #tpu.memory_space<vmem_shared>>
      tpu.enqueue_dma source(%arg14 : memref<128x128xf32, #tpu.memory_space<vmem>>) target(%dma_start3A_46 : memref<128x128xf32, #tpu.memory_space<vmem_shared>>) target_semaphore(%run_scoped3A : memref<!tpu.dma_semaphore, #tpu.memory_space<semaphore_mem>>)
      %dma_wait3A = arith.constant 0 : i32
      %dma_wait3A_47 = tpu.memref_slice %arg16[%add3A_19, %dma_wait3A] : memref<10240x128xf32, #tpu.memory_space<vmem_shared>> -> memref<128x128xf32, #tpu.memory_space<vmem_shared>>
      %dma_wait3A_48 = arith.constant 0 : i32
      %dma_wait3A_49 = tpu.memref_slice %arg16[%add3A_19, %dma_wait3A_48] : memref<10240x128xf32, #tpu.memory_space<vmem_shared>> -> memref<128x128xf32, #tpu.memory_space<vmem_shared>>
      tpu.wait_dma2 semaphore(%run_scoped3A : memref<!tpu.dma_semaphore, #tpu.memory_space<semaphore_mem>>) src(%arg14 : memref<128x128xf32, #tpu.memory_space<vmem>>) dst(%dma_wait3A_49 : memref<128x128xf32, #tpu.memory_space<vmem_shared>>)
      tpu.yield
    }) : () -> ()
    %add3A_20 = arith.constant 256 : i32
    %add3A_21 = arith.addi %mul3A_15, %add3A_20 : i32
    "tpu.region"() ({
      %run_scoped3A = tpu.sem_alloc : memref<!tpu.dma_semaphore, #tpu.memory_space<semaphore_mem>>
      %dma_start3A = arith.constant 0 : i32
      %dma_start3A_44 = tpu.memref_slice %arg16[%add3A_21, %dma_start3A] : memref<10240x128xf32, #tpu.memory_space<vmem_shared>> -> memref<128x128xf32, #tpu.memory_space<vmem_shared>>
      %dma_start3A_45 = arith.constant 0 : i32
      %dma_start3A_46 = tpu.memref_slice %arg16[%add3A_21, %dma_start3A_45] : memref<10240x128xf32, #tpu.memory_space<vmem_shared>> -> memref<128x128xf32, #tpu.memory_space<vmem_shared>>
      tpu.enqueue_dma source(%arg14 : memref<128x128xf32, #tpu.memory_space<vmem>>) target(%dma_start3A_46 : memref<128x128xf32, #tpu.memory_space<vmem_shared>>) target_semaphore(%run_scoped3A : memref<!tpu.dma_semaphore, #tpu.memory_space<semaphore_mem>>)
      %dma_wait3A = arith.constant 0 : i32
      %dma_wait3A_47 = tpu.memref_slice %arg16[%add3A_21, %dma_wait3A] : memref<10240x128xf32, #tpu.memory_space<vmem_shared>> -> memref<128x128xf32, #tpu.memory_space<vmem_shared>>
      %dma_wait3A_48 = arith.constant 0 : i32
      %dma_wait3A_49 = tpu.memref_slice %arg16[%add3A_21, %dma_wait3A_48] : memref<10240x128xf32, #tpu.memory_space<vmem_shared>> -> memref<128x128xf32, #tpu.memory_space<vmem_shared>>
      tpu.wait_dma2 semaphore(%run_scoped3A : memref<!tpu.dma_semaphore, #tpu.memory_space<semaphore_mem>>) src(%arg14 : memref<128x128xf32, #tpu.memory_space<vmem>>) dst(%dma_wait3A_49 : memref<128x128xf32, #tpu.memory_space<vmem_shared>>)
      tpu.yield
    }) : () -> ()
    %add3A_22 = arith.constant 384 : i32
    %add3A_23 = arith.addi %mul3A_15, %add3A_22 : i32
    "tpu.region"() ({
      %run_scoped3A = tpu.sem_alloc : memref<!tpu.dma_semaphore, #tpu.memory_space<semaphore_mem>>
      %dma_start3A = arith.constant 0 : i32
      %dma_start3A_44 = tpu.memref_slice %arg16[%add3A_23, %dma_start3A] : memref<10240x128xf32, #tpu.memory_space<vmem_shared>> -> memref<128x128xf32, #tpu.memory_space<vmem_shared>>
      %dma_start3A_45 = arith.constant 0 : i32
      %dma_start3A_46 = tpu.memref_slice %arg16[%add3A_23, %dma_start3A_45] : memref<10240x128xf32, #tpu.memory_space<vmem_shared>> -> memref<128x128xf32, #tpu.memory_space<vmem_shared>>
      tpu.enqueue_dma source(%arg14 : memref<128x128xf32, #tpu.memory_space<vmem>>) target(%dma_start3A_46 : memref<128x128xf32, #tpu.memory_space<vmem_shared>>) target_semaphore(%run_scoped3A : memref<!tpu.dma_semaphore, #tpu.memory_space<semaphore_mem>>)
      %dma_wait3A = arith.constant 0 : i32
      %dma_wait3A_47 = tpu.memref_slice %arg16[%add3A_23, %dma_wait3A] : memref<10240x128xf32, #tpu.memory_space<vmem_shared>> -> memref<128x128xf32, #tpu.memory_space<vmem_shared>>
      %dma_wait3A_48 = arith.constant 0 : i32
      %dma_wait3A_49 = tpu.memref_slice %arg16[%add3A_23, %dma_wait3A_48] : memref<10240x128xf32, #tpu.memory_space<vmem_shared>> -> memref<128x128xf32, #tpu.memory_space<vmem_shared>>
      tpu.wait_dma2 semaphore(%run_scoped3A : memref<!tpu.dma_semaphore, #tpu.memory_space<semaphore_mem>>) src(%arg14 : memref<128x128xf32, #tpu.memory_space<vmem>>) dst(%dma_wait3A_49 : memref<128x128xf32, #tpu.memory_space<vmem_shared>>)
      tpu.yield
    }) : () -> ()
    %add3A_24 = arith.constant 512 : i32
    %add3A_25 = arith.addi %mul3A_15, %add3A_24 : i32
    "tpu.region"() ({
      %run_scoped3A = tpu.sem_alloc : memref<!tpu.dma_semaphore, #tpu.memory_space<semaphore_mem>>
      %dma_start3A = arith.constant 0 : i32
      %dma_start3A_44 = tpu.memref_slice %arg16[%add3A_25, %dma_start3A] : memref<10240x128xf32, #tpu.memory_space<vmem_shared>> -> memref<128x128xf32, #tpu.memory_space<vmem_shared>>
      %dma_start3A_45 = arith.constant 0 : i32
      %dma_start3A_46 = tpu.memref_slice %arg16[%add3A_25, %dma_start3A_45] : memref<10240x128xf32, #tpu.memory_space<vmem_shared>> -> memref<128x128xf32, #tpu.memory_space<vmem_shared>>
      tpu.enqueue_dma source(%arg14 : memref<128x128xf32, #tpu.memory_space<vmem>>) target(%dma_start3A_46 : memref<128x128xf32, #tpu.memory_space<vmem_shared>>) target_semaphore(%run_scoped3A : memref<!tpu.dma_semaphore, #tpu.memory_space<semaphore_mem>>)
      %dma_wait3A = arith.constant 0 : i32
      %dma_wait3A_47 = tpu.memref_slice %arg16[%add3A_25, %dma_wait3A] : memref<10240x128xf32, #tpu.memory_space<vmem_shared>> -> memref<128x128xf32, #tpu.memory_space<vmem_shared>>
      %dma_wait3A_48 = arith.constant 0 : i32
      %dma_wait3A_49 = tpu.memref_slice %arg16[%add3A_25, %dma_wait3A_48] : memref<10240x128xf32, #tpu.memory_space<vmem_shared>> -> memref<128x128xf32, #tpu.memory_space<vmem_shared>>
      tpu.wait_dma2 semaphore(%run_scoped3A : memref<!tpu.dma_semaphore, #tpu.memory_space<semaphore_mem>>) src(%arg14 : memref<128x128xf32, #tpu.memory_space<vmem>>) dst(%dma_wait3A_49 : memref<128x128xf32, #tpu.memory_space<vmem_shared>>)
      tpu.yield
    }) : () -> ()
    "tpu.region"() ({
      %run_scoped3A = tpu.sem_alloc : memref<!tpu.dma_semaphore, #tpu.memory_space<semaphore_mem>>
      %dma_start3A = tpu.memref_slice %arg17[%mul3A_15] : memref<10240xf32, #tpu.memory_space<vmem_shared>> -> memref<640xf32, #tpu.memory_space<vmem_shared>>
      %dma_start3A_44 = tpu.memref_slice %arg17[%mul3A_15] : memref<10240xf32, #tpu.memory_space<vmem_shared>> -> memref<640xf32, #tpu.memory_space<vmem_shared>>
      tpu.enqueue_dma source(%arg15 : memref<640xf32, #tpu.memory_space<vmem>>) target(%dma_start3A_44 : memref<640xf32, #tpu.memory_space<vmem_shared>>) target_semaphore(%run_scoped3A : memref<!tpu.dma_semaphore, #tpu.memory_space<semaphore_mem>>)
      %dma_wait3A = tpu.memref_slice %arg17[%mul3A_15] : memref<10240xf32, #tpu.memory_space<vmem_shared>> -> memref<640xf32, #tpu.memory_space<vmem_shared>>
      %dma_wait3A_45 = tpu.memref_slice %arg17[%mul3A_15] : memref<10240xf32, #tpu.memory_space<vmem_shared>> -> memref<640xf32, #tpu.memory_space<vmem_shared>>
      tpu.wait_dma2 semaphore(%run_scoped3A : memref<!tpu.dma_semaphore, #tpu.memory_space<semaphore_mem>>) src(%arg15 : memref<640xf32, #tpu.memory_space<vmem>>) dst(%dma_wait3A_45 : memref<640xf32, #tpu.memory_space<vmem_shared>>)
      tpu.yield
    }) : () -> ()
    %barrier3A = arith.constant 0 : index
    tpu.barrier barrier_id(%barrier3A)
    %scan3A_26 = arith.constant 0 : i32
    %scan3A_27 = arith.constant 0 : i32
    %scan3A_28 = arith.constant 79 : i32
    %scan3A_29 = arith.addi %scan3A_27, %scan3A_28 : i32
    %scan3A_30 = arith.constant 1 : i32
    %scan3A_31 = scf.for %scan3A_44 = %scan3A_27 to %scan3A_29 step %scan3A_30 iter_args(%scan3A_45 = %scan3A_26) -> (i32)  : i32 {
      %dma_start3A = arith.constant 0 : i32
      %dma_start3A_46 = tpu.memref_slice %arg9[%scan3A_44, %dma_start3A] : memref<79x128xi32, #tpu.memory_space<vmem>> -> memref<1x128xi32, #tpu.memory_space<vmem>>
      %dma_start3A_47 = tpu.memref_squeeze %dma_start3A_46 : memref<1x128xi32, #tpu.memory_space<vmem>> -> memref<128xi32, #tpu.memory_space<vmem>>
      %dma_start3A_48 = arith.constant 0 : i32
      %dma_start3A_49 = arith.constant 0 : i32
      %dma_start3A_50 = tpu.memref_slice %arg6[%dma_start3A_48, %dma_start3A_49] : memref<10000x128xf32, #tpu.memory_space<hbm>> -> memref<10000x128xf32, #tpu.memory_space<hbm>>
      tpu.enqueue_indirect_dma source(%dma_start3A_50 : memref<10000x128xf32, #tpu.memory_space<hbm>>) target(%arg14 : memref<128x128xf32, #tpu.memory_space<vmem>>) offsets(%dma_start3A_47 : memref<128xi32, #tpu.memory_space<vmem>>) semaphore(%arg18 : memref<!tpu.dma_semaphore, #tpu.memory_space<semaphore_mem>>)
      %dma_start3A_51 = arith.constant 0 : i32
      %dma_start3A_52 = tpu.memref_slice %arg9[%scan3A_44, %dma_start3A_51] : memref<79x128xi32, #tpu.memory_space<vmem>> -> memref<1x128xi32, #tpu.memory_space<vmem>>
      %dma_start3A_53 = tpu.memref_squeeze %dma_start3A_52 : memref<1x128xi32, #tpu.memory_space<vmem>> -> memref<128xi32, #tpu.memory_space<vmem>>
      %dma_start3A_54 = arith.constant 0 : i32
      %dma_start3A_55 = tpu.memref_slice %arg4[%dma_start3A_54] : memref<10000xf32, #tpu.memory_space<hbm>> -> memref<10000xf32, #tpu.memory_space<hbm>>
      tpu.enqueue_indirect_dma source(%dma_start3A_55 : memref<10000xf32, #tpu.memory_space<hbm>>) target(%arg11 : memref<128xf32, #tpu.memory_space<vmem>>) offsets(%dma_start3A_53 : memref<128xi32, #tpu.memory_space<vmem>>) semaphore(%arg19 : memref<!tpu.dma_semaphore, #tpu.memory_space<semaphore_mem>>)
      %dma_start3A_56 = arith.constant 0 : i32
      %dma_start3A_57 = tpu.memref_slice %arg10[%scan3A_44, %dma_start3A_56] : memref<79x128xi32, #tpu.memory_space<vmem>> -> memref<1x128xi32, #tpu.memory_space<vmem>>
      %dma_start3A_58 = tpu.memref_squeeze %dma_start3A_57 : memref<1x128xi32, #tpu.memory_space<vmem>> -> memref<128xi32, #tpu.memory_space<vmem>>
      %dma_start3A_59 = arith.constant 0 : i32
      %dma_start3A_60 = tpu.memref_slice %arg5[%dma_start3A_59] : memref<10240xf32, #tpu.memory_space<hbm>> -> memref<10240xf32, #tpu.memory_space<hbm>>
      tpu.enqueue_indirect_dma source(%dma_start3A_60 : memref<10240xf32, #tpu.memory_space<hbm>>) target(%arg12 : memref<128xf32, #tpu.memory_space<vmem>>) offsets(%dma_start3A_58 : memref<128xi32, #tpu.memory_space<vmem>>) semaphore(%arg20 : memref<!tpu.dma_semaphore, #tpu.memory_space<semaphore_mem>>)
      %dma_wait3A = arith.constant 0 : i32
      %dma_wait3A_61 = tpu.memref_slice %arg9[%scan3A_44, %dma_wait3A] : memref<79x128xi32, #tpu.memory_space<vmem>> -> memref<1x128xi32, #tpu.memory_space<vmem>>
      %dma_wait3A_62 = tpu.memref_squeeze %dma_wait3A_61 : memref<1x128xi32, #tpu.memory_space<vmem>> -> memref<128xi32, #tpu.memory_space<vmem>>
      %dma_wait3A_63 = arith.constant 0 : i32
      %dma_wait3A_64 = tpu.memref_slice %arg4[%dma_wait3A_63] : memref<10000xf32, #tpu.memory_space<hbm>> -> memref<10000xf32, #tpu.memory_space<hbm>>
      tpu.wait_indirect_dma semaphore(%arg19 : memref<!tpu.dma_semaphore, #tpu.memory_space<semaphore_mem>>) src(%dma_wait3A_64 : memref<10000xf32, #tpu.memory_space<hbm>>) dst(%arg11 : memref<128xf32, #tpu.memory_space<vmem>>)
      %dma_wait3A_65 = arith.constant 0 : i32
      %dma_wait3A_66 = tpu.memref_slice %arg10[%scan3A_44, %dma_wait3A_65] : memref<79x128xi32, #tpu.memory_space<vmem>> -> memref<1x128xi32, #tpu.memory_space<vmem>>
      %dma_wait3A_67 = tpu.memref_squeeze %dma_wait3A_66 : memref<1x128xi32, #tpu.memory_space<vmem>> -> memref<128xi32, #tpu.memory_space<vmem>>
      %dma_wait3A_68 = arith.constant 0 : i32
      %dma_wait3A_69 = tpu.memref_slice %arg5[%dma_wait3A_68] : memref<10240xf32, #tpu.memory_space<hbm>> -> memref<10240xf32, #tpu.memory_space<hbm>>
      tpu.wait_indirect_dma semaphore(%arg20 : memref<!tpu.dma_semaphore, #tpu.memory_space<semaphore_mem>>) src(%dma_wait3A_69 : memref<10240xf32, #tpu.memory_space<hbm>>) dst(%arg12 : memref<128xf32, #tpu.memory_space<vmem>>)
      %get3A = arith.constant 0 : index
      %get3A_70 = tpu.vector_load %arg11[%get3A] {strides = array<i32>} : memref<128xf32, #tpu.memory_space<vmem>>, vector<16xf32>,
      %get3A_71 = arith.constant 0 : index
      %get3A_72 = tpu.vector_load %arg12[%get3A_71] {strides = array<i32>} : memref<128xf32, #tpu.memory_space<vmem>>, vector<16xf32>,
      %add3A_73 = arith.addf %get3A_70, %get3A_72 : vector<16xf32>
      %mul3A_74 = arith.constant 2.000000e-01 : f32
      %mul3A_75 = vector.broadcast %mul3A_74 : f32 to vector<16xf32>
      %mul3A_76 = arith.mulf %mul3A_75, %add3A_73 : vector<16xf32>
      %max3A = arith.maximumf %add3A_73, %mul3A_76 : vector<16xf32>
      %exp3A = math.exp %max3A : vector<16xf32>
      %swap3A = arith.constant 0 : index
      %swap3A_77 = tpu.vector_load %arg13[%swap3A] {strides = array<i32>} : memref<128xf32, #tpu.memory_space<vmem>>, vector<16xf32>,
      tpu.vector_store %arg13[%swap3A], %exp3A {strides = array<i32>} : memref<128xf32, #tpu.memory_space<vmem>>, vector<16xf32>,
      %get3A_78 = arith.constant 16 : index
      %get3A_79 = tpu.vector_load %arg11[%get3A_78] {strides = array<i32>} : memref<128xf32, #tpu.memory_space<vmem>>, vector<16xf32>,
      %get3A_80 = arith.constant 16 : index
      %get3A_81 = tpu.vector_load %arg12[%get3A_80] {strides = array<i32>} : memref<128xf32, #tpu.memory_space<vmem>>, vector<16xf32>,
      %add3A_82 = arith.addf %get3A_79, %get3A_81 : vector<16xf32>
      %mul3A_83 = arith.constant 2.000000e-01 : f32
      %mul3A_84 = vector.broadcast %mul3A_83 : f32 to vector<16xf32>
      %mul3A_85 = arith.mulf %mul3A_84, %add3A_82 : vector<16xf32>
      %max3A_86 = arith.maximumf %add3A_82, %mul3A_85 : vector<16xf32>
      %exp3A_87 = math.exp %max3A_86 : vector<16xf32>
      %swap3A_88 = arith.constant 16 : index
      %swap3A_89 = tpu.vector_load %arg13[%swap3A_88] {strides = array<i32>} : memref<128xf32, #tpu.memory_space<vmem>>, vector<16xf32>,
      tpu.vector_store %arg13[%swap3A_88], %exp3A_87 {strides = array<i32>} : memref<128xf32, #tpu.memory_space<vmem>>, vector<16xf32>,
      %get3A_90 = arith.constant 32 : index
      %get3A_91 = tpu.vector_load %arg11[%get3A_90] {strides = array<i32>} : memref<128xf32, #tpu.memory_space<vmem>>, vector<16xf32>,
      %get3A_92 = arith.constant 32 : index
      %get3A_93 = tpu.vector_load %arg12[%get3A_92] {strides = array<i32>} : memref<128xf32, #tpu.memory_space<vmem>>, vector<16xf32>,
      %add3A_94 = arith.addf %get3A_91, %get3A_93 : vector<16xf32>
      %mul3A_95 = arith.constant 2.000000e-01 : f32
      %mul3A_96 = vector.broadcast %mul3A_95 : f32 to vector<16xf32>
      %mul3A_97 = arith.mulf %mul3A_96, %add3A_94 : vector<16xf32>
      %max3A_98 = arith.maximumf %add3A_94, %mul3A_97 : vector<16xf32>
      %exp3A_99 = math.exp %max3A_98 : vector<16xf32>
      %swap3A_100 = arith.constant 32 : index
      %swap3A_101 = tpu.vector_load %arg13[%swap3A_100] {strides = array<i32>} : memref<128xf32, #tpu.memory_space<vmem>>, vector<16xf32>,
      tpu.vector_store %arg13[%swap3A_100], %exp3A_99 {strides = array<i32>} : memref<128xf32, #tpu.memory_space<vmem>>, vector<16xf32>,
      %get3A_102 = arith.constant 48 : index
      %get3A_103 = tpu.vector_load %arg11[%get3A_102] {strides = array<i32>} : memref<128xf32, #tpu.memory_space<vmem>>, vector<16xf32>,
      %get3A_104 = arith.constant 48 : index
      %get3A_105 = tpu.vector_load %arg12[%get3A_104] {strides = array<i32>} : memref<128xf32, #tpu.memory_space<vmem>>, vector<16xf32>,
      %add3A_106 = arith.addf %get3A_103, %get3A_105 : vector<16xf32>
      %mul3A_107 = arith.constant 2.000000e-01 : f32
      %mul3A_108 = vector.broadcast %mul3A_107 : f32 to vector<16xf32>
      %mul3A_109 = arith.mulf %mul3A_108, %add3A_106 : vector<16xf32>
      %max3A_110 = arith.maximumf %add3A_106, %mul3A_109 : vector<16xf32>
      %exp3A_111 = math.exp %max3A_110 : vector<16xf32>
      %swap3A_112 = arith.constant 48 : index
      %swap3A_113 = tpu.vector_load %arg13[%swap3A_112] {strides = array<i32>} : memref<128xf32, #tpu.memory_space<vmem>>, vector<16xf32>,
      tpu.vector_store %arg13[%swap3A_112], %exp3A_111 {strides = array<i32>} : memref<128xf32, #tpu.memory_space<vmem>>, vector<16xf32>,
      %get3A_114 = arith.constant 64 : index
      %get3A_115 = tpu.vector_load %arg11[%get3A_114] {strides = array<i32>} : memref<128xf32, #tpu.memory_space<vmem>>, vector<16xf32>,
      %get3A_116 = arith.constant 64 : index
      %get3A_117 = tpu.vector_load %arg12[%get3A_116] {strides = array<i32>} : memref<128xf32, #tpu.memory_space<vmem>>, vector<16xf32>,
      %add3A_118 = arith.addf %get3A_115, %get3A_117 : vector<16xf32>
      %mul3A_119 = arith.constant 2.000000e-01 : f32
      %mul3A_120 = vector.broadcast %mul3A_119 : f32 to vector<16xf32>
      %mul3A_121 = arith.mulf %mul3A_120, %add3A_118 : vector<16xf32>
      %max3A_122 = arith.maximumf %add3A_118, %mul3A_121 : vector<16xf32>
      %exp3A_123 = math.exp %max3A_122 : vector<16xf32>
      %swap3A_124 = arith.constant 64 : index
      %swap3A_125 = tpu.vector_load %arg13[%swap3A_124] {strides = array<i32>} : memref<128xf32, #tpu.memory_space<vmem>>, vector<16xf32>,
      tpu.vector_store %arg13[%swap3A_124], %exp3A_123 {strides = array<i32>} : memref<128xf32, #tpu.memory_space<vmem>>, vector<16xf32>,
      %get3A_126 = arith.constant 80 : index
      %get3A_127 = tpu.vector_load %arg11[%get3A_126] {strides = array<i32>} : memref<128xf32, #tpu.memory_space<vmem>>, vector<16xf32>,
      %get3A_128 = arith.constant 80 : index
      %get3A_129 = tpu.vector_load %arg12[%get3A_128] {strides = array<i32>} : memref<128xf32, #tpu.memory_space<vmem>>, vector<16xf32>,
      %add3A_130 = arith.addf %get3A_127, %get3A_129 : vector<16xf32>
      %mul3A_131 = arith.constant 2.000000e-01 : f32
      %mul3A_132 = vector.broadcast %mul3A_131 : f32 to vector<16xf32>
      %mul3A_133 = arith.mulf %mul3A_132, %add3A_130 : vector<16xf32>
      %max3A_134 = arith.maximumf %add3A_130, %mul3A_133 : vector<16xf32>
      %exp3A_135 = math.exp %max3A_134 : vector<16xf32>
      %swap3A_136 = arith.constant 80 : index
      %swap3A_137 = tpu.vector_load %arg13[%swap3A_136] {strides = array<i32>} : memref<128xf32, #tpu.memory_space<vmem>>, vector<16xf32>,
      tpu.vector_store %arg13[%swap3A_136], %exp3A_135 {strides = array<i32>} : memref<128xf32, #tpu.memory_space<vmem>>, vector<16xf32>,
      %get3A_138 = arith.constant 96 : index
      %get3A_139 = tpu.vector_load %arg11[%get3A_138] {strides = array<i32>} : memref<128xf32, #tpu.memory_space<vmem>>, vector<16xf32>,
      %get3A_140 = arith.constant 96 : index
      %get3A_141 = tpu.vector_load %arg12[%get3A_140] {strides = array<i32>} : memref<128xf32, #tpu.memory_space<vmem>>, vector<16xf32>,
      %add3A_142 = arith.addf %get3A_139, %get3A_141 : vector<16xf32>
      %mul3A_143 = arith.constant 2.000000e-01 : f32
      %mul3A_144 = vector.broadcast %mul3A_143 : f32 to vector<16xf32>
      %mul3A_145 = arith.mulf %mul3A_144, %add3A_142 : vector<16xf32>
      %max3A_146 = arith.maximumf %add3A_142, %mul3A_145 : vector<16xf32>
      %exp3A_147 = math.exp %max3A_146 : vector<16xf32>
      %swap3A_148 = arith.constant 96 : index
      %swap3A_149 = tpu.vector_load %arg13[%swap3A_148] {strides = array<i32>} : memref<128xf32, #tpu.memory_space<vmem>>, vector<16xf32>,
      tpu.vector_store %arg13[%swap3A_148], %exp3A_147 {strides = array<i32>} : memref<128xf32, #tpu.memory_space<vmem>>, vector<16xf32>,
      %get3A_150 = arith.constant 112 : index
      %get3A_151 = tpu.vector_load %arg11[%get3A_150] {strides = array<i32>} : memref<128xf32, #tpu.memory_space<vmem>>, vector<16xf32>,
      %get3A_152 = arith.constant 112 : index
      %get3A_153 = tpu.vector_load %arg12[%get3A_152] {strides = array<i32>} : memref<128xf32, #tpu.memory_space<vmem>>, vector<16xf32>,
      %add3A_154 = arith.addf %get3A_151, %get3A_153 : vector<16xf32>
      %mul3A_155 = arith.constant 2.000000e-01 : f32
      %mul3A_156 = vector.broadcast %mul3A_155 : f32 to vector<16xf32>
      %mul3A_157 = arith.mulf %mul3A_156, %add3A_154 : vector<16xf32>
      %max3A_158 = arith.maximumf %add3A_154, %mul3A_157 : vector<16xf32>
      %exp3A_159 = math.exp %max3A_158 : vector<16xf32>
      %swap3A_160 = arith.constant 112 : index
      %swap3A_161 = tpu.vector_load %arg13[%swap3A_160] {strides = array<i32>} : memref<128xf32, #tpu.memory_space<vmem>>, vector<16xf32>,
      tpu.vector_store %arg13[%swap3A_160], %exp3A_159 {strides = array<i32>} : memref<128xf32, #tpu.memory_space<vmem>>, vector<16xf32>,
      %dma_wait3A_162 = arith.constant 0 : i32
      %dma_wait3A_163 = tpu.memref_slice %arg9[%scan3A_44, %dma_wait3A_162] : memref<79x128xi32, #tpu.memory_space<vmem>> -> memref<1x128xi32, #tpu.memory_space<vmem>>
      %dma_wait3A_164 = tpu.memref_squeeze %dma_wait3A_163 : memref<1x128xi32, #tpu.memory_space<vmem>> -> memref<128xi32, #tpu.memory_space<vmem>>
      %dma_wait3A_165 = arith.constant 0 : i32
      %dma_wait3A_166 = arith.constant 0 : i32
      %dma_wait3A_167 = tpu.memref_slice %arg6[%dma_wait3A_165, %dma_wait3A_166] : memref<10000x128xf32, #tpu.memory_space<hbm>> -> memref<10000x128xf32, #tpu.memory_space<hbm>>
      tpu.wait_indirect_dma semaphore(%arg18 : memref<!tpu.dma_semaphore, #tpu.memory_space<semaphore_mem>>) src(%dma_wait3A_167 : memref<10000x128xf32, #tpu.memory_space<hbm>>) dst(%arg14 : memref<128x128xf32, #tpu.memory_space<vmem>>)
      %scan3A_168 = arith.constant 0 : i32
      %scan3A_169 = arith.constant 0 : i32
      %scan3A_170 = arith.constant 64 : i32
      %scan3A_171 = arith.addi %scan3A_169, %scan3A_170 : i32
      %scan3A_172 = arith.constant 1 : i32
      %scan3A_173 = scf.for %scan3A_188 = %scan3A_169 to %scan3A_171 step %scan3A_172 iter_args(%scan3A_189 = %scan3A_168) -> (i32)  : i32 {
        %mul3A_190 = arith.constant 2 : i32
        %mul3A_191 = arith.muli %mul3A_190, %scan3A_188 : i32
        %broadcast_in_dim3A = vector.broadcast %mul3A_191 : i32 to vector<16xi32>
        %gather3A = tpu.vector_load_idx %arg13[%broadcast_in_dim3A] : memref<128xf32, #tpu.memory_space<vmem>>[vector<16xi32>], vector<16xf32>,
        %add3A_192 = arith.constant 1 : i32
        %add3A_193 = arith.addi %mul3A_191, %add3A_192 : i32
        %broadcast_in_dim3A_194 = vector.broadcast %add3A_193 : i32 to vector<16xi32>
        %gather3A_195 = tpu.vector_load_idx %arg13[%broadcast_in_dim3A_194] : memref<128xf32, #tpu.memory_space<vmem>>[vector<16xi32>], vector<16xf32>,
        %get3A_196 = arith.index_cast %mul3A_191 : i32 to index
        %get3A_197 = arith.constant 0 : index
        %get3A_198 = tpu.vector_load %arg14[%get3A_196, %get3A_197] {strides = array<i32>} : memref<128x128xf32, #tpu.memory_space<vmem>>, vector<16xf32>,
        %mul3A_199 = arith.mulf %get3A_198, %gather3A : vector<16xf32>
        %swap3A_200 = arith.index_cast %mul3A_191 : i32 to index
        %swap3A_201 = arith.constant 0 : index
        %swap3A_202 = tpu.vector_load %arg14[%swap3A_200, %swap3A_201] {strides = array<i32>} : memref<128x128xf32, #tpu.memory_space<vmem>>, vector<16xf32>,
        tpu.vector_store %arg14[%swap3A_200, %swap3A_201], %mul3A_199 {strides = array<i32>} : memref<128x128xf32, #tpu.memory_space<vmem>>, vector<16xf32>,
        %get3A_203 = arith.index_cast %mul3A_191 : i32 to index
        %get3A_204 = arith.constant 16 : index
        %get3A_205 = tpu.vector_load %arg14[%get3A_203, %get3A_204] {strides = array<i32>} : memref<128x128xf32, #tpu.memory_space<vmem>>, vector<16xf32>,
        %mul3A_206 = arith.mulf %get3A_205, %gather3A : vector<16xf32>
        %swap3A_207 = arith.index_cast %mul3A_191 : i32 to index
        %swap3A_208 = arith.constant 16 : index
        %swap3A_209 = tpu.vector_load %arg14[%swap3A_207, %swap3A_208] {strides = array<i32>} : memref<128x128xf32, #tpu.memory_space<vmem>>, vector<16xf32>,
        tpu.vector_store %arg14[%swap3A_207, %swap3A_208], %mul3A_206 {strides = array<i32>} : memref<128x128xf32, #tpu.memory_space<vmem>>, vector<16xf32>,
        %get3A_210 = arith.index_cast %mul3A_191 : i32 to index
        %get3A_211 = arith.constant 32 : index
        %get3A_212 = tpu.vector_load %arg14[%get3A_210, %get3A_211] {strides = array<i32>} : memref<128x128xf32, #tpu.memory_space<vmem>>, vector<16xf32>,
        %mul3A_213 = arith.mulf %get3A_212, %gather3A : vector<16xf32>
        %swap3A_214 = arith.index_cast %mul3A_191 : i32 to index
        %swap3A_215 = arith.constant 32 : index
        %swap3A_216 = tpu.vector_load %arg14[%swap3A_214, %swap3A_215] {strides = array<i32>} : memref<128x128xf32, #tpu.memory_space<vmem>>, vector<16xf32>,
        tpu.vector_store %arg14[%swap3A_214, %swap3A_215], %mul3A_213 {strides = array<i32>} : memref<128x128xf32, #tpu.memory_space<vmem>>, vector<16xf32>,
        %get3A_217 = arith.index_cast %mul3A_191 : i32 to index
        %get3A_218 = arith.constant 48 : index
        %get3A_219 = tpu.vector_load %arg14[%get3A_217, %get3A_218] {strides = array<i32>} : memref<128x128xf32, #tpu.memory_space<vmem>>, vector<16xf32>,
        %mul3A_220 = arith.mulf %get3A_219, %gather3A : vector<16xf32>
        %swap3A_221 = arith.index_cast %mul3A_191 : i32 to index
        %swap3A_222 = arith.constant 48 : index
        %swap3A_223 = tpu.vector_load %arg14[%swap3A_221, %swap3A_222] {strides = array<i32>} : memref<128x128xf32, #tpu.memory_space<vmem>>, vector<16xf32>,
        tpu.vector_store %arg14[%swap3A_221, %swap3A_222], %mul3A_220 {strides = array<i32>} : memref<128x128xf32, #tpu.memory_space<vmem>>, vector<16xf32>,
        %get3A_224 = arith.index_cast %mul3A_191 : i32 to index
        %get3A_225 = arith.constant 64 : index
        %get3A_226 = tpu.vector_load %arg14[%get3A_224, %get3A_225] {strides = array<i32>} : memref<128x128xf32, #tpu.memory_space<vmem>>, vector<16xf32>,
        %mul3A_227 = arith.mulf %get3A_226, %gather3A : vector<16xf32>
        %swap3A_228 = arith.index_cast %mul3A_191 : i32 to index
        %swap3A_229 = arith.constant 64 : index
        %swap3A_230 = tpu.vector_load %arg14[%swap3A_228, %swap3A_229] {strides = array<i32>} : memref<128x128xf32, #tpu.memory_space<vmem>>, vector<16xf32>,
        tpu.vector_store %arg14[%swap3A_228, %swap3A_229], %mul3A_227 {strides = array<i32>} : memref<128x128xf32, #tpu.memory_space<vmem>>, vector<16xf32>,
        %get3A_231 = arith.index_cast %mul3A_191 : i32 to index
        %get3A_232 = arith.constant 80 : index
        %get3A_233 = tpu.vector_load %arg14[%get3A_231, %get3A_232] {strides = array<i32>} : memref<128x128xf32, #tpu.memory_space<vmem>>, vector<16xf32>,
        %mul3A_234 = arith.mulf %get3A_233, %gather3A : vector<16xf32>
        %swap3A_235 = arith.index_cast %mul3A_191 : i32 to index
        %swap3A_236 = arith.constant 80 : index
        %swap3A_237 = tpu.vector_load %arg14[%swap3A_235, %swap3A_236] {strides = array<i32>} : memref<128x128xf32, #tpu.memory_space<vmem>>, vector<16xf32>,
        tpu.vector_store %arg14[%swap3A_235, %swap3A_236], %mul3A_234 {strides = array<i32>} : memref<128x128xf32, #tpu.memory_space<vmem>>, vector<16xf32>,
        %get3A_238 = arith.index_cast %mul3A_191 : i32 to index
        %get3A_239 = arith.constant 96 : index
        %get3A_240 = tpu.vector_load %arg14[%get3A_238, %get3A_239] {strides = array<i32>} : memref<128x128xf32, #tpu.memory_space<vmem>>, vector<16xf32>,
        %mul3A_241 = arith.mulf %get3A_240, %gather3A : vector<16xf32>
        %swap3A_242 = arith.index_cast %mul3A_191 : i32 to index
        %swap3A_243 = arith.constant 96 : index
        %swap3A_244 = tpu.vector_load %arg14[%swap3A_242, %swap3A_243] {strides = array<i32>} : memref<128x128xf32, #tpu.memory_space<vmem>>, vector<16xf32>,
        tpu.vector_store %arg14[%swap3A_242, %swap3A_243], %mul3A_241 {strides = array<i32>} : memref<128x128xf32, #tpu.memory_space<vmem>>, vector<16xf32>,
        %get3A_245 = arith.index_cast %mul3A_191 : i32 to index
        %get3A_246 = arith.constant 112 : index
        %get3A_247 = tpu.vector_load %arg14[%get3A_245, %get3A_246] {strides = array<i32>} : memref<128x128xf32, #tpu.memory_space<vmem>>, vector<16xf32>,
        %mul3A_248 = arith.mulf %get3A_247, %gather3A : vector<16xf32>
        %swap3A_249 = arith.index_cast %mul3A_191 : i32 to index
        %swap3A_250 = arith.constant 112 : index
        %swap3A_251 = tpu.vector_load %arg14[%swap3A_249, %swap3A_250] {strides = array<i32>} : memref<128x128xf32, #tpu.memory_space<vmem>>, vector<16xf32>,
        tpu.vector_store %arg14[%swap3A_249, %swap3A_250], %mul3A_248 {strides = array<i32>} : memref<128x128xf32, #tpu.memory_space<vmem>>, vector<16xf32>,
        %add3A_252 = arith.constant 1 : i32
        %add3A_253 = arith.addi %mul3A_191, %add3A_252 : i32
        %get3A_254 = arith.index_cast %add3A_253 : i32 to index
        %get3A_255 = arith.constant 0 : index
        %get3A_256 = tpu.vector_load %arg14[%get3A_254, %get3A_255] {strides = array<i32>} : memref<128x128xf32, #tpu.memory_space<vmem>>, vector<16xf32>,
        %mul3A_257 = arith.mulf %get3A_256, %gather3A_195 : vector<16xf32>
        %add3A_258 = arith.constant 1 : i32
        %add3A_259 = arith.addi %mul3A_191, %add3A_258 : i32
        %swap3A_260 = arith.index_cast %add3A_259 : i32 to index
        %swap3A_261 = arith.constant 0 : index
        %swap3A_262 = tpu.vector_load %arg14[%swap3A_260, %swap3A_261] {strides = array<i32>} : memref<128x128xf32, #tpu.memory_space<vmem>>, vector<16xf32>,
        tpu.vector_store %arg14[%swap3A_260, %swap3A_261], %mul3A_257 {strides = array<i32>} : memref<128x128xf32, #tpu.memory_space<vmem>>, vector<16xf32>,
        %add3A_263 = arith.constant 1 : i32
        %add3A_264 = arith.addi %mul3A_191, %add3A_263 : i32
        %get3A_265 = arith.index_cast %add3A_264 : i32 to index
        %get3A_266 = arith.constant 16 : index
        %get3A_267 = tpu.vector_load %arg14[%get3A_265, %get3A_266] {strides = array<i32>} : memref<128x128xf32, #tpu.memory_space<vmem>>, vector<16xf32>,
        %mul3A_268 = arith.mulf %get3A_267, %gather3A_195 : vector<16xf32>
        %add3A_269 = arith.constant 1 : i32
        %add3A_270 = arith.addi %mul3A_191, %add3A_269 : i32
        %swap3A_271 = arith.index_cast %add3A_270 : i32 to index
        %swap3A_272 = arith.constant 16 : index
        %swap3A_273 = tpu.vector_load %arg14[%swap3A_271, %swap3A_272] {strides = array<i32>} : memref<128x128xf32, #tpu.memory_space<vmem>>, vector<16xf32>,
        tpu.vector_store %arg14[%swap3A_271, %swap3A_272], %mul3A_268 {strides = array<i32>} : memref<128x128xf32, #tpu.memory_space<vmem>>, vector<16xf32>,
        %add3A_274 = arith.constant 1 : i32
        %add3A_275 = arith.addi %mul3A_191, %add3A_274 : i32
        %get3A_276 = arith.index_cast %add3A_275 : i32 to index
        %get3A_277 = arith.constant 32 : index
        %get3A_278 = tpu.vector_load %arg14[%get3A_276, %get3A_277] {strides = array<i32>} : memref<128x128xf32, #tpu.memory_space<vmem>>, vector<16xf32>,
        %mul3A_279 = arith.mulf %get3A_278, %gather3A_195 : vector<16xf32>
        %add3A_280 = arith.constant 1 : i32
        %add3A_281 = arith.addi %mul3A_191, %add3A_280 : i32
        %swap3A_282 = arith.index_cast %add3A_281 : i32 to index
        %swap3A_283 = arith.constant 32 : index
        %swap3A_284 = tpu.vector_load %arg14[%swap3A_282, %swap3A_283] {strides = array<i32>} : memref<128x128xf32, #tpu.memory_space<vmem>>, vector<16xf32>,
        tpu.vector_store %arg14[%swap3A_282, %swap3A_283], %mul3A_279 {strides = array<i32>} : memref<128x128xf32, #tpu.memory_space<vmem>>, vector<16xf32>,
        %add3A_285 = arith.constant 1 : i32
        %add3A_286 = arith.addi %mul3A_191, %add3A_285 : i32
        %get3A_287 = arith.index_cast %add3A_286 : i32 to index
        %get3A_288 = arith.constant 48 : index
        %get3A_289 = tpu.vector_load %arg14[%get3A_287, %get3A_288] {strides = array<i32>} : memref<128x128xf32, #tpu.memory_space<vmem>>, vector<16xf32>,
        %mul3A_290 = arith.mulf %get3A_289, %gather3A_195 : vector<16xf32>
        %add3A_291 = arith.constant 1 : i32
        %add3A_292 = arith.addi %mul3A_191, %add3A_291 : i32
        %swap3A_293 = arith.index_cast %add3A_292 : i32 to index
        %swap3A_294 = arith.constant 48 : index
        %swap3A_295 = tpu.vector_load %arg14[%swap3A_293, %swap3A_294] {strides = array<i32>} : memref<128x128xf32, #tpu.memory_space<vmem>>, vector<16xf32>,
        tpu.vector_store %arg14[%swap3A_293, %swap3A_294], %mul3A_290 {strides = array<i32>} : memref<128x128xf32, #tpu.memory_space<vmem>>, vector<16xf32>,
        %add3A_296 = arith.constant 1 : i32
        %add3A_297 = arith.addi %mul3A_191, %add3A_296 : i32
        %get3A_298 = arith.index_cast %add3A_297 : i32 to index
        %get3A_299 = arith.constant 64 : index
        %get3A_300 = tpu.vector_load %arg14[%get3A_298, %get3A_299] {strides = array<i32>} : memref<128x128xf32, #tpu.memory_space<vmem>>, vector<16xf32>,
        %mul3A_301 = arith.mulf %get3A_300, %gather3A_195 : vector<16xf32>
        %add3A_302 = arith.constant 1 : i32
        %add3A_303 = arith.addi %mul3A_191, %add3A_302 : i32
        %swap3A_304 = arith.index_cast %add3A_303 : i32 to index
        %swap3A_305 = arith.constant 64 : index
        %swap3A_306 = tpu.vector_load %arg14[%swap3A_304, %swap3A_305] {strides = array<i32>} : memref<128x128xf32, #tpu.memory_space<vmem>>, vector<16xf32>,
        tpu.vector_store %arg14[%swap3A_304, %swap3A_305], %mul3A_301 {strides = array<i32>} : memref<128x128xf32, #tpu.memory_space<vmem>>, vector<16xf32>,
        %add3A_307 = arith.constant 1 : i32
        %add3A_308 = arith.addi %mul3A_191, %add3A_307 : i32
        %get3A_309 = arith.index_cast %add3A_308 : i32 to index
        %get3A_310 = arith.constant 80 : index
        %get3A_311 = tpu.vector_load %arg14[%get3A_309, %get3A_310] {strides = array<i32>} : memref<128x128xf32, #tpu.memory_space<vmem>>, vector<16xf32>,
        %mul3A_312 = arith.mulf %get3A_311, %gather3A_195 : vector<16xf32>
        %add3A_313 = arith.constant 1 : i32
        %add3A_314 = arith.addi %mul3A_191, %add3A_313 : i32
        %swap3A_315 = arith.index_cast %add3A_314 : i32 to index
        %swap3A_316 = arith.constant 80 : index
        %swap3A_317 = tpu.vector_load %arg14[%swap3A_315, %swap3A_316] {strides = array<i32>} : memref<128x128xf32, #tpu.memory_space<vmem>>, vector<16xf32>,
        tpu.vector_store %arg14[%swap3A_315, %swap3A_316], %mul3A_312 {strides = array<i32>} : memref<128x128xf32, #tpu.memory_space<vmem>>, vector<16xf32>,
        %add3A_318 = arith.constant 1 : i32
        %add3A_319 = arith.addi %mul3A_191, %add3A_318 : i32
        %get3A_320 = arith.index_cast %add3A_319 : i32 to index
        %get3A_321 = arith.constant 96 : index
        %get3A_322 = tpu.vector_load %arg14[%get3A_320, %get3A_321] {strides = array<i32>} : memref<128x128xf32, #tpu.memory_space<vmem>>, vector<16xf32>,
        %mul3A_323 = arith.mulf %get3A_322, %gather3A_195 : vector<16xf32>
        %add3A_324 = arith.constant 1 : i32
        %add3A_325 = arith.addi %mul3A_191, %add3A_324 : i32
        %swap3A_326 = arith.index_cast %add3A_325 : i32 to index
        %swap3A_327 = arith.constant 96 : index
        %swap3A_328 = tpu.vector_load %arg14[%swap3A_326, %swap3A_327] {strides = array<i32>} : memref<128x128xf32, #tpu.memory_space<vmem>>, vector<16xf32>,
        tpu.vector_store %arg14[%swap3A_326, %swap3A_327], %mul3A_323 {strides = array<i32>} : memref<128x128xf32, #tpu.memory_space<vmem>>, vector<16xf32>,
        %add3A_329 = arith.constant 1 : i32
        %add3A_330 = arith.addi %mul3A_191, %add3A_329 : i32
        %get3A_331 = arith.index_cast %add3A_330 : i32 to index
        %get3A_332 = arith.constant 112 : index
        %get3A_333 = tpu.vector_load %arg14[%get3A_331, %get3A_332] {strides = array<i32>} : memref<128x128xf32, #tpu.memory_space<vmem>>, vector<16xf32>,
        %mul3A_334 = arith.mulf %get3A_333, %gather3A_195 : vector<16xf32>
        %add3A_335 = arith.constant 1 : i32
        %add3A_336 = arith.addi %mul3A_191, %add3A_335 : i32
        %swap3A_337 = arith.index_cast %add3A_336 : i32 to index
        %swap3A_338 = arith.constant 112 : index
        %swap3A_339 = tpu.vector_load %arg14[%swap3A_337, %swap3A_338] {strides = array<i32>} : memref<128x128xf32, #tpu.memory_space<vmem>>, vector<16xf32>,
        tpu.vector_store %arg14[%swap3A_337, %swap3A_338], %mul3A_334 {strides = array<i32>} : memref<128x128xf32, #tpu.memory_space<vmem>>, vector<16xf32>,
        %scan3A_340 = arith.constant 0 : i32
        scf.yield %scan3A_340 : i32
      }
      %scan3A_174 = arith.constant 64 : i32
      %dma_start3A_175 = arith.constant 0 : i32
      %dma_start3A_176 = tpu.memref_slice %arg10[%scan3A_44, %dma_start3A_175] : memref<79x128xi32, #tpu.memory_space<vmem>> -> memref<1x128xi32, #tpu.memory_space<vmem>>
      %dma_start3A_177 = tpu.memref_squeeze %dma_start3A_176 : memref<1x128xi32, #tpu.memory_space<vmem>> -> memref<128xi32, #tpu.memory_space<vmem>>
      %dma_start3A_178 = arith.constant 0 : i32
      %dma_start3A_179 = arith.constant 0 : i32
      %dma_start3A_180 = tpu.memref_slice %arg16[%dma_start3A_178, %dma_start3A_179] : memref<10240x128xf32, #tpu.memory_space<vmem_shared>> -> memref<10240x128xf32, #tpu.memory_space<vmem_shared>>
      tpu.enqueue_indirect_dma source(%arg14 : memref<128x128xf32, #tpu.memory_space<vmem>>) target(%dma_start3A_180 : memref<10240x128xf32, #tpu.memory_space<vmem_shared>>) offsets(%dma_start3A_177 : memref<128xi32, #tpu.memory_space<vmem>>) semaphore(%arg18 : memref<!tpu.dma_semaphore, #tpu.memory_space<semaphore_mem>>) {add = true}
      "tpu.region"() ({
        %run_scoped3A = tpu.sem_alloc : memref<!tpu.dma_semaphore, #tpu.memory_space<semaphore_mem>>
        %dma_start3A_188 = arith.constant 0 : i32
        %dma_start3A_189 = tpu.memref_slice %arg10[%scan3A_44, %dma_start3A_188] : memref<79x128xi32, #tpu.memory_space<vmem>> -> memref<1x128xi32, #tpu.memory_space<vmem>>
        %dma_start3A_190 = tpu.memref_squeeze %dma_start3A_189 : memref<1x128xi32, #tpu.memory_space<vmem>> -> memref<128xi32, #tpu.memory_space<vmem>>
        %dma_start3A_191 = arith.constant 0 : i32
        %dma_start3A_192 = tpu.memref_slice %arg17[%dma_start3A_191] : memref<10240xf32, #tpu.memory_space<vmem_shared>> -> memref<10240xf32, #tpu.memory_space<vmem_shared>>
        tpu.enqueue_indirect_dma source(%arg13 : memref<128xf32, #tpu.memory_space<vmem>>) target(%dma_start3A_192 : memref<10240xf32, #tpu.memory_space<vmem_shared>>) offsets(%dma_start3A_190 : memref<128xi32, #tpu.memory_space<vmem>>) semaphore(%run_scoped3A : memref<!tpu.dma_semaphore, #tpu.memory_space<semaphore_mem>>) {add = true}
        %dma_wait3A_193 = arith.constant 0 : i32
        %dma_wait3A_194 = tpu.memref_slice %arg10[%scan3A_44, %dma_wait3A_193] : memref<79x128xi32, #tpu.memory_space<vmem>> -> memref<1x128xi32, #tpu.memory_space<vmem>>
        %dma_wait3A_195 = tpu.memref_squeeze %dma_wait3A_194 : memref<1x128xi32, #tpu.memory_space<vmem>> -> memref<128xi32, #tpu.memory_space<vmem>>
        %dma_wait3A_196 = arith.constant 0 : i32
        %dma_wait3A_197 = tpu.memref_slice %arg17[%dma_wait3A_196] : memref<10240xf32, #tpu.memory_space<vmem_shared>> -> memref<10240xf32, #tpu.memory_space<vmem_shared>>
        tpu.wait_indirect_dma semaphore(%run_scoped3A : memref<!tpu.dma_semaphore, #tpu.memory_space<semaphore_mem>>) src(%arg13 : memref<128xf32, #tpu.memory_space<vmem>>) dst(%dma_wait3A_197 : memref<10240xf32, #tpu.memory_space<vmem_shared>>)
        tpu.yield
      }) : () -> ()
      %dma_wait3A_181 = arith.constant 0 : i32
      %dma_wait3A_182 = tpu.memref_slice %arg10[%scan3A_44, %dma_wait3A_181] : memref<79x128xi32, #tpu.memory_space<vmem>> -> memref<1x128xi32, #tpu.memory_space<vmem>>
      %dma_wait3A_183 = tpu.memref_squeeze %dma_wait3A_182 : memref<1x128xi32, #tpu.memory_space<vmem>> -> memref<128xi32, #tpu.memory_space<vmem>>
      %dma_wait3A_184 = arith.constant 0 : i32
      %dma_wait3A_185 = arith.constant 0 : i32
      %dma_wait3A_186 = tpu.memref_slice %arg16[%dma_wait3A_184, %dma_wait3A_185] : memref<10240x128xf32, #tpu.memory_space<vmem_shared>> -> memref<10240x128xf32, #tpu.memory_space<vmem_shared>>
      tpu.wait_indirect_dma semaphore(%arg18 : memref<!tpu.dma_semaphore, #tpu.memory_space<semaphore_mem>>) src(%arg14 : memref<128x128xf32, #tpu.memory_space<vmem>>) dst(%dma_wait3A_186 : memref<10240x128xf32, #tpu.memory_space<vmem_shared>>)
      %scan3A_187 = arith.constant 0 : i32
      scf.yield %scan3A_187 : i32
    }
    %scan3A_32 = arith.constant 79 : i32
    %barrier3A_33 = arith.constant 0 : index
    tpu.barrier barrier_id(%barrier3A_33)
    %add3A_34 = arith.constant 0 : i32
    %add3A_35 = arith.addi %mul3A_15, %add3A_34 : i32
    "tpu.region"() ({
      %run_scoped3A = tpu.sem_alloc : memref<!tpu.dma_semaphore, #tpu.memory_space<semaphore_mem>>
      %dma_start3A = arith.constant 0 : i32
      %dma_start3A_44 = tpu.memref_slice %arg16[%add3A_35, %dma_start3A] : memref<10240x128xf32, #tpu.memory_space<vmem_shared>> -> memref<128x128xf32, #tpu.memory_space<vmem_shared>>
      %dma_start3A_45 = arith.constant 0 : i32
      %dma_start3A_46 = tpu.memref_slice %arg16[%add3A_35, %dma_start3A_45] : memref<10240x128xf32, #tpu.memory_space<vmem_shared>> -> memref<128x128xf32, #tpu.memory_space<vmem_shared>>
      tpu.enqueue_dma source(%dma_start3A_46 : memref<128x128xf32, #tpu.memory_space<vmem_shared>>) target(%arg14 : memref<128x128xf32, #tpu.memory_space<vmem>>) target_semaphore(%run_scoped3A : memref<!tpu.dma_semaphore, #tpu.memory_space<semaphore_mem>>)
      %dma_wait3A = arith.constant 0 : i32
      %dma_wait3A_47 = tpu.memref_slice %arg16[%add3A_35, %dma_wait3A] : memref<10240x128xf32, #tpu.memory_space<vmem_shared>> -> memref<128x128xf32, #tpu.memory_space<vmem_shared>>
      %dma_wait3A_48 = arith.constant 0 : i32
      %dma_wait3A_49 = tpu.memref_slice %arg16[%add3A_35, %dma_wait3A_48] : memref<10240x128xf32, #tpu.memory_space<vmem_shared>> -> memref<128x128xf32, #tpu.memory_space<vmem_shared>>
      tpu.wait_dma2 semaphore(%run_scoped3A : memref<!tpu.dma_semaphore, #tpu.memory_space<semaphore_mem>>) src(%dma_wait3A_49 : memref<128x128xf32, #tpu.memory_space<vmem_shared>>) dst(%arg14 : memref<128x128xf32, #tpu.memory_space<vmem>>)
      tpu.yield
    }) : () -> ()
    "tpu.region"() ({
      %run_scoped3A = tpu.sem_alloc : memref<!tpu.dma_semaphore, #tpu.memory_space<semaphore_mem>>
      %dma_start3A = arith.constant 0 : i32
      %dma_start3A_44 = tpu.memref_slice %arg7[%arg0, %add3A_35, %dma_start3A] : memref<2x10240x128xf32, #tpu.memory_space<hbm>> -> memref<1x128x128xf32, #tpu.memory_space<hbm>>
      %dma_start3A_45 = tpu.memref_squeeze %dma_start3A_44 : memref<1x128x128xf32, #tpu.memory_space<hbm>> -> memref<128x128xf32, #tpu.memory_space<hbm>>
      %dma_start3A_46 = arith.constant 0 : i32
      %dma_start3A_47 = tpu.memref_slice %arg7[%arg0, %add3A_35, %dma_start3A_46] : memref<2x10240x128xf32, #tpu.memory_space<hbm>> -> memref<1x128x128xf32, #tpu.memory_space<hbm>>
      %dma_start3A_48 = tpu.memref_squeeze %dma_start3A_47 : memref<1x128x128xf32, #tpu.memory_space<hbm>> -> memref<128x128xf32, #tpu.memory_space<hbm>>
      tpu.enqueue_dma source(%arg14 : memref<128x128xf32, #tpu.memory_space<vmem>>) target(%dma_start3A_48 : memref<128x128xf32, #tpu.memory_space<hbm>>) target_semaphore(%run_scoped3A : memref<!tpu.dma_semaphore, #tpu.memory_space<semaphore_mem>>)
      %dma_wait3A = arith.constant 0 : i32
      %dma_wait3A_49 = tpu.memref_slice %arg7[%arg0, %add3A_35, %dma_wait3A] : memref<2x10240x128xf32, #tpu.memory_space<hbm>> -> memref<1x128x128xf32, #tpu.memory_space<hbm>>
      %dma_wait3A_50 = tpu.memref_squeeze %dma_wait3A_49 : memref<1x128x128xf32, #tpu.memory_space<hbm>> -> memref<128x128xf32, #tpu.memory_space<hbm>>
      %dma_wait3A_51 = arith.constant 0 : i32
      %dma_wait3A_52 = tpu.memref_slice %arg7[%arg0, %add3A_35, %dma_wait3A_51] : memref<2x10240x128xf32, #tpu.memory_space<hbm>> -> memref<1x128x128xf32, #tpu.memory_space<hbm>>
      %dma_wait3A_53 = tpu.memref_squeeze %dma_wait3A_52 : memref<1x128x128xf32, #tpu.memory_space<hbm>> -> memref<128x128xf32, #tpu.memory_space<hbm>>
      tpu.wait_dma2 semaphore(%run_scoped3A : memref<!tpu.dma_semaphore, #tpu.memory_space<semaphore_mem>>) src(%arg14 : memref<128x128xf32, #tpu.memory_space<vmem>>) dst(%dma_wait3A_53 : memref<128x128xf32, #tpu.memory_space<hbm>>)
      tpu.yield
    }) : () -> ()
    %add3A_36 = arith.constant 128 : i32
    %add3A_37 = arith.addi %mul3A_15, %add3A_36 : i32
    "tpu.region"() ({
      %run_scoped3A = tpu.sem_alloc : memref<!tpu.dma_semaphore, #tpu.memory_space<semaphore_mem>>
      %dma_start3A = arith.constant 0 : i32
      %dma_start3A_44 = tpu.memref_slice %arg16[%add3A_37, %dma_start3A] : memref<10240x128xf32, #tpu.memory_space<vmem_shared>> -> memref<128x128xf32, #tpu.memory_space<vmem_shared>>
      %dma_start3A_45 = arith.constant 0 : i32
      %dma_start3A_46 = tpu.memref_slice %arg16[%add3A_37, %dma_start3A_45] : memref<10240x128xf32, #tpu.memory_space<vmem_shared>> -> memref<128x128xf32, #tpu.memory_space<vmem_shared>>
      tpu.enqueue_dma source(%dma_start3A_46 : memref<128x128xf32, #tpu.memory_space<vmem_shared>>) target(%arg14 : memref<128x128xf32, #tpu.memory_space<vmem>>) target_semaphore(%run_scoped3A : memref<!tpu.dma_semaphore, #tpu.memory_space<semaphore_mem>>)
      %dma_wait3A = arith.constant 0 : i32
      %dma_wait3A_47 = tpu.memref_slice %arg16[%add3A_37, %dma_wait3A] : memref<10240x128xf32, #tpu.memory_space<vmem_shared>> -> memref<128x128xf32, #tpu.memory_space<vmem_shared>>
      %dma_wait3A_48 = arith.constant 0 : i32
      %dma_wait3A_49 = tpu.memref_slice %arg16[%add3A_37, %dma_wait3A_48] : memref<10240x128xf32, #tpu.memory_space<vmem_shared>> -> memref<128x128xf32, #tpu.memory_space<vmem_shared>>
      tpu.wait_dma2 semaphore(%run_scoped3A : memref<!tpu.dma_semaphore, #tpu.memory_space<semaphore_mem>>) src(%dma_wait3A_49 : memref<128x128xf32, #tpu.memory_space<vmem_shared>>) dst(%arg14 : memref<128x128xf32, #tpu.memory_space<vmem>>)
      tpu.yield
    }) : () -> ()
    "tpu.region"() ({
      %run_scoped3A = tpu.sem_alloc : memref<!tpu.dma_semaphore, #tpu.memory_space<semaphore_mem>>
      %dma_start3A = arith.constant 0 : i32
      %dma_start3A_44 = tpu.memref_slice %arg7[%arg0, %add3A_37, %dma_start3A] : memref<2x10240x128xf32, #tpu.memory_space<hbm>> -> memref<1x128x128xf32, #tpu.memory_space<hbm>>
      %dma_start3A_45 = tpu.memref_squeeze %dma_start3A_44 : memref<1x128x128xf32, #tpu.memory_space<hbm>> -> memref<128x128xf32, #tpu.memory_space<hbm>>
      %dma_start3A_46 = arith.constant 0 : i32
      %dma_start3A_47 = tpu.memref_slice %arg7[%arg0, %add3A_37, %dma_start3A_46] : memref<2x10240x128xf32, #tpu.memory_space<hbm>> -> memref<1x128x128xf32, #tpu.memory_space<hbm>>
      %dma_start3A_48 = tpu.memref_squeeze %dma_start3A_47 : memref<1x128x128xf32, #tpu.memory_space<hbm>> -> memref<128x128xf32, #tpu.memory_space<hbm>>
      tpu.enqueue_dma source(%arg14 : memref<128x128xf32, #tpu.memory_space<vmem>>) target(%dma_start3A_48 : memref<128x128xf32, #tpu.memory_space<hbm>>) target_semaphore(%run_scoped3A : memref<!tpu.dma_semaphore, #tpu.memory_space<semaphore_mem>>)
      %dma_wait3A = arith.constant 0 : i32
      %dma_wait3A_49 = tpu.memref_slice %arg7[%arg0, %add3A_37, %dma_wait3A] : memref<2x10240x128xf32, #tpu.memory_space<hbm>> -> memref<1x128x128xf32, #tpu.memory_space<hbm>>
      %dma_wait3A_50 = tpu.memref_squeeze %dma_wait3A_49 : memref<1x128x128xf32, #tpu.memory_space<hbm>> -> memref<128x128xf32, #tpu.memory_space<hbm>>
      %dma_wait3A_51 = arith.constant 0 : i32
      %dma_wait3A_52 = tpu.memref_slice %arg7[%arg0, %add3A_37, %dma_wait3A_51] : memref<2x10240x128xf32, #tpu.memory_space<hbm>> -> memref<1x128x128xf32, #tpu.memory_space<hbm>>
      %dma_wait3A_53 = tpu.memref_squeeze %dma_wait3A_52 : memref<1x128x128xf32, #tpu.memory_space<hbm>> -> memref<128x128xf32, #tpu.memory_space<hbm>>
      tpu.wait_dma2 semaphore(%run_scoped3A : memref<!tpu.dma_semaphore, #tpu.memory_space<semaphore_mem>>) src(%arg14 : memref<128x128xf32, #tpu.memory_space<vmem>>) dst(%dma_wait3A_53 : memref<128x128xf32, #tpu.memory_space<hbm>>)
      tpu.yield
    }) : () -> ()
    %add3A_38 = arith.constant 256 : i32
    %add3A_39 = arith.addi %mul3A_15, %add3A_38 : i32
    "tpu.region"() ({
      %run_scoped3A = tpu.sem_alloc : memref<!tpu.dma_semaphore, #tpu.memory_space<semaphore_mem>>
      %dma_start3A = arith.constant 0 : i32
      %dma_start3A_44 = tpu.memref_slice %arg16[%add3A_39, %dma_start3A] : memref<10240x128xf32, #tpu.memory_space<vmem_shared>> -> memref<128x128xf32, #tpu.memory_space<vmem_shared>>
      %dma_start3A_45 = arith.constant 0 : i32
      %dma_start3A_46 = tpu.memref_slice %arg16[%add3A_39, %dma_start3A_45] : memref<10240x128xf32, #tpu.memory_space<vmem_shared>> -> memref<128x128xf32, #tpu.memory_space<vmem_shared>>
      tpu.enqueue_dma source(%dma_start3A_46 : memref<128x128xf32, #tpu.memory_space<vmem_shared>>) target(%arg14 : memref<128x128xf32, #tpu.memory_space<vmem>>) target_semaphore(%run_scoped3A : memref<!tpu.dma_semaphore, #tpu.memory_space<semaphore_mem>>)
      %dma_wait3A = arith.constant 0 : i32
      %dma_wait3A_47 = tpu.memref_slice %arg16[%add3A_39, %dma_wait3A] : memref<10240x128xf32, #tpu.memory_space<vmem_shared>> -> memref<128x128xf32, #tpu.memory_space<vmem_shared>>
      %dma_wait3A_48 = arith.constant 0 : i32
      %dma_wait3A_49 = tpu.memref_slice %arg16[%add3A_39, %dma_wait3A_48] : memref<10240x128xf32, #tpu.memory_space<vmem_shared>> -> memref<128x128xf32, #tpu.memory_space<vmem_shared>>
      tpu.wait_dma2 semaphore(%run_scoped3A : memref<!tpu.dma_semaphore, #tpu.memory_space<semaphore_mem>>) src(%dma_wait3A_49 : memref<128x128xf32, #tpu.memory_space<vmem_shared>>) dst(%arg14 : memref<128x128xf32, #tpu.memory_space<vmem>>)
      tpu.yield
    }) : () -> ()
    "tpu.region"() ({
      %run_scoped3A = tpu.sem_alloc : memref<!tpu.dma_semaphore, #tpu.memory_space<semaphore_mem>>
      %dma_start3A = arith.constant 0 : i32
      %dma_start3A_44 = tpu.memref_slice %arg7[%arg0, %add3A_39, %dma_start3A] : memref<2x10240x128xf32, #tpu.memory_space<hbm>> -> memref<1x128x128xf32, #tpu.memory_space<hbm>>
      %dma_start3A_45 = tpu.memref_squeeze %dma_start3A_44 : memref<1x128x128xf32, #tpu.memory_space<hbm>> -> memref<128x128xf32, #tpu.memory_space<hbm>>
      %dma_start3A_46 = arith.constant 0 : i32
      %dma_start3A_47 = tpu.memref_slice %arg7[%arg0, %add3A_39, %dma_start3A_46] : memref<2x10240x128xf32, #tpu.memory_space<hbm>> -> memref<1x128x128xf32, #tpu.memory_space<hbm>>
      %dma_start3A_48 = tpu.memref_squeeze %dma_start3A_47 : memref<1x128x128xf32, #tpu.memory_space<hbm>> -> memref<128x128xf32, #tpu.memory_space<hbm>>
      tpu.enqueue_dma source(%arg14 : memref<128x128xf32, #tpu.memory_space<vmem>>) target(%dma_start3A_48 : memref<128x128xf32, #tpu.memory_space<hbm>>) target_semaphore(%run_scoped3A : memref<!tpu.dma_semaphore, #tpu.memory_space<semaphore_mem>>)
      %dma_wait3A = arith.constant 0 : i32
      %dma_wait3A_49 = tpu.memref_slice %arg7[%arg0, %add3A_39, %dma_wait3A] : memref<2x10240x128xf32, #tpu.memory_space<hbm>> -> memref<1x128x128xf32, #tpu.memory_space<hbm>>
      %dma_wait3A_50 = tpu.memref_squeeze %dma_wait3A_49 : memref<1x128x128xf32, #tpu.memory_space<hbm>> -> memref<128x128xf32, #tpu.memory_space<hbm>>
      %dma_wait3A_51 = arith.constant 0 : i32
      %dma_wait3A_52 = tpu.memref_slice %arg7[%arg0, %add3A_39, %dma_wait3A_51] : memref<2x10240x128xf32, #tpu.memory_space<hbm>> -> memref<1x128x128xf32, #tpu.memory_space<hbm>>
      %dma_wait3A_53 = tpu.memref_squeeze %dma_wait3A_52 : memref<1x128x128xf32, #tpu.memory_space<hbm>> -> memref<128x128xf32, #tpu.memory_space<hbm>>
      tpu.wait_dma2 semaphore(%run_scoped3A : memref<!tpu.dma_semaphore, #tpu.memory_space<semaphore_mem>>) src(%arg14 : memref<128x128xf32, #tpu.memory_space<vmem>>) dst(%dma_wait3A_53 : memref<128x128xf32, #tpu.memory_space<hbm>>)
      tpu.yield
    }) : () -> ()
    %add3A_40 = arith.constant 384 : i32
    %add3A_41 = arith.addi %mul3A_15, %add3A_40 : i32
    "tpu.region"() ({
      %run_scoped3A = tpu.sem_alloc : memref<!tpu.dma_semaphore, #tpu.memory_space<semaphore_mem>>
      %dma_start3A = arith.constant 0 : i32
      %dma_start3A_44 = tpu.memref_slice %arg16[%add3A_41, %dma_start3A] : memref<10240x128xf32, #tpu.memory_space<vmem_shared>> -> memref<128x128xf32, #tpu.memory_space<vmem_shared>>
      %dma_start3A_45 = arith.constant 0 : i32
      %dma_start3A_46 = tpu.memref_slice %arg16[%add3A_41, %dma_start3A_45] : memref<10240x128xf32, #tpu.memory_space<vmem_shared>> -> memref<128x128xf32, #tpu.memory_space<vmem_shared>>
      tpu.enqueue_dma source(%dma_start3A_46 : memref<128x128xf32, #tpu.memory_space<vmem_shared>>) target(%arg14 : memref<128x128xf32, #tpu.memory_space<vmem>>) target_semaphore(%run_scoped3A : memref<!tpu.dma_semaphore, #tpu.memory_space<semaphore_mem>>)
      %dma_wait3A = arith.constant 0 : i32
      %dma_wait3A_47 = tpu.memref_slice %arg16[%add3A_41, %dma_wait3A] : memref<10240x128xf32, #tpu.memory_space<vmem_shared>> -> memref<128x128xf32, #tpu.memory_space<vmem_shared>>
      %dma_wait3A_48 = arith.constant 0 : i32
      %dma_wait3A_49 = tpu.memref_slice %arg16[%add3A_41, %dma_wait3A_48] : memref<10240x128xf32, #tpu.memory_space<vmem_shared>> -> memref<128x128xf32, #tpu.memory_space<vmem_shared>>
      tpu.wait_dma2 semaphore(%run_scoped3A : memref<!tpu.dma_semaphore, #tpu.memory_space<semaphore_mem>>) src(%dma_wait3A_49 : memref<128x128xf32, #tpu.memory_space<vmem_shared>>) dst(%arg14 : memref<128x128xf32, #tpu.memory_space<vmem>>)
      tpu.yield
    }) : () -> ()
    "tpu.region"() ({
      %run_scoped3A = tpu.sem_alloc : memref<!tpu.dma_semaphore, #tpu.memory_space<semaphore_mem>>
      %dma_start3A = arith.constant 0 : i32
      %dma_start3A_44 = tpu.memref_slice %arg7[%arg0, %add3A_41, %dma_start3A] : memref<2x10240x128xf32, #tpu.memory_space<hbm>> -> memref<1x128x128xf32, #tpu.memory_space<hbm>>
      %dma_start3A_45 = tpu.memref_squeeze %dma_start3A_44 : memref<1x128x128xf32, #tpu.memory_space<hbm>> -> memref<128x128xf32, #tpu.memory_space<hbm>>
      %dma_start3A_46 = arith.constant 0 : i32
      %dma_start3A_47 = tpu.memref_slice %arg7[%arg0, %add3A_41, %dma_start3A_46] : memref<2x10240x128xf32, #tpu.memory_space<hbm>> -> memref<1x128x128xf32, #tpu.memory_space<hbm>>
      %dma_start3A_48 = tpu.memref_squeeze %dma_start3A_47 : memref<1x128x128xf32, #tpu.memory_space<hbm>> -> memref<128x128xf32, #tpu.memory_space<hbm>>
      tpu.enqueue_dma source(%arg14 : memref<128x128xf32, #tpu.memory_space<vmem>>) target(%dma_start3A_48 : memref<128x128xf32, #tpu.memory_space<hbm>>) target_semaphore(%run_scoped3A : memref<!tpu.dma_semaphore, #tpu.memory_space<semaphore_mem>>)
      %dma_wait3A = arith.constant 0 : i32
      %dma_wait3A_49 = tpu.memref_slice %arg7[%arg0, %add3A_41, %dma_wait3A] : memref<2x10240x128xf32, #tpu.memory_space<hbm>> -> memref<1x128x128xf32, #tpu.memory_space<hbm>>
      %dma_wait3A_50 = tpu.memref_squeeze %dma_wait3A_49 : memref<1x128x128xf32, #tpu.memory_space<hbm>> -> memref<128x128xf32, #tpu.memory_space<hbm>>
      %dma_wait3A_51 = arith.constant 0 : i32
      %dma_wait3A_52 = tpu.memref_slice %arg7[%arg0, %add3A_41, %dma_wait3A_51] : memref<2x10240x128xf32, #tpu.memory_space<hbm>> -> memref<1x128x128xf32, #tpu.memory_space<hbm>>
      %dma_wait3A_53 = tpu.memref_squeeze %dma_wait3A_52 : memref<1x128x128xf32, #tpu.memory_space<hbm>> -> memref<128x128xf32, #tpu.memory_space<hbm>>
      tpu.wait_dma2 semaphore(%run_scoped3A : memref<!tpu.dma_semaphore, #tpu.memory_space<semaphore_mem>>) src(%arg14 : memref<128x128xf32, #tpu.memory_space<vmem>>) dst(%dma_wait3A_53 : memref<128x128xf32, #tpu.memory_space<hbm>>)
      tpu.yield
    }) : () -> ()
    %add3A_42 = arith.constant 512 : i32
    %add3A_43 = arith.addi %mul3A_15, %add3A_42 : i32
    "tpu.region"() ({
      %run_scoped3A = tpu.sem_alloc : memref<!tpu.dma_semaphore, #tpu.memory_space<semaphore_mem>>
      %dma_start3A = arith.constant 0 : i32
      %dma_start3A_44 = tpu.memref_slice %arg16[%add3A_43, %dma_start3A] : memref<10240x128xf32, #tpu.memory_space<vmem_shared>> -> memref<128x128xf32, #tpu.memory_space<vmem_shared>>
      %dma_start3A_45 = arith.constant 0 : i32
      %dma_start3A_46 = tpu.memref_slice %arg16[%add3A_43, %dma_start3A_45] : memref<10240x128xf32, #tpu.memory_space<vmem_shared>> -> memref<128x128xf32, #tpu.memory_space<vmem_shared>>
      tpu.enqueue_dma source(%dma_start3A_46 : memref<128x128xf32, #tpu.memory_space<vmem_shared>>) target(%arg14 : memref<128x128xf32, #tpu.memory_space<vmem>>) target_semaphore(%run_scoped3A : memref<!tpu.dma_semaphore, #tpu.memory_space<semaphore_mem>>)
      %dma_wait3A = arith.constant 0 : i32
      %dma_wait3A_47 = tpu.memref_slice %arg16[%add3A_43, %dma_wait3A] : memref<10240x128xf32, #tpu.memory_space<vmem_shared>> -> memref<128x128xf32, #tpu.memory_space<vmem_shared>>
      %dma_wait3A_48 = arith.constant 0 : i32
      %dma_wait3A_49 = tpu.memref_slice %arg16[%add3A_43, %dma_wait3A_48] : memref<10240x128xf32, #tpu.memory_space<vmem_shared>> -> memref<128x128xf32, #tpu.memory_space<vmem_shared>>
      tpu.wait_dma2 semaphore(%run_scoped3A : memref<!tpu.dma_semaphore, #tpu.memory_space<semaphore_mem>>) src(%dma_wait3A_49 : memref<128x128xf32, #tpu.memory_space<vmem_shared>>) dst(%arg14 : memref<128x128xf32, #tpu.memory_space<vmem>>)
      tpu.yield
    }) : () -> ()
    "tpu.region"() ({
      %run_scoped3A = tpu.sem_alloc : memref<!tpu.dma_semaphore, #tpu.memory_space<semaphore_mem>>
      %dma_start3A = arith.constant 0 : i32
      %dma_start3A_44 = tpu.memref_slice %arg7[%arg0, %add3A_43, %dma_start3A] : memref<2x10240x128xf32, #tpu.memory_space<hbm>> -> memref<1x128x128xf32, #tpu.memory_space<hbm>>
      %dma_start3A_45 = tpu.memref_squeeze %dma_start3A_44 : memref<1x128x128xf32, #tpu.memory_space<hbm>> -> memref<128x128xf32, #tpu.memory_space<hbm>>
      %dma_start3A_46 = arith.constant 0 : i32
      %dma_start3A_47 = tpu.memref_slice %arg7[%arg0, %add3A_43, %dma_start3A_46] : memref<2x10240x128xf32, #tpu.memory_space<hbm>> -> memref<1x128x128xf32, #tpu.memory_space<hbm>>
      %dma_start3A_48 = tpu.memref_squeeze %dma_start3A_47 : memref<1x128x128xf32, #tpu.memory_space<hbm>> -> memref<128x128xf32, #tpu.memory_space<hbm>>
      tpu.enqueue_dma source(%arg14 : memref<128x128xf32, #tpu.memory_space<vmem>>) target(%dma_start3A_48 : memref<128x128xf32, #tpu.memory_space<hbm>>) target_semaphore(%run_scoped3A : memref<!tpu.dma_semaphore, #tpu.memory_space<semaphore_mem>>)
      %dma_wait3A = arith.constant 0 : i32
      %dma_wait3A_49 = tpu.memref_slice %arg7[%arg0, %add3A_43, %dma_wait3A] : memref<2x10240x128xf32, #tpu.memory_space<hbm>> -> memref<1x128x128xf32, #tpu.memory_space<hbm>>
      %dma_wait3A_50 = tpu.memref_squeeze %dma_wait3A_49 : memref<1x128x128xf32, #tpu.memory_space<hbm>> -> memref<128x128xf32, #tpu.memory_space<hbm>>
      %dma_wait3A_51 = arith.constant 0 : i32
      %dma_wait3A_52 = tpu.memref_slice %arg7[%arg0, %add3A_43, %dma_wait3A_51] : memref<2x10240x128xf32, #tpu.memory_space<hbm>> -> memref<1x128x128xf32, #tpu.memory_space<hbm>>
      %dma_wait3A_53 = tpu.memref_squeeze %dma_wait3A_52 : memref<1x128x128xf32, #tpu.memory_space<hbm>> -> memref<128x128xf32, #tpu.memory_space<hbm>>
      tpu.wait_dma2 semaphore(%run_scoped3A : memref<!tpu.dma_semaphore, #tpu.memory_space<semaphore_mem>>) src(%arg14 : memref<128x128xf32, #tpu.memory_space<vmem>>) dst(%dma_wait3A_53 : memref<128x128xf32, #tpu.memory_space<hbm>>)
      tpu.yield
    }) : () -> ()
    "tpu.region"() ({
      %run_scoped3A = tpu.sem_alloc : memref<!tpu.dma_semaphore, #tpu.memory_space<semaphore_mem>>
      %dma_start3A = tpu.memref_slice %arg17[%mul3A_15] : memref<10240xf32, #tpu.memory_space<vmem_shared>> -> memref<640xf32, #tpu.memory_space<vmem_shared>>
      %dma_start3A_44 = tpu.memref_slice %arg17[%mul3A_15] : memref<10240xf32, #tpu.memory_space<vmem_shared>> -> memref<640xf32, #tpu.memory_space<vmem_shared>>
      tpu.enqueue_dma source(%dma_start3A_44 : memref<640xf32, #tpu.memory_space<vmem_shared>>) target(%arg15 : memref<640xf32, #tpu.memory_space<vmem>>) target_semaphore(%run_scoped3A : memref<!tpu.dma_semaphore, #tpu.memory_space<semaphore_mem>>)
      %dma_wait3A = tpu.memref_slice %arg17[%mul3A_15] : memref<10240xf32, #tpu.memory_space<vmem_shared>> -> memref<640xf32, #tpu.memory_space<vmem_shared>>
      %dma_wait3A_45 = tpu.memref_slice %arg17[%mul3A_15] : memref<10240xf32, #tpu.memory_space<vmem_shared>> -> memref<640xf32, #tpu.memory_space<vmem_shared>>
      tpu.wait_dma2 semaphore(%run_scoped3A : memref<!tpu.dma_semaphore, #tpu.memory_space<semaphore_mem>>) src(%dma_wait3A_45 : memref<640xf32, #tpu.memory_space<vmem_shared>>) dst(%arg15 : memref<640xf32, #tpu.memory_space<vmem>>)
      tpu.yield
    }) : () -> ()
    "tpu.region"() ({
      %run_scoped3A = tpu.sem_alloc : memref<!tpu.dma_semaphore, #tpu.memory_space<semaphore_mem>>
      %dma_start3A = tpu.memref_slice %arg8[%arg0, %mul3A_15] : memref<2x10240xf32, #tpu.memory_space<hbm>> -> memref<1x640xf32, #tpu.memory_space<hbm>>
      %dma_start3A_44 = tpu.memref_squeeze %dma_start3A : memref<1x640xf32, #tpu.memory_space<hbm>> -> memref<640xf32, #tpu.memory_space<hbm>>
      %dma_start3A_45 = tpu.memref_slice %arg8[%arg0, %mul3A_15] : memref<2x10240xf32, #tpu.memory_space<hbm>> -> memref<1x640xf32, #tpu.memory_space<hbm>>
      %dma_start3A_46 = tpu.memref_squeeze %dma_start3A_45 : memref<1x640xf32, #tpu.memory_space<hbm>> -> memref<640xf32, #tpu.memory_space<hbm>>
      tpu.enqueue_dma source(%arg15 : memref<640xf32, #tpu.memory_space<vmem>>) target(%dma_start3A_46 : memref<640xf32, #tpu.memory_space<hbm>>) target_semaphore(%run_scoped3A : memref<!tpu.dma_semaphore, #tpu.memory_space<semaphore_mem>>)
      %dma_wait3A = tpu.memref_slice %arg8[%arg0, %mul3A_15] : memref<2x10240xf32, #tpu.memory_space<hbm>> -> memref<1x640xf32, #tpu.memory_space<hbm>>
      %dma_wait3A_47 = tpu.memref_squeeze %dma_wait3A : memref<1x640xf32, #tpu.memory_space<hbm>> -> memref<640xf32, #tpu.memory_space<hbm>>
      %dma_wait3A_48 = tpu.memref_slice %arg8[%arg0, %mul3A_15] : memref<2x10240xf32, #tpu.memory_space<hbm>> -> memref<1x640xf32, #tpu.memory_space<hbm>>
      %dma_wait3A_49 = tpu.memref_squeeze %dma_wait3A_48 : memref<1x640xf32, #tpu.memory_space<hbm>> -> memref<640xf32, #tpu.memory_space<hbm>>
      tpu.wait_dma2 semaphore(%run_scoped3A : memref<!tpu.dma_semaphore, #tpu.memory_space<semaphore_mem>>) src(%arg15 : memref<640xf32, #tpu.memory_space<vmem>>) dst(%dma_wait3A_49 : memref<640xf32, #tpu.memory_space<hbm>>)
      tpu.yield
    }) : () -> ()
    return
  }
}

module attributes {stable_mosaic.version = 14 : i64} {
  func.func @_tc_head_body(%arg0: memref<10000x128xf32, #tpu.memory_space<vmem>>, %arg1: memref<128x128xf32, #tpu.memory_space<vmem>>, %arg2: memref<128x8xf32, #tpu.memory_space<vmem>>, %arg3: memref<10000x128xf32, #tpu.memory_space<vmem>>, %arg4: memref<10000x8xf32, #tpu.memory_space<vmem>>) attributes {dimension_semantics = [], scalar_prefetch = 0 : i64, scratch_operands = 0 : i64, tpu.core_type = #tpu.core_type<tc>} {
    %get3A = arith.constant 0 : index
    %get3A_0 = arith.constant 0 : index
    %get3A_1 = vector.load %arg0[%get3A, %get3A_0] : memref<10000x128xf32, #tpu.memory_space<vmem>>, vector<10000x128xf32>
    %get3A_2 = arith.constant 0 : index
    %get3A_3 = arith.constant 0 : index
    %get3A_4 = vector.load %arg1[%get3A_2, %get3A_3] : memref<128x128xf32, #tpu.memory_space<vmem>>, vector<128x128xf32>
    %dot_general3A = arith.constant dense<0.000000e+00> : vector<10000x128xf32>
    %dot_general3A_5 = tpu.matmul %get3A_1, %get3A_4, %dot_general3A {dimension_numbers = #tpu.dot_dimension_numbers<[1], [0], [0], [1], [0, 0, 1, 1], [], []>, transpose_lhs_hint = false} : vector<10000x128xf32>, vector<128x128xf32>, vector<10000x128xf32> -> vector<10000x128xf32>
    %get3A_6 = arith.constant 0 : index
    %get3A_7 = arith.constant 0 : index
    %get3A_8 = vector.load %arg2[%get3A_6, %get3A_7] : memref<128x8xf32, #tpu.memory_space<vmem>>, vector<128x8xf32>
    %dot_general3A_9 = arith.constant dense<0.000000e+00> : vector<10000x8xf32>
    %dot_general3A_10 = tpu.matmul %dot_general3A_5, %get3A_8, %dot_general3A_9 {dimension_numbers = #tpu.dot_dimension_numbers<[1], [0], [0], [1], [0, 0, 1, 1], [], []>, transpose_lhs_hint = false} : vector<10000x128xf32>, vector<128x8xf32>, vector<10000x8xf32> -> vector<10000x8xf32>
    %swap3A = arith.constant 0 : index
    %swap3A_11 = arith.constant 0 : index
    %swap3A_12 = vector.load %arg4[%swap3A, %swap3A_11] : memref<10000x8xf32, #tpu.memory_space<vmem>>, vector<10000x8xf32>
    tpu.vector_store %arg4[%swap3A, %swap3A_11], %dot_general3A_10 {strides = array<i32>} : memref<10000x8xf32, #tpu.memory_space<vmem>>, vector<10000x8xf32>,
    %swap3A_13 = arith.constant 0 : index
    %swap3A_14 = arith.constant 0 : index
    %swap3A_15 = vector.load %arg3[%swap3A_13, %swap3A_14] : memref<10000x128xf32, #tpu.memory_space<vmem>>, vector<10000x128xf32>
    tpu.vector_store %arg3[%swap3A_13, %swap3A_14], %dot_general3A_5 {strides = array<i32>} : memref<10000x128xf32, #tpu.memory_space<vmem>>, vector<10000x128xf32>,
    return
  }
}

module attributes {stable_mosaic.version = 14 : i64} {
  func.func @_tc_mid_body(%arg0: memref<2x10240x128xf32, #tpu.memory_space<vmem>>, %arg1: memref<2x10240xf32, #tpu.memory_space<vmem>>, %arg2: memref<1x128xf32, #tpu.memory_space<vmem>>, %arg3: memref<128x128xf32, #tpu.memory_space<vmem>>, %arg4: memref<128x8xf32, #tpu.memory_space<vmem>>, %arg5: memref<10000x128xf32, #tpu.memory_space<vmem>>, %arg6: memref<10000x8xf32, #tpu.memory_space<vmem>>) attributes {dimension_semantics = [], scalar_prefetch = 0 : i64, scratch_operands = 0 : i64, tpu.core_type = #tpu.core_type<tc>} {
    %get3A = arith.constant 0 : index
    %get3A_0 = arith.constant 0 : index
    %get3A_1 = arith.constant 0 : index
    %get3A_2 = vector.load %arg0[%get3A, %get3A_0, %get3A_1] : memref<2x10240x128xf32, #tpu.memory_space<vmem>>, vector<1x10000x128xf32>
    %get3A_3 = vector.shape_cast %get3A_2 : vector<1x10000x128xf32> to vector<10000x128xf32>
    %get3A_4 = arith.constant 1 : index
    %get3A_5 = arith.constant 0 : index
    %get3A_6 = arith.constant 0 : index
    %get3A_7 = vector.load %arg0[%get3A_4, %get3A_5, %get3A_6] : memref<2x10240x128xf32, #tpu.memory_space<vmem>>, vector<1x10000x128xf32>
    %get3A_8 = vector.shape_cast %get3A_7 : vector<1x10000x128xf32> to vector<10000x128xf32>
    %add3A = arith.addf %get3A_3, %get3A_8 : vector<10000x128xf32>
    %get3A_9 = arith.constant 0 : index
    %get3A_10 = arith.constant 0 : index
    %get3A_11 = vector.load %arg1[%get3A_9, %get3A_10] : memref<2x10240xf32, #tpu.memory_space<vmem>>, vector<1x10000xf32>
    %get3A_12 = vector.shape_cast %get3A_11 : vector<1x10000xf32> to vector<10000xf32>
    %get3A_13 = arith.constant 1 : index
    %get3A_14 = arith.constant 0 : index
    %get3A_15 = vector.load %arg1[%get3A_13, %get3A_14] : memref<2x10240xf32, #tpu.memory_space<vmem>>, vector<1x10000xf32>
    %get3A_16 = vector.shape_cast %get3A_15 : vector<1x10000xf32> to vector<10000xf32>
    %add3A_17 = arith.addf %get3A_12, %get3A_16 : vector<10000xf32>
    %reshape3A = vector.shape_cast %add3A_17 : vector<10000xf32> to vector<10000x1xf32>
    %add3A_18 = arith.constant 1.000000e-16 : f32
    %add3A_19 = vector.broadcast %add3A_18 : f32 to vector<10000x1xf32>
    %add3A_20 = arith.addf %reshape3A, %add3A_19 : vector<10000x1xf32>
    %div3A = vector.broadcast %add3A_20 : vector<10000x1xf32> to vector<10000x128xf32>
    %div3A_21 = arith.divf %add3A, %div3A : vector<10000x128xf32>
    %get3A_22 = arith.constant 0 : index
    %get3A_23 = arith.constant 0 : index
    %get3A_24 = vector.load %arg2[%get3A_22, %get3A_23] : memref<1x128xf32, #tpu.memory_space<vmem>>, vector<1x128xf32>
    %add3A_25 = vector.broadcast %get3A_24 : vector<1x128xf32> to vector<10000x128xf32>
    %add3A_26 = arith.addf %div3A_21, %add3A_25 : vector<10000x128xf32>
    %max3A = arith.constant 0.000000e+00 : f32
    %max3A_27 = vector.broadcast %max3A : f32 to vector<10000x128xf32>
    %max3A_28 = arith.maximumf %add3A_26, %max3A_27 : vector<10000x128xf32>
    %get3A_29 = arith.constant 0 : index
    %get3A_30 = arith.constant 0 : index
    %get3A_31 = vector.load %arg3[%get3A_29, %get3A_30] : memref<128x128xf32, #tpu.memory_space<vmem>>, vector<128x128xf32>
    %dot_general3A = arith.constant dense<0.000000e+00> : vector<10000x128xf32>
    %dot_general3A_32 = tpu.matmul %max3A_28, %get3A_31, %dot_general3A {dimension_numbers = #tpu.dot_dimension_numbers<[1], [0], [0], [1], [0, 0, 1, 1], [], []>, transpose_lhs_hint = false} : vector<10000x128xf32>, vector<128x128xf32>, vector<10000x128xf32> -> vector<10000x128xf32>
    %get3A_33 = arith.constant 0 : index
    %get3A_34 = arith.constant 0 : index
    %get3A_35 = vector.load %arg4[%get3A_33, %get3A_34] : memref<128x8xf32, #tpu.memory_space<vmem>>, vector<128x8xf32>
    %dot_general3A_36 = arith.constant dense<0.000000e+00> : vector<10000x8xf32>
    %dot_general3A_37 = tpu.matmul %dot_general3A_32, %get3A_35, %dot_general3A_36 {dimension_numbers = #tpu.dot_dimension_numbers<[1], [0], [0], [1], [0, 0, 1, 1], [], []>, transpose_lhs_hint = false} : vector<10000x128xf32>, vector<128x8xf32>, vector<10000x8xf32> -> vector<10000x8xf32>
    %swap3A = arith.constant 0 : index
    %swap3A_38 = arith.constant 0 : index
    %swap3A_39 = vector.load %arg6[%swap3A, %swap3A_38] : memref<10000x8xf32, #tpu.memory_space<vmem>>, vector<10000x8xf32>
    tpu.vector_store %arg6[%swap3A, %swap3A_38], %dot_general3A_37 {strides = array<i32>} : memref<10000x8xf32, #tpu.memory_space<vmem>>, vector<10000x8xf32>,
    %swap3A_40 = arith.constant 0 : index
    %swap3A_41 = arith.constant 0 : index
    %swap3A_42 = vector.load %arg5[%swap3A_40, %swap3A_41] : memref<10000x128xf32, #tpu.memory_space<vmem>>, vector<10000x128xf32>
    tpu.vector_store %arg5[%swap3A_40, %swap3A_41], %dot_general3A_32 {strides = array<i32>} : memref<10000x128xf32, #tpu.memory_space<vmem>>, vector<10000x128xf32>,
    return
  }
}

module attributes {stable_mosaic.version = 14 : i64} {
  func.func @_tc_tail_body(%arg0: memref<2x10240x128xf32, #tpu.memory_space<vmem>>, %arg1: memref<2x10240xf32, #tpu.memory_space<vmem>>, %arg2: memref<1x128xf32, #tpu.memory_space<vmem>>, %arg3: memref<128x512xf32, #tpu.memory_space<vmem>>, %arg4: memref<1x512xf32, #tpu.memory_space<vmem>>, %arg5: memref<512x512xf32, #tpu.memory_space<vmem>>, %arg6: memref<1x512xf32, #tpu.memory_space<vmem>>, %arg7: memref<512x10xf32, #tpu.memory_space<vmem>>, %arg8: memref<1x10xf32, #tpu.memory_space<vmem>>, %arg9: memref<1x10xf32, #tpu.memory_space<vmem>>) attributes {dimension_semantics = [], scalar_prefetch = 0 : i64, scratch_operands = 0 : i64, tpu.core_type = #tpu.core_type<tc>} {
    %get3A = arith.constant 0 : index
    %get3A_0 = arith.constant 0 : index
    %get3A_1 = arith.constant 0 : index
    %get3A_2 = vector.load %arg0[%get3A, %get3A_0, %get3A_1] : memref<2x10240x128xf32, #tpu.memory_space<vmem>>, vector<1x10000x128xf32>
    %get3A_3 = vector.shape_cast %get3A_2 : vector<1x10000x128xf32> to vector<10000x128xf32>
    %get3A_4 = arith.constant 1 : index
    %get3A_5 = arith.constant 0 : index
    %get3A_6 = arith.constant 0 : index
    %get3A_7 = vector.load %arg0[%get3A_4, %get3A_5, %get3A_6] : memref<2x10240x128xf32, #tpu.memory_space<vmem>>, vector<1x10000x128xf32>
    %get3A_8 = vector.shape_cast %get3A_7 : vector<1x10000x128xf32> to vector<10000x128xf32>
    %add3A = arith.addf %get3A_3, %get3A_8 : vector<10000x128xf32>
    %get3A_9 = arith.constant 0 : index
    %get3A_10 = arith.constant 0 : index
    %get3A_11 = vector.load %arg1[%get3A_9, %get3A_10] : memref<2x10240xf32, #tpu.memory_space<vmem>>, vector<1x10000xf32>
    %get3A_12 = vector.shape_cast %get3A_11 : vector<1x10000xf32> to vector<10000xf32>
    %get3A_13 = arith.constant 1 : index
    %get3A_14 = arith.constant 0 : index
    %get3A_15 = vector.load %arg1[%get3A_13, %get3A_14] : memref<2x10240xf32, #tpu.memory_space<vmem>>, vector<1x10000xf32>
    %get3A_16 = vector.shape_cast %get3A_15 : vector<1x10000xf32> to vector<10000xf32>
    %add3A_17 = arith.addf %get3A_12, %get3A_16 : vector<10000xf32>
    %reshape3A = vector.shape_cast %add3A_17 : vector<10000xf32> to vector<10000x1xf32>
    %add3A_18 = arith.constant 1.000000e-16 : f32
    %add3A_19 = vector.broadcast %add3A_18 : f32 to vector<10000x1xf32>
    %add3A_20 = arith.addf %reshape3A, %add3A_19 : vector<10000x1xf32>
    %div3A = vector.broadcast %add3A_20 : vector<10000x1xf32> to vector<10000x128xf32>
    %div3A_21 = arith.divf %add3A, %div3A : vector<10000x128xf32>
    %get3A_22 = arith.constant 0 : index
    %get3A_23 = arith.constant 0 : index
    %get3A_24 = vector.load %arg2[%get3A_22, %get3A_23] : memref<1x128xf32, #tpu.memory_space<vmem>>, vector<1x128xf32>
    %add3A_25 = vector.broadcast %get3A_24 : vector<1x128xf32> to vector<10000x128xf32>
    %add3A_26 = arith.addf %div3A_21, %add3A_25 : vector<10000x128xf32>
    %max3A = arith.constant 0.000000e+00 : f32
    %max3A_27 = vector.broadcast %max3A : f32 to vector<10000x128xf32>
    %max3A_28 = arith.maximumf %add3A_26, %max3A_27 : vector<10000x128xf32>
    %reduce_sum3A = arith.constant dense<0.000000e+00> : vector<128xf32>
    %reduce_sum3A_29 = vector.multi_reduction <add>, %max3A_28, %reduce_sum3A [0] : vector<10000x128xf32> to vector<128xf32>
    %broadcast_in_dim3A = vector.shape_cast %reduce_sum3A_29 : vector<128xf32> to vector<1x128xf32>
    %div3A_30 = arith.constant 1.000000e+04 : f32
    %div3A_31 = vector.broadcast %div3A_30 : f32 to vector<1x128xf32>
    %div3A_32 = arith.divf %broadcast_in_dim3A, %div3A_31 : vector<1x128xf32>
    %get3A_33 = arith.constant 0 : index
    %get3A_34 = arith.constant 0 : index
    %get3A_35 = vector.load %arg3[%get3A_33, %get3A_34] : memref<128x512xf32, #tpu.memory_space<vmem>>, vector<128x512xf32>
    %dot_general3A = arith.constant dense<0.000000e+00> : vector<1x512xf32>
    %dot_general3A_36 = tpu.matmul %div3A_32, %get3A_35, %dot_general3A {dimension_numbers = #tpu.dot_dimension_numbers<[1], [0], [0], [1], [0, 0, 1, 1], [], []>, transpose_lhs_hint = false} : vector<1x128xf32>, vector<128x512xf32>, vector<1x512xf32> -> vector<1x512xf32>
    %get3A_37 = arith.constant 0 : index
    %get3A_38 = arith.constant 0 : index
    %get3A_39 = vector.load %arg4[%get3A_37, %get3A_38] : memref<1x512xf32, #tpu.memory_space<vmem>>, vector<1x512xf32>
    %add3A_40 = arith.addf %dot_general3A_36, %get3A_39 : vector<1x512xf32>
    %max3A_41 = arith.constant 0.000000e+00 : f32
    %max3A_42 = vector.broadcast %max3A_41 : f32 to vector<1x512xf32>
    %max3A_43 = arith.maximumf %add3A_40, %max3A_42 : vector<1x512xf32>
    %get3A_44 = arith.constant 0 : index
    %get3A_45 = arith.constant 0 : index
    %get3A_46 = vector.load %arg5[%get3A_44, %get3A_45] : memref<512x512xf32, #tpu.memory_space<vmem>>, vector<512x512xf32>
    %dot_general3A_47 = arith.constant dense<0.000000e+00> : vector<1x512xf32>
    %dot_general3A_48 = tpu.matmul %max3A_43, %get3A_46, %dot_general3A_47 {dimension_numbers = #tpu.dot_dimension_numbers<[1], [0], [0], [1], [0, 0, 1, 1], [], []>, transpose_lhs_hint = false} : vector<1x512xf32>, vector<512x512xf32>, vector<1x512xf32> -> vector<1x512xf32>
    %get3A_49 = arith.constant 0 : index
    %get3A_50 = arith.constant 0 : index
    %get3A_51 = vector.load %arg6[%get3A_49, %get3A_50] : memref<1x512xf32, #tpu.memory_space<vmem>>, vector<1x512xf32>
    %add3A_52 = arith.addf %dot_general3A_48, %get3A_51 : vector<1x512xf32>
    %max3A_53 = arith.constant 0.000000e+00 : f32
    %max3A_54 = vector.broadcast %max3A_53 : f32 to vector<1x512xf32>
    %max3A_55 = arith.maximumf %add3A_52, %max3A_54 : vector<1x512xf32>
    %get3A_56 = arith.constant 0 : index
    %get3A_57 = arith.constant 0 : index
    %get3A_58 = vector.load %arg7[%get3A_56, %get3A_57] : memref<512x10xf32, #tpu.memory_space<vmem>>, vector<512x10xf32>
    %dot_general3A_59 = arith.constant dense<0.000000e+00> : vector<1x10xf32>
    %dot_general3A_60 = tpu.matmul %max3A_55, %get3A_58, %dot_general3A_59 {dimension_numbers = #tpu.dot_dimension_numbers<[1], [0], [0], [1], [0, 0, 1, 1], [], []>, transpose_lhs_hint = false} : vector<1x512xf32>, vector<512x10xf32>, vector<1x10xf32> -> vector<1x10xf32>
    %get3A_61 = arith.constant 0 : index
    %get3A_62 = arith.constant 0 : index
    %get3A_63 = vector.load %arg8[%get3A_61, %get3A_62] : memref<1x10xf32, #tpu.memory_space<vmem>>, vector<1x10xf32>
    %add3A_64 = arith.addf %dot_general3A_60, %get3A_63 : vector<1x10xf32>
    %swap3A = arith.constant 0 : index
    %swap3A_65 = arith.constant 0 : index
    %swap3A_66 = vector.load %arg9[%swap3A, %swap3A_65] : memref<1x10xf32, #tpu.memory_space<vmem>>, vector<1x10xf32>
    tpu.vector_store %arg9[%swap3A, %swap3A_65], %add3A_64 {strides = array<i32>} : memref<1x10xf32, #tpu.memory_space<vmem>>, vector<1x10xf32>,
    return
  }
}

</mosaic_0001>

<sc_bundles>
// kernel: kernel.12.cloned.1.call-start
scs
__scs_entry_jumppad:
0x0: {  	(pc) =	sbr.rel $0x88, $3  }
0x1: {  	(tag) =	ssettag $0x0;
	lr =	simm.s32 $0x1  }
0x2: {  	[smem:$0x3F8D] =	sst lr;
	_ =	strace $0xD0000000  }
0x3: {  	_ = 	snop  }
0x4: {  	_ = 	snop  }
0x5: {  	_ = 	snop  }
0x6: {  	_ = 	snop  }
0x7: {  	_ = 	snop  }
__scs_overlays_trampoline_lowered:
0x8: {  	[smem:$0x3F9C] =	sst s0  }
0x9: {  	[smem:$0x3F9D] =	sst s1  }
0xa: {  	[smem:$0x3F9E] =	sst s2  }
0xb: {  	[smem:$0x3F9F] =	sst s3  }
0xc: {  	[smem:$0x3FA0] =	sst s4  }
0xd: {  	[smem:$0x3FA1] =	sst s5  }
0xe: {  	[smem:$0x3FA2] =	sst s6  }
0xf: {  	[smem:$0x3FA3] =	sst s7  }
0x10: {  	[smem:$0x3FA4] =	sst s8  }
0x11: {  	[smem:$0x3FA5] =	sst s9;
	s0 =	simm.s32 @!p0 $0x0  }
0x12: {  	s1 =	sld [smem:$0x3F8B];
	s0 =	simm.s32 @p0 $0x1  }
0x13: {  	[smem:$0x3FA6] =	sst s0;
	s0 =	simm.s32 @!p1 $0x0  }
0x14: {  	s2 =	sld [smem:$0x3F8A];
	s0 =	simm.s32 @p1 $0x1  }
0x15: {  	[smem:$0x3FA7] =	sst s0;
	s0 =	simm.s32 @!p2 $0x0  }
0x16: {  	s3 =	sld [smem:$0x3FDB];
	s0 =	simm.s32 @p2 $0x1  }
0x17: {  	s4 =	simm.s32 $0x1BF5;
	[smem:$0x3FA9] =	sst s0  }
0x18: {  	s0 =	sld [smem:$0x3F8C];
	_ =	swait.ge [sflag:s4], $0x0  }
0x19: {  	s7 =	sld [smem:$0x3F8D]  }
0x1a: {  	s8 =	sadd.s32 $0xFFFFE003, lr  }
0x1b: {  	s9 =	sadd.s32 $0xFFFFFEF7, lr;
	s5 =	simm.s32 $0xFFFFFFFF;
	p2 =	slt.u32 s8, $0xFFFFF086  }
0x1c: {  	p1 =	slt.u32 s9, $0xF7A;
	s5 =	simm.s32 @!p2 $0x0  }
0x1d: {  	s5 =	simm.s32 @p1 $0x1;
	p0 =	seq.s32 s7, s2  }
0x1e: {  	s7 =	smul.u32 @!p0 $0xF7A, s2;
	p2 =	seq.s32 @!p0 s5, $0x0  }
0x1f: {  	s9 =	smul.u32 $0xF7A, s1;
	s8 =	simm.s32 @!p0 $0x1BF5;
	p2 =	por !p2, p0  }
0x20: {  	[sflag:s8] =	ssyncset.s32 @!p0 $0xFFFFF086;
	s6 =	sadd.s32 @!p0 s3, s7;
	s7 =	simm.s32 @!p0 $0x108  }
0x21: {  	s3 =	sadd.s32 s3, s9;
	s6 =	sadd.s32 @!p0 $0x88, s6;
	s7 =	simm.s32 @p2 $0x1082  }
0x22: {  	[simem:s7], [sflag:s8] =	dma.local @!p0 [hbm:s6], $0xF7A  }
0x23: {  	s9 =	sor.u32 $0xD0000000, s2;
	s6 =	simm.s32 $0x108;
	_ =	swait.ge @!p0 [sflag:s8], $0x0  }
0x24: {  	s3 =	sadd.s32 $0x88, s3;
	s6 =	simm.s32 @!p1 $0x1082;
	[sflag:s4] =	ssyncset.s32 $0xFFFFF086  }
0x25: {  	[simem:s6], [sflag:s4] =	dma.local [hbm:s3], $0xF7A  }
0x26: {  	[smem:$0x3F8D] =	sst s1;
	(tag) =	ssettag s2;
	_ =	strace s9  }
0x27: {  	s1 =	sld [smem:$0x3F9D]  }
0x28: {  	s2 =	sld [smem:$0x3F9E]  }
0x29: {  	s4 =	sld [smem:$0x3FA0]  }
0x2a: {  	p0 =	seq.s32 s5, $0x0;
	s5 =	sld [smem:$0x3FA1]  }
0x2b: {  	s6 =	sld [smem:$0x3FA2]  }
0x2c: {  	s7 =	sld [smem:$0x3FA3]  }
0x2d: {  	s3 =	simm.s32 $0x108;
	s8 =	sld [smem:$0x3FA4]  }
0x2e: {  	s3 =	simm.s32 @!p0 $0x1082;
	s9 =	sld [smem:$0x3FA5]  }
0x2f: {  	lr =	sadd.s32 s0, s3;
	s0 =	sld [smem:$0x3F9C]  }
0x30: {  	s3 =	sld [smem:$0x3F9F]  }
0x31: {  	[smem:$0x3FA8] =	sst s10  }
0x32: {  	s10 =	sld [smem:$0x3FA6];
	_ =	sdelay $0x3  }
0x33: {  	p0 =	seq.s32 s10, $0x1;
	s10 =	sld [smem:$0x3FA8];
	_ =	sdelay $0x3  }
0x34: {  	[smem:$0x3FA8] =	sst s10  }
0x35: {  	s10 =	sld [smem:$0x3FA7];
	_ =	sdelay $0x3  }
0x36: {  	p1 =	seq.s32 s10, $0x1;
	s10 =	sld [smem:$0x3FA8];
	_ =	sdelay $0x3  }
0x37: {  	[smem:$0x3FA8] =	sst s10  }
0x38: {  	s10 =	sld [smem:$0x3FA9]  }
0x39: {  	_ = 	snop;
	(pc) =	sbr.ind lr, $3  }
0x3a: {  	_ = 	snop  }
0x3b: {  	_ = 	snop  }
0x3c: {  	p2 =	seq.s32 s10, $0x1;
	s10 =	sld [smem:$0x3FA8]  }
0x3d: {  	_ =	shalt  }
0x3e: {  	_ =	shalt  }
0x3f: {  	_ =	shalt  }
0x40: {  	_ =	shalt  }
0x41: {  	_ =	shalt  }
0x42: {  	_ =	shalt  }
0x43: {  	_ =	shalt  }
0x44: {  	_ =	shalt  }
0x45: {  	_ =	shalt  }
0x46: {  	_ =	shalt  }
0x47: {  	_ =	shalt  }
0x48: {  	_ =	shalt  }
0x49: {  	_ =	shalt  }
0x4a: {  	_ =	shalt  }
0x4b: {  	_ =	shalt  }
0x4c: {  	_ =	shalt  }
0x4d: {  	_ =	shalt  }
0x4e: {  	_ =	shalt  }
0x4f: {  	_ =	shalt  }
0x50: {  	_ =	shalt  }
0x51: {  	_ =	shalt  }
0x52: {  	_ =	shalt  }
0x53: {  	_ =	shalt  }
0x54: {  	_ =	shalt  }
0x55: {  	_ =	shalt  }
0x56: {  	_ =	shalt  }
0x57: {  	_ =	shalt  }
0x58: {  	_ =	shalt  }
0x59: {  	_ =	shalt  }
0x5a: {  	_ =	shalt  }
0x5b: {  	_ =	shalt  }
0x5c: {  	_ =	shalt  }
0x5d: {  	_ =	shalt  }
0x5e: {  	_ =	shalt  }
0x5f: {  	_ =	shalt  }
0x60: {  	_ =	shalt  }
0x61: {  	_ =	shalt  }
0x62: {  	_ =	shalt  }
0x63: {  	_ =	shalt  }
0x64: {  	_ =	shalt  }
0x65: {  	_ =	shalt  }
0x66: {  	_ =	shalt  }
0x67: {  	_ =	shalt  }
0x68: {  	_ =	shalt  }
0x69: {  	_ =	shalt  }
0x6a: {  	_ =	shalt  }
0x6b: {  	_ =	shalt  }
0x6c: {  	_ =	shalt  }
0x6d: {  	_ =	shalt  }
0x6e: {  	_ =	shalt  }
0x6f: {  	_ =	shalt  }
0x70: {  	_ =	shalt  }
0x71: {  	_ =	shalt  }
0x72: {  	_ =	shalt  }
0x73: {  	_ =	shalt  }
0x74: {  	_ =	shalt  }
0x75: {  	_ =	shalt  }
0x76: {  	_ =	shalt  }
0x77: {  	_ =	shalt  }
0x78: {  	_ =	shalt  }
0x79: {  	_ =	shalt  }
0x7a: {  	_ =	shalt  }
0x7b: {  	_ =	shalt  }
0x7c: {  	_ =	shalt  }
0x7d: {  	_ =	shalt  }
0x7e: {  	_ =	shalt  }
0x7f: {  	_ =	shalt  }
0x80: {  	_ =	shalt  }
0x81: {  	_ =	shalt  }
0x82: {  	_ =	shalt  }
0x83: {  	_ =	shalt  }
0x84: {  	_ =	shalt  }
0x85: {  	_ =	shalt  }
0x86: {  	_ =	shalt  }
0x87: {  	_ =	shalt  }
.Lfunc_end0:
.L_simem_size_0:
called_computation.1_lowered:
.L_overlay_start_0:
0x88: {  	s2 =	sld [smem:$0x3FD9]  }
0x89: {  	s3 =	sld [smem:$0x3FFE];
	_ =	sdelay $0x1  }
0x8a: {  	s1 =	srdreg.scid  }
0x8b: {  	s0 =	sand.u32 $0x1, s1  }
0x8c: {  	s16 =	sshll.u32 s0, $0xA;
	s2 =	sadd.s32 s3, s2  }
0x8d: {  	s2 =	sadd.s32 s2, s16  }
0x8e: {  	[smem:$0x3FB4] =	sst s2  }
0x8f: {  	_ = 	snop  }
0x90: {  	(tm) =	ssettm $0x1  }
0x91: {  	s17 =	sld [smem:$0x3FFB];
	_ =	sdelay $0x3  }
0x92: {  	_ =	strace s17  }
0x93: {  	s2 =	sld [smem:$0x3FFC];
	_ =	sdelay $0x3  }
0x94: {  	_ =	strace s2  }
0x95: {  	s2 =	sld [smem:$0x3FFD];
	_ =	sdelay $0x3  }
0x96: {  	_ =	strace s2  }
0x97: {  	_ =	strace $0x8FFFFFFF  }
0x98: {  	s18 =	sld [smem:$0x3FDB];
	_ =	sdelay $0x1  }
0x99: {  	s19 =	simm.s32 $_scs_section_size  }
0x9a: {  	s4 =	simm.s32 $_size__tile_overlayer_lowered;
	s5 =	simm.s32 $_tile_overlayer_lowered  }
0x9b: {  	s22 =	simm.s32 $0x1BFF;
	s21 =	sshll.u32 s5, $0x1;
	s2 =	sadd.s32 s19, s18  }
0x9c: {  	s6 =	simm.s32 $0x0;
	s20 =	sshll.u32 s4, $0x1;
	s4 =	sadd.s32 s21, s2  }
0x9d: {  	[timem:s6], [sflag:s22] =	dma.local [hbm:s4], s20  }
0x9e: {  	_ =	swait.ge [sflag:s22], s20  }
0x9f: {  	s3 =	ssub.s32 $0x0, s20;
	[sflag:s22] =	ssyncset.done $0x0  }
0xa0: {  	[sflag:s22] =	ssyncadd.s32 s3;
	_ =	sdelay $0x1  }
0xa1: {  	s23 =	simm.s32 $0x1B8B  }
0xa2: {  	_ =	swait.ge [sflag:s23], $0x1  }
0xa3: {  	[sflag:s23] =	ssyncset.done $0x0  }
0xa4: {  	s25 =	simm.s32 $0x1B8E;
	s24 =	sld [smem:$0x3FFE];
	[sflag:s23] =	ssyncadd.s32 $0xFFFFFFFF  }
0xa5: {  	s26 =	simm.s32 $execute0_lowered;
	[smem:$0x3FD2] =	sst s25  }
0xa6: {  	s4 =	sshll.u32 s26, $0x1;
	_ =	strace $0x80000049;
	[dreg:$0x1] =	wrdreg $0xFFFFFFFF  }
0xa7: {  	s28 =	simm.s32 $_size_execute0_lowered;
	s2 =	sadd.s32 s2, s4;
	[dreg:$0x0] =	wrdreg $0x0  }
0xa8: {  	s4 =	sshll.u32 s28, $0x1;
	[dreg:$0x2] =	wrdreg s2  }
0xa9: {  	[dreg:$0x3] =	wrdreg s4  }
0xaa: {  	[dreg:$0x4] =	wrdreg $0xC0  }
0xab: {  	_ =	task [dreg:s6], $0x5FFFF  }
0xac: {  	[dreg:$0x1] =	wrdreg $0xFFFFFFFF  }
0xad: {  	[dreg:$0x0] =	wrdreg $0x60  }
0xae: {  	[dreg:$0x2] =	wrdreg s24  }
0xaf: {  	[dreg:$0x3] =	wrdreg $0x94000  }
0xb0: {  	[dreg:$0x4] =	wrdreg $0x1D4000  }
0xb1: {  	[dreg:$0x5] =	wrdreg $0x9  }
0xb2: {  	_ =	task.clear_ibuf [dreg:s6], $0x6FFFF;
	_ =	strace $0x90000049  }
0xb3: {  	s29 =	simm.s32 $0x9;
	_ =	strace $0x8000004B  }
0xb4: {  	_ =	swait.ge [sflag:s29], $0x1  }
0xb5: {  	[sflag:s29] =	ssyncadd.s32 $0xFFFFFFFF  }
0xb6: {  	_ =	strace $0x9000004B  }
0xb7: {  	_ =	sfence  }
0xb8: {  	s30 =	sld [smem:$0x0];
	_ =	sdelay $0x2  }
0xb9: {  	s31 =	sshll.u32 s1, $0xD;
	s1 =	sshrl.u32 s1, $0x2  }
0xba: {  	s3 =	sand.u32 $0x4000, s31;
	s1 =	sadd.s32 s1, s30  }
0xbb: {  	s0 =	sor.u32 s3, s0;
	s1 =	sshll.u32 s1, $0x11  }
0xbc: {  	s0 =	sor.u32 s1, s0  }
0xbd: {  	s0 =	sadd.s32 $0x8F2B, s0  }
0xbe: {  	[sflag:s0] =	ssyncadd.remote.s32 $0x1  }
0xbf: {  	_ =	sfence.sel $0xFFFF  }
0xc0: {  	[dreg:$0x0] =	wrdreg $0xFFFFFFFF;
	(pc) =	sbr.abs _section_cstart, $3  }
0xc1: {  	[dreg:$0x1] =	wrdreg $0xFFFFFFFF  }
0xc2: {  	_ =	task.clear_ibuf [dreg:s6], $0x2FFFF;
	_ =	strace $0x9FFFFFFF  }
0xc3: {  	(tm) =	ssettm $0x7FFFFFFF  }
tec
execute0_lowered:
.L_overlay_start_1:
0x0: {  	(tag) =	ssettag $0x1  }
0x1: {  	s0 =	rddreg [dreg:$0x0]  }
0x2: {  	s1 =	srdreg.scid;
	s2 =	rddreg [dreg:$0x1]  }
0x3: {  	s13 =	stileid.u32;
	s3 =	rddreg [dreg:$0x2]  }
0x4: {  	s28 =	simm.s32 $0x80;
	s29 =	simm.s32 $0x5000;
	s30 =	simm.s32 $0x5080  }
0x5: {  	s31 =	simm.s32 $0x2;
	s1 =	sand.u32 $0x1, s1;
	s9 =	smul.u32 $0x500, s13  }
0x6: {  	s4 =	sshll.u32 s13, $0x1;
	s6 =	sadd.s32 $0x2A000, s0;
	s15 =	smul.u32 $0x280, s13  }
0x7: {  	s7 =	sadd.s32 $0x2800, s0;
	s16 =	sadd.s32 $0x3E600, s0;
	s12 =	smul.u32 $0x50000, s13  }
0x8: {  	s19 =	smul.u32 $0x14000, s13;
	s5 =	sor.u32 s1, s4;
	s4 =	simm.s32 $0x0  }
0x9: {  	s10 =	sshll.u32 s1, $0x7;
	s25 =	ssub.s32 $0x2, s1;
	s1 =	smul.u32 $0x140000, s1  }
0xa: {  	s5 =	smul.u32 $0x500, s5;
	[smem:$0x7FF] =	sst s4;
	s9 =	sor.u32 s10, s9  }
0xb: {  	s11 =	sshrl.u32 s25, $0x1;
	s21 =	sshrl.u32 s12, $0x2;
	s14 =	sshll.u32 s15, $0x7  }
0xc: {  	s15 =	sadd.s32 s15, s3;
	_ =	strace $0x8000004A;
	s9 =	sshrl.u32 s9, $0x3  }
0xd: {  	s26 =	ssub.s32 s25, s11;
	s10 =	sadd.s32 s21, s2;
	s22 =	sadd.s32 $0x4000, s14  }
0xe: {  	s17 =	sadd.s32 $0x8000, s14;
	s18 =	sadd.s32 $0xC000, s14;
	s19 =	sadd.s32 s19, s1  }
0xf: {  	s8 =	sadd.s32 s5, s0;
	s5 =	sadd.s32 $0x29A00, s0;
	s0 =	sadd.s32 s9, s0  }
0x10: {  	s11 =	sadd.s32 s22, s2;
	s12 =	sadd.s32 s17, s2;
	s13 =	sadd.s32 s18, s2  }
0x11: {  	s19 =	sshrl.u32 s19, $0x3;
	s23 =	sadd.s32 s1, s17;
	s24 =	sadd.s32 s1, s18  }
0x12: {  	s26 =	smax.u32 s26, $0x1;
	s20 =	sadd.s32 $0x34600, s8;
	s8 =	sadd.s32 $0x2A600, s8  }
0x13: {  	s19 =	sadd.s32 s16, s19;
	s17 =	sshrl.u32 s24, $0x3;
	[dreg:$0xc] =	wrdreg s26  }
0x14: {  	s0 =	sadd.s32 $0x8E600, s0;
	s26 =	simm.s32 $0x9180;
	[dreg:$0x4] =	wrdreg s20  }
0x15: {  	s24 =	simm.s32 $0x5100;
	[dreg:$0x5] =	wrdreg s8;
	s20 =	sadd.s32 $0x10000, s14  }
0x16: {  	s8 =	sadd.s32 s1, s22;
	[dreg:$0x6] =	wrdreg s19;
	s25 =	sadd.s32 s16, s17  }
0x17: {  	[dreg:$0xb] =	wrdreg s0;
	s0 =	simm.s32 $0x1;
	s14 =	sadd.s32 s20, s2  }
0x18: {  	s8 =	sshrl.u32 s8, $0x3;
	s1 =	sadd.s32 s1, s20;
	[dreg:$0x9] =	wrdreg s25  }
0x19: {  	s25 =	simm.s32 $0x5180;
	s8 =	sadd.s32 s16, s8;
	s1 =	sshrl.u32 s1, $0x3  }
0x1a: {  	[dreg:$0x7] =	wrdreg s8;
	s8 =	sshrl.u32 s23, $0x3;
	s1 =	sadd.s32 s16, s1  }
0x1b: {  	s23 =	simm.s32 $0x4;
	s8 =	sadd.s32 s16, s8;
	[dreg:$0xa] =	wrdreg s1  }
0x1c: {  	v0 =	vimm.f32 $0.0e+00;
	s1 =	simm.s32 $0x3;
	[dreg:$0x8] =	wrdreg s8;
	s8 =	simm.s32 $0x0  }
.LBB2_1:
0x1d: {  	s9 =	rddreg [dreg:$0x4]  }
0x1e: {  	[tilespmem:s4], [sflag:$0x4] =	stream.linear.gather [hbm4b:s9+s4], $0x2780, $0x38;
	[tilespmem:$0x1D680] =	vst v63  }
0x1f: {  	_ =	swait.ge [sflag:s23], $0x2780  }
0x20: {  	[sflag:s23] =	ssyncset.done $0x0  }
0x21: {  	s16 =	simm.s32 $0x2800;
	s22 =	rddreg [dreg:$0x5];
	[sflag:s23] =	ssyncadd.s32 $0xFFFFD880  }
0x22: {  	[tilespmem:s16], [sflag:$0x4] =	stream.linear.gather [hbm4b:s22+s4], $0x2780, $0x38;
	[tilespmem:$0x1D680] =	vst v63  }
0x23: {  	_ =	swait.ge [sflag:s23], $0x2780  }
0x24: {  	[sflag:s23] =	ssyncset.done $0x0  }
0x25: {  	[sflag:s23] =	ssyncadd.s32 $0xFFFFD880  }
0x26: {  	[tilespmem:$0x9180] =	vst v0  }
0x27: {  	[tilespmem:$0x9190] =	vst v0  }
0x28: {  	[tilespmem:$0x91A0] =	vst v0  }
0x29: {  	[tilespmem:$0x91B0] =	vst v0  }
0x2a: {  	[tilespmem:$0x91C0] =	vst v0  }
0x2b: {  	[tilespmem:$0x91D0] =	vst v0  }
0x2c: {  	[tilespmem:$0x91E0] =	vst v0  }
0x2d: {  	[tilespmem:$0x91F0] =	vst v0  }
0x2e: {  	[tilespmem:$0x9200] =	vst v0  }
0x2f: {  	[tilespmem:$0x9210] =	vst v0  }
0x30: {  	[tilespmem:$0x9220] =	vst v0  }
0x31: {  	[tilespmem:$0x9230] =	vst v0  }
0x32: {  	[tilespmem:$0x9240] =	vst v0  }
0x33: {  	[tilespmem:$0x9250] =	vst v0  }
0x34: {  	[tilespmem:$0x9260] =	vst v0  }
0x35: {  	[tilespmem:$0x9270] =	vst v0  }
0x36: {  	[tilespmem:$0x9280] =	vst v0  }
0x37: {  	[tilespmem:$0x9290] =	vst v0  }
0x38: {  	[tilespmem:$0x92A0] =	vst v0  }
0x39: {  	[tilespmem:$0x92B0] =	vst v0  }
0x3a: {  	[tilespmem:$0x92C0] =	vst v0  }
0x3b: {  	[tilespmem:$0x92D0] =	vst v0  }
0x3c: {  	[tilespmem:$0x92E0] =	vst v0  }
0x3d: {  	[tilespmem:$0x92F0] =	vst v0  }
0x3e: {  	[tilespmem:$0x9300] =	vst v0  }
0x3f: {  	[tilespmem:$0x9310] =	vst v0  }
0x40: {  	[tilespmem:$0x9320] =	vst v0  }
0x41: {  	[tilespmem:$0x9330] =	vst v0  }
0x42: {  	[tilespmem:$0x9340] =	vst v0  }
0x43: {  	[tilespmem:$0x9350] =	vst v0  }
0x44: {  	[tilespmem:$0x9360] =	vst v0  }
0x45: {  	[tilespmem:$0x9370] =	vst v0  }
0x46: {  	[tilespmem:$0x9380] =	vst v0  }
0x47: {  	[tilespmem:$0x9390] =	vst v0  }
0x48: {  	[tilespmem:$0x93A0] =	vst v0  }
0x49: {  	[tilespmem:$0x93B0] =	vst v0  }
0x4a: {  	[tilespmem:$0x93C0] =	vst v0  }
0x4b: {  	[tilespmem:$0x93D0] =	vst v0  }
0x4c: {  	[tilespmem:$0x93E0] =	vst v0  }
0x4d: {  	s9 =	simm.s32 $0x0;
	s16 =	simm.s32 $0x200;
	[tilespmem:$0x93F0] =	vst v0  }
.LBB2_2:
0x4e: {  	p0 =	sne.s32 s16, $0xFE00;
	[tilespmem:s9+$0x51F0] =	vst v0  }
0x4f: {  	[tilespmem:s9+$0x5180] =	vst v0  }
0x50: {  	[tilespmem:s9+$0x5190] =	vst v0  }
.Ltmp0:
0x51: {  	[tilespmem:s9+$0x51A0] =	vst v0;
	(pc) =	sbr.rel @p0 .LBB2_2-.Ltmp0, $4  }
0x52: {  	[tilespmem:s9+$0x51B0] =	vst v0  }
0x53: {  	[tilespmem:s9+$0x51C0] =	vst v0  }
0x54: {  	[tilespmem:s9+$0x51D0] =	vst v0  }
0x55: {  	[tilespmem:s9+$0x51E0] =	vst v0;
	s9 =	sshra.s32 s16, $0x2;
	s16 =	sadd.s32 $0x200, s16  }
0x56: {  	[tilespmem:s9+$0x51F0] =	vst v0  }
0x57: {  	[tilespmem:s9+$0x5180] =	vst v0  }
0x58: {  	[tilespmem:s9+$0x5190] =	vst v0  }
0x59: {  	[tilespmem:s9+$0x51A0] =	vst v0  }
0x5a: {  	[tilespmem:s9+$0x51B0] =	vst v0  }
0x5b: {  	[tilespmem:s9+$0x51C0] =	vst v0  }
0x5c: {  	[tilespmem:s9+$0x51D0] =	vst v0  }
0x5d: {  	[tilespmem:s9+$0x51E0] =	vst v0  }
0x5e: {  	[spmem:s10] =	stream.linear.scatter [tilespmem:s25], [sflag:$0x4], $0x4000, $0x38;
	[tilespmem:$0x1D680] =	vst v63  }
0x5f: {  	_ =	swait.ge [sflag:s23], $0x4000  }
0x60: {  	[sflag:s23] =	ssyncset.done $0x0  }
0x61: {  	[sflag:s23] =	ssyncadd.s32 $0xFFFFC000  }
0x62: {  	[spmem:s11] =	stream.linear.scatter [tilespmem:s25], [sflag:$0x4], $0x4000, $0x38;
	[tilespmem:$0x1D680] =	vst v63  }
0x63: {  	_ =	swait.ge [sflag:s23], $0x4000  }
0x64: {  	[sflag:s23] =	ssyncset.done $0x0  }
0x65: {  	[sflag:s23] =	ssyncadd.s32 $0xFFFFC000  }
0x66: {  	[spmem:s12] =	stream.linear.scatter [tilespmem:s25], [sflag:$0x4], $0x4000, $0x38;
	[tilespmem:$0x1D680] =	vst v63  }
0x67: {  	_ =	swait.ge [sflag:s23], $0x4000  }
0x68: {  	[sflag:s23] =	ssyncset.done $0x0  }
0x69: {  	[sflag:s23] =	ssyncadd.s32 $0xFFFFC000  }
0x6a: {  	[spmem:s13] =	stream.linear.scatter [tilespmem:s25], [sflag:$0x4], $0x4000, $0x38;
	[tilespmem:$0x1D680] =	vst v63  }
0x6b: {  	_ =	swait.ge [sflag:s23], $0x4000  }
0x6c: {  	[sflag:s23] =	ssyncset.done $0x0  }
0x6d: {  	[sflag:s23] =	ssyncadd.s32 $0xFFFFC000  }
0x6e: {  	[spmem:s14] =	stream.linear.scatter [tilespmem:s25], [sflag:$0x4], $0x4000, $0x38;
	[tilespmem:$0x1D680] =	vst v63  }
0x6f: {  	_ =	swait.ge [sflag:s23], $0x4000  }
0x70: {  	[sflag:s23] =	ssyncset.done $0x0  }
0x71: {  	[sflag:s23] =	ssyncadd.s32 $0xFFFFC000  }
0x72: {  	[spmem:s15] =	stream.linear.scatter [tilespmem:s26], [sflag:$0x4], $0x280, $0x38;
	[tilespmem:$0x1D680] =	vst v63  }
0x73: {  	_ =	swait.ge [sflag:s23], $0x280  }
0x74: {  	[sflag:s23] =	ssyncset.done $0x0  }
0x75: {  	[sflag:s23] =	ssyncadd.s32 $0xFFFFFD80  }
0x76: {  	s9 =	simm.s32 $0x0;
	s16 =	simm.s32 $0x0;
	[bflag:$0x0] =	sbarrier.arrive $0xFFFF  }
.LBB2_4:
0x77: {  	s17 =	sshll.u32 s16, $0x7  }
0x78: {  	[tilespmem:s25], [sflag:$0x1] =	stream.indirect.gather [hbm4b:s7+s28], $0x80, s17, s28, $0xb8;
	[tilespmem:$0x1D680] =	vst v63  }
0x79: {  	_ = 	snop  }
0x7a: {  	[tilespmem:s29], [sflag:$0x2] =	stream.indirect.gather [hbm4b:s5+s28], $0x1, s17, s28, $0xb8;
	[tilespmem:$0x1D680] =	vst v63  }
0x7b: {  	s17 =	sadd.s32 $0x2800, s17  }
0x7c: {  	[tilespmem:s30], [sflag:$0x3] =	stream.indirect.gather [hbm4b:s6+s28], $0x1, s17, s28, $0xb8;
	[tilespmem:$0x1D680] =	vst v63  }
0x7d: {  	_ =	swait.ge [sflag:s31], $0x80  }
0x7e: {  	[sflag:s31] =	ssyncset.done $0x0  }
0x7f: {  	[sflag:s31] =	ssyncadd.s32 $0xFFFFFF80  }
0x80: {  	_ =	swait.ge [sflag:s1], $0x80  }
0x81: {  	[sflag:s1] =	ssyncset.done $0x0  }
0x82: {  	[sflag:s1] =	ssyncadd.s32 $0xFFFFFF80  }
0x83: {  	v1 =	vld [tilespmem:$0x5000]  }
0x84: {  	v2 =	vld [tilespmem:$0x5080]  }
0x85: {  	v3 =	vld [tilespmem:$0x5010]  }
0x86: {  	v4 =	vld [tilespmem:$0x5090]  }
0x87: {  	v5 =	vld [tilespmem:$0x5020]  }
0x88: {  	v6 =	vld [tilespmem:$0x50A0]  }
0x89: {  	v7 =	vld [tilespmem:$0x5030]  }
0x8a: {  	v8 =	vld [tilespmem:$0x50B0]  }
0x8b: {  	v9 =	vld [tilespmem:$0x5040]  }
0x8c: {  	v10 =	vld [tilespmem:$0x50C0]  }
0x8d: {  	v13 =	vld [tilespmem:$0x50E0];
	v1 =	vadd.f32 v2, v1  }
0x8e: {  	v14 =	vld [tilespmem:$0x5070];
	v3 =	vadd.f32 v4, v3  }
0x8f: {  	v2 =	vld [tilespmem:$0x5050];
	v5 =	vadd.f32 v6, v5;
	v11 =	vmul.f32 $2.000000030e-01, v1  }
0x90: {  	v4 =	vld [tilespmem:$0x50D0];
	v12 =	vmul.f32 $2.000000030e-01, v3  }
0x91: {  	v6 =	vld [tilespmem:$0x5060];
	v1 =	vmax.f32 v1, v11;
	v11 =	vmul.f32 $2.000000030e-01, v5  }
0x92: {  	v59 =	vld [tilespmem:$0x50F0];
	v3 =	vmax.f32 v3, v12;
	v1 =	vmul.f32 $1.442695020e+00, v1  }
0x93: {  	v7 =	vadd.f32 v8, v7;
	v3 =	vmul.f32 $1.442695020e+00, v3;
	v5 =	vmax.f32 v5, v11  }
0x94: {  	(erf) = vpow2.f32 v1;
	v1 =	vmul.f32 $1.442695020e+00, v5;
	v5 =	vadd.f32 v10, v9  }
0x95: {  	v2 =	vadd.f32 v4, v2;
	(erf) = vpow2.f32 v3;
	v3 =	vmul.f32 $2.000000030e-01, v7  }
0x96: {  	v4 =	vadd.f32 v13, v6;
	(erf) = vpow2.f32 v1;
	v1 =	vmul.f32 $2.000000030e-01, v5  }
0x97: {  	v6 =	vmul.f32 $2.000000030e-01, v2;
	v3 =	vmax.f32 v7, v3;
	v7 =	vadd.f32 v59, v14  }
0x98: {  	v3 =	vmul.f32 $1.442695020e+00, v3;
	v1 =	vmax.f32 v5, v1;
	v5 =	vmul.f32 $2.000000030e-01, v4  }
0x99: {  	v2 =	vmax.f32 v2, v6;
	v1 =	vmul.f32 $1.442695020e+00, v1;
	v6 =	vmul.f32 $2.000000030e-01, v7  }
0x9a: {  	v2 =	vmul.f32 $1.442695020e+00, v2;
	(erf) = vpow2.f32 v3;
	v3 =	vmax.f32 v4, v5  }
0x9b: {  	(erf) = vpow2.f32 v1;
	v1 =	vmul.f32 $1.442695020e+00, v3;
	v3 =	vmax.f32 v7, v6  }
0x9c: {  	(erf) = vpow2.f32 v2;
	v2 =	vmul.f32 $1.442695020e+00, v3  }
0x9d: {  	(erf) = vpow2.f32 v1  }
0x9e: {  	(erf) = vpow2.f32 v2;
	_ =	sdelay $0x1  }
0x9f: {  	v1 =	vpop (erf)  }
0xa0: {  	v2 =	vpop (erf);
	[tilespmem:$0x5100] =	vst v1  }
0xa1: {  	v1 =	vpop (erf);
	[tilespmem:$0x5110] =	vst v2  }
0xa2: {  	[tilespmem:$0x5120] =	vst v1;
	v2 =	vpop (erf)  }
0xa3: {  	v1 =	vpop (erf);
	[tilespmem:$0x5130] =	vst v2  }
0xa4: {  	v2 =	vpop (erf);
	[tilespmem:$0x5140] =	vst v1  }
0xa5: {  	v1 =	vpop (erf);
	[tilespmem:$0x5150] =	vst v2  }
0xa6: {  	[tilespmem:$0x5160] =	vst v1;
	v1 =	vpop (erf)  }
0xa7: {  	[tilespmem:$0x5170] =	vst v1  }
0xa8: {  	_ =	swait.ge [sflag:s0], $0x4000  }
0xa9: {  	[sflag:s0] =	ssyncset.done $0x0  }
0xaa: {  	s18 =	simm.s32 $0x5200;
	s19 =	simm.s32 $0x1;
	[sflag:s0] =	ssyncadd.s32 $0xFFFFC000  }
0xab: {  	v1 =	vmov s19;
	v6 =	vld [tilespmem:s18+$0xFFFFFFF0]  }
0xac: {  	v5 =	vld [tilespmem:s18+$0x50]  }
0xad: {  	v10 =	vld [tilespmem:s18+$0xFFFFFFD0]  }
0xae: {  	v3 =	vld [tilespmem:s18+$0x60]  }
0xaf: {  	v2 =	vmov s9;
	v4 =	vld [tilespmem:s18+$0x70]  }
0xb0: {  	v2 =	vand.u32 $0xFFFFFFFE, v2;
	v7 =	vld.idx.msk [tilespmem:v1+s24+$0x0], $0xffff  }
0xb1: {  	v1 =	vbroadcast v2, $0x0;
	v2 =	vld [tilespmem:s18+$0x0]  }
0xb2: {  	v8 =	vld [tilespmem:s18+$0x10]  }
0xb3: {  	v9 =	vld [tilespmem:s18+$0x20]  }
0xb4: {  	v11 =	vld [tilespmem:s18+$0x30]  }
0xb5: {  	v60 =	vld [tilespmem:s18+$0x40]  }
0xb6: {  	v61 =	vld [tilespmem:s18+$0xFFFFFF80];
	v62 =	vmul.f32 v2, v7  }
0xb7: {  	v15 =	vld [tilespmem:s18+$0xFFFFFFA0];
	v8 =	vmul.f32 v8, v7  }
0xb8: {  	v9 =	vmul.f32 v9, v7;
	v2 =	vld.idx.msk [tilespmem:v1+s24+$0x0], $0xffff;
	[tilespmem:s18+$0x0] =	vst v62  }
0xb9: {  	v11 =	vmul.f32 v11, v7;
	v63 =	vmul.f32 v5, v7;
	v5 =	vld [tilespmem:s18+$0xFFFFFF90];
	[tilespmem:s18+$0x10] =	vst v8  }
0xba: {  	v1 =	vmul.f32 v3, v7;
	v3 =	vld [tilespmem:s18+$0xFFFFFFE0];
	[tilespmem:s18+$0x20] =	vst v9  }
0xbb: {  	v12 =	vmul.f32 v60, v7;
	v4 =	vmul.f32 v4, v7;
	v7 =	vld [tilespmem:s18+$0xFFFFFFC0];
	[tilespmem:s18+$0x30] =	vst v11  }
0xbc: {  	[tilespmem:s18+$0x60] =	vst v1;
	v1 =	vld [tilespmem:s18+$0xFFFFFFB0]  }
0xbd: {  	[tilespmem:s18+$0x40] =	vst v12;
	v8 =	vmul.f32 v61, v2;
	v9 =	vmul.f32 v6, v2  }
0xbe: {  	s20 =	simm.s32 $0x5200;
	s19 =	simm.s32 $0x2;
	[tilespmem:s18+$0x50] =	vst v63;
	v6 =	vmul.f32 v15, v2;
	v10 =	vmul.f32 v10, v2  }
.LBB2_5:
0xbf: {  	p0 =	sne.s32 s19, $0x7E  }
0xc0: {  	v5 =	vmul.f32 v5, v2;
	v3 =	vmul.f32 v3, v2;
	[tilespmem:s18+$0x70] =	vst v4;
	s20 =	sadd.s32 $0x100, s20;
	s21 =	smov.u32 s19;
	s19 =	sadd.s32 $0x2, s19  }
0xc1: {  	v1 =	vmul.f32 v1, v2;
	v2 =	vmul.f32 v7, v2;
	[tilespmem:s18+$0xFFFFFFF0] =	vst v9  }
0xc2: {  	[tilespmem:s18+$0xFFFFFF80] =	vst v8  }
0xc3: {  	s22 =	sadd.s32 $0x1, s21;
	v9 =	vld [tilespmem:s20+$0xFFFFFFF0];
	[tilespmem:s18+$0xFFFFFFD0] =	vst v10  }
0xc4: {  	v4 =	vmov s22;
	v8 =	vld [tilespmem:s20+$0x50];
	[tilespmem:s18+$0xFFFFFFA0] =	vst v6  }
0xc5: {  	v10 =	vld [tilespmem:s20+$0xFFFFFFD0];
	[tilespmem:s18+$0xFFFFFFB0] =	vst v1  }
0xc6: {  	v1 =	vld [tilespmem:s20+$0xFFFFFFB0];
	[tilespmem:s18+$0xFFFFFFC0] =	vst v2  }
0xc7: {  	v6 =	vld [tilespmem:s20+$0x60];
	[tilespmem:s18+$0xFFFFFFE0] =	vst v3  }
0xc8: {  	v2 =	vmov s21;
	v3 =	vld [tilespmem:s20+$0x70];
	[tilespmem:s18+$0xFFFFFF90] =	vst v5;
	s18 =	smov.u32 s20  }
0xc9: {  	v2 =	vand.u32 $0xFFFFFFFE, v2;
	v11 =	vld.idx.msk [tilespmem:v4+s24+$0x0], $0xffff  }
0xca: {  	v2 =	vbroadcast v2, $0x0;
	v4 =	vld [tilespmem:s20+$0x0]  }
0xcb: {  	v5 =	vld [tilespmem:s20+$0x10]  }
0xcc: {  	v7 =	vld [tilespmem:s20+$0x20]  }
0xcd: {  	v12 =	vld [tilespmem:s20+$0x30]  }
0xce: {  	v13 =	vld [tilespmem:s20+$0x40]  }
0xcf: {  	v14 =	vld [tilespmem:s20+$0xFFFFFF80];
	v15 =	vmul.f32 v4, v11;
	v4 =	vmul.f32 v3, v11  }
0xd0: {  	v2 =	vld.idx.msk [tilespmem:v2+s24+$0x0], $0xffff;
	v16 =	vmul.f32 v5, v11;
	v5 =	vmul.f32 v6, v11  }
0xd1: {  	v6 =	vld [tilespmem:s20+$0xFFFFFFA0];
	[tilespmem:s20+$0x0] =	vst v15;
	v15 =	vmul.f32 v7, v11  }
0xd2: {  	v3 =	vld [tilespmem:s20+$0xFFFFFFE0];
	v12 =	vmul.f32 v12, v11;
	[tilespmem:s20+$0x60] =	vst v5  }
.Ltmp1:
0xd3: {  	v5 =	vld [tilespmem:s20+$0xFFFFFF90];
	[tilespmem:s20+$0x10] =	vst v16;
	v13 =	vmul.f32 v13, v11;
	(pc) =	sbr.rel @p0 .LBB2_5-.Ltmp1, $4  }
0xd4: {  	v11 =	vmul.f32 v8, v11;
	v7 =	vld [tilespmem:s20+$0xFFFFFFC0];
	[tilespmem:s20+$0x20] =	vst v15  }
0xd5: {  	[tilespmem:s20+$0x30] =	vst v12  }
0xd6: {  	v8 =	vmul.f32 v14, v2;
	v9 =	vmul.f32 v9, v2;
	[tilespmem:s20+$0x40] =	vst v13  }
0xd7: {  	v10 =	vmul.f32 v10, v2;
	v6 =	vmul.f32 v6, v2;
	[tilespmem:s20+$0x50] =	vst v11  }
0xd8: {  	[tilespmem:s18+$0x70] =	vst v4  }
0xd9: {  	[tilespmem:s18+$0xFFFFFFF0] =	vst v9  }
0xda: {  	[tilespmem:s18+$0xFFFFFF80] =	vst v8  }
0xdb: {  	v1 =	vmul.f32 v1, v2;
	[tilespmem:s18+$0xFFFFFFD0] =	vst v10  }
0xdc: {  	v3 =	vmul.f32 v3, v2;
	[tilespmem:s18+$0xFFFFFFA0] =	vst v6  }
0xdd: {  	v63 =	vmul.f32 v7, v2;
	[tilespmem:s18+$0xFFFFFFB0] =	vst v1  }
0xde: {  	v1 =	vmul.f32 v5, v2;
	[tilespmem:s18+$0xFFFFFFE0] =	vst v3  }
0xdf: {  	[tilespmem:s18+$0xFFFFFFC0] =	vst v63  }
0xe0: {  	[tilespmem:s18+$0xFFFFFF90] =	vst v1  }
0xe1: {  	[spmem:s2] =	stream.indirect.scatter.add.f32 [tilespmem:s25], [sflag:$0x1], $0x80, s17, s28, $0xb8;
	[tilespmem:$0x1D680] =	vst v63  }
0xe2: {  	s16 =	sadd.s32 $0x1, s16  }
0xe3: {  	[spmem:s3] =	stream.indirect.scatter.add.f32 [tilespmem:s24], [sflag:$0x4], $0x1, s17, s28, $0xb8;
	[tilespmem:$0x1D680] =	vst v63  }
0xe4: {  	p0 =	sne.s32 s16, $0x4F;
	_ =	swait.ge [sflag:s23], $0x80  }
.Ltmp2:
0xe5: {  	[sflag:s23] =	ssyncset.done $0x0;
	(pc) =	sbr.rel @p0 .LBB2_4-.Ltmp2, $4  }
0xe6: {  	[sflag:s23] =	ssyncadd.s32 $0xFFFFFF80  }
0xe7: {  	_ =	swait.ge [sflag:s0], $0x4000  }
0xe8: {  	[sflag:s0] =	ssyncset.done $0x0  }
0xe9: {  	[sflag:s0] =	ssyncadd.s32 $0xFFFFC000  }
0xea: {  	[bflag:$0x0] =	sbarrier.arrive $0xFFFF  }
0xeb: {  	[tilespmem:s25], [sflag:$0x4] =	stream.linear.gather [spmem:s10], $0x4000, $0x38;
	[tilespmem:$0x1D680] =	vst v63  }
0xec: {  	_ =	swait.ge [sflag:s23], $0x4000  }
0xed: {  	[sflag:s23] =	ssyncset.done $0x0  }
0xee: {  	s9 =	rddreg [dreg:$0x6];
	[sflag:s23] =	ssyncadd.s32 $0xFFFFC000  }
0xef: {  	[hbm4b:s9+s4] =	stream.linear.scatter [tilespmem:s25], [sflag:$0x4], $0x4000, $0x38;
	[tilespmem:$0x1D680] =	vst v63  }
0xf0: {  	_ =	swait.ge [sflag:s23], $0x4000  }
0xf1: {  	[sflag:s23] =	ssyncset.done $0x0  }
0xf2: {  	[sflag:s23] =	ssyncadd.s32 $0xFFFFC000  }
0xf3: {  	[tilespmem:s25], [sflag:$0x4] =	stream.linear.gather [spmem:s11], $0x4000, $0x38;
	[tilespmem:$0x1D680] =	vst v63  }
0xf4: {  	_ =	swait.ge [sflag:s23], $0x4000  }
0xf5: {  	[sflag:s23] =	ssyncset.done $0x0  }
0xf6: {  	s17 =	rddreg [dreg:$0x7];
	[sflag:s23] =	ssyncadd.s32 $0xFFFFC000  }
0xf7: {  	[hbm4b:s17+s4] =	stream.linear.scatter [tilespmem:s25], [sflag:$0x4], $0x4000, $0x38;
	[tilespmem:$0x1D680] =	vst v63  }
0xf8: {  	_ =	swait.ge [sflag:s23], $0x4000  }
0xf9: {  	[sflag:s23] =	ssyncset.done $0x0  }
0xfa: {  	[sflag:s23] =	ssyncadd.s32 $0xFFFFC000  }
0xfb: {  	[tilespmem:s25], [sflag:$0x4] =	stream.linear.gather [spmem:s12], $0x4000, $0x38;
	[tilespmem:$0x1D680] =	vst v63  }
0xfc: {  	_ =	swait.ge [sflag:s23], $0x4000  }
0xfd: {  	[sflag:s23] =	ssyncset.done $0x0  }
0xfe: {  	s18 =	rddreg [dreg:$0x8];
	[sflag:s23] =	ssyncadd.s32 $0xFFFFC000  }
0xff: {  	[hbm4b:s18+s4] =	stream.linear.scatter [tilespmem:s25], [sflag:$0x4], $0x4000, $0x38;
	[tilespmem:$0x1D680] =	vst v63  }
0x100: {  	_ =	swait.ge [sflag:s23], $0x4000  }
0x101: {  	[sflag:s23] =	ssyncset.done $0x0  }
0x102: {  	[sflag:s23] =	ssyncadd.s32 $0xFFFFC000  }
0x103: {  	[tilespmem:s25], [sflag:$0x4] =	stream.linear.gather [spmem:s13], $0x4000, $0x38;
	[tilespmem:$0x1D680] =	vst v63  }
0x104: {  	_ =	swait.ge [sflag:s23], $0x4000  }
0x105: {  	[sflag:s23] =	ssyncset.done $0x0  }
0x106: {  	s19 =	rddreg [dreg:$0x9];
	[sflag:s23] =	ssyncadd.s32 $0xFFFFC000  }
0x107: {  	[hbm4b:s19+s4] =	stream.linear.scatter [tilespmem:s25], [sflag:$0x4], $0x4000, $0x38;
	[tilespmem:$0x1D680] =	vst v63  }
0x108: {  	_ =	swait.ge [sflag:s23], $0x4000  }
0x109: {  	[sflag:s23] =	ssyncset.done $0x0  }
0x10a: {  	[sflag:s23] =	ssyncadd.s32 $0xFFFFC000  }
0x10b: {  	[tilespmem:s25], [sflag:$0x4] =	stream.linear.gather [spmem:s14], $0x4000, $0x38;
	[tilespmem:$0x1D680] =	vst v63  }
0x10c: {  	_ =	swait.ge [sflag:s23], $0x4000  }
0x10d: {  	[sflag:s23] =	ssyncset.done $0x0  }
0x10e: {  	s20 =	rddreg [dreg:$0xa];
	[sflag:s23] =	ssyncadd.s32 $0xFFFFC000  }
0x10f: {  	[hbm4b:s20+s4] =	stream.linear.scatter [tilespmem:s25], [sflag:$0x4], $0x4000, $0x38;
	[tilespmem:$0x1D680] =	vst v63  }
0x110: {  	_ =	swait.ge [sflag:s23], $0x4000  }
0x111: {  	[sflag:s23] =	ssyncset.done $0x0  }
0x112: {  	[sflag:s23] =	ssyncadd.s32 $0xFFFFC000  }
0x113: {  	[tilespmem:s26], [sflag:$0x4] =	stream.linear.gather [spmem:s15], $0x280, $0x38;
	[tilespmem:$0x1D680] =	vst v63  }
0x114: {  	_ =	swait.ge [sflag:s23], $0x280  }
0x115: {  	[sflag:s23] =	ssyncset.done $0x0  }
0x116: {  	s16 =	simm.s32 $0x100;
	s21 =	rddreg [dreg:$0xb];
	[sflag:s23] =	ssyncadd.s32 $0xFFFFFD80  }
0x117: {  	[hbm4b:s21+s28] =	stream.strided.scatter [tilespmem:s26], [sflag:$0x4], $0x280, s16, s28, $0x38;
	[tilespmem:$0x1D680] =	vst v63  }
0x118: {  	_ =	swait.ge [sflag:s23], $0x280  }
0x119: {  	s8 =	sadd.s32 $0x1, s8;
	s22 =	rddreg [dreg:$0xc]  }
0x11a: {  	p0 =	sne.s32 s8, s22  }
.Ltmp3:
0x11b: {  	_ = 	snop;
	(pc) =	sbr.rel @p0 .LBB2_1-.Ltmp3, $3  }
0x11c: {  	_ =	sdelay $0x1  }
0x11d: {  	[sflag:s23] =	ssyncset.done $0x0  }
0x11e: {  	[sflag:s23] =	ssyncadd.s32 $0xFFFFFD80  }
0x11f: {  	_ =	sfence.sel $0x180000  }
0x120: {  	[bflag:$0x0] =	sbarrier.arrive $0xFFFF  }
0x121: {  	_ =	strace $0x9000004A  }
0x122: {  	s0 =	stileid.u32;
	[bflag:$0x2] =	sbarrier.arrive $0xFFFF  }
0x123: {  	p0 =	sne.s32 s0, $0x0;
	s0 =	rddreg [dreg:$0x3]  }
0x124: {  	s0 =	sadd.s32 @!p0 $0x100000, s0  }
0x125: {  	[sflag:s0] =	ssyncadd.tile.s32 @!p0 $0x1;
	_ =	shalt  }
.Lfunc_end2:
_tile_overlayer_lowered:
.L_overlay_start_2:
0x126: {  	(tag) =	ssettag $0x2  }
0x127: {  	s0 =	rddreg [dreg:$0x0];
	s2 =	stileid.u32  }
0x128: {  	s1 =	rddreg [dreg:$0x1];
	p0 =	sne.s32 s2, $0x0  }
0x129: {  	s3 =	rddreg [dreg:$0x2];
	[bflag:$0x3] =	sbarrier.arrive $0xFFFF;
	s2 =	simm.s32 @!p0 $0x1C04  }
0x12a: {  	[timem:s3], [sflag:s2] =	dma.local @!p0 [hbm:s0], s1  }
0x12b: {  	s0 =	simm.s32 @!p0 $0x4  }
0x12c: {  	_ =	swait.ge @!p0 [sflag:s0], s1  }
0x12d: {  	s1 =	ssub.s32 @!p0 $0x0, s1;
	[sflag:s0] =	ssyncset.done @!p0 $0x0  }
0x12e: {  	[sflag:s0] =	ssyncadd.s32 @!p0 s1  }
0x12f: {  	[bflag:$0x3] =	sbarrier.arrive $0xFFFF  }
0x130: {  	_ =	shalt  }

// kernel: kernel.15.cloned.1.call-start
scs
__scs_entry_jumppad:
0x0: {  	(pc) =	sbr.rel $0x88, $3  }
0x1: {  	(tag) =	ssettag $0x0;
	lr =	simm.s32 $0x1  }
0x2: {  	[smem:$0x3F8D] =	sst lr;
	_ =	strace $0xD0000000  }
0x3: {  	_ = 	snop  }
0x4: {  	_ = 	snop  }
0x5: {  	_ = 	snop  }
0x6: {  	_ = 	snop  }
0x7: {  	_ = 	snop  }
__scs_overlays_trampoline_lowered:
0x8: {  	[smem:$0x3F9C] =	sst s0  }
0x9: {  	[smem:$0x3F9D] =	sst s1  }
0xa: {  	[smem:$0x3F9E] =	sst s2  }
0xb: {  	[smem:$0x3F9F] =	sst s3  }
0xc: {  	[smem:$0x3FA0] =	sst s4  }
0xd: {  	[smem:$0x3FA1] =	sst s5  }
0xe: {  	[smem:$0x3FA2] =	sst s6  }
0xf: {  	[smem:$0x3FA3] =	sst s7  }
0x10: {  	[smem:$0x3FA4] =	sst s8  }
0x11: {  	[smem:$0x3FA5] =	sst s9;
	s0 =	simm.s32 @!p0 $0x0  }
0x12: {  	s1 =	sld [smem:$0x3F8B];
	s0 =	simm.s32 @p0 $0x1  }
0x13: {  	[smem:$0x3FA6] =	sst s0;
	s0 =	simm.s32 @!p1 $0x0  }
0x14: {  	s2 =	sld [smem:$0x3F8A];
	s0 =	simm.s32 @p1 $0x1  }
0x15: {  	[smem:$0x3FA7] =	sst s0;
	s0 =	simm.s32 @!p2 $0x0  }
0x16: {  	s3 =	sld [smem:$0x3FDB];
	s0 =	simm.s32 @p2 $0x1  }
0x17: {  	s4 =	simm.s32 $0x1BF5;
	[smem:$0x3FA9] =	sst s0  }
0x18: {  	s0 =	sld [smem:$0x3F8C];
	_ =	swait.ge [sflag:s4], $0x0  }
0x19: {  	s7 =	sld [smem:$0x3F8D]  }
0x1a: {  	s8 =	sadd.s32 $0xFFFFE003, lr  }
0x1b: {  	s9 =	sadd.s32 $0xFFFFFEF7, lr;
	s5 =	simm.s32 $0xFFFFFFFF;
	p2 =	slt.u32 s8, $0xFFFFF086  }
0x1c: {  	p1 =	slt.u32 s9, $0xF7A;
	s5 =	simm.s32 @!p2 $0x0  }
0x1d: {  	s5 =	simm.s32 @p1 $0x1;
	p0 =	seq.s32 s7, s2  }
0x1e: {  	s7 =	smul.u32 @!p0 $0xF7A, s2;
	p2 =	seq.s32 @!p0 s5, $0x0  }
0x1f: {  	s9 =	smul.u32 $0xF7A, s1;
	s8 =	simm.s32 @!p0 $0x1BF5;
	p2 =	por !p2, p0  }
0x20: {  	[sflag:s8] =	ssyncset.s32 @!p0 $0xFFFFF086;
	s6 =	sadd.s32 @!p0 s3, s7;
	s7 =	simm.s32 @!p0 $0x108  }
0x21: {  	s3 =	sadd.s32 s3, s9;
	s6 =	sadd.s32 @!p0 $0x88, s6;
	s7 =	simm.s32 @p2 $0x1082  }
0x22: {  	[simem:s7], [sflag:s8] =	dma.local @!p0 [hbm:s6], $0xF7A  }
0x23: {  	s9 =	sor.u32 $0xD0000000, s2;
	s6 =	simm.s32 $0x108;
	_ =	swait.ge @!p0 [sflag:s8], $0x0  }
0x24: {  	s3 =	sadd.s32 $0x88, s3;
	s6 =	simm.s32 @!p1 $0x1082;
	[sflag:s4] =	ssyncset.s32 $0xFFFFF086  }
0x25: {  	[simem:s6], [sflag:s4] =	dma.local [hbm:s3], $0xF7A  }
0x26: {  	[smem:$0x3F8D] =	sst s1;
	(tag) =	ssettag s2;
	_ =	strace s9  }
0x27: {  	s1 =	sld [smem:$0x3F9D]  }
0x28: {  	s2 =	sld [smem:$0x3F9E]  }
0x29: {  	s4 =	sld [smem:$0x3FA0]  }
0x2a: {  	p0 =	seq.s32 s5, $0x0;
	s5 =	sld [smem:$0x3FA1]  }
0x2b: {  	s6 =	sld [smem:$0x3FA2]  }
0x2c: {  	s7 =	sld [smem:$0x3FA3]  }
0x2d: {  	s3 =	simm.s32 $0x108;
	s8 =	sld [smem:$0x3FA4]  }
0x2e: {  	s3 =	simm.s32 @!p0 $0x1082;
	s9 =	sld [smem:$0x3FA5]  }
0x2f: {  	lr =	sadd.s32 s0, s3;
	s0 =	sld [smem:$0x3F9C]  }
0x30: {  	s3 =	sld [smem:$0x3F9F]  }
0x31: {  	[smem:$0x3FA8] =	sst s10  }
0x32: {  	s10 =	sld [smem:$0x3FA6];
	_ =	sdelay $0x3  }
0x33: {  	p0 =	seq.s32 s10, $0x1;
	s10 =	sld [smem:$0x3FA8];
	_ =	sdelay $0x3  }
0x34: {  	[smem:$0x3FA8] =	sst s10  }
0x35: {  	s10 =	sld [smem:$0x3FA7];
	_ =	sdelay $0x3  }
0x36: {  	p1 =	seq.s32 s10, $0x1;
	s10 =	sld [smem:$0x3FA8];
	_ =	sdelay $0x3  }
0x37: {  	[smem:$0x3FA8] =	sst s10  }
0x38: {  	s10 =	sld [smem:$0x3FA9]  }
0x39: {  	_ = 	snop;
	(pc) =	sbr.ind lr, $3  }
0x3a: {  	_ = 	snop  }
0x3b: {  	_ = 	snop  }
0x3c: {  	p2 =	seq.s32 s10, $0x1;
	s10 =	sld [smem:$0x3FA8]  }
0x3d: {  	_ =	shalt  }
0x3e: {  	_ =	shalt  }
0x3f: {  	_ =	shalt  }
0x40: {  	_ =	shalt  }
0x41: {  	_ =	shalt  }
0x42: {  	_ =	shalt  }
0x43: {  	_ =	shalt  }
0x44: {  	_ =	shalt  }
0x45: {  	_ =	shalt  }
0x46: {  	_ =	shalt  }
0x47: {  	_ =	shalt  }
0x48: {  	_ =	shalt  }
0x49: {  	_ =	shalt  }
0x4a: {  	_ =	shalt  }
0x4b: {  	_ =	shalt  }
0x4c: {  	_ =	shalt  }
0x4d: {  	_ =	shalt  }
0x4e: {  	_ =	shalt  }
0x4f: {  	_ =	shalt  }
0x50: {  	_ =	shalt  }
0x51: {  	_ =	shalt  }
0x52: {  	_ =	shalt  }
0x53: {  	_ =	shalt  }
0x54: {  	_ =	shalt  }
0x55: {  	_ =	shalt  }
0x56: {  	_ =	shalt  }
0x57: {  	_ =	shalt  }
0x58: {  	_ =	shalt  }
0x59: {  	_ =	shalt  }
0x5a: {  	_ =	shalt  }
0x5b: {  	_ =	shalt  }
0x5c: {  	_ =	shalt  }
0x5d: {  	_ =	shalt  }
0x5e: {  	_ =	shalt  }
0x5f: {  	_ =	shalt  }
0x60: {  	_ =	shalt  }
0x61: {  	_ =	shalt  }
0x62: {  	_ =	shalt  }
0x63: {  	_ =	shalt  }
0x64: {  	_ =	shalt  }
0x65: {  	_ =	shalt  }
0x66: {  	_ =	shalt  }
0x67: {  	_ =	shalt  }
0x68: {  	_ =	shalt  }
0x69: {  	_ =	shalt  }
0x6a: {  	_ =	shalt  }
0x6b: {  	_ =	shalt  }
0x6c: {  	_ =	shalt  }
0x6d: {  	_ =	shalt  }
0x6e: {  	_ =	shalt  }
0x6f: {  	_ =	shalt  }
0x70: {  	_ =	shalt  }
0x71: {  	_ =	shalt  }
0x72: {  	_ =	shalt  }
0x73: {  	_ =	shalt  }
0x74: {  	_ =	shalt  }
0x75: {  	_ =	shalt  }
0x76: {  	_ =	shalt  }
0x77: {  	_ =	shalt  }
0x78: {  	_ =	shalt  }
0x79: {  	_ =	shalt  }
0x7a: {  	_ =	shalt  }
0x7b: {  	_ =	shalt  }
0x7c: {  	_ =	shalt  }
0x7d: {  	_ =	shalt  }
0x7e: {  	_ =	shalt  }
0x7f: {  	_ =	shalt  }
0x80: {  	_ =	shalt  }
0x81: {  	_ =	shalt  }
0x82: {  	_ =	shalt  }
0x83: {  	_ =	shalt  }
0x84: {  	_ =	shalt  }
0x85: {  	_ =	shalt  }
0x86: {  	_ =	shalt  }
0x87: {  	_ =	shalt  }
.Lfunc_end0:
.L_simem_size_0:
called_computation.2_lowered:
.L_overlay_start_0:
0x88: {  	s2 =	sld [smem:$0x3FD9]  }
0x89: {  	s3 =	sld [smem:$0x3FFE];
	_ =	sdelay $0x1  }
0x8a: {  	s1 =	srdreg.scid  }
0x8b: {  	s0 =	sand.u32 $0x1, s1  }
0x8c: {  	s16 =	sshll.u32 s0, $0xA;
	s2 =	sadd.s32 s3, s2  }
0x8d: {  	s2 =	sadd.s32 s2, s16  }
0x8e: {  	[smem:$0x3FB4] =	sst s2  }
0x8f: {  	_ = 	snop  }
0x90: {  	(tm) =	ssettm $0x1  }
0x91: {  	s17 =	sld [smem:$0x3FFB];
	_ =	sdelay $0x3  }
0x92: {  	_ =	strace s17  }
0x93: {  	s2 =	sld [smem:$0x3FFC];
	_ =	sdelay $0x3  }
0x94: {  	_ =	strace s2  }
0x95: {  	s2 =	sld [smem:$0x3FFD];
	_ =	sdelay $0x3  }
0x96: {  	_ =	strace s2  }
0x97: {  	_ =	strace $0x8FFFFFFF  }
0x98: {  	s18 =	sld [smem:$0x3FDB];
	_ =	sdelay $0x1  }
0x99: {  	s19 =	simm.s32 $_scs_section_size  }
0x9a: {  	s4 =	simm.s32 $_size__tile_overlayer_lowered;
	s5 =	simm.s32 $_tile_overlayer_lowered  }
0x9b: {  	s22 =	simm.s32 $0x1BFF;
	s21 =	sshll.u32 s5, $0x1;
	s2 =	sadd.s32 s19, s18  }
0x9c: {  	s6 =	simm.s32 $0x0;
	s20 =	sshll.u32 s4, $0x1;
	s4 =	sadd.s32 s21, s2  }
0x9d: {  	[timem:s6], [sflag:s22] =	dma.local [hbm:s4], s20  }
0x9e: {  	_ =	swait.ge [sflag:s22], s20  }
0x9f: {  	s3 =	ssub.s32 $0x0, s20;
	[sflag:s22] =	ssyncset.done $0x0  }
0xa0: {  	[sflag:s22] =	ssyncadd.s32 s3;
	_ =	sdelay $0x1  }
0xa1: {  	s23 =	simm.s32 $0x1B8B  }
0xa2: {  	_ =	swait.ge [sflag:s23], $0x1  }
0xa3: {  	[sflag:s23] =	ssyncset.done $0x0  }
0xa4: {  	s25 =	simm.s32 $0x1B8E;
	s24 =	sld [smem:$0x3FFE];
	[sflag:s23] =	ssyncadd.s32 $0xFFFFFFFF  }
0xa5: {  	s26 =	simm.s32 $execute0_lowered;
	[smem:$0x3FD2] =	sst s25  }
0xa6: {  	s4 =	sshll.u32 s26, $0x1;
	_ =	strace $0x8000004C;
	[dreg:$0x1] =	wrdreg $0xFFFFFFFF  }
0xa7: {  	s28 =	simm.s32 $_size_execute0_lowered;
	s2 =	sadd.s32 s2, s4;
	[dreg:$0x0] =	wrdreg $0x0  }
0xa8: {  	s4 =	sshll.u32 s28, $0x1;
	[dreg:$0x2] =	wrdreg s2  }
0xa9: {  	[dreg:$0x3] =	wrdreg s4  }
0xaa: {  	[dreg:$0x4] =	wrdreg $0xC0  }
0xab: {  	_ =	task [dreg:s6], $0x5FFFF  }
0xac: {  	[dreg:$0x1] =	wrdreg $0xFFFFFFFF  }
0xad: {  	[dreg:$0x0] =	wrdreg $0x60  }
0xae: {  	[dreg:$0x2] =	wrdreg s24  }
0xaf: {  	[dreg:$0x3] =	wrdreg $0x94000  }
0xb0: {  	[dreg:$0x4] =	wrdreg $0x1D4000  }
0xb1: {  	[dreg:$0x5] =	wrdreg $0x9  }
0xb2: {  	_ =	task.clear_ibuf [dreg:s6], $0x6FFFF;
	_ =	strace $0x9000004C  }
0xb3: {  	s29 =	simm.s32 $0x9;
	_ =	strace $0x8000004E  }
0xb4: {  	_ =	swait.ge [sflag:s29], $0x1  }
0xb5: {  	[sflag:s29] =	ssyncadd.s32 $0xFFFFFFFF  }
0xb6: {  	_ =	strace $0x9000004E  }
0xb7: {  	_ =	sfence  }
0xb8: {  	s30 =	sld [smem:$0x0];
	_ =	sdelay $0x2  }
0xb9: {  	s31 =	sshll.u32 s1, $0xD;
	s1 =	sshrl.u32 s1, $0x2  }
0xba: {  	s3 =	sand.u32 $0x4000, s31;
	s1 =	sadd.s32 s1, s30  }
0xbb: {  	s0 =	sor.u32 s3, s0;
	s1 =	sshll.u32 s1, $0x11  }
0xbc: {  	s0 =	sor.u32 s1, s0  }
0xbd: {  	s0 =	sadd.s32 $0x8F2B, s0  }
0xbe: {  	[sflag:s0] =	ssyncadd.remote.s32 $0x1  }
0xbf: {  	_ =	sfence.sel $0xFFFF  }
0xc0: {  	[dreg:$0x0] =	wrdreg $0xFFFFFFFF;
	(pc) =	sbr.abs _section_cstart, $3  }
0xc1: {  	[dreg:$0x1] =	wrdreg $0xFFFFFFFF  }
0xc2: {  	_ =	task.clear_ibuf [dreg:s6], $0x2FFFF;
	_ =	strace $0x9FFFFFFF  }
0xc3: {  	(tm) =	ssettm $0x7FFFFFFF  }
tec
execute0_lowered:
.L_overlay_start_1:
0x0: {  	(tag) =	ssettag $0x1  }
0x1: {  	s0 =	rddreg [dreg:$0x0]  }
0x2: {  	s1 =	srdreg.scid;
	s2 =	rddreg [dreg:$0x1]  }
0x3: {  	s13 =	stileid.u32;
	s3 =	rddreg [dreg:$0x2]  }
0x4: {  	s28 =	simm.s32 $0x80;
	s29 =	simm.s32 $0x5000;
	s30 =	simm.s32 $0x5080  }
0x5: {  	s31 =	simm.s32 $0x2;
	s1 =	sand.u32 $0x1, s1;
	s9 =	smul.u32 $0x500, s13  }
0x6: {  	s4 =	sshll.u32 s13, $0x1;
	s6 =	sadd.s32 $0x2A000, s0;
	s15 =	smul.u32 $0x280, s13  }
0x7: {  	s7 =	sadd.s32 $0x2800, s0;
	s16 =	sadd.s32 $0x3E600, s0;
	s12 =	smul.u32 $0x50000, s13  }
0x8: {  	s19 =	smul.u32 $0x14000, s13;
	s5 =	sor.u32 s1, s4;
	s4 =	simm.s32 $0x0  }
0x9: {  	s10 =	sshll.u32 s1, $0x7;
	s25 =	ssub.s32 $0x2, s1;
	s1 =	smul.u32 $0x140000, s1  }
0xa: {  	s5 =	smul.u32 $0x500, s5;
	[smem:$0x7FF] =	sst s4;
	s9 =	sor.u32 s10, s9  }
0xb: {  	s11 =	sshrl.u32 s25, $0x1;
	s21 =	sshrl.u32 s12, $0x2;
	s14 =	sshll.u32 s15, $0x7  }
0xc: {  	s15 =	sadd.s32 s15, s3;
	_ =	strace $0x8000004D;
	s9 =	sshrl.u32 s9, $0x3  }
0xd: {  	s26 =	ssub.s32 s25, s11;
	s10 =	sadd.s32 s21, s2;
	s22 =	sadd.s32 $0x4000, s14  }
0xe: {  	s17 =	sadd.s32 $0x8000, s14;
	s18 =	sadd.s32 $0xC000, s14;
	s19 =	sadd.s32 s19, s1  }
0xf: {  	s8 =	sadd.s32 s5, s0;
	s5 =	sadd.s32 $0x29A00, s0;
	s0 =	sadd.s32 s9, s0  }
0x10: {  	s11 =	sadd.s32 s22, s2;
	s12 =	sadd.s32 s17, s2;
	s13 =	sadd.s32 s18, s2  }
0x11: {  	s19 =	sshrl.u32 s19, $0x3;
	s23 =	sadd.s32 s1, s17;
	s24 =	sadd.s32 s1, s18  }
0x12: {  	s26 =	smax.u32 s26, $0x1;
	s20 =	sadd.s32 $0x34600, s8;
	s8 =	sadd.s32 $0x2A600, s8  }
0x13: {  	s19 =	sadd.s32 s16, s19;
	s17 =	sshrl.u32 s24, $0x3;
	[dreg:$0xc] =	wrdreg s26  }
0x14: {  	s0 =	sadd.s32 $0x8E600, s0;
	s26 =	simm.s32 $0x9180;
	[dreg:$0x4] =	wrdreg s20  }
0x15: {  	s24 =	simm.s32 $0x5100;
	[dreg:$0x5] =	wrdreg s8;
	s20 =	sadd.s32 $0x10000, s14  }
0x16: {  	s8 =	sadd.s32 s1, s22;
	[dreg:$0x6] =	wrdreg s19;
	s25 =	sadd.s32 s16, s17  }
0x17: {  	[dreg:$0xb] =	wrdreg s0;
	s0 =	simm.s32 $0x1;
	s14 =	sadd.s32 s20, s2  }
0x18: {  	s8 =	sshrl.u32 s8, $0x3;
	s1 =	sadd.s32 s1, s20;
	[dreg:$0x9] =	wrdreg s25  }
0x19: {  	s25 =	simm.s32 $0x5180;
	s8 =	sadd.s32 s16, s8;
	s1 =	sshrl.u32 s1, $0x3  }
0x1a: {  	[dreg:$0x7] =	wrdreg s8;
	s8 =	sshrl.u32 s23, $0x3;
	s1 =	sadd.s32 s16, s1  }
0x1b: {  	s23 =	simm.s32 $0x4;
	s8 =	sadd.s32 s16, s8;
	[dreg:$0xa] =	wrdreg s1  }
0x1c: {  	v0 =	vimm.f32 $0.0e+00;
	s1 =	simm.s32 $0x3;
	[dreg:$0x8] =	wrdreg s8;
	s8 =	simm.s32 $0x0  }
.LBB2_1:
0x1d: {  	s9 =	rddreg [dreg:$0x4]  }
0x1e: {  	[tilespmem:s4], [sflag:$0x4] =	stream.linear.gather [hbm4b:s9+s4], $0x2780, $0x38;
	[tilespmem:$0x1D680] =	vst v63  }
0x1f: {  	_ =	swait.ge [sflag:s23], $0x2780  }
0x20: {  	[sflag:s23] =	ssyncset.done $0x0  }
0x21: {  	s16 =	simm.s32 $0x2800;
	s22 =	rddreg [dreg:$0x5];
	[sflag:s23] =	ssyncadd.s32 $0xFFFFD880  }
0x22: {  	[tilespmem:s16], [sflag:$0x4] =	stream.linear.gather [hbm4b:s22+s4], $0x2780, $0x38;
	[tilespmem:$0x1D680] =	vst v63  }
0x23: {  	_ =	swait.ge [sflag:s23], $0x2780  }
0x24: {  	[sflag:s23] =	ssyncset.done $0x0  }
0x25: {  	[sflag:s23] =	ssyncadd.s32 $0xFFFFD880  }
0x26: {  	[tilespmem:$0x9180] =	vst v0  }
0x27: {  	[tilespmem:$0x9190] =	vst v0  }
0x28: {  	[tilespmem:$0x91A0] =	vst v0  }
0x29: {  	[tilespmem:$0x91B0] =	vst v0  }
0x2a: {  	[tilespmem:$0x91C0] =	vst v0  }
0x2b: {  	[tilespmem:$0x91D0] =	vst v0  }
0x2c: {  	[tilespmem:$0x91E0] =	vst v0  }
0x2d: {  	[tilespmem:$0x91F0] =	vst v0  }
0x2e: {  	[tilespmem:$0x9200] =	vst v0  }
0x2f: {  	[tilespmem:$0x9210] =	vst v0  }
0x30: {  	[tilespmem:$0x9220] =	vst v0  }
0x31: {  	[tilespmem:$0x9230] =	vst v0  }
0x32: {  	[tilespmem:$0x9240] =	vst v0  }
0x33: {  	[tilespmem:$0x9250] =	vst v0  }
0x34: {  	[tilespmem:$0x9260] =	vst v0  }
0x35: {  	[tilespmem:$0x9270] =	vst v0  }
0x36: {  	[tilespmem:$0x9280] =	vst v0  }
0x37: {  	[tilespmem:$0x9290] =	vst v0  }
0x38: {  	[tilespmem:$0x92A0] =	vst v0  }
0x39: {  	[tilespmem:$0x92B0] =	vst v0  }
0x3a: {  	[tilespmem:$0x92C0] =	vst v0  }
0x3b: {  	[tilespmem:$0x92D0] =	vst v0  }
0x3c: {  	[tilespmem:$0x92E0] =	vst v0  }
0x3d: {  	[tilespmem:$0x92F0] =	vst v0  }
0x3e: {  	[tilespmem:$0x9300] =	vst v0  }
0x3f: {  	[tilespmem:$0x9310] =	vst v0  }
0x40: {  	[tilespmem:$0x9320] =	vst v0  }
0x41: {  	[tilespmem:$0x9330] =	vst v0  }
0x42: {  	[tilespmem:$0x9340] =	vst v0  }
0x43: {  	[tilespmem:$0x9350] =	vst v0  }
0x44: {  	[tilespmem:$0x9360] =	vst v0  }
0x45: {  	[tilespmem:$0x9370] =	vst v0  }
0x46: {  	[tilespmem:$0x9380] =	vst v0  }
0x47: {  	[tilespmem:$0x9390] =	vst v0  }
0x48: {  	[tilespmem:$0x93A0] =	vst v0  }
0x49: {  	[tilespmem:$0x93B0] =	vst v0  }
0x4a: {  	[tilespmem:$0x93C0] =	vst v0  }
0x4b: {  	[tilespmem:$0x93D0] =	vst v0  }
0x4c: {  	[tilespmem:$0x93E0] =	vst v0  }
0x4d: {  	s9 =	simm.s32 $0x0;
	s16 =	simm.s32 $0x200;
	[tilespmem:$0x93F0] =	vst v0  }
.LBB2_2:
0x4e: {  	p0 =	sne.s32 s16, $0xFE00;
	[tilespmem:s9+$0x51F0] =	vst v0  }
0x4f: {  	[tilespmem:s9+$0x5180] =	vst v0  }
0x50: {  	[tilespmem:s9+$0x5190] =	vst v0  }
.Ltmp0:
0x51: {  	[tilespmem:s9+$0x51A0] =	vst v0;
	(pc) =	sbr.rel @p0 .LBB2_2-.Ltmp0, $4  }
0x52: {  	[tilespmem:s9+$0x51B0] =	vst v0  }
0x53: {  	[tilespmem:s9+$0x51C0] =	vst v0  }
0x54: {  	[tilespmem:s9+$0x51D0] =	vst v0  }
0x55: {  	[tilespmem:s9+$0x51E0] =	vst v0;
	s9 =	sshra.s32 s16, $0x2;
	s16 =	sadd.s32 $0x200, s16  }
0x56: {  	[tilespmem:s9+$0x51F0] =	vst v0  }
0x57: {  	[tilespmem:s9+$0x5180] =	vst v0  }
0x58: {  	[tilespmem:s9+$0x5190] =	vst v0  }
0x59: {  	[tilespmem:s9+$0x51A0] =	vst v0  }
0x5a: {  	[tilespmem:s9+$0x51B0] =	vst v0  }
0x5b: {  	[tilespmem:s9+$0x51C0] =	vst v0  }
0x5c: {  	[tilespmem:s9+$0x51D0] =	vst v0  }
0x5d: {  	[tilespmem:s9+$0x51E0] =	vst v0  }
0x5e: {  	[spmem:s10] =	stream.linear.scatter [tilespmem:s25], [sflag:$0x4], $0x4000, $0x38;
	[tilespmem:$0x1D680] =	vst v63  }
0x5f: {  	_ =	swait.ge [sflag:s23], $0x4000  }
0x60: {  	[sflag:s23] =	ssyncset.done $0x0  }
0x61: {  	[sflag:s23] =	ssyncadd.s32 $0xFFFFC000  }
0x62: {  	[spmem:s11] =	stream.linear.scatter [tilespmem:s25], [sflag:$0x4], $0x4000, $0x38;
	[tilespmem:$0x1D680] =	vst v63  }
0x63: {  	_ =	swait.ge [sflag:s23], $0x4000  }
0x64: {  	[sflag:s23] =	ssyncset.done $0x0  }
0x65: {  	[sflag:s23] =	ssyncadd.s32 $0xFFFFC000  }
0x66: {  	[spmem:s12] =	stream.linear.scatter [tilespmem:s25], [sflag:$0x4], $0x4000, $0x38;
	[tilespmem:$0x1D680] =	vst v63  }
0x67: {  	_ =	swait.ge [sflag:s23], $0x4000  }
0x68: {  	[sflag:s23] =	ssyncset.done $0x0  }
0x69: {  	[sflag:s23] =	ssyncadd.s32 $0xFFFFC000  }
0x6a: {  	[spmem:s13] =	stream.linear.scatter [tilespmem:s25], [sflag:$0x4], $0x4000, $0x38;
	[tilespmem:$0x1D680] =	vst v63  }
0x6b: {  	_ =	swait.ge [sflag:s23], $0x4000  }
0x6c: {  	[sflag:s23] =	ssyncset.done $0x0  }
0x6d: {  	[sflag:s23] =	ssyncadd.s32 $0xFFFFC000  }
0x6e: {  	[spmem:s14] =	stream.linear.scatter [tilespmem:s25], [sflag:$0x4], $0x4000, $0x38;
	[tilespmem:$0x1D680] =	vst v63  }
0x6f: {  	_ =	swait.ge [sflag:s23], $0x4000  }
0x70: {  	[sflag:s23] =	ssyncset.done $0x0  }
0x71: {  	[sflag:s23] =	ssyncadd.s32 $0xFFFFC000  }
0x72: {  	[spmem:s15] =	stream.linear.scatter [tilespmem:s26], [sflag:$0x4], $0x280, $0x38;
	[tilespmem:$0x1D680] =	vst v63  }
0x73: {  	_ =	swait.ge [sflag:s23], $0x280  }
0x74: {  	[sflag:s23] =	ssyncset.done $0x0  }
0x75: {  	[sflag:s23] =	ssyncadd.s32 $0xFFFFFD80  }
0x76: {  	s9 =	simm.s32 $0x0;
	s16 =	simm.s32 $0x0;
	[bflag:$0x0] =	sbarrier.arrive $0xFFFF  }
.LBB2_4:
0x77: {  	s17 =	sshll.u32 s16, $0x7  }
0x78: {  	[tilespmem:s25], [sflag:$0x1] =	stream.indirect.gather [hbm4b:s7+s28], $0x80, s17, s28, $0xb8;
	[tilespmem:$0x1D680] =	vst v63  }
0x79: {  	_ = 	snop  }
0x7a: {  	[tilespmem:s29], [sflag:$0x2] =	stream.indirect.gather [hbm4b:s5+s28], $0x1, s17, s28, $0xb8;
	[tilespmem:$0x1D680] =	vst v63  }
0x7b: {  	s17 =	sadd.s32 $0x2800, s17  }
0x7c: {  	[tilespmem:s30], [sflag:$0x3] =	stream.indirect.gather [hbm4b:s6+s28], $0x1, s17, s28, $0xb8;
	[tilespmem:$0x1D680] =	vst v63  }
0x7d: {  	_ =	swait.ge [sflag:s31], $0x80  }
0x7e: {  	[sflag:s31] =	ssyncset.done $0x0  }
0x7f: {  	[sflag:s31] =	ssyncadd.s32 $0xFFFFFF80  }
0x80: {  	_ =	swait.ge [sflag:s1], $0x80  }
0x81: {  	[sflag:s1] =	ssyncset.done $0x0  }
0x82: {  	[sflag:s1] =	ssyncadd.s32 $0xFFFFFF80  }
0x83: {  	v1 =	vld [tilespmem:$0x5000]  }
0x84: {  	v2 =	vld [tilespmem:$0x5080]  }
0x85: {  	v3 =	vld [tilespmem:$0x5010]  }
0x86: {  	v4 =	vld [tilespmem:$0x5090]  }
0x87: {  	v5 =	vld [tilespmem:$0x5020]  }
0x88: {  	v6 =	vld [tilespmem:$0x50A0]  }
0x89: {  	v7 =	vld [tilespmem:$0x5030]  }
0x8a: {  	v8 =	vld [tilespmem:$0x50B0]  }
0x8b: {  	v9 =	vld [tilespmem:$0x5040]  }
0x8c: {  	v10 =	vld [tilespmem:$0x50C0]  }
0x8d: {  	v13 =	vld [tilespmem:$0x50E0];
	v1 =	vadd.f32 v2, v1  }
0x8e: {  	v14 =	vld [tilespmem:$0x5070];
	v3 =	vadd.f32 v4, v3  }
0x8f: {  	v2 =	vld [tilespmem:$0x5050];
	v5 =	vadd.f32 v6, v5;
	v11 =	vmul.f32 $2.000000030e-01, v1  }
0x90: {  	v4 =	vld [tilespmem:$0x50D0];
	v12 =	vmul.f32 $2.000000030e-01, v3  }
0x91: {  	v6 =	vld [tilespmem:$0x5060];
	v1 =	vmax.f32 v1, v11;
	v11 =	vmul.f32 $2.000000030e-01, v5  }
0x92: {  	v59 =	vld [tilespmem:$0x50F0];
	v3 =	vmax.f32 v3, v12;
	v1 =	vmul.f32 $1.442695020e+00, v1  }
0x93: {  	v7 =	vadd.f32 v8, v7;
	v3 =	vmul.f32 $1.442695020e+00, v3;
	v5 =	vmax.f32 v5, v11  }
0x94: {  	(erf) = vpow2.f32 v1;
	v1 =	vmul.f32 $1.442695020e+00, v5;
	v5 =	vadd.f32 v10, v9  }
0x95: {  	v2 =	vadd.f32 v4, v2;
	(erf) = vpow2.f32 v3;
	v3 =	vmul.f32 $2.000000030e-01, v7  }
0x96: {  	v4 =	vadd.f32 v13, v6;
	(erf) = vpow2.f32 v1;
	v1 =	vmul.f32 $2.000000030e-01, v5  }
0x97: {  	v6 =	vmul.f32 $2.000000030e-01, v2;
	v3 =	vmax.f32 v7, v3;
	v7 =	vadd.f32 v59, v14  }
0x98: {  	v3 =	vmul.f32 $1.442695020e+00, v3;
	v1 =	vmax.f32 v5, v1;
	v5 =	vmul.f32 $2.000000030e-01, v4  }
0x99: {  	v2 =	vmax.f32 v2, v6;
	v1 =	vmul.f32 $1.442695020e+00, v1;
	v6 =	vmul.f32 $2.000000030e-01, v7  }
0x9a: {  	v2 =	vmul.f32 $1.442695020e+00, v2;
	(erf) = vpow2.f32 v3;
	v3 =	vmax.f32 v4, v5  }
0x9b: {  	(erf) = vpow2.f32 v1;
	v1 =	vmul.f32 $1.442695020e+00, v3;
	v3 =	vmax.f32 v7, v6  }
0x9c: {  	(erf) = vpow2.f32 v2;
	v2 =	vmul.f32 $1.442695020e+00, v3  }
0x9d: {  	(erf) = vpow2.f32 v1  }
0x9e: {  	(erf) = vpow2.f32 v2;
	_ =	sdelay $0x1  }
0x9f: {  	v1 =	vpop (erf)  }
0xa0: {  	v2 =	vpop (erf);
	[tilespmem:$0x5100] =	vst v1  }
0xa1: {  	v1 =	vpop (erf);
	[tilespmem:$0x5110] =	vst v2  }
0xa2: {  	[tilespmem:$0x5120] =	vst v1;
	v2 =	vpop (erf)  }
0xa3: {  	v1 =	vpop (erf);
	[tilespmem:$0x5130] =	vst v2  }
0xa4: {  	v2 =	vpop (erf);
	[tilespmem:$0x5140] =	vst v1  }
0xa5: {  	v1 =	vpop (erf);
	[tilespmem:$0x5150] =	vst v2  }
0xa6: {  	[tilespmem:$0x5160] =	vst v1;
	v1 =	vpop (erf)  }
0xa7: {  	[tilespmem:$0x5170] =	vst v1  }
0xa8: {  	_ =	swait.ge [sflag:s0], $0x4000  }
0xa9: {  	[sflag:s0] =	ssyncset.done $0x0  }
0xaa: {  	s18 =	simm.s32 $0x5200;
	s19 =	simm.s32 $0x1;
	[sflag:s0] =	ssyncadd.s32 $0xFFFFC000  }
0xab: {  	v1 =	vmov s19;
	v6 =	vld [tilespmem:s18+$0xFFFFFFF0]  }
0xac: {  	v5 =	vld [tilespmem:s18+$0x50]  }
0xad: {  	v10 =	vld [tilespmem:s18+$0xFFFFFFD0]  }
0xae: {  	v3 =	vld [tilespmem:s18+$0x60]  }
0xaf: {  	v2 =	vmov s9;
	v4 =	vld [tilespmem:s18+$0x70]  }
0xb0: {  	v2 =	vand.u32 $0xFFFFFFFE, v2;
	v7 =	vld.idx.msk [tilespmem:v1+s24+$0x0], $0xffff  }
0xb1: {  	v1 =	vbroadcast v2, $0x0;
	v2 =	vld [tilespmem:s18+$0x0]  }
0xb2: {  	v8 =	vld [tilespmem:s18+$0x10]  }
0xb3: {  	v9 =	vld [tilespmem:s18+$0x20]  }
0xb4: {  	v11 =	vld [tilespmem:s18+$0x30]  }
0xb5: {  	v60 =	vld [tilespmem:s18+$0x40]  }
0xb6: {  	v61 =	vld [tilespmem:s18+$0xFFFFFF80];
	v62 =	vmul.f32 v2, v7  }
0xb7: {  	v15 =	vld [tilespmem:s18+$0xFFFFFFA0];
	v8 =	vmul.f32 v8, v7  }
0xb8: {  	v9 =	vmul.f32 v9, v7;
	v2 =	vld.idx.msk [tilespmem:v1+s24+$0x0], $0xffff;
	[tilespmem:s18+$0x0] =	vst v62  }
0xb9: {  	v11 =	vmul.f32 v11, v7;
	v63 =	vmul.f32 v5, v7;
	v5 =	vld [tilespmem:s18+$0xFFFFFF90];
	[tilespmem:s18+$0x10] =	vst v8  }
0xba: {  	v1 =	vmul.f32 v3, v7;
	v3 =	vld [tilespmem:s18+$0xFFFFFFE0];
	[tilespmem:s18+$0x20] =	vst v9  }
0xbb: {  	v12 =	vmul.f32 v60, v7;
	v4 =	vmul.f32 v4, v7;
	v7 =	vld [tilespmem:s18+$0xFFFFFFC0];
	[tilespmem:s18+$0x30] =	vst v11  }
0xbc: {  	[tilespmem:s18+$0x60] =	vst v1;
	v1 =	vld [tilespmem:s18+$0xFFFFFFB0]  }
0xbd: {  	[tilespmem:s18+$0x40] =	vst v12;
	v8 =	vmul.f32 v61, v2;
	v9 =	vmul.f32 v6, v2  }
0xbe: {  	s20 =	simm.s32 $0x5200;
	s19 =	simm.s32 $0x2;
	[tilespmem:s18+$0x50] =	vst v63;
	v6 =	vmul.f32 v15, v2;
	v10 =	vmul.f32 v10, v2  }
.LBB2_5:
0xbf: {  	p0 =	sne.s32 s19, $0x7E  }
0xc0: {  	v5 =	vmul.f32 v5, v2;
	v3 =	vmul.f32 v3, v2;
	[tilespmem:s18+$0x70] =	vst v4;
	s20 =	sadd.s32 $0x100, s20;
	s21 =	smov.u32 s19;
	s19 =	sadd.s32 $0x2, s19  }
0xc1: {  	v1 =	vmul.f32 v1, v2;
	v2 =	vmul.f32 v7, v2;
	[tilespmem:s18+$0xFFFFFFF0] =	vst v9  }
0xc2: {  	[tilespmem:s18+$0xFFFFFF80] =	vst v8  }
0xc3: {  	s22 =	sadd.s32 $0x1, s21;
	v9 =	vld [tilespmem:s20+$0xFFFFFFF0];
	[tilespmem:s18+$0xFFFFFFD0] =	vst v10  }
0xc4: {  	v4 =	vmov s22;
	v8 =	vld [tilespmem:s20+$0x50];
	[tilespmem:s18+$0xFFFFFFA0] =	vst v6  }
0xc5: {  	v10 =	vld [tilespmem:s20+$0xFFFFFFD0];
	[tilespmem:s18+$0xFFFFFFB0] =	vst v1  }
0xc6: {  	v1 =	vld [tilespmem:s20+$0xFFFFFFB0];
	[tilespmem:s18+$0xFFFFFFC0] =	vst v2  }
0xc7: {  	v6 =	vld [tilespmem:s20+$0x60];
	[tilespmem:s18+$0xFFFFFFE0] =	vst v3  }
0xc8: {  	v2 =	vmov s21;
	v3 =	vld [tilespmem:s20+$0x70];
	[tilespmem:s18+$0xFFFFFF90] =	vst v5;
	s18 =	smov.u32 s20  }
0xc9: {  	v2 =	vand.u32 $0xFFFFFFFE, v2;
	v11 =	vld.idx.msk [tilespmem:v4+s24+$0x0], $0xffff  }
0xca: {  	v2 =	vbroadcast v2, $0x0;
	v4 =	vld [tilespmem:s20+$0x0]  }
0xcb: {  	v5 =	vld [tilespmem:s20+$0x10]  }
0xcc: {  	v7 =	vld [tilespmem:s20+$0x20]  }
0xcd: {  	v12 =	vld [tilespmem:s20+$0x30]  }
0xce: {  	v13 =	vld [tilespmem:s20+$0x40]  }
0xcf: {  	v14 =	vld [tilespmem:s20+$0xFFFFFF80];
	v15 =	vmul.f32 v4, v11;
	v4 =	vmul.f32 v3, v11  }
0xd0: {  	v2 =	vld.idx.msk [tilespmem:v2+s24+$0x0], $0xffff;
	v16 =	vmul.f32 v5, v11;
	v5 =	vmul.f32 v6, v11  }
0xd1: {  	v6 =	vld [tilespmem:s20+$0xFFFFFFA0];
	[tilespmem:s20+$0x0] =	vst v15;
	v15 =	vmul.f32 v7, v11  }
0xd2: {  	v3 =	vld [tilespmem:s20+$0xFFFFFFE0];
	v12 =	vmul.f32 v12, v11;
	[tilespmem:s20+$0x60] =	vst v5  }
.Ltmp1:
0xd3: {  	v5 =	vld [tilespmem:s20+$0xFFFFFF90];
	[tilespmem:s20+$0x10] =	vst v16;
	v13 =	vmul.f32 v13, v11;
	(pc) =	sbr.rel @p0 .LBB2_5-.Ltmp1, $4  }
0xd4: {  	v11 =	vmul.f32 v8, v11;
	v7 =	vld [tilespmem:s20+$0xFFFFFFC0];
	[tilespmem:s20+$0x20] =	vst v15  }
0xd5: {  	[tilespmem:s20+$0x30] =	vst v12  }
0xd6: {  	v8 =	vmul.f32 v14, v2;
	v9 =	vmul.f32 v9, v2;
	[tilespmem:s20+$0x40] =	vst v13  }
0xd7: {  	v10 =	vmul.f32 v10, v2;
	v6 =	vmul.f32 v6, v2;
	[tilespmem:s20+$0x50] =	vst v11  }
0xd8: {  	[tilespmem:s18+$0x70] =	vst v4  }
0xd9: {  	[tilespmem:s18+$0xFFFFFFF0] =	vst v9  }
0xda: {  	[tilespmem:s18+$0xFFFFFF80] =	vst v8  }
0xdb: {  	v1 =	vmul.f32 v1, v2;
	[tilespmem:s18+$0xFFFFFFD0] =	vst v10  }
0xdc: {  	v3 =	vmul.f32 v3, v2;
	[tilespmem:s18+$0xFFFFFFA0] =	vst v6  }
0xdd: {  	v63 =	vmul.f32 v7, v2;
	[tilespmem:s18+$0xFFFFFFB0] =	vst v1  }
0xde: {  	v1 =	vmul.f32 v5, v2;
	[tilespmem:s18+$0xFFFFFFE0] =	vst v3  }
0xdf: {  	[tilespmem:s18+$0xFFFFFFC0] =	vst v63  }
0xe0: {  	[tilespmem:s18+$0xFFFFFF90] =	vst v1  }
0xe1: {  	[spmem:s2] =	stream.indirect.scatter.add.f32 [tilespmem:s25], [sflag:$0x1], $0x80, s17, s28, $0xb8;
	[tilespmem:$0x1D680] =	vst v63  }
0xe2: {  	s16 =	sadd.s32 $0x1, s16  }
0xe3: {  	[spmem:s3] =	stream.indirect.scatter.add.f32 [tilespmem:s24], [sflag:$0x4], $0x1, s17, s28, $0xb8;
	[tilespmem:$0x1D680] =	vst v63  }
0xe4: {  	p0 =	sne.s32 s16, $0x4F;
	_ =	swait.ge [sflag:s23], $0x80  }
.Ltmp2:
0xe5: {  	[sflag:s23] =	ssyncset.done $0x0;
	(pc) =	sbr.rel @p0 .LBB2_4-.Ltmp2, $4  }
0xe6: {  	[sflag:s23] =	ssyncadd.s32 $0xFFFFFF80  }
0xe7: {  	_ =	swait.ge [sflag:s0], $0x4000  }
0xe8: {  	[sflag:s0] =	ssyncset.done $0x0  }
0xe9: {  	[sflag:s0] =	ssyncadd.s32 $0xFFFFC000  }
0xea: {  	[bflag:$0x0] =	sbarrier.arrive $0xFFFF  }
0xeb: {  	[tilespmem:s25], [sflag:$0x4] =	stream.linear.gather [spmem:s10], $0x4000, $0x38;
	[tilespmem:$0x1D680] =	vst v63  }
0xec: {  	_ =	swait.ge [sflag:s23], $0x4000  }
0xed: {  	[sflag:s23] =	ssyncset.done $0x0  }
0xee: {  	s9 =	rddreg [dreg:$0x6];
	[sflag:s23] =	ssyncadd.s32 $0xFFFFC000  }
0xef: {  	[hbm4b:s9+s4] =	stream.linear.scatter [tilespmem:s25], [sflag:$0x4], $0x4000, $0x38;
	[tilespmem:$0x1D680] =	vst v63  }
0xf0: {  	_ =	swait.ge [sflag:s23], $0x4000  }
0xf1: {  	[sflag:s23] =	ssyncset.done $0x0  }
0xf2: {  	[sflag:s23] =	ssyncadd.s32 $0xFFFFC000  }
0xf3: {  	[tilespmem:s25], [sflag:$0x4] =	stream.linear.gather [spmem:s11], $0x4000, $0x38;
	[tilespmem:$0x1D680] =	vst v63  }
0xf4: {  	_ =	swait.ge [sflag:s23], $0x4000  }
0xf5: {  	[sflag:s23] =	ssyncset.done $0x0  }
0xf6: {  	s17 =	rddreg [dreg:$0x7];
	[sflag:s23] =	ssyncadd.s32 $0xFFFFC000  }
0xf7: {  	[hbm4b:s17+s4] =	stream.linear.scatter [tilespmem:s25], [sflag:$0x4], $0x4000, $0x38;
	[tilespmem:$0x1D680] =	vst v63  }
0xf8: {  	_ =	swait.ge [sflag:s23], $0x4000  }
0xf9: {  	[sflag:s23] =	ssyncset.done $0x0  }
0xfa: {  	[sflag:s23] =	ssyncadd.s32 $0xFFFFC000  }
0xfb: {  	[tilespmem:s25], [sflag:$0x4] =	stream.linear.gather [spmem:s12], $0x4000, $0x38;
	[tilespmem:$0x1D680] =	vst v63  }
0xfc: {  	_ =	swait.ge [sflag:s23], $0x4000  }
0xfd: {  	[sflag:s23] =	ssyncset.done $0x0  }
0xfe: {  	s18 =	rddreg [dreg:$0x8];
	[sflag:s23] =	ssyncadd.s32 $0xFFFFC000  }
0xff: {  	[hbm4b:s18+s4] =	stream.linear.scatter [tilespmem:s25], [sflag:$0x4], $0x4000, $0x38;
	[tilespmem:$0x1D680] =	vst v63  }
0x100: {  	_ =	swait.ge [sflag:s23], $0x4000  }
0x101: {  	[sflag:s23] =	ssyncset.done $0x0  }
0x102: {  	[sflag:s23] =	ssyncadd.s32 $0xFFFFC000  }
0x103: {  	[tilespmem:s25], [sflag:$0x4] =	stream.linear.gather [spmem:s13], $0x4000, $0x38;
	[tilespmem:$0x1D680] =	vst v63  }
0x104: {  	_ =	swait.ge [sflag:s23], $0x4000  }
0x105: {  	[sflag:s23] =	ssyncset.done $0x0  }
0x106: {  	s19 =	rddreg [dreg:$0x9];
	[sflag:s23] =	ssyncadd.s32 $0xFFFFC000  }
0x107: {  	[hbm4b:s19+s4] =	stream.linear.scatter [tilespmem:s25], [sflag:$0x4], $0x4000, $0x38;
	[tilespmem:$0x1D680] =	vst v63  }
0x108: {  	_ =	swait.ge [sflag:s23], $0x4000  }
0x109: {  	[sflag:s23] =	ssyncset.done $0x0  }
0x10a: {  	[sflag:s23] =	ssyncadd.s32 $0xFFFFC000  }
0x10b: {  	[tilespmem:s25], [sflag:$0x4] =	stream.linear.gather [spmem:s14], $0x4000, $0x38;
	[tilespmem:$0x1D680] =	vst v63  }
0x10c: {  	_ =	swait.ge [sflag:s23], $0x4000  }
0x10d: {  	[sflag:s23] =	ssyncset.done $0x0  }
0x10e: {  	s20 =	rddreg [dreg:$0xa];
	[sflag:s23] =	ssyncadd.s32 $0xFFFFC000  }
0x10f: {  	[hbm4b:s20+s4] =	stream.linear.scatter [tilespmem:s25], [sflag:$0x4], $0x4000, $0x38;
	[tilespmem:$0x1D680] =	vst v63  }
0x110: {  	_ =	swait.ge [sflag:s23], $0x4000  }
0x111: {  	[sflag:s23] =	ssyncset.done $0x0  }
0x112: {  	[sflag:s23] =	ssyncadd.s32 $0xFFFFC000  }
0x113: {  	[tilespmem:s26], [sflag:$0x4] =	stream.linear.gather [spmem:s15], $0x280, $0x38;
	[tilespmem:$0x1D680] =	vst v63  }
0x114: {  	_ =	swait.ge [sflag:s23], $0x280  }
0x115: {  	[sflag:s23] =	ssyncset.done $0x0  }
0x116: {  	s16 =	simm.s32 $0x100;
	s21 =	rddreg [dreg:$0xb];
	[sflag:s23] =	ssyncadd.s32 $0xFFFFFD80  }
0x117: {  	[hbm4b:s21+s28] =	stream.strided.scatter [tilespmem:s26], [sflag:$0x4], $0x280, s16, s28, $0x38;
	[tilespmem:$0x1D680] =	vst v63  }
0x118: {  	_ =	swait.ge [sflag:s23], $0x280  }
0x119: {  	s8 =	sadd.s32 $0x1, s8;
	s22 =	rddreg [dreg:$0xc]  }
0x11a: {  	p0 =	sne.s32 s8, s22  }
.Ltmp3:
0x11b: {  	_ = 	snop;
	(pc) =	sbr.rel @p0 .LBB2_1-.Ltmp3, $3  }
0x11c: {  	_ =	sdelay $0x1  }
0x11d: {  	[sflag:s23] =	ssyncset.done $0x0  }
0x11e: {  	[sflag:s23] =	ssyncadd.s32 $0xFFFFFD80  }
0x11f: {  	_ =	sfence.sel $0x180000  }
0x120: {  	[bflag:$0x0] =	sbarrier.arrive $0xFFFF  }
0x121: {  	_ =	strace $0x9000004D  }
0x122: {  	s0 =	stileid.u32;
	[bflag:$0x2] =	sbarrier.arrive $0xFFFF  }
0x123: {  	p0 =	sne.s32 s0, $0x0;
	s0 =	rddreg [dreg:$0x3]  }
0x124: {  	s0 =	sadd.s32 @!p0 $0x100000, s0  }
0x125: {  	[sflag:s0] =	ssyncadd.tile.s32 @!p0 $0x1;
	_ =	shalt  }
.Lfunc_end2:
_tile_overlayer_lowered:
.L_overlay_start_2:
0x126: {  	(tag) =	ssettag $0x2  }
0x127: {  	s0 =	rddreg [dreg:$0x0];
	s2 =	stileid.u32  }
0x128: {  	s1 =	rddreg [dreg:$0x1];
	p0 =	sne.s32 s2, $0x0  }
0x129: {  	s3 =	rddreg [dreg:$0x2];
	[bflag:$0x3] =	sbarrier.arrive $0xFFFF;
	s2 =	simm.s32 @!p0 $0x1C04  }
0x12a: {  	[timem:s3], [sflag:s2] =	dma.local @!p0 [hbm:s0], s1  }
0x12b: {  	s0 =	simm.s32 @!p0 $0x4  }
0x12c: {  	_ =	swait.ge @!p0 [sflag:s0], s1  }
0x12d: {  	s1 =	ssub.s32 @!p0 $0x0, s1;
	[sflag:s0] =	ssyncset.done @!p0 $0x0  }
0x12e: {  	[sflag:s0] =	ssyncadd.s32 @!p0 s1  }
0x12f: {  	[bflag:$0x3] =	sbarrier.arrive $0xFFFF  }
0x130: {  	_ =	shalt  }

// kernel: kernel.9.cloned.1.call-start
scs
__scs_entry_jumppad:
0x0: {  	(pc) =	sbr.rel $0x88, $3  }
0x1: {  	(tag) =	ssettag $0x0;
	lr =	simm.s32 $0x1  }
0x2: {  	[smem:$0x3F8D] =	sst lr;
	_ =	strace $0xD0000000  }
0x3: {  	_ = 	snop  }
0x4: {  	_ = 	snop  }
0x5: {  	_ = 	snop  }
0x6: {  	_ = 	snop  }
0x7: {  	_ = 	snop  }
__scs_overlays_trampoline_lowered:
0x8: {  	[smem:$0x3F9C] =	sst s0  }
0x9: {  	[smem:$0x3F9D] =	sst s1  }
0xa: {  	[smem:$0x3F9E] =	sst s2  }
0xb: {  	[smem:$0x3F9F] =	sst s3  }
0xc: {  	[smem:$0x3FA0] =	sst s4  }
0xd: {  	[smem:$0x3FA1] =	sst s5  }
0xe: {  	[smem:$0x3FA2] =	sst s6  }
0xf: {  	[smem:$0x3FA3] =	sst s7  }
0x10: {  	[smem:$0x3FA4] =	sst s8  }
0x11: {  	[smem:$0x3FA5] =	sst s9;
	s0 =	simm.s32 @!p0 $0x0  }
0x12: {  	s1 =	sld [smem:$0x3F8B];
	s0 =	simm.s32 @p0 $0x1  }
0x13: {  	[smem:$0x3FA6] =	sst s0;
	s0 =	simm.s32 @!p1 $0x0  }
0x14: {  	s2 =	sld [smem:$0x3F8A];
	s0 =	simm.s32 @p1 $0x1  }
0x15: {  	[smem:$0x3FA7] =	sst s0;
	s0 =	simm.s32 @!p2 $0x0  }
0x16: {  	s3 =	sld [smem:$0x3FDB];
	s0 =	simm.s32 @p2 $0x1  }
0x17: {  	s4 =	simm.s32 $0x1BF5;
	[smem:$0x3FA9] =	sst s0  }
0x18: {  	s0 =	sld [smem:$0x3F8C];
	_ =	swait.ge [sflag:s4], $0x0  }
0x19: {  	s7 =	sld [smem:$0x3F8D]  }
0x1a: {  	s8 =	sadd.s32 $0xFFFFE003, lr  }
0x1b: {  	s9 =	sadd.s32 $0xFFFFFEF7, lr;
	s5 =	simm.s32 $0xFFFFFFFF;
	p2 =	slt.u32 s8, $0xFFFFF086  }
0x1c: {  	p1 =	slt.u32 s9, $0xF7A;
	s5 =	simm.s32 @!p2 $0x0  }
0x1d: {  	s5 =	simm.s32 @p1 $0x1;
	p0 =	seq.s32 s7, s2  }
0x1e: {  	s7 =	smul.u32 @!p0 $0xF7A, s2;
	p2 =	seq.s32 @!p0 s5, $0x0  }
0x1f: {  	s9 =	smul.u32 $0xF7A, s1;
	s8 =	simm.s32 @!p0 $0x1BF5;
	p2 =	por !p2, p0  }
0x20: {  	[sflag:s8] =	ssyncset.s32 @!p0 $0xFFFFF086;
	s6 =	sadd.s32 @!p0 s3, s7;
	s7 =	simm.s32 @!p0 $0x108  }
0x21: {  	s3 =	sadd.s32 s3, s9;
	s6 =	sadd.s32 @!p0 $0x88, s6;
	s7 =	simm.s32 @p2 $0x1082  }
0x22: {  	[simem:s7], [sflag:s8] =	dma.local @!p0 [hbm:s6], $0xF7A  }
0x23: {  	s9 =	sor.u32 $0xD0000000, s2;
	s6 =	simm.s32 $0x108;
	_ =	swait.ge @!p0 [sflag:s8], $0x0  }
0x24: {  	s3 =	sadd.s32 $0x88, s3;
	s6 =	simm.s32 @!p1 $0x1082;
	[sflag:s4] =	ssyncset.s32 $0xFFFFF086  }
0x25: {  	[simem:s6], [sflag:s4] =	dma.local [hbm:s3], $0xF7A  }
0x26: {  	[smem:$0x3F8D] =	sst s1;
	(tag) =	ssettag s2;
	_ =	strace s9  }
0x27: {  	s1 =	sld [smem:$0x3F9D]  }
0x28: {  	s2 =	sld [smem:$0x3F9E]  }
0x29: {  	s4 =	sld [smem:$0x3FA0]  }
0x2a: {  	p0 =	seq.s32 s5, $0x0;
	s5 =	sld [smem:$0x3FA1]  }
0x2b: {  	s6 =	sld [smem:$0x3FA2]  }
0x2c: {  	s7 =	sld [smem:$0x3FA3]  }
0x2d: {  	s3 =	simm.s32 $0x108;
	s8 =	sld [smem:$0x3FA4]  }
0x2e: {  	s3 =	simm.s32 @!p0 $0x1082;
	s9 =	sld [smem:$0x3FA5]  }
0x2f: {  	lr =	sadd.s32 s0, s3;
	s0 =	sld [smem:$0x3F9C]  }
0x30: {  	s3 =	sld [smem:$0x3F9F]  }
0x31: {  	[smem:$0x3FA8] =	sst s10  }
0x32: {  	s10 =	sld [smem:$0x3FA6];
	_ =	sdelay $0x3  }
0x33: {  	p0 =	seq.s32 s10, $0x1;
	s10 =	sld [smem:$0x3FA8];
	_ =	sdelay $0x3  }
0x34: {  	[smem:$0x3FA8] =	sst s10  }
0x35: {  	s10 =	sld [smem:$0x3FA7];
	_ =	sdelay $0x3  }
0x36: {  	p1 =	seq.s32 s10, $0x1;
	s10 =	sld [smem:$0x3FA8];
	_ =	sdelay $0x3  }
0x37: {  	[smem:$0x3FA8] =	sst s10  }
0x38: {  	s10 =	sld [smem:$0x3FA9]  }
0x39: {  	_ = 	snop;
	(pc) =	sbr.ind lr, $3  }
0x3a: {  	_ = 	snop  }
0x3b: {  	_ = 	snop  }
0x3c: {  	p2 =	seq.s32 s10, $0x1;
	s10 =	sld [smem:$0x3FA8]  }
0x3d: {  	_ =	shalt  }
0x3e: {  	_ =	shalt  }
0x3f: {  	_ =	shalt  }
0x40: {  	_ =	shalt  }
0x41: {  	_ =	shalt  }
0x42: {  	_ =	shalt  }
0x43: {  	_ =	shalt  }
0x44: {  	_ =	shalt  }
0x45: {  	_ =	shalt  }
0x46: {  	_ =	shalt  }
0x47: {  	_ =	shalt  }
0x48: {  	_ =	shalt  }
0x49: {  	_ =	shalt  }
0x4a: {  	_ =	shalt  }
0x4b: {  	_ =	shalt  }
0x4c: {  	_ =	shalt  }
0x4d: {  	_ =	shalt  }
0x4e: {  	_ =	shalt  }
0x4f: {  	_ =	shalt  }
0x50: {  	_ =	shalt  }
0x51: {  	_ =	shalt  }
0x52: {  	_ =	shalt  }
0x53: {  	_ =	shalt  }
0x54: {  	_ =	shalt  }
0x55: {  	_ =	shalt  }
0x56: {  	_ =	shalt  }
0x57: {  	_ =	shalt  }
0x58: {  	_ =	shalt  }
0x59: {  	_ =	shalt  }
0x5a: {  	_ =	shalt  }
0x5b: {  	_ =	shalt  }
0x5c: {  	_ =	shalt  }
0x5d: {  	_ =	shalt  }
0x5e: {  	_ =	shalt  }
0x5f: {  	_ =	shalt  }
0x60: {  	_ =	shalt  }
0x61: {  	_ =	shalt  }
0x62: {  	_ =	shalt  }
0x63: {  	_ =	shalt  }
0x64: {  	_ =	shalt  }
0x65: {  	_ =	shalt  }
0x66: {  	_ =	shalt  }
0x67: {  	_ =	shalt  }
0x68: {  	_ =	shalt  }
0x69: {  	_ =	shalt  }
0x6a: {  	_ =	shalt  }
0x6b: {  	_ =	shalt  }
0x6c: {  	_ =	shalt  }
0x6d: {  	_ =	shalt  }
0x6e: {  	_ =	shalt  }
0x6f: {  	_ =	shalt  }
0x70: {  	_ =	shalt  }
0x71: {  	_ =	shalt  }
0x72: {  	_ =	shalt  }
0x73: {  	_ =	shalt  }
0x74: {  	_ =	shalt  }
0x75: {  	_ =	shalt  }
0x76: {  	_ =	shalt  }
0x77: {  	_ =	shalt  }
0x78: {  	_ =	shalt  }
0x79: {  	_ =	shalt  }
0x7a: {  	_ =	shalt  }
0x7b: {  	_ =	shalt  }
0x7c: {  	_ =	shalt  }
0x7d: {  	_ =	shalt  }
0x7e: {  	_ =	shalt  }
0x7f: {  	_ =	shalt  }
0x80: {  	_ =	shalt  }
0x81: {  	_ =	shalt  }
0x82: {  	_ =	shalt  }
0x83: {  	_ =	shalt  }
0x84: {  	_ =	shalt  }
0x85: {  	_ =	shalt  }
0x86: {  	_ =	shalt  }
0x87: {  	_ =	shalt  }
.Lfunc_end0:
.L_simem_size_0:
called_computation_lowered:
.L_overlay_start_0:
0x88: {  	s2 =	sld [smem:$0x3FD9]  }
0x89: {  	s3 =	sld [smem:$0x3FFE];
	_ =	sdelay $0x1  }
0x8a: {  	s1 =	srdreg.scid  }
0x8b: {  	s0 =	sand.u32 $0x1, s1  }
0x8c: {  	s16 =	sshll.u32 s0, $0xA;
	s2 =	sadd.s32 s3, s2  }
0x8d: {  	s2 =	sadd.s32 s2, s16  }
0x8e: {  	[smem:$0x3FB4] =	sst s2  }
0x8f: {  	_ = 	snop  }
0x90: {  	(tm) =	ssettm $0x1  }
0x91: {  	s17 =	sld [smem:$0x3FFB];
	_ =	sdelay $0x3  }
0x92: {  	_ =	strace s17  }
0x93: {  	s2 =	sld [smem:$0x3FFC];
	_ =	sdelay $0x3  }
0x94: {  	_ =	strace s2  }
0x95: {  	s2 =	sld [smem:$0x3FFD];
	_ =	sdelay $0x3  }
0x96: {  	_ =	strace s2  }
0x97: {  	_ =	strace $0x8FFFFFFF  }
0x98: {  	s18 =	sld [smem:$0x3FDB];
	_ =	sdelay $0x1  }
0x99: {  	s19 =	simm.s32 $_scs_section_size  }
0x9a: {  	s4 =	simm.s32 $_size__tile_overlayer_lowered;
	s5 =	simm.s32 $_tile_overlayer_lowered  }
0x9b: {  	s22 =	simm.s32 $0x1BFF;
	s21 =	sshll.u32 s5, $0x1;
	s2 =	sadd.s32 s19, s18  }
0x9c: {  	s6 =	simm.s32 $0x0;
	s20 =	sshll.u32 s4, $0x1;
	s4 =	sadd.s32 s21, s2  }
0x9d: {  	[timem:s6], [sflag:s22] =	dma.local [hbm:s4], s20  }
0x9e: {  	_ =	swait.ge [sflag:s22], s20  }
0x9f: {  	s3 =	ssub.s32 $0x0, s20;
	[sflag:s22] =	ssyncset.done $0x0  }
0xa0: {  	[sflag:s22] =	ssyncadd.s32 s3;
	_ =	sdelay $0x1  }
0xa1: {  	s23 =	simm.s32 $0x1B8B  }
0xa2: {  	_ =	swait.ge [sflag:s23], $0x1  }
0xa3: {  	[sflag:s23] =	ssyncset.done $0x0  }
0xa4: {  	s25 =	simm.s32 $0x1B8E;
	s24 =	sld [smem:$0x3FFE];
	[sflag:s23] =	ssyncadd.s32 $0xFFFFFFFF  }
0xa5: {  	s26 =	simm.s32 $execute0_lowered;
	[smem:$0x3FD2] =	sst s25  }
0xa6: {  	s4 =	sshll.u32 s26, $0x1;
	_ =	strace $0x80000046;
	[dreg:$0x1] =	wrdreg $0xFFFFFFFF  }
0xa7: {  	s28 =	simm.s32 $_size_execute0_lowered;
	s2 =	sadd.s32 s2, s4;
	[dreg:$0x0] =	wrdreg $0x0  }
0xa8: {  	s4 =	sshll.u32 s28, $0x1;
	[dreg:$0x2] =	wrdreg s2  }
0xa9: {  	[dreg:$0x3] =	wrdreg s4  }
0xaa: {  	[dreg:$0x4] =	wrdreg $0xC0  }
0xab: {  	_ =	task [dreg:s6], $0x5FFFF  }
0xac: {  	[dreg:$0x1] =	wrdreg $0xFFFFFFFF  }
0xad: {  	[dreg:$0x0] =	wrdreg $0x60  }
0xae: {  	[dreg:$0x2] =	wrdreg s24  }
0xaf: {  	[dreg:$0x3] =	wrdreg $0x94000  }
0xb0: {  	[dreg:$0x4] =	wrdreg $0x1D4000  }
0xb1: {  	[dreg:$0x5] =	wrdreg $0x9  }
0xb2: {  	_ =	task.clear_ibuf [dreg:s6], $0x6FFFF;
	_ =	strace $0x90000046  }
0xb3: {  	s29 =	simm.s32 $0x9;
	_ =	strace $0x80000048  }
0xb4: {  	_ =	swait.ge [sflag:s29], $0x1  }
0xb5: {  	[sflag:s29] =	ssyncadd.s32 $0xFFFFFFFF  }
0xb6: {  	_ =	strace $0x90000048  }
0xb7: {  	_ =	sfence  }
0xb8: {  	s30 =	sld [smem:$0x0];
	_ =	sdelay $0x2  }
0xb9: {  	s31 =	sshll.u32 s1, $0xD;
	s1 =	sshrl.u32 s1, $0x2  }
0xba: {  	s3 =	sand.u32 $0x4000, s31;
	s1 =	sadd.s32 s1, s30  }
0xbb: {  	s0 =	sor.u32 s3, s0;
	s1 =	sshll.u32 s1, $0x11  }
0xbc: {  	s0 =	sor.u32 s1, s0  }
0xbd: {  	s0 =	sadd.s32 $0x8F2B, s0  }
0xbe: {  	[sflag:s0] =	ssyncadd.remote.s32 $0x1  }
0xbf: {  	_ =	sfence.sel $0xFFFF  }
0xc0: {  	[dreg:$0x0] =	wrdreg $0xFFFFFFFF;
	(pc) =	sbr.abs _section_cstart, $3  }
0xc1: {  	[dreg:$0x1] =	wrdreg $0xFFFFFFFF  }
0xc2: {  	_ =	task.clear_ibuf [dreg:s6], $0x2FFFF;
	_ =	strace $0x9FFFFFFF  }
0xc3: {  	(tm) =	ssettm $0x7FFFFFFF  }
tec
execute0_lowered:
.L_overlay_start_1:
0x0: {  	(tag) =	ssettag $0x1  }
0x1: {  	s0 =	rddreg [dreg:$0x0]  }
0x2: {  	s1 =	srdreg.scid;
	s2 =	rddreg [dreg:$0x1]  }
0x3: {  	s13 =	stileid.u32;
	s3 =	rddreg [dreg:$0x2]  }
0x4: {  	s28 =	simm.s32 $0x80;
	s29 =	simm.s32 $0x5000;
	s30 =	simm.s32 $0x5080  }
0x5: {  	s31 =	simm.s32 $0x2;
	s1 =	sand.u32 $0x1, s1;
	s9 =	smul.u32 $0x500, s13  }
0x6: {  	s4 =	sshll.u32 s13, $0x1;
	s6 =	sadd.s32 $0x2A000, s0;
	s15 =	smul.u32 $0x280, s13  }
0x7: {  	s7 =	sadd.s32 $0x2800, s0;
	s16 =	sadd.s32 $0x3E600, s0;
	s12 =	smul.u32 $0x50000, s13  }
0x8: {  	s19 =	smul.u32 $0x14000, s13;
	s5 =	sor.u32 s1, s4;
	s4 =	simm.s32 $0x0  }
0x9: {  	s10 =	sshll.u32 s1, $0x7;
	s25 =	ssub.s32 $0x2, s1;
	s1 =	smul.u32 $0x140000, s1  }
0xa: {  	s5 =	smul.u32 $0x500, s5;
	[smem:$0x7FF] =	sst s4;
	s9 =	sor.u32 s10, s9  }
0xb: {  	s11 =	sshrl.u32 s25, $0x1;
	s21 =	sshrl.u32 s12, $0x2;
	s14 =	sshll.u32 s15, $0x7  }
0xc: {  	s15 =	sadd.s32 s15, s3;
	_ =	strace $0x80000047;
	s9 =	sshrl.u32 s9, $0x3  }
0xd: {  	s26 =	ssub.s32 s25, s11;
	s10 =	sadd.s32 s21, s2;
	s22 =	sadd.s32 $0x4000, s14  }
0xe: {  	s17 =	sadd.s32 $0x8000, s14;
	s18 =	sadd.s32 $0xC000, s14;
	s19 =	sadd.s32 s19, s1  }
0xf: {  	s8 =	sadd.s32 s5, s0;
	s5 =	sadd.s32 $0x29A00, s0;
	s0 =	sadd.s32 s9, s0  }
0x10: {  	s11 =	sadd.s32 s22, s2;
	s12 =	sadd.s32 s17, s2;
	s13 =	sadd.s32 s18, s2  }
0x11: {  	s19 =	sshrl.u32 s19, $0x3;
	s23 =	sadd.s32 s1, s17;
	s24 =	sadd.s32 s1, s18  }
0x12: {  	s26 =	smax.u32 s26, $0x1;
	s20 =	sadd.s32 $0x34600, s8;
	s8 =	sadd.s32 $0x2A600, s8  }
0x13: {  	s19 =	sadd.s32 s16, s19;
	s17 =	sshrl.u32 s24, $0x3;
	[dreg:$0xc] =	wrdreg s26  }
0x14: {  	s0 =	sadd.s32 $0x8E600, s0;
	s26 =	simm.s32 $0x9180;
	[dreg:$0x4] =	wrdreg s20  }
0x15: {  	s24 =	simm.s32 $0x5100;
	[dreg:$0x5] =	wrdreg s8;
	s20 =	sadd.s32 $0x10000, s14  }
0x16: {  	s8 =	sadd.s32 s1, s22;
	[dreg:$0x6] =	wrdreg s19;
	s25 =	sadd.s32 s16, s17  }
0x17: {  	[dreg:$0xb] =	wrdreg s0;
	s0 =	simm.s32 $0x1;
	s14 =	sadd.s32 s20, s2  }
0x18: {  	s8 =	sshrl.u32 s8, $0x3;
	s1 =	sadd.s32 s1, s20;
	[dreg:$0x9] =	wrdreg s25  }
0x19: {  	s25 =	simm.s32 $0x5180;
	s8 =	sadd.s32 s16, s8;
	s1 =	sshrl.u32 s1, $0x3  }
0x1a: {  	[dreg:$0x7] =	wrdreg s8;
	s8 =	sshrl.u32 s23, $0x3;
	s1 =	sadd.s32 s16, s1  }
0x1b: {  	s23 =	simm.s32 $0x4;
	s8 =	sadd.s32 s16, s8;
	[dreg:$0xa] =	wrdreg s1  }
0x1c: {  	v0 =	vimm.f32 $0.0e+00;
	s1 =	simm.s32 $0x3;
	[dreg:$0x8] =	wrdreg s8;
	s8 =	simm.s32 $0x0  }
.LBB2_1:
0x1d: {  	s9 =	rddreg [dreg:$0x4]  }
0x1e: {  	[tilespmem:s4], [sflag:$0x4] =	stream.linear.gather [hbm4b:s9+s4], $0x2780, $0x38;
	[tilespmem:$0x1D680] =	vst v63  }
0x1f: {  	_ =	swait.ge [sflag:s23], $0x2780  }
0x20: {  	[sflag:s23] =	ssyncset.done $0x0  }
0x21: {  	s16 =	simm.s32 $0x2800;
	s22 =	rddreg [dreg:$0x5];
	[sflag:s23] =	ssyncadd.s32 $0xFFFFD880  }
0x22: {  	[tilespmem:s16], [sflag:$0x4] =	stream.linear.gather [hbm4b:s22+s4], $0x2780, $0x38;
	[tilespmem:$0x1D680] =	vst v63  }
0x23: {  	_ =	swait.ge [sflag:s23], $0x2780  }
0x24: {  	[sflag:s23] =	ssyncset.done $0x0  }
0x25: {  	[sflag:s23] =	ssyncadd.s32 $0xFFFFD880  }
0x26: {  	[tilespmem:$0x9180] =	vst v0  }
0x27: {  	[tilespmem:$0x9190] =	vst v0  }
0x28: {  	[tilespmem:$0x91A0] =	vst v0  }
0x29: {  	[tilespmem:$0x91B0] =	vst v0  }
0x2a: {  	[tilespmem:$0x91C0] =	vst v0  }
0x2b: {  	[tilespmem:$0x91D0] =	vst v0  }
0x2c: {  	[tilespmem:$0x91E0] =	vst v0  }
0x2d: {  	[tilespmem:$0x91F0] =	vst v0  }
0x2e: {  	[tilespmem:$0x9200] =	vst v0  }
0x2f: {  	[tilespmem:$0x9210] =	vst v0  }
0x30: {  	[tilespmem:$0x9220] =	vst v0  }
0x31: {  	[tilespmem:$0x9230] =	vst v0  }
0x32: {  	[tilespmem:$0x9240] =	vst v0  }
0x33: {  	[tilespmem:$0x9250] =	vst v0  }
0x34: {  	[tilespmem:$0x9260] =	vst v0  }
0x35: {  	[tilespmem:$0x9270] =	vst v0  }
0x36: {  	[tilespmem:$0x9280] =	vst v0  }
0x37: {  	[tilespmem:$0x9290] =	vst v0  }
0x38: {  	[tilespmem:$0x92A0] =	vst v0  }
0x39: {  	[tilespmem:$0x92B0] =	vst v0  }
0x3a: {  	[tilespmem:$0x92C0] =	vst v0  }
0x3b: {  	[tilespmem:$0x92D0] =	vst v0  }
0x3c: {  	[tilespmem:$0x92E0] =	vst v0  }
0x3d: {  	[tilespmem:$0x92F0] =	vst v0  }
0x3e: {  	[tilespmem:$0x9300] =	vst v0  }
0x3f: {  	[tilespmem:$0x9310] =	vst v0  }
0x40: {  	[tilespmem:$0x9320] =	vst v0  }
0x41: {  	[tilespmem:$0x9330] =	vst v0  }
0x42: {  	[tilespmem:$0x9340] =	vst v0  }
0x43: {  	[tilespmem:$0x9350] =	vst v0  }
0x44: {  	[tilespmem:$0x9360] =	vst v0  }
0x45: {  	[tilespmem:$0x9370] =	vst v0  }
0x46: {  	[tilespmem:$0x9380] =	vst v0  }
0x47: {  	[tilespmem:$0x9390] =	vst v0  }
0x48: {  	[tilespmem:$0x93A0] =	vst v0  }
0x49: {  	[tilespmem:$0x93B0] =	vst v0  }
0x4a: {  	[tilespmem:$0x93C0] =	vst v0  }
0x4b: {  	[tilespmem:$0x93D0] =	vst v0  }
0x4c: {  	[tilespmem:$0x93E0] =	vst v0  }
0x4d: {  	s9 =	simm.s32 $0x0;
	s16 =	simm.s32 $0x200;
	[tilespmem:$0x93F0] =	vst v0  }
.LBB2_2:
0x4e: {  	p0 =	sne.s32 s16, $0xFE00;
	[tilespmem:s9+$0x51F0] =	vst v0  }
0x4f: {  	[tilespmem:s9+$0x5180] =	vst v0  }
0x50: {  	[tilespmem:s9+$0x5190] =	vst v0  }
.Ltmp0:
0x51: {  	[tilespmem:s9+$0x51A0] =	vst v0;
	(pc) =	sbr.rel @p0 .LBB2_2-.Ltmp0, $4  }
0x52: {  	[tilespmem:s9+$0x51B0] =	vst v0  }
0x53: {  	[tilespmem:s9+$0x51C0] =	vst v0  }
0x54: {  	[tilespmem:s9+$0x51D0] =	vst v0  }
0x55: {  	[tilespmem:s9+$0x51E0] =	vst v0;
	s9 =	sshra.s32 s16, $0x2;
	s16 =	sadd.s32 $0x200, s16  }
0x56: {  	[tilespmem:s9+$0x51F0] =	vst v0  }
0x57: {  	[tilespmem:s9+$0x5180] =	vst v0  }
0x58: {  	[tilespmem:s9+$0x5190] =	vst v0  }
0x59: {  	[tilespmem:s9+$0x51A0] =	vst v0  }
0x5a: {  	[tilespmem:s9+$0x51B0] =	vst v0  }
0x5b: {  	[tilespmem:s9+$0x51C0] =	vst v0  }
0x5c: {  	[tilespmem:s9+$0x51D0] =	vst v0  }
0x5d: {  	[tilespmem:s9+$0x51E0] =	vst v0  }
0x5e: {  	[spmem:s10] =	stream.linear.scatter [tilespmem:s25], [sflag:$0x4], $0x4000, $0x38;
	[tilespmem:$0x1D680] =	vst v63  }
0x5f: {  	_ =	swait.ge [sflag:s23], $0x4000  }
0x60: {  	[sflag:s23] =	ssyncset.done $0x0  }
0x61: {  	[sflag:s23] =	ssyncadd.s32 $0xFFFFC000  }
0x62: {  	[spmem:s11] =	stream.linear.scatter [tilespmem:s25], [sflag:$0x4], $0x4000, $0x38;
	[tilespmem:$0x1D680] =	vst v63  }
0x63: {  	_ =	swait.ge [sflag:s23], $0x4000  }
0x64: {  	[sflag:s23] =	ssyncset.done $0x0  }
0x65: {  	[sflag:s23] =	ssyncadd.s32 $0xFFFFC000  }
0x66: {  	[spmem:s12] =	stream.linear.scatter [tilespmem:s25], [sflag:$0x4], $0x4000, $0x38;
	[tilespmem:$0x1D680] =	vst v63  }
0x67: {  	_ =	swait.ge [sflag:s23], $0x4000  }
0x68: {  	[sflag:s23] =	ssyncset.done $0x0  }
0x69: {  	[sflag:s23] =	ssyncadd.s32 $0xFFFFC000  }
0x6a: {  	[spmem:s13] =	stream.linear.scatter [tilespmem:s25], [sflag:$0x4], $0x4000, $0x38;
	[tilespmem:$0x1D680] =	vst v63  }
0x6b: {  	_ =	swait.ge [sflag:s23], $0x4000  }
0x6c: {  	[sflag:s23] =	ssyncset.done $0x0  }
0x6d: {  	[sflag:s23] =	ssyncadd.s32 $0xFFFFC000  }
0x6e: {  	[spmem:s14] =	stream.linear.scatter [tilespmem:s25], [sflag:$0x4], $0x4000, $0x38;
	[tilespmem:$0x1D680] =	vst v63  }
0x6f: {  	_ =	swait.ge [sflag:s23], $0x4000  }
0x70: {  	[sflag:s23] =	ssyncset.done $0x0  }
0x71: {  	[sflag:s23] =	ssyncadd.s32 $0xFFFFC000  }
0x72: {  	[spmem:s15] =	stream.linear.scatter [tilespmem:s26], [sflag:$0x4], $0x280, $0x38;
	[tilespmem:$0x1D680] =	vst v63  }
0x73: {  	_ =	swait.ge [sflag:s23], $0x280  }
0x74: {  	[sflag:s23] =	ssyncset.done $0x0  }
0x75: {  	[sflag:s23] =	ssyncadd.s32 $0xFFFFFD80  }
0x76: {  	s9 =	simm.s32 $0x0;
	s16 =	simm.s32 $0x0;
	[bflag:$0x0] =	sbarrier.arrive $0xFFFF  }
.LBB2_4:
0x77: {  	s17 =	sshll.u32 s16, $0x7  }
0x78: {  	[tilespmem:s25], [sflag:$0x1] =	stream.indirect.gather [hbm4b:s7+s28], $0x80, s17, s28, $0xb8;
	[tilespmem:$0x1D680] =	vst v63  }
0x79: {  	_ = 	snop  }
0x7a: {  	[tilespmem:s29], [sflag:$0x2] =	stream.indirect.gather [hbm4b:s5+s28], $0x1, s17, s28, $0xb8;
	[tilespmem:$0x1D680] =	vst v63  }
0x7b: {  	s17 =	sadd.s32 $0x2800, s17  }
0x7c: {  	[tilespmem:s30], [sflag:$0x3] =	stream.indirect.gather [hbm4b:s6+s28], $0x1, s17, s28, $0xb8;
	[tilespmem:$0x1D680] =	vst v63  }
0x7d: {  	_ =	swait.ge [sflag:s31], $0x80  }
0x7e: {  	[sflag:s31] =	ssyncset.done $0x0  }
0x7f: {  	[sflag:s31] =	ssyncadd.s32 $0xFFFFFF80  }
0x80: {  	_ =	swait.ge [sflag:s1], $0x80  }
0x81: {  	[sflag:s1] =	ssyncset.done $0x0  }
0x82: {  	[sflag:s1] =	ssyncadd.s32 $0xFFFFFF80  }
0x83: {  	v1 =	vld [tilespmem:$0x5000]  }
0x84: {  	v2 =	vld [tilespmem:$0x5080]  }
0x85: {  	v3 =	vld [tilespmem:$0x5010]  }
0x86: {  	v4 =	vld [tilespmem:$0x5090]  }
0x87: {  	v5 =	vld [tilespmem:$0x5020]  }
0x88: {  	v6 =	vld [tilespmem:$0x50A0]  }
0x89: {  	v7 =	vld [tilespmem:$0x5030]  }
0x8a: {  	v8 =	vld [tilespmem:$0x50B0]  }
0x8b: {  	v9 =	vld [tilespmem:$0x5040]  }
0x8c: {  	v10 =	vld [tilespmem:$0x50C0]  }
0x8d: {  	v13 =	vld [tilespmem:$0x50E0];
	v1 =	vadd.f32 v2, v1  }
0x8e: {  	v14 =	vld [tilespmem:$0x5070];
	v3 =	vadd.f32 v4, v3  }
0x8f: {  	v2 =	vld [tilespmem:$0x5050];
	v5 =	vadd.f32 v6, v5;
	v11 =	vmul.f32 $2.000000030e-01, v1  }
0x90: {  	v4 =	vld [tilespmem:$0x50D0];
	v12 =	vmul.f32 $2.000000030e-01, v3  }
0x91: {  	v6 =	vld [tilespmem:$0x5060];
	v1 =	vmax.f32 v1, v11;
	v11 =	vmul.f32 $2.000000030e-01, v5  }
0x92: {  	v59 =	vld [tilespmem:$0x50F0];
	v3 =	vmax.f32 v3, v12;
	v1 =	vmul.f32 $1.442695020e+00, v1  }
0x93: {  	v7 =	vadd.f32 v8, v7;
	v3 =	vmul.f32 $1.442695020e+00, v3;
	v5 =	vmax.f32 v5, v11  }
0x94: {  	(erf) = vpow2.f32 v1;
	v1 =	vmul.f32 $1.442695020e+00, v5;
	v5 =	vadd.f32 v10, v9  }
0x95: {  	v2 =	vadd.f32 v4, v2;
	(erf) = vpow2.f32 v3;
	v3 =	vmul.f32 $2.000000030e-01, v7  }
0x96: {  	v4 =	vadd.f32 v13, v6;
	(erf) = vpow2.f32 v1;
	v1 =	vmul.f32 $2.000000030e-01, v5  }
0x97: {  	v6 =	vmul.f32 $2.000000030e-01, v2;
	v3 =	vmax.f32 v7, v3;
	v7 =	vadd.f32 v59, v14  }
0x98: {  	v3 =	vmul.f32 $1.442695020e+00, v3;
	v1 =	vmax.f32 v5, v1;
	v5 =	vmul.f32 $2.000000030e-01, v4  }
0x99: {  	v2 =	vmax.f32 v2, v6;
	v1 =	vmul.f32 $1.442695020e+00, v1;
	v6 =	vmul.f32 $2.000000030e-01, v7  }
0x9a: {  	v2 =	vmul.f32 $1.442695020e+00, v2;
	(erf) = vpow2.f32 v3;
	v3 =	vmax.f32 v4, v5  }
0x9b: {  	(erf) = vpow2.f32 v1;
	v1 =	vmul.f32 $1.442695020e+00, v3;
	v3 =	vmax.f32 v7, v6  }
0x9c: {  	(erf) = vpow2.f32 v2;
	v2 =	vmul.f32 $1.442695020e+00, v3  }
0x9d: {  	(erf) = vpow2.f32 v1  }
0x9e: {  	(erf) = vpow2.f32 v2;
	_ =	sdelay $0x1  }
0x9f: {  	v1 =	vpop (erf)  }
0xa0: {  	v2 =	vpop (erf);
	[tilespmem:$0x5100] =	vst v1  }
0xa1: {  	v1 =	vpop (erf);
	[tilespmem:$0x5110] =	vst v2  }
0xa2: {  	[tilespmem:$0x5120] =	vst v1;
	v2 =	vpop (erf)  }
0xa3: {  	v1 =	vpop (erf);
	[tilespmem:$0x5130] =	vst v2  }
0xa4: {  	v2 =	vpop (erf);
	[tilespmem:$0x5140] =	vst v1  }
0xa5: {  	v1 =	vpop (erf);
	[tilespmem:$0x5150] =	vst v2  }
0xa6: {  	[tilespmem:$0x5160] =	vst v1;
	v1 =	vpop (erf)  }
0xa7: {  	[tilespmem:$0x5170] =	vst v1  }
0xa8: {  	_ =	swait.ge [sflag:s0], $0x4000  }
0xa9: {  	[sflag:s0] =	ssyncset.done $0x0  }
0xaa: {  	s18 =	simm.s32 $0x5200;
	s19 =	simm.s32 $0x1;
	[sflag:s0] =	ssyncadd.s32 $0xFFFFC000  }
0xab: {  	v1 =	vmov s19;
	v6 =	vld [tilespmem:s18+$0xFFFFFFF0]  }
0xac: {  	v5 =	vld [tilespmem:s18+$0x50]  }
0xad: {  	v10 =	vld [tilespmem:s18+$0xFFFFFFD0]  }
0xae: {  	v3 =	vld [tilespmem:s18+$0x60]  }
0xaf: {  	v2 =	vmov s9;
	v4 =	vld [tilespmem:s18+$0x70]  }
0xb0: {  	v2 =	vand.u32 $0xFFFFFFFE, v2;
	v7 =	vld.idx.msk [tilespmem:v1+s24+$0x0], $0xffff  }
0xb1: {  	v1 =	vbroadcast v2, $0x0;
	v2 =	vld [tilespmem:s18+$0x0]  }
0xb2: {  	v8 =	vld [tilespmem:s18+$0x10]  }
0xb3: {  	v9 =	vld [tilespmem:s18+$0x20]  }
0xb4: {  	v11 =	vld [tilespmem:s18+$0x30]  }
0xb5: {  	v60 =	vld [tilespmem:s18+$0x40]  }
0xb6: {  	v61 =	vld [tilespmem:s18+$0xFFFFFF80];
	v62 =	vmul.f32 v2, v7  }
0xb7: {  	v15 =	vld [tilespmem:s18+$0xFFFFFFA0];
	v8 =	vmul.f32 v8, v7  }
0xb8: {  	v9 =	vmul.f32 v9, v7;
	v2 =	vld.idx.msk [tilespmem:v1+s24+$0x0], $0xffff;
	[tilespmem:s18+$0x0] =	vst v62  }
0xb9: {  	v11 =	vmul.f32 v11, v7;
	v63 =	vmul.f32 v5, v7;
	v5 =	vld [tilespmem:s18+$0xFFFFFF90];
	[tilespmem:s18+$0x10] =	vst v8  }
0xba: {  	v1 =	vmul.f32 v3, v7;
	v3 =	vld [tilespmem:s18+$0xFFFFFFE0];
	[tilespmem:s18+$0x20] =	vst v9  }
0xbb: {  	v12 =	vmul.f32 v60, v7;
	v4 =	vmul.f32 v4, v7;
	v7 =	vld [tilespmem:s18+$0xFFFFFFC0];
	[tilespmem:s18+$0x30] =	vst v11  }
0xbc: {  	[tilespmem:s18+$0x60] =	vst v1;
	v1 =	vld [tilespmem:s18+$0xFFFFFFB0]  }
0xbd: {  	[tilespmem:s18+$0x40] =	vst v12;
	v8 =	vmul.f32 v61, v2;
	v9 =	vmul.f32 v6, v2  }
0xbe: {  	s20 =	simm.s32 $0x5200;
	s19 =	simm.s32 $0x2;
	[tilespmem:s18+$0x50] =	vst v63;
	v6 =	vmul.f32 v15, v2;
	v10 =	vmul.f32 v10, v2  }
.LBB2_5:
0xbf: {  	p0 =	sne.s32 s19, $0x7E  }
0xc0: {  	v5 =	vmul.f32 v5, v2;
	v3 =	vmul.f32 v3, v2;
	[tilespmem:s18+$0x70] =	vst v4;
	s20 =	sadd.s32 $0x100, s20;
	s21 =	smov.u32 s19;
	s19 =	sadd.s32 $0x2, s19  }
0xc1: {  	v1 =	vmul.f32 v1, v2;
	v2 =	vmul.f32 v7, v2;
	[tilespmem:s18+$0xFFFFFFF0] =	vst v9  }
0xc2: {  	[tilespmem:s18+$0xFFFFFF80] =	vst v8  }
0xc3: {  	s22 =	sadd.s32 $0x1, s21;
	v9 =	vld [tilespmem:s20+$0xFFFFFFF0];
	[tilespmem:s18+$0xFFFFFFD0] =	vst v10  }
0xc4: {  	v4 =	vmov s22;
	v8 =	vld [tilespmem:s20+$0x50];
	[tilespmem:s18+$0xFFFFFFA0] =	vst v6  }
0xc5: {  	v10 =	vld [tilespmem:s20+$0xFFFFFFD0];
	[tilespmem:s18+$0xFFFFFFB0] =	vst v1  }
0xc6: {  	v1 =	vld [tilespmem:s20+$0xFFFFFFB0];
	[tilespmem:s18+$0xFFFFFFC0] =	vst v2  }
0xc7: {  	v6 =	vld [tilespmem:s20+$0x60];
	[tilespmem:s18+$0xFFFFFFE0] =	vst v3  }
0xc8: {  	v2 =	vmov s21;
	v3 =	vld [tilespmem:s20+$0x70];
	[tilespmem:s18+$0xFFFFFF90] =	vst v5;
	s18 =	smov.u32 s20  }
0xc9: {  	v2 =	vand.u32 $0xFFFFFFFE, v2;
	v11 =	vld.idx.msk [tilespmem:v4+s24+$0x0], $0xffff  }
0xca: {  	v2 =	vbroadcast v2, $0x0;
	v4 =	vld [tilespmem:s20+$0x0]  }
0xcb: {  	v5 =	vld [tilespmem:s20+$0x10]  }
0xcc: {  	v7 =	vld [tilespmem:s20+$0x20]  }
0xcd: {  	v12 =	vld [tilespmem:s20+$0x30]  }
0xce: {  	v13 =	vld [tilespmem:s20+$0x40]  }
0xcf: {  	v14 =	vld [tilespmem:s20+$0xFFFFFF80];
	v15 =	vmul.f32 v4, v11;
	v4 =	vmul.f32 v3, v11  }
0xd0: {  	v2 =	vld.idx.msk [tilespmem:v2+s24+$0x0], $0xffff;
	v16 =	vmul.f32 v5, v11;
	v5 =	vmul.f32 v6, v11  }
0xd1: {  	v6 =	vld [tilespmem:s20+$0xFFFFFFA0];
	[tilespmem:s20+$0x0] =	vst v15;
	v15 =	vmul.f32 v7, v11  }
0xd2: {  	v3 =	vld [tilespmem:s20+$0xFFFFFFE0];
	v12 =	vmul.f32 v12, v11;
	[tilespmem:s20+$0x60] =	vst v5  }
.Ltmp1:
0xd3: {  	v5 =	vld [tilespmem:s20+$0xFFFFFF90];
	[tilespmem:s20+$0x10] =	vst v16;
	v13 =	vmul.f32 v13, v11;
	(pc) =	sbr.rel @p0 .LBB2_5-.Ltmp1, $4  }
0xd4: {  	v11 =	vmul.f32 v8, v11;
	v7 =	vld [tilespmem:s20+$0xFFFFFFC0];
	[tilespmem:s20+$0x20] =	vst v15  }
0xd5: {  	[tilespmem:s20+$0x30] =	vst v12  }
0xd6: {  	v8 =	vmul.f32 v14, v2;
	v9 =	vmul.f32 v9, v2;
	[tilespmem:s20+$0x40] =	vst v13  }
0xd7: {  	v10 =	vmul.f32 v10, v2;
	v6 =	vmul.f32 v6, v2;
	[tilespmem:s20+$0x50] =	vst v11  }
0xd8: {  	[tilespmem:s18+$0x70] =	vst v4  }
0xd9: {  	[tilespmem:s18+$0xFFFFFFF0] =	vst v9  }
0xda: {  	[tilespmem:s18+$0xFFFFFF80] =	vst v8  }
0xdb: {  	v1 =	vmul.f32 v1, v2;
	[tilespmem:s18+$0xFFFFFFD0] =	vst v10  }
0xdc: {  	v3 =	vmul.f32 v3, v2;
	[tilespmem:s18+$0xFFFFFFA0] =	vst v6  }
0xdd: {  	v63 =	vmul.f32 v7, v2;
	[tilespmem:s18+$0xFFFFFFB0] =	vst v1  }
0xde: {  	v1 =	vmul.f32 v5, v2;
	[tilespmem:s18+$0xFFFFFFE0] =	vst v3  }
0xdf: {  	[tilespmem:s18+$0xFFFFFFC0] =	vst v63  }
0xe0: {  	[tilespmem:s18+$0xFFFFFF90] =	vst v1  }
0xe1: {  	[spmem:s2] =	stream.indirect.scatter.add.f32 [tilespmem:s25], [sflag:$0x1], $0x80, s17, s28, $0xb8;
	[tilespmem:$0x1D680] =	vst v63  }
0xe2: {  	s16 =	sadd.s32 $0x1, s16  }
0xe3: {  	[spmem:s3] =	stream.indirect.scatter.add.f32 [tilespmem:s24], [sflag:$0x4], $0x1, s17, s28, $0xb8;
	[tilespmem:$0x1D680] =	vst v63  }
0xe4: {  	p0 =	sne.s32 s16, $0x4F;
	_ =	swait.ge [sflag:s23], $0x80  }
.Ltmp2:
0xe5: {  	[sflag:s23] =	ssyncset.done $0x0;
	(pc) =	sbr.rel @p0 .LBB2_4-.Ltmp2, $4  }
0xe6: {  	[sflag:s23] =	ssyncadd.s32 $0xFFFFFF80  }
0xe7: {  	_ =	swait.ge [sflag:s0], $0x4000  }
0xe8: {  	[sflag:s0] =	ssyncset.done $0x0  }
0xe9: {  	[sflag:s0] =	ssyncadd.s32 $0xFFFFC000  }
0xea: {  	[bflag:$0x0] =	sbarrier.arrive $0xFFFF  }
0xeb: {  	[tilespmem:s25], [sflag:$0x4] =	stream.linear.gather [spmem:s10], $0x4000, $0x38;
	[tilespmem:$0x1D680] =	vst v63  }
0xec: {  	_ =	swait.ge [sflag:s23], $0x4000  }
0xed: {  	[sflag:s23] =	ssyncset.done $0x0  }
0xee: {  	s9 =	rddreg [dreg:$0x6];
	[sflag:s23] =	ssyncadd.s32 $0xFFFFC000  }
0xef: {  	[hbm4b:s9+s4] =	stream.linear.scatter [tilespmem:s25], [sflag:$0x4], $0x4000, $0x38;
	[tilespmem:$0x1D680] =	vst v63  }
0xf0: {  	_ =	swait.ge [sflag:s23], $0x4000  }
0xf1: {  	[sflag:s23] =	ssyncset.done $0x0  }
0xf2: {  	[sflag:s23] =	ssyncadd.s32 $0xFFFFC000  }
0xf3: {  	[tilespmem:s25], [sflag:$0x4] =	stream.linear.gather [spmem:s11], $0x4000, $0x38;
	[tilespmem:$0x1D680] =	vst v63  }
0xf4: {  	_ =	swait.ge [sflag:s23], $0x4000  }
0xf5: {  	[sflag:s23] =	ssyncset.done $0x0  }
0xf6: {  	s17 =	rddreg [dreg:$0x7];
	[sflag:s23] =	ssyncadd.s32 $0xFFFFC000  }
0xf7: {  	[hbm4b:s17+s4] =	stream.linear.scatter [tilespmem:s25], [sflag:$0x4], $0x4000, $0x38;
	[tilespmem:$0x1D680] =	vst v63  }
0xf8: {  	_ =	swait.ge [sflag:s23], $0x4000  }
0xf9: {  	[sflag:s23] =	ssyncset.done $0x0  }
0xfa: {  	[sflag:s23] =	ssyncadd.s32 $0xFFFFC000  }
0xfb: {  	[tilespmem:s25], [sflag:$0x4] =	stream.linear.gather [spmem:s12], $0x4000, $0x38;
	[tilespmem:$0x1D680] =	vst v63  }
0xfc: {  	_ =	swait.ge [sflag:s23], $0x4000  }
0xfd: {  	[sflag:s23] =	ssyncset.done $0x0  }
0xfe: {  	s18 =	rddreg [dreg:$0x8];
	[sflag:s23] =	ssyncadd.s32 $0xFFFFC000  }
0xff: {  	[hbm4b:s18+s4] =	stream.linear.scatter [tilespmem:s25], [sflag:$0x4], $0x4000, $0x38;
	[tilespmem:$0x1D680] =	vst v63  }
0x100: {  	_ =	swait.ge [sflag:s23], $0x4000  }
0x101: {  	[sflag:s23] =	ssyncset.done $0x0  }
0x102: {  	[sflag:s23] =	ssyncadd.s32 $0xFFFFC000  }
0x103: {  	[tilespmem:s25], [sflag:$0x4] =	stream.linear.gather [spmem:s13], $0x4000, $0x38;
	[tilespmem:$0x1D680] =	vst v63  }
0x104: {  	_ =	swait.ge [sflag:s23], $0x4000  }
0x105: {  	[sflag:s23] =	ssyncset.done $0x0  }
0x106: {  	s19 =	rddreg [dreg:$0x9];
	[sflag:s23] =	ssyncadd.s32 $0xFFFFC000  }
0x107: {  	[hbm4b:s19+s4] =	stream.linear.scatter [tilespmem:s25], [sflag:$0x4], $0x4000, $0x38;
	[tilespmem:$0x1D680] =	vst v63  }
0x108: {  	_ =	swait.ge [sflag:s23], $0x4000  }
0x109: {  	[sflag:s23] =	ssyncset.done $0x0  }
0x10a: {  	[sflag:s23] =	ssyncadd.s32 $0xFFFFC000  }
0x10b: {  	[tilespmem:s25], [sflag:$0x4] =	stream.linear.gather [spmem:s14], $0x4000, $0x38;
	[tilespmem:$0x1D680] =	vst v63  }
0x10c: {  	_ =	swait.ge [sflag:s23], $0x4000  }
0x10d: {  	[sflag:s23] =	ssyncset.done $0x0  }
0x10e: {  	s20 =	rddreg [dreg:$0xa];
	[sflag:s23] =	ssyncadd.s32 $0xFFFFC000  }
0x10f: {  	[hbm4b:s20+s4] =	stream.linear.scatter [tilespmem:s25], [sflag:$0x4], $0x4000, $0x38;
	[tilespmem:$0x1D680] =	vst v63  }
0x110: {  	_ =	swait.ge [sflag:s23], $0x4000  }
0x111: {  	[sflag:s23] =	ssyncset.done $0x0  }
0x112: {  	[sflag:s23] =	ssyncadd.s32 $0xFFFFC000  }
0x113: {  	[tilespmem:s26], [sflag:$0x4] =	stream.linear.gather [spmem:s15], $0x280, $0x38;
	[tilespmem:$0x1D680] =	vst v63  }
0x114: {  	_ =	swait.ge [sflag:s23], $0x280  }
0x115: {  	[sflag:s23] =	ssyncset.done $0x0  }
0x116: {  	s16 =	simm.s32 $0x100;
	s21 =	rddreg [dreg:$0xb];
	[sflag:s23] =	ssyncadd.s32 $0xFFFFFD80  }
0x117: {  	[hbm4b:s21+s28] =	stream.strided.scatter [tilespmem:s26], [sflag:$0x4], $0x280, s16, s28, $0x38;
	[tilespmem:$0x1D680] =	vst v63  }
0x118: {  	_ =	swait.ge [sflag:s23], $0x280  }
0x119: {  	s8 =	sadd.s32 $0x1, s8;
	s22 =	rddreg [dreg:$0xc]  }
0x11a: {  	p0 =	sne.s32 s8, s22  }
.Ltmp3:
0x11b: {  	_ = 	snop;
	(pc) =	sbr.rel @p0 .LBB2_1-.Ltmp3, $3  }
0x11c: {  	_ =	sdelay $0x1  }
0x11d: {  	[sflag:s23] =	ssyncset.done $0x0  }
0x11e: {  	[sflag:s23] =	ssyncadd.s32 $0xFFFFFD80  }
0x11f: {  	_ =	sfence.sel $0x180000  }
0x120: {  	[bflag:$0x0] =	sbarrier.arrive $0xFFFF  }
0x121: {  	_ =	strace $0x90000047  }
0x122: {  	s0 =	stileid.u32;
	[bflag:$0x2] =	sbarrier.arrive $0xFFFF  }
0x123: {  	p0 =	sne.s32 s0, $0x0;
	s0 =	rddreg [dreg:$0x3]  }
0x124: {  	s0 =	sadd.s32 @!p0 $0x100000, s0  }
0x125: {  	[sflag:s0] =	ssyncadd.tile.s32 @!p0 $0x1;
	_ =	shalt  }
.Lfunc_end2:
_tile_overlayer_lowered:
.L_overlay_start_2:
0x126: {  	(tag) =	ssettag $0x2  }
0x127: {  	s0 =	rddreg [dreg:$0x0];
	s2 =	stileid.u32  }
0x128: {  	s1 =	rddreg [dreg:$0x1];
	p0 =	sne.s32 s2, $0x0  }
0x129: {  	s3 =	rddreg [dreg:$0x2];
	[bflag:$0x3] =	sbarrier.arrive $0xFFFF;
	s2 =	simm.s32 @!p0 $0x1C04  }
0x12a: {  	[timem:s3], [sflag:s2] =	dma.local @!p0 [hbm:s0], s1  }
0x12b: {  	s0 =	simm.s32 @!p0 $0x4  }
0x12c: {  	_ =	swait.ge @!p0 [sflag:s0], s1  }
0x12d: {  	s1 =	ssub.s32 @!p0 $0x0, s1;
	[sflag:s0] =	ssyncset.done @!p0 $0x0  }
0x12e: {  	[sflag:s0] =	ssyncadd.s32 @!p0 s1  }
0x12f: {  	[bflag:$0x3] =	sbarrier.arrive $0xFFFF  }
0x130: {  	_ =	shalt  }

</sc_bundles>
